<compile_context>
chip_gen: v7x
topology: tpu7x:2x2x1
jax: 0.10.2.dev20260603
libtpu: 0.0.44.dev20260713+nightly
codegen_flags: <defaults>
</compile_context>

<pallas_src>
import functools

import jax
import jax.numpy as jnp
from jax import lax
from jax.experimental import pallas as pl
from jax.experimental.pallas import tpu as pltpu
from jax.experimental.pallas import tpu_sc as plsc

B = 16
NPG = 17186
E = 549952
K = 12031
P = 17280
NB = (B - 1) * NPG
NW = 32
CH = 128
CPW = 136
EPAD = NW * CPW * CH
RPW = P // 16

_NEG = -3.0e38


@functools.lru_cache(maxsize=None)
def _sc_kernel(D):
    out_shape = (2 * P,) if D == 0 else (2, P, D)
    buf_shape = (CH,) if D == 0 else (CH, D)
    acc_shape = (P,) if D == 0 else (P, D)

    slab_shape = (RPW,) if D == 0 else (RPW, D)

    NB = 4
    LA = 2

    def body(row_h, col_h, tab_h, z_h, out_h, rowv, colv,
             buf0, buf1, buf2, buf3, slab, acc,
             g0, g1, g2, g3, s0, s1, s2, s3):
        bufs = (buf0, buf1, buf2, buf3)
        gsem = (g0, g1, g2, g3)
        ssem = (s0, s1, s2, s3)
        c = lax.axis_index("c")
        s = lax.axis_index("s")
        wid = c * 16 + s
        pltpu.sync_copy(z_h.at[pl.ds(s * RPW, RPW)], slab)
        pltpu.sync_copy(slab, acc.at[pl.ds(s * RPW, RPW)])
        pltpu.sync_copy(row_h.at[pl.ds(wid * CPW, CPW)], rowv)
        pltpu.sync_copy(col_h.at[pl.ds(wid * CPW, CPW)], colv)
        plsc.subcore_barrier()

        for i in range(LA):
            pltpu.async_copy(tab_h.at[rowv.at[i]], bufs[i], gsem[i])

        def step(q, carry):
            j0 = NB * q
            for i in range(NB):
                j = j0 + i
                pltpu.make_async_copy(tab_h.at[rowv.at[j]], bufs[i], gsem[i]).wait()
                pltpu.async_copy(bufs[i], acc.at[colv.at[j]], ssem[i], add=True)
                k = (i + LA) % NB

                @pl.when(j + LA >= NB)
                def _():
                    pltpu.make_async_copy(
                        bufs[k], acc.at[colv.at[j + LA - NB]], ssem[k]).wait()

                @pl.when(j + LA < CPW)
                def _():
                    pltpu.async_copy(tab_h.at[rowv.at[j + LA]], bufs[k], gsem[k])
            return carry

        lax.fori_loop(0, CPW // NB, step, 0)
        for i in range(LA):
            j = CPW - LA + i
            pltpu.make_async_copy(
                bufs[j % NB], acc.at[colv.at[j]], ssem[j % NB]).wait()
        plsc.subcore_barrier()
        pltpu.sync_copy(acc.at[pl.ds(s * RPW, RPW)], slab)
        if D == 0:
            pltpu.sync_copy(slab, out_h.at[pl.ds(c * P + s * RPW, RPW)])
        else:
            pltpu.sync_copy(slab, out_h.at[c, pl.ds(s * RPW, RPW)])

    return pl.kernel(
        body,
        mesh=plsc.VectorSubcoreMesh(core_axis_name="c", subcore_axis_name="s"),
        compiler_params=pltpu.CompilerParams(use_tc_tiling_on_sc=False),
        out_type=jax.ShapeDtypeStruct(out_shape, jnp.float32),
        scratch_types=(
            [
                pltpu.VMEM((CPW, CH), jnp.int32),
                pltpu.VMEM((CPW, CH), jnp.int32),
            ]
            + [pltpu.VMEM(buf_shape, jnp.float32)] * 4
            + [
                pltpu.VMEM(slab_shape, jnp.float32),
                pltpu.VMEM_SHARED(acc_shape, jnp.float32),
            ]
            + [pltpu.SemaphoreType.DMA] * 8
        ),
    )


def _hist_pass(row2d, col2d, tab):
    z = jnp.zeros((P,), jnp.float32)
    return _sc_kernel(0)(row2d, col2d, tab, z).reshape(2, P)


def _feat_pass(row2d, col2d, tab):
    D = tab.shape[1]
    z = jnp.zeros((P, D), jnp.float32)
    return _sc_kernel(D)(row2d, col2d, tab, z)



RB = 2048
RB0 = 1080
NBLK = 126


def _b1_body(x_ref, w1_ref, b1_ref, wp_ref, bp_ref, x1_ref, at_ref):
    h = jnp.dot(x_ref[...], w1_ref[...], preferred_element_type=jnp.float32)
    x1 = jnp.maximum(h + b1_ref[...], 0.0)
    x1_ref[...] = x1
    at_ref[...] = jnp.sum(x1 * wp_ref[...], axis=1, keepdims=True) + bp_ref[0]


def _bpass1(xB, W1r, b1r, wpT, bp):
    return pl.pallas_call(
        _b1_body,
        grid=(NBLK,),
        in_specs=[
            pl.BlockSpec((RB, 6), lambda i: (i, 0)),
            pl.BlockSpec((6, 64), lambda i: (0, 0)),
            pl.BlockSpec((1, 64), lambda i: (0, 0)),
            pl.BlockSpec((1, 64), lambda i: (0, 0)),
            pl.BlockSpec(memory_space=pltpu.SMEM),
        ],
        out_specs=[
            pl.BlockSpec((RB, 64), lambda i: (i, 0)),
            pl.BlockSpec((RB, 1), lambda i: (i, 0)),
        ],
        out_shape=[
            jax.ShapeDtypeStruct((NB, 64), jnp.float32),
            jax.ShapeDtypeStruct((NB, 1), jnp.float32),
        ],
    )(xB, W1r, b1r, wpT, bp)


def _g0a_body(x_ref, w1_ref, hp_ref, h0_ref, ga_ref, gb_ref, dis_ref, inv_ref):
    h = jnp.dot(x_ref[...], w1_ref[...], preferred_element_type=jnp.float32)
    deg = hp_ref[0] + hp_ref[1] + 1.0
    dis = lax.rsqrt(deg)
    inv = 1.0 / deg
    h0_ref[...] = h
    g = dis * h
    ga_ref[...] = g[:, :32]
    gb_ref[...] = g[:, 32:]
    dis_ref[...] = dis
    inv_ref[...] = inv


def _g0_pass_a(x0p, W1r, histp):
    return pl.pallas_call(
        _g0a_body,
        grid=(16,),
        in_specs=[
            pl.BlockSpec((RB0, 6), lambda i: (i, 0)),
            pl.BlockSpec((6, 64), lambda i: (0, 0)),
            pl.BlockSpec((2, RB0, 1), lambda i: (0, i, 0)),
        ],
        out_specs=[
            pl.BlockSpec((RB0, 64), lambda i: (i, 0)),
            pl.BlockSpec((RB0, 32), lambda i: (i, 0)),
            pl.BlockSpec((RB0, 32), lambda i: (i, 0)),
            pl.BlockSpec((RB0, 1), lambda i: (i, 0)),
            pl.BlockSpec((RB0, 1), lambda i: (i, 0)),
        ],
        out_shape=[
            jax.ShapeDtypeStruct((P, 64), jnp.float32),
            jax.ShapeDtypeStruct((P, 32), jnp.float32),
            jax.ShapeDtypeStruct((P, 32), jnp.float32),
            jax.ShapeDtypeStruct((P, 1), jnp.float32),
            jax.ShapeDtypeStruct((P, 1), jnp.float32),
        ],
    )(x0p, W1r, histp)


def _g0b_body(sa_ref, sb_ref, h0_ref, dis_ref, inv_ref, b1_ref, wp_ref,
              x1_ref, gy_ref, yv_ref):
    s = jnp.concatenate([sa_ref[0] + sa_ref[1], sb_ref[0] + sb_ref[1]], axis=-1)
    x1 = jnp.maximum(dis_ref[...] * s + inv_ref[...] * h0_ref[...] + b1_ref[...], 0.0)
    x1_ref[...] = x1
    yv = jnp.sum(x1 * wp_ref[...], axis=1, keepdims=True)
    yv_ref[...] = yv
    gy_ref[...] = dis_ref[...] * yv


def _g0_pass_b(spa, spb, h0, dis, inv, b1r, wpT):
    return pl.pallas_call(
        _g0b_body,
        grid=(16,),
        in_specs=[
            pl.BlockSpec((2, RB0, 32), lambda i: (0, i, 0)),
            pl.BlockSpec((2, RB0, 32), lambda i: (0, i, 0)),
            pl.BlockSpec((RB0, 64), lambda i: (i, 0)),
            pl.BlockSpec((RB0, 1), lambda i: (i, 0)),
            pl.BlockSpec((RB0, 1), lambda i: (i, 0)),
            pl.BlockSpec((1, 64), lambda i: (0, 0)),
            pl.BlockSpec((1, 64), lambda i: (0, 0)),
        ],
        out_specs=[
            pl.BlockSpec((RB0, 64), lambda i: (i, 0)),
            pl.BlockSpec((RB0, 1), lambda i: (i, 0)),
            pl.BlockSpec((RB0, 1), lambda i: (i, 0)),
        ],
        out_shape=[
            jax.ShapeDtypeStruct((P, 64), jnp.float32),
            jax.ShapeDtypeStruct((P, 1), jnp.float32),
            jax.ShapeDtypeStruct((P, 1), jnp.float32),
        ],
    )(spa, spb, h0, dis, inv, b1r, wpT)


def _attn0_body(tp_ref, dis_ref, inv_ref, yv_ref, bp_ref, out_ref):
    t = tp_ref[0] + tp_ref[1]
    out_ref[...] = dis_ref[...] * t + inv_ref[...] * yv_ref[...] + bp_ref[0]


def _attn0_pass(tp, dis, inv, yv, bp):
    return pl.pallas_call(
        _attn0_body,
        grid=(16,),
        in_specs=[
            pl.BlockSpec((2, RB0, 1), lambda i: (0, i, 0)),
            pl.BlockSpec((RB0, 1), lambda i: (i, 0)),
            pl.BlockSpec((RB0, 1), lambda i: (i, 0)),
            pl.BlockSpec((RB0, 1), lambda i: (i, 0)),
            pl.BlockSpec(memory_space=pltpu.SMEM),
        ],
        out_specs=pl.BlockSpec((RB0, 1), lambda i: (i, 0)),
        out_shape=jax.ShapeDtypeStruct((P, 1), jnp.float32),
    )(tp, dis, inv, yv, bp)


def _select_body(sc_ref, kept_ref, key_ref, act_ref):
    s = sc_ref[...]
    ib = lax.bitcast_convert_type(s, jnp.int32)
    key = jnp.where(ib >= 0, ib, ib ^ jnp.int32(0x7FFFFFFF))
    ukey = key ^ jnp.int32(-2147483648)
    colid = lax.broadcasted_iota(jnp.int32, (B, P), 1)
    key_ref[...] = jnp.where(colid < NPG, ukey, 0)
    act_ref[...] = jnp.ones((B, P), jnp.float32)
    kept_ref[...] = jnp.zeros((B, P), jnp.float32)

    def val_round(j, need):
        sh = 31 - j
        bit = ((key_ref[...] >> sh) & 1).astype(jnp.float32)
        a = act_ref[...]
        cnt = jnp.sum(a * bit, axis=1, keepdims=True)
        take = (cnt < need).astype(jnp.float32)
        kept_ref[...] = kept_ref[...] + a * bit * take
        act_ref[...] = a * ((1.0 - take) * bit + take * (1.0 - bit))
        return need - cnt * take

    need = lax.fori_loop(0, 32, val_round, jnp.full((B, 1), float(K), jnp.float32))

    def idx_round(j, need):
        sh = 14 - j
        cid = lax.broadcasted_iota(jnp.int32, (B, P), 1)
        b0 = (1 - ((cid >> sh) & 1)).astype(jnp.float32)
        a = act_ref[...]
        cnt = jnp.sum(a * b0, axis=1, keepdims=True)
        take = (cnt < need).astype(jnp.float32)
        kept_ref[...] = kept_ref[...] + a * b0 * take
        act_ref[...] = a * ((1.0 - take) * b0 + take * (1.0 - b0))
        return need - cnt * take

    need = lax.fori_loop(0, 15, idx_round, need)
    fin = (need >= 0.5).astype(jnp.float32)
    kept_ref[...] = jnp.minimum(kept_ref[...] + act_ref[...] * fin, 1.0)


def _select_pass(scores):
    return pl.pallas_call(
        _select_body,
        in_specs=[pl.BlockSpec((B, P), lambda: (0, 0))],
        out_specs=pl.BlockSpec((B, P), lambda: (0, 0)),
        out_shape=jax.ShapeDtypeStruct((B, P), jnp.float32),
        scratch_shapes=[
            pltpu.VMEM((B, P), jnp.int32),
            pltpu.VMEM((B, P), jnp.float32),
        ],
    )(scores)


def _b2_body(x1_ref, at_ref, kp_ref, w2_ref, b2_ref, out_ref):
    i = pl.program_id(1)
    kp = kp_ref[0]
    x1 = x1_ref[0]
    a = at_ref[0]
    xp = (kp * jnp.tanh(a)) * x1
    h2 = jnp.dot(xp, w2_ref[...], preferred_element_type=jnp.float32)
    x2 = jnp.maximum(h2 + b2_ref[...], 0.0)
    rid = i * RB0 + lax.broadcasted_iota(jnp.int32, (RB0, 1), 0)
    ok = jnp.logical_and(kp > 0.5, rid < NPG)
    red = jnp.max(jnp.where(ok, x2, _NEG), axis=0, keepdims=True)[None]

    @pl.when(i == 0)
    def _():
        out_ref[...] = red

    @pl.when(i > 0)
    def _():
        out_ref[...] = jnp.maximum(out_ref[...], red)


def _bpass2(x1g, attg, kpg, W2, b2r):
    return pl.pallas_call(
        _b2_body,
        grid=(B - 1, 16),
        in_specs=[
            pl.BlockSpec((1, RB0, 64), lambda g, i: (g, i, 0)),
            pl.BlockSpec((1, RB0, 1), lambda g, i: (g, i, 0)),
            pl.BlockSpec((1, RB0, 1), lambda g, i: (g, i, 0)),
            pl.BlockSpec((64, 32), lambda g, i: (0, 0)),
            pl.BlockSpec((1, 32), lambda g, i: (0, 0)),
        ],
        out_specs=pl.BlockSpec((1, 1, 32), lambda g, i: (g, 0, 0)),
        out_shape=jax.ShapeDtypeStruct((B - 1, 1, 32), jnp.float32),
    )(x1g, attg, kpg, W2, b2r)


def _g0c_body(x1_ref, at_ref, kp_ref, d2_ref, w2_ref,
              h2_ref, g2_ref, dis_ref, inv_ref):
    kp = kp_ref[...]
    xp = (kp * jnp.tanh(at_ref[...])) * x1_ref[...]
    h2 = jnp.dot(xp, w2_ref[...], preferred_element_type=jnp.float32)
    deg = d2_ref[0] + d2_ref[1] + 1.0
    dis = lax.rsqrt(deg)
    h2_ref[...] = h2
    g2_ref[...] = (kp * dis) * h2
    dis_ref[...] = dis
    inv_ref[...] = 1.0 / deg


def _g0_pass_c(x1, att, kp, d2p, W2):
    return pl.pallas_call(
        _g0c_body,
        grid=(16,),
        in_specs=[
            pl.BlockSpec((RB0, 64), lambda i: (i, 0)),
            pl.BlockSpec((RB0, 1), lambda i: (i, 0)),
            pl.BlockSpec((RB0, 1), lambda i: (i, 0)),
            pl.BlockSpec((2, RB0, 1), lambda i: (0, i, 0)),
            pl.BlockSpec((64, 32), lambda i: (0, 0)),
        ],
        out_specs=[
            pl.BlockSpec((RB0, 32), lambda i: (i, 0)),
            pl.BlockSpec((RB0, 32), lambda i: (i, 0)),
            pl.BlockSpec((RB0, 1), lambda i: (i, 0)),
            pl.BlockSpec((RB0, 1), lambda i: (i, 0)),
        ],
        out_shape=[
            jax.ShapeDtypeStruct((P, 32), jnp.float32),
            jax.ShapeDtypeStruct((P, 32), jnp.float32),
            jax.ShapeDtypeStruct((P, 1), jnp.float32),
            jax.ShapeDtypeStruct((P, 1), jnp.float32),
        ],
    )(x1, att, kp, d2p, W2)


def _g0d_body(s2_ref, h2_ref, dis_ref, inv_ref, kp_ref, b2_ref, out_ref):
    i = pl.program_id(0)
    s2 = s2_ref[0] + s2_ref[1]
    x2 = jnp.maximum(dis_ref[...] * s2 + inv_ref[...] * h2_ref[...] + b2_ref[...], 0.0)
    red = jnp.max(jnp.where(kp_ref[...] > 0.5, x2, _NEG), axis=0, keepdims=True)

    @pl.when(i == 0)
    def _():
        out_ref[...] = red

    @pl.when(i > 0)
    def _():
        out_ref[...] = jnp.maximum(out_ref[...], red)


def _g0_pass_d(s2p, h2, dis2, inv2, kp, b2r):
    return pl.pallas_call(
        _g0d_body,
        grid=(16,),
        in_specs=[
            pl.BlockSpec((2, RB0, 32), lambda i: (0, i, 0)),
            pl.BlockSpec((RB0, 32), lambda i: (i, 0)),
            pl.BlockSpec((RB0, 1), lambda i: (i, 0)),
            pl.BlockSpec((RB0, 1), lambda i: (i, 0)),
            pl.BlockSpec((RB0, 1), lambda i: (i, 0)),
            pl.BlockSpec((1, 32), lambda i: (0, 0)),
        ],
        out_specs=pl.BlockSpec((1, 32), lambda i: (0, 0)),
        out_shape=jax.ShapeDtypeStruct((1, 32), jnp.float32),
    )(s2p, h2, dis2, inv2, kp, b2r)


def _head_body(p_ref, wf_ref, bf_ref, out_ref):
    z = jnp.dot(p_ref[...], wf_ref[...], preferred_element_type=jnp.float32)
    out_ref[...] = 1.0 / (1.0 + jnp.exp(-(z + bf_ref[0])))


def _head_pass(pooled, Wf, bf):
    return pl.pallas_call(
        _head_body,
        in_specs=[
            pl.BlockSpec((B, 32), lambda: (0, 0)),
            pl.BlockSpec((32, 1), lambda: (0, 0)),
            pl.BlockSpec(memory_space=pltpu.SMEM),
        ],
        out_specs=pl.BlockSpec((B, 1), lambda: (0, 0)),
        out_shape=jax.ShapeDtypeStruct((B, 1), jnp.float32),
    )(pooled, Wf, bf)



def kernel(data, edge_index, W1, b1, Wp, bp, W2, b2, Wf, bf):
    x = data.reshape(-1, 6)
    x0p = jnp.pad(x[:NPG], ((0, P - NPG), (0, 0)))
    xB = x[NPG:]

    padn = EPAD - E
    pidx = NPG + (jnp.arange(padn, dtype=jnp.int32) % 64)
    row2d = jnp.concatenate([edge_index[0], pidx]).reshape(-1, CH)
    col2d = jnp.concatenate([edge_index[1], pidx]).reshape(-1, CH)

    b1r = b1.reshape(1, 64)
    wpT = Wp.reshape(1, 64)
    b2r = b2.reshape(1, 32)

    ones_tab = jnp.ones((P,), jnp.float32)
    histp = _hist_pass(row2d, col2d, ones_tab)

    x1B, attB = _bpass1(xB, W1, b1r, wpT, bp)

    h0, ga, gb, dis1, inv1 = _g0_pass_a(x0p, W1, histp.reshape(2, P, 1))

    spa = _feat_pass(row2d, col2d, ga)
    spb = _feat_pass(row2d, col2d, gb)

    x10, gy, yv0 = _g0_pass_b(spa, spb, h0, dis1, inv1, b1r, wpT)

    tp = _hist_pass(row2d, col2d, gy.reshape(P))

    att0 = _attn0_pass(tp.reshape(2, P, 1), dis1, inv1, yv0, bp)

    scores = jnp.concatenate(
        [att0.reshape(1, P),
         jnp.pad(attB.reshape(B - 1, NPG), ((0, 0), (0, P - NPG)))], axis=0)
    kept = _select_pass(scores)

    kp0 = kept[0].reshape(P, 1)
    kpg = kept[1:].reshape(B - 1, P, 1)

    d2p = _hist_pass(row2d, col2d, kept[0])

    pooledB = _bpass2(x1B.reshape(B - 1, NPG, 64),
                      attB.reshape(B - 1, NPG, 1), kpg, W2, b2r)

    h2, g2, dis2, inv2 = _g0_pass_c(x10, att0, kp0, d2p.reshape(2, P, 1), W2)

    s2p = _feat_pass(row2d, col2d, g2)

    pooled0 = _g0_pass_d(s2p, h2, dis2, inv2, kp0, b2r)

    pooled = jnp.concatenate([pooled0, pooledB.reshape(B - 1, 32)], axis=0)
    return _head_pass(pooled, Wf, bf)

# --- scband reference (transcript-rebuilt; emitter-appended) ---
"""Pipeline reference for scband-my-net-33285996544616 (READ-ONLY COPY).

The authoritative reference and input builder live on the scoring server;
editing this copy changes nothing except your own understanding.
"""

import jax, jax.numpy as jnp
import numpy as np

B = 16
NPG = 17186
E = 549952
RATIO_K = 12031  # int(ceil(0.7 * 17186)), PyG SAGPooling topk

def setup_inputs(seed: int = 0):
    key = jax.random.key(seed)
    ks = jax.random.split(key, 10)
    data = jax.random.normal(ks[0], (B, NPG * 6), dtype=jnp.float32)
    edge_index = jax.random.randint(ks[1], (2, E), 0, NPG, dtype=jnp.int32)
    W1 = jax.random.normal(ks[2], (6, 64), dtype=jnp.float32) * 0.3
    b1 = jnp.zeros((64,), jnp.float32)
    Wp = jax.random.normal(ks[3], (64, 1), dtype=jnp.float32) * 0.1
    bp = jnp.zeros((1,), jnp.float32)
    W2 = jax.random.normal(ks[4], (64, 32), dtype=jnp.float32) * 0.1
    b2 = jnp.zeros((32,), jnp.float32)
    Wf = jax.random.normal(ks[5], (32, 1), dtype=jnp.float32) * 0.1
    bf = jnp.zeros((1,), jnp.float32)
    return {"data": data, "edge_index": edge_index, "W1": W1, "b1": b1,
            "Wp": Wp, "bp": bp, "W2": W2, "b2": b2, "Wf": Wf, "bf": bf}

def _gcn(x, row, col, ew, W, b, N):
    # GCNConv: add self loops (weight 1), symmetric normalization, then scatter-add aggregate
    x = x @ W
    sl = jnp.arange(N, dtype=row.dtype)
    row_a = jnp.concatenate([row, sl])
    col_a = jnp.concatenate([col, sl])
    w_a = jnp.concatenate([ew, jnp.ones((N,), x.dtype)])
    deg = jnp.zeros((N,), x.dtype).at[col_a].add(w_a)
    dis = jnp.where(deg > 0, deg ** -0.5, 0.0)
    norm = dis[row_a] * dis[col_a] * w_a
    out = jnp.zeros((N, W.shape[1]), x.dtype).at[col_a].add(norm[:, None] * x[row_a])
    return out + b

def _forward(data, edge_index, W1, b1, Wp, bp, W2, b2, Wf, bf):
    x = data[:, :NPG * 6].reshape(-1, 6)
    N = B * NPG
    row = edge_index[0]
    col = edge_index[1]
    ew = jnp.ones((E,), jnp.float32)
    # conv1 + relu
    x = jax.nn.relu(_gcn(x, row, col, ew, W1, b1, N))
    # SAGPooling: score GNN = GCNConv(64, 1)
    attn = _gcn(x, row, col, ew, Wp, bp, N).reshape(-1)
    scores = attn.reshape(B, NPG)
    _, idx = jax.lax.top_k(scores, RATIO_K)  # per-graph topk (graphs are contiguous blocks)
    perm = (jnp.arange(B, dtype=jnp.int32)[:, None] * NPG + idx.astype(jnp.int32)).reshape(-1)
    xp = x[perm] * jnp.tanh(attn[perm])[:, None]
    Np = B * RATIO_K
    # filter_adj: keep edges whose endpoints are both kept; remap; zero-weight dropped edges
    keep = jnp.zeros((N,), bool).at[perm].set(True)
    newidx = jnp.zeros((N,), jnp.int32).at[perm].set(jnp.arange(Np, dtype=jnp.int32))
    valid = keep[row] & keep[col]
    r2 = jnp.where(valid, newidx[row], 0)
    c2 = jnp.where(valid, newidx[col], 0)
    we = valid.astype(jnp.float32)
    # conv2 + relu
    x2 = jax.nn.relu(_gcn(xp, r2, c2, we, W2, b2, Np))
    # global max pool per graph (pooled nodes stay in contiguous per-graph blocks)
    pooled = jnp.max(x2.reshape(B, RATIO_K, 32), axis=1)
    return jax.nn.sigmoid(pooled @ Wf + bf)

def reference(data, edge_index, W1, b1, Wp, bp, W2, b2, Wf, bf):
    return _forward(data, edge_index, W1, b1, Wp, bp, W2, b2, Wf, bf)

if __name__ == "__main__":
    import jax
    _d = setup_inputs()
    print(jax.jit(kernel)(*tuple(_d.values())))

</pallas_src>

<mosaic_0001>
#map = affine_map<(d0, d1) -> (0, 0)>
#map1 = affine_map<(d0, d1) -> (0, 0, 0)>
module attributes {stable_mosaic.version = 14 : i64} {
  func.func @body(%arg0: i32, %arg1: i32, %arg2: memref<4352x128xi32, #tpu.memory_space<hbm>>, %arg3: memref<4352x128xi32, #tpu.memory_space<hbm>>, %arg4: memref<17280x32xf32, #tpu.memory_space<hbm>>, %arg5: memref<17280x32xf32, #tpu.memory_space<hbm>>, %arg6: memref<2x17280x32xf32, #tpu.memory_space<hbm>>, %arg7: memref<136x128xi32, #tpu.memory_space<vmem>>, %arg8: memref<136x128xi32, #tpu.memory_space<vmem>>, %arg9: memref<128x32xf32, #tpu.memory_space<vmem>>, %arg10: memref<128x32xf32, #tpu.memory_space<vmem>>, %arg11: memref<128x32xf32, #tpu.memory_space<vmem>>, %arg12: memref<128x32xf32, #tpu.memory_space<vmem>>, %arg13: memref<1080x32xf32, #tpu.memory_space<vmem>>, %arg14: memref<17280x32xf32, #tpu.memory_space<vmem_shared>>, %arg15: memref<!tpu.dma_semaphore, #tpu.memory_space<semaphore_mem>>, %arg16: memref<!tpu.dma_semaphore, #tpu.memory_space<semaphore_mem>>, %arg17: memref<!tpu.dma_semaphore, #tpu.memory_space<semaphore_mem>>, %arg18: memref<!tpu.dma_semaphore, #tpu.memory_space<semaphore_mem>>, %arg19: memref<!tpu.dma_semaphore, #tpu.memory_space<semaphore_mem>>, %arg20: memref<!tpu.dma_semaphore, #tpu.memory_space<semaphore_mem>>, %arg21: memref<!tpu.dma_semaphore, #tpu.memory_space<semaphore_mem>>, %arg22: memref<!tpu.dma_semaphore, #tpu.memory_space<semaphore_mem>>) attributes {dimension_semantics = [#tpu.dimension_semantics<core_parallel>, #tpu.dimension_semantics<subcore_parallel>], iteration_bounds = array<i64: 2, 16>, scalar_prefetch = 0 : i64, scratch_operands = 16 : i64, tpu.core_type = #tpu.core_type<sc_vector_subcore>, window_params = [{transform_indices = #map}, {transform_indices = #map}, {transform_indices = #map}, {transform_indices = #map}, {transform_indices = #map1}]} {
    %mul3A = arith.constant 16 : i32
    %mul3A_0 = arith.muli %arg0, %mul3A : i32
    %add3A = arith.addi %mul3A_0, %arg1 : i32
    %mul3A_1 = arith.constant 1080 : i32
    %mul3A_2 = arith.muli %arg1, %mul3A_1 : i32
    "tpu.region"() ({
      %run_scoped3A = tpu.sem_alloc : memref<!tpu.dma_semaphore, #tpu.memory_space<semaphore_mem>>
      %dma_start3A_45 = arith.constant 0 : i32
      %dma_start3A_46 = tpu.memref_slice %arg5[%mul3A_2, %dma_start3A_45] : memref<17280x32xf32, #tpu.memory_space<hbm>> -> memref<1080x32xf32, #tpu.memory_space<hbm>>
      %dma_start3A_47 = arith.constant 0 : i32
      %dma_start3A_48 = tpu.memref_slice %arg5[%mul3A_2, %dma_start3A_47] : memref<17280x32xf32, #tpu.memory_space<hbm>> -> memref<1080x32xf32, #tpu.memory_space<hbm>>
      tpu.enqueue_dma source(%dma_start3A_48 : memref<1080x32xf32, #tpu.memory_space<hbm>>) target(%arg13 : memref<1080x32xf32, #tpu.memory_space<vmem>>) target_semaphore(%run_scoped3A : memref<!tpu.dma_semaphore, #tpu.memory_space<semaphore_mem>>)
      %dma_wait3A_49 = arith.constant 0 : i32
      %dma_wait3A_50 = tpu.memref_slice %arg5[%mul3A_2, %dma_wait3A_49] : memref<17280x32xf32, #tpu.memory_space<hbm>> -> memref<1080x32xf32, #tpu.memory_space<hbm>>
      %dma_wait3A_51 = arith.constant 0 : i32
      %dma_wait3A_52 = tpu.memref_slice %arg5[%mul3A_2, %dma_wait3A_51] : memref<17280x32xf32, #tpu.memory_space<hbm>> -> memref<1080x32xf32, #tpu.memory_space<hbm>>
      tpu.wait_dma2 semaphore(%run_scoped3A : memref<!tpu.dma_semaphore, #tpu.memory_space<semaphore_mem>>) src(%dma_wait3A_52 : memref<1080x32xf32, #tpu.memory_space<hbm>>) dst(%arg13 : memref<1080x32xf32, #tpu.memory_space<vmem>>)
      tpu.yield
    }) : () -> ()
    %mul3A_3 = arith.constant 1080 : i32
    %mul3A_4 = arith.muli %arg1, %mul3A_3 : i32
    "tpu.region"() ({
      %run_scoped3A = tpu.sem_alloc : memref<!tpu.dma_semaphore, #tpu.memory_space<semaphore_mem>>
      %dma_start3A_45 = arith.constant 0 : i32
      %dma_start3A_46 = tpu.memref_slice %arg14[%mul3A_4, %dma_start3A_45] : memref<17280x32xf32, #tpu.memory_space<vmem_shared>> -> memref<1080x32xf32, #tpu.memory_space<vmem_shared>>
      %dma_start3A_47 = arith.constant 0 : i32
      %dma_start3A_48 = tpu.memref_slice %arg14[%mul3A_4, %dma_start3A_47] : memref<17280x32xf32, #tpu.memory_space<vmem_shared>> -> memref<1080x32xf32, #tpu.memory_space<vmem_shared>>
      tpu.enqueue_dma source(%arg13 : memref<1080x32xf32, #tpu.memory_space<vmem>>) target(%dma_start3A_48 : memref<1080x32xf32, #tpu.memory_space<vmem_shared>>) target_semaphore(%run_scoped3A : memref<!tpu.dma_semaphore, #tpu.memory_space<semaphore_mem>>)
      %dma_wait3A_49 = arith.constant 0 : i32
      %dma_wait3A_50 = tpu.memref_slice %arg14[%mul3A_4, %dma_wait3A_49] : memref<17280x32xf32, #tpu.memory_space<vmem_shared>> -> memref<1080x32xf32, #tpu.memory_space<vmem_shared>>
      %dma_wait3A_51 = arith.constant 0 : i32
      %dma_wait3A_52 = tpu.memref_slice %arg14[%mul3A_4, %dma_wait3A_51] : memref<17280x32xf32, #tpu.memory_space<vmem_shared>> -> memref<1080x32xf32, #tpu.memory_space<vmem_shared>>
      tpu.wait_dma2 semaphore(%run_scoped3A : memref<!tpu.dma_semaphore, #tpu.memory_space<semaphore_mem>>) src(%arg13 : memref<1080x32xf32, #tpu.memory_space<vmem>>) dst(%dma_wait3A_52 : memref<1080x32xf32, #tpu.memory_space<vmem_shared>>)
      tpu.yield
    }) : () -> ()
    %mul3A_5 = arith.constant 136 : i32
    %mul3A_6 = arith.muli %add3A, %mul3A_5 : i32
    "tpu.region"() ({
      %run_scoped3A = tpu.sem_alloc : memref<!tpu.dma_semaphore, #tpu.memory_space<semaphore_mem>>
      %dma_start3A_45 = arith.constant 0 : i32
      %dma_start3A_46 = tpu.memref_slice %arg2[%mul3A_6, %dma_start3A_45] : memref<4352x128xi32, #tpu.memory_space<hbm>> -> memref<136x128xi32, #tpu.memory_space<hbm>>
      %dma_start3A_47 = arith.constant 0 : i32
      %dma_start3A_48 = tpu.memref_slice %arg2[%mul3A_6, %dma_start3A_47] : memref<4352x128xi32, #tpu.memory_space<hbm>> -> memref<136x128xi32, #tpu.memory_space<hbm>>
      tpu.enqueue_dma source(%dma_start3A_48 : memref<136x128xi32, #tpu.memory_space<hbm>>) target(%arg7 : memref<136x128xi32, #tpu.memory_space<vmem>>) target_semaphore(%run_scoped3A : memref<!tpu.dma_semaphore, #tpu.memory_space<semaphore_mem>>)
      %dma_wait3A_49 = arith.constant 0 : i32
      %dma_wait3A_50 = tpu.memref_slice %arg2[%mul3A_6, %dma_wait3A_49] : memref<4352x128xi32, #tpu.memory_space<hbm>> -> memref<136x128xi32, #tpu.memory_space<hbm>>
      %dma_wait3A_51 = arith.constant 0 : i32
      %dma_wait3A_52 = tpu.memref_slice %arg2[%mul3A_6, %dma_wait3A_51] : memref<4352x128xi32, #tpu.memory_space<hbm>> -> memref<136x128xi32, #tpu.memory_space<hbm>>
      tpu.wait_dma2 semaphore(%run_scoped3A : memref<!tpu.dma_semaphore, #tpu.memory_space<semaphore_mem>>) src(%dma_wait3A_52 : memref<136x128xi32, #tpu.memory_space<hbm>>) dst(%arg7 : memref<136x128xi32, #tpu.memory_space<vmem>>)
      tpu.yield
    }) : () -> ()
    %mul3A_7 = arith.constant 136 : i32
    %mul3A_8 = arith.muli %add3A, %mul3A_7 : i32
    "tpu.region"() ({
      %run_scoped3A = tpu.sem_alloc : memref<!tpu.dma_semaphore, #tpu.memory_space<semaphore_mem>>
      %dma_start3A_45 = arith.constant 0 : i32
      %dma_start3A_46 = tpu.memref_slice %arg3[%mul3A_8, %dma_start3A_45] : memref<4352x128xi32, #tpu.memory_space<hbm>> -> memref<136x128xi32, #tpu.memory_space<hbm>>
      %dma_start3A_47 = arith.constant 0 : i32
      %dma_start3A_48 = tpu.memref_slice %arg3[%mul3A_8, %dma_start3A_47] : memref<4352x128xi32, #tpu.memory_space<hbm>> -> memref<136x128xi32, #tpu.memory_space<hbm>>
      tpu.enqueue_dma source(%dma_start3A_48 : memref<136x128xi32, #tpu.memory_space<hbm>>) target(%arg8 : memref<136x128xi32, #tpu.memory_space<vmem>>) target_semaphore(%run_scoped3A : memref<!tpu.dma_semaphore, #tpu.memory_space<semaphore_mem>>)
      %dma_wait3A_49 = arith.constant 0 : i32
      %dma_wait3A_50 = tpu.memref_slice %arg3[%mul3A_8, %dma_wait3A_49] : memref<4352x128xi32, #tpu.memory_space<hbm>> -> memref<136x128xi32, #tpu.memory_space<hbm>>
      %dma_wait3A_51 = arith.constant 0 : i32
      %dma_wait3A_52 = tpu.memref_slice %arg3[%mul3A_8, %dma_wait3A_51] : memref<4352x128xi32, #tpu.memory_space<hbm>> -> memref<136x128xi32, #tpu.memory_space<hbm>>
      tpu.wait_dma2 semaphore(%run_scoped3A : memref<!tpu.dma_semaphore, #tpu.memory_space<semaphore_mem>>) src(%dma_wait3A_52 : memref<136x128xi32, #tpu.memory_space<hbm>>) dst(%arg8 : memref<136x128xi32, #tpu.memory_space<vmem>>)
      tpu.yield
    }) : () -> ()
    %barrier3A = arith.constant 0 : index
    tpu.barrier barrier_id(%barrier3A)
    %dma_start3A = arith.constant 0 : i32
    %dma_start3A_9 = arith.constant 0 : i32
    %dma_start3A_10 = tpu.memref_slice %arg7[%dma_start3A, %dma_start3A_9] : memref<136x128xi32, #tpu.memory_space<vmem>> -> memref<1x128xi32, #tpu.memory_space<vmem>>
    %dma_start3A_11 = tpu.memref_squeeze %dma_start3A_10 : memref<1x128xi32, #tpu.memory_space<vmem>> -> memref<128xi32, #tpu.memory_space<vmem>>
    %dma_start3A_12 = arith.constant 0 : i32
    %dma_start3A_13 = arith.constant 0 : i32
    %dma_start3A_14 = tpu.memref_slice %arg4[%dma_start3A_12, %dma_start3A_13] : memref<17280x32xf32, #tpu.memory_space<hbm>> -> memref<17280x32xf32, #tpu.memory_space<hbm>>
    tpu.enqueue_indirect_dma source(%dma_start3A_14 : memref<17280x32xf32, #tpu.memory_space<hbm>>) target(%arg9 : memref<128x32xf32, #tpu.memory_space<vmem>>) offsets(%dma_start3A_11 : memref<128xi32, #tpu.memory_space<vmem>>) semaphore(%arg15 : memref<!tpu.dma_semaphore, #tpu.memory_space<semaphore_mem>>)
    %dma_start3A_15 = arith.constant 1 : i32
    %dma_start3A_16 = arith.constant 0 : i32
    %dma_start3A_17 = tpu.memref_slice %arg7[%dma_start3A_15, %dma_start3A_16] : memref<136x128xi32, #tpu.memory_space<vmem>> -> memref<1x128xi32, #tpu.memory_space<vmem>>
    %dma_start3A_18 = tpu.memref_squeeze %dma_start3A_17 : memref<1x128xi32, #tpu.memory_space<vmem>> -> memref<128xi32, #tpu.memory_space<vmem>>
    %dma_start3A_19 = arith.constant 0 : i32
    %dma_start3A_20 = arith.constant 0 : i32
    %dma_start3A_21 = tpu.memref_slice %arg4[%dma_start3A_19, %dma_start3A_20] : memref<17280x32xf32, #tpu.memory_space<hbm>> -> memref<17280x32xf32, #tpu.memory_space<hbm>>
    tpu.enqueue_indirect_dma source(%dma_start3A_21 : memref<17280x32xf32, #tpu.memory_space<hbm>>) target(%arg10 : memref<128x32xf32, #tpu.memory_space<vmem>>) offsets(%dma_start3A_18 : memref<128xi32, #tpu.memory_space<vmem>>) semaphore(%arg16 : memref<!tpu.dma_semaphore, #tpu.memory_space<semaphore_mem>>)
    %scan3A = arith.constant 0 : i32
    %scan3A_22 = arith.constant 0 : i32
    %scan3A_23 = arith.constant 34 : i32
    %scan3A_24 = arith.addi %scan3A_22, %scan3A_23 : i32
    %scan3A_25 = arith.constant 1 : i32
    scf.for %scan3A_45 = %scan3A_22 to %scan3A_24 step %scan3A_25  : i32 {
      %mul3A_46 = arith.constant 4 : i32
      %mul3A_47 = arith.muli %mul3A_46, %scan3A_45 : i32
      %add3A_48 = arith.constant 0 : i32
      %add3A_49 = arith.addi %mul3A_47, %add3A_48 : i32
      %dma_wait3A_50 = arith.constant 0 : i32
      %dma_wait3A_51 = tpu.memref_slice %arg7[%add3A_49, %dma_wait3A_50] : memref<136x128xi32, #tpu.memory_space<vmem>> -> memref<1x128xi32, #tpu.memory_space<vmem>>
      %dma_wait3A_52 = tpu.memref_squeeze %dma_wait3A_51 : memref<1x128xi32, #tpu.memory_space<vmem>> -> memref<128xi32, #tpu.memory_space<vmem>>
      %dma_wait3A_53 = arith.constant 0 : i32
      %dma_wait3A_54 = arith.constant 0 : i32
      %dma_wait3A_55 = tpu.memref_slice %arg4[%dma_wait3A_53, %dma_wait3A_54] : memref<17280x32xf32, #tpu.memory_space<hbm>> -> memref<17280x32xf32, #tpu.memory_space<hbm>>
      tpu.wait_indirect_dma semaphore(%arg15 : memref<!tpu.dma_semaphore, #tpu.memory_space<semaphore_mem>>) src(%dma_wait3A_55 : memref<17280x32xf32, #tpu.memory_space<hbm>>) dst(%arg9 : memref<128x32xf32, #tpu.memory_space<vmem>>)
      %dma_start3A_56 = arith.constant 0 : i32
      %dma_start3A_57 = tpu.memref_slice %arg8[%add3A_49, %dma_start3A_56] : memref<136x128xi32, #tpu.memory_space<vmem>> -> memref<1x128xi32, #tpu.memory_space<vmem>>
      %dma_start3A_58 = tpu.memref_squeeze %dma_start3A_57 : memref<1x128xi32, #tpu.memory_space<vmem>> -> memref<128xi32, #tpu.memory_space<vmem>>
      %dma_start3A_59 = arith.constant 0 : i32
      %dma_start3A_60 = arith.constant 0 : i32
      %dma_start3A_61 = tpu.memref_slice %arg14[%dma_start3A_59, %dma_start3A_60] : memref<17280x32xf32, #tpu.memory_space<vmem_shared>> -> memref<17280x32xf32, #tpu.memory_space<vmem_shared>>
      tpu.enqueue_indirect_dma source(%arg9 : memref<128x32xf32, #tpu.memory_space<vmem>>) target(%dma_start3A_61 : memref<17280x32xf32, #tpu.memory_space<vmem_shared>>) offsets(%dma_start3A_58 : memref<128xi32, #tpu.memory_space<vmem>>) semaphore(%arg19 : memref<!tpu.dma_semaphore, #tpu.memory_space<semaphore_mem>>) {add = true}
      %add3A_62 = arith.constant 2 : i32
      %add3A_63 = arith.addi %add3A_49, %add3A_62 : i32
      %ge3A = arith.constant 4 : i32
      %ge3A_64 = arith.cmpi sge, %add3A_63, %ge3A : i32
      %convert_element_type3A = arith.extui %ge3A_64 : i1 to i32
      %cond3A = arith.constant 0 : i32
      %cond3A_65 = arith.cmpi ne, %convert_element_type3A, %cond3A : i32
      scf.if %cond3A_65 {
        %add3A_156 = arith.constant 2 : i32
        %add3A_157 = arith.addi %add3A_49, %add3A_156 : i32
        %sub3A = arith.constant 4 : i32
        %sub3A_158 = arith.subi %add3A_157, %sub3A : i32
        %dma_wait3A_159 = arith.constant 0 : i32
        %dma_wait3A_160 = tpu.memref_slice %arg8[%sub3A_158, %dma_wait3A_159] : memref<136x128xi32, #tpu.memory_space<vmem>> -> memref<1x128xi32, #tpu.memory_space<vmem>>
        %dma_wait3A_161 = tpu.memref_squeeze %dma_wait3A_160 : memref<1x128xi32, #tpu.memory_space<vmem>> -> memref<128xi32, #tpu.memory_space<vmem>>
        %dma_wait3A_162 = arith.constant 0 : i32
        %dma_wait3A_163 = arith.constant 0 : i32
        %dma_wait3A_164 = tpu.memref_slice %arg14[%dma_wait3A_162, %dma_wait3A_163] : memref<17280x32xf32, #tpu.memory_space<vmem_shared>> -> memref<17280x32xf32, #tpu.memory_space<vmem_shared>>
        tpu.wait_indirect_dma semaphore(%arg21 : memref<!tpu.dma_semaphore, #tpu.memory_space<semaphore_mem>>) src(%arg11 : memref<128x32xf32, #tpu.memory_space<vmem>>) dst(%dma_wait3A_164 : memref<17280x32xf32, #tpu.memory_space<vmem_shared>>)
      } else {
      }
      %add3A_66 = arith.constant 2 : i32
      %add3A_67 = arith.addi %add3A_49, %add3A_66 : i32
      %lt3A = arith.constant 136 : i32
      %lt3A_68 = arith.cmpi slt, %add3A_67, %lt3A : i32
      %convert_element_type3A_69 = arith.extui %lt3A_68 : i1 to i32
      %cond3A_70 = arith.constant 0 : i32
      %cond3A_71 = arith.cmpi ne, %convert_element_type3A_69, %cond3A_70 : i32
      scf.if %cond3A_71 {
        %add3A_156 = arith.constant 2 : i32
        %add3A_157 = arith.addi %add3A_49, %add3A_156 : i32
        %dma_start3A_158 = arith.constant 0 : i32
        %dma_start3A_159 = tpu.memref_slice %arg7[%add3A_157, %dma_start3A_158] : memref<136x128xi32, #tpu.memory_space<vmem>> -> memref<1x128xi32, #tpu.memory_space<vmem>>
        %dma_start3A_160 = tpu.memref_squeeze %dma_start3A_159 : memref<1x128xi32, #tpu.memory_space<vmem>> -> memref<128xi32, #tpu.memory_space<vmem>>
        %dma_start3A_161 = arith.constant 0 : i32
        %dma_start3A_162 = arith.constant 0 : i32
        %dma_start3A_163 = tpu.memref_slice %arg4[%dma_start3A_161, %dma_start3A_162] : memref<17280x32xf32, #tpu.memory_space<hbm>> -> memref<17280x32xf32, #tpu.memory_space<hbm>>
        tpu.enqueue_indirect_dma source(%dma_start3A_163 : memref<17280x32xf32, #tpu.memory_space<hbm>>) target(%arg11 : memref<128x32xf32, #tpu.memory_space<vmem>>) offsets(%dma_start3A_160 : memref<128xi32, #tpu.memory_space<vmem>>) semaphore(%arg17 : memref<!tpu.dma_semaphore, #tpu.memory_space<semaphore_mem>>)
      } else {
      }
      %add3A_72 = arith.constant 1 : i32
      %add3A_73 = arith.addi %mul3A_47, %add3A_72 : i32
      %dma_wait3A_74 = arith.constant 0 : i32
      %dma_wait3A_75 = tpu.memref_slice %arg7[%add3A_73, %dma_wait3A_74] : memref<136x128xi32, #tpu.memory_space<vmem>> -> memref<1x128xi32, #tpu.memory_space<vmem>>
      %dma_wait3A_76 = tpu.memref_squeeze %dma_wait3A_75 : memref<1x128xi32, #tpu.memory_space<vmem>> -> memref<128xi32, #tpu.memory_space<vmem>>
      %dma_wait3A_77 = arith.constant 0 : i32
      %dma_wait3A_78 = arith.constant 0 : i32
      %dma_wait3A_79 = tpu.memref_slice %arg4[%dma_wait3A_77, %dma_wait3A_78] : memref<17280x32xf32, #tpu.memory_space<hbm>> -> memref<17280x32xf32, #tpu.memory_space<hbm>>
      tpu.wait_indirect_dma semaphore(%arg16 : memref<!tpu.dma_semaphore, #tpu.memory_space<semaphore_mem>>) src(%dma_wait3A_79 : memref<17280x32xf32, #tpu.memory_space<hbm>>) dst(%arg10 : memref<128x32xf32, #tpu.memory_space<vmem>>)
      %dma_start3A_80 = arith.constant 0 : i32
      %dma_start3A_81 = tpu.memref_slice %arg8[%add3A_73, %dma_start3A_80] : memref<136x128xi32, #tpu.memory_space<vmem>> -> memref<1x128xi32, #tpu.memory_space<vmem>>
      %dma_start3A_82 = tpu.memref_squeeze %dma_start3A_81 : memref<1x128xi32, #tpu.memory_space<vmem>> -> memref<128xi32, #tpu.memory_space<vmem>>
      %dma_start3A_83 = arith.constant 0 : i32
      %dma_start3A_84 = arith.constant 0 : i32
      %dma_start3A_85 = tpu.memref_slice %arg14[%dma_start3A_83, %dma_start3A_84] : memref<17280x32xf32, #tpu.memory_space<vmem_shared>> -> memref<17280x32xf32, #tpu.memory_space<vmem_shared>>
      tpu.enqueue_indirect_dma source(%arg10 : memref<128x32xf32, #tpu.memory_space<vmem>>) target(%dma_start3A_85 : memref<17280x32xf32, #tpu.memory_space<vmem_shared>>) offsets(%dma_start3A_82 : memref<128xi32, #tpu.memory_space<vmem>>) semaphore(%arg20 : memref<!tpu.dma_semaphore, #tpu.memory_space<semaphore_mem>>) {add = true}
      %add3A_86 = arith.constant 2 : i32
      %add3A_87 = arith.addi %add3A_73, %add3A_86 : i32
      %ge3A_88 = arith.constant 4 : i32
      %ge3A_89 = arith.cmpi sge, %add3A_87, %ge3A_88 : i32
      %convert_element_type3A_90 = arith.extui %ge3A_89 : i1 to i32
      %cond3A_91 = arith.constant 0 : i32
      %cond3A_92 = arith.cmpi ne, %convert_element_type3A_90, %cond3A_91 : i32
      scf.if %cond3A_92 {
        %add3A_156 = arith.constant 2 : i32
        %add3A_157 = arith.addi %add3A_73, %add3A_156 : i32
        %sub3A = arith.constant 4 : i32
        %sub3A_158 = arith.subi %add3A_157, %sub3A : i32
        %dma_wait3A_159 = arith.constant 0 : i32
        %dma_wait3A_160 = tpu.memref_slice %arg8[%sub3A_158, %dma_wait3A_159] : memref<136x128xi32, #tpu.memory_space<vmem>> -> memref<1x128xi32, #tpu.memory_space<vmem>>
        %dma_wait3A_161 = tpu.memref_squeeze %dma_wait3A_160 : memref<1x128xi32, #tpu.memory_space<vmem>> -> memref<128xi32, #tpu.memory_space<vmem>>
        %dma_wait3A_162 = arith.constant 0 : i32
        %dma_wait3A_163 = arith.constant 0 : i32
        %dma_wait3A_164 = tpu.memref_slice %arg14[%dma_wait3A_162, %dma_wait3A_163] : memref<17280x32xf32, #tpu.memory_space<vmem_shared>> -> memref<17280x32xf32, #tpu.memory_space<vmem_shared>>
        tpu.wait_indirect_dma semaphore(%arg22 : memref<!tpu.dma_semaphore, #tpu.memory_space<semaphore_mem>>) src(%arg12 : memref<128x32xf32, #tpu.memory_space<vmem>>) dst(%dma_wait3A_164 : memref<17280x32xf32, #tpu.memory_space<vmem_shared>>)
      } else {
      }
      %add3A_93 = arith.constant 2 : i32
      %add3A_94 = arith.addi %add3A_73, %add3A_93 : i32
      %lt3A_95 = arith.constant 136 : i32
      %lt3A_96 = arith.cmpi slt, %add3A_94, %lt3A_95 : i32
      %convert_element_type3A_97 = arith.extui %lt3A_96 : i1 to i32
      %cond3A_98 = arith.constant 0 : i32
      %cond3A_99 = arith.cmpi ne, %convert_element_type3A_97, %cond3A_98 : i32
      scf.if %cond3A_99 {
        %add3A_156 = arith.constant 2 : i32
        %add3A_157 = arith.addi %add3A_73, %add3A_156 : i32
        %dma_start3A_158 = arith.constant 0 : i32
        %dma_start3A_159 = tpu.memref_slice %arg7[%add3A_157, %dma_start3A_158] : memref<136x128xi32, #tpu.memory_space<vmem>> -> memref<1x128xi32, #tpu.memory_space<vmem>>
        %dma_start3A_160 = tpu.memref_squeeze %dma_start3A_159 : memref<1x128xi32, #tpu.memory_space<vmem>> -> memref<128xi32, #tpu.memory_space<vmem>>
        %dma_start3A_161 = arith.constant 0 : i32
        %dma_start3A_162 = arith.constant 0 : i32
        %dma_start3A_163 = tpu.memref_slice %arg4[%dma_start3A_161, %dma_start3A_162] : memref<17280x32xf32, #tpu.memory_space<hbm>> -> memref<17280x32xf32, #tpu.memory_space<hbm>>
        tpu.enqueue_indirect_dma source(%dma_start3A_163 : memref<17280x32xf32, #tpu.memory_space<hbm>>) target(%arg12 : memref<128x32xf32, #tpu.memory_space<vmem>>) offsets(%dma_start3A_160 : memref<128xi32, #tpu.memory_space<vmem>>) semaphore(%arg18 : memref<!tpu.dma_semaphore, #tpu.memory_space<semaphore_mem>>)
      } else {
      }
      %add3A_100 = arith.constant 2 : i32
      %add3A_101 = arith.addi %mul3A_47, %add3A_100 : i32
      %dma_wait3A_102 = arith.constant 0 : i32
      %dma_wait3A_103 = tpu.memref_slice %arg7[%add3A_101, %dma_wait3A_102] : memref<136x128xi32, #tpu.memory_space<vmem>> -> memref<1x128xi32, #tpu.memory_space<vmem>>
      %dma_wait3A_104 = tpu.memref_squeeze %dma_wait3A_103 : memref<1x128xi32, #tpu.memory_space<vmem>> -> memref<128xi32, #tpu.memory_space<vmem>>
      %dma_wait3A_105 = arith.constant 0 : i32
      %dma_wait3A_106 = arith.constant 0 : i32
      %dma_wait3A_107 = tpu.memref_slice %arg4[%dma_wait3A_105, %dma_wait3A_106] : memref<17280x32xf32, #tpu.memory_space<hbm>> -> memref<17280x32xf32, #tpu.memory_space<hbm>>
      tpu.wait_indirect_dma semaphore(%arg17 : memref<!tpu.dma_semaphore, #tpu.memory_space<semaphore_mem>>) src(%dma_wait3A_107 : memref<17280x32xf32, #tpu.memory_space<hbm>>) dst(%arg11 : memref<128x32xf32, #tpu.memory_space<vmem>>)
      %dma_start3A_108 = arith.constant 0 : i32
      %dma_start3A_109 = tpu.memref_slice %arg8[%add3A_101, %dma_start3A_108] : memref<136x128xi32, #tpu.memory_space<vmem>> -> memref<1x128xi32, #tpu.memory_space<vmem>>
      %dma_start3A_110 = tpu.memref_squeeze %dma_start3A_109 : memref<1x128xi32, #tpu.memory_space<vmem>> -> memref<128xi32, #tpu.memory_space<vmem>>
      %dma_start3A_111 = arith.constant 0 : i32
      %dma_start3A_112 = arith.constant 0 : i32
      %dma_start3A_113 = tpu.memref_slice %arg14[%dma_start3A_111, %dma_start3A_112] : memref<17280x32xf32, #tpu.memory_space<vmem_shared>> -> memref<17280x32xf32, #tpu.memory_space<vmem_shared>>
      tpu.enqueue_indirect_dma source(%arg11 : memref<128x32xf32, #tpu.memory_space<vmem>>) target(%dma_start3A_113 : memref<17280x32xf32, #tpu.memory_space<vmem_shared>>) offsets(%dma_start3A_110 : memref<128xi32, #tpu.memory_space<vmem>>) semaphore(%arg21 : memref<!tpu.dma_semaphore, #tpu.memory_space<semaphore_mem>>) {add = true}
      %add3A_114 = arith.constant 2 : i32
      %add3A_115 = arith.addi %add3A_101, %add3A_114 : i32
      %ge3A_116 = arith.constant 4 : i32
      %ge3A_117 = arith.cmpi sge, %add3A_115, %ge3A_116 : i32
      %convert_element_type3A_118 = arith.extui %ge3A_117 : i1 to i32
      %cond3A_119 = arith.constant 0 : i32
      %cond3A_120 = arith.cmpi ne, %convert_element_type3A_118, %cond3A_119 : i32
      scf.if %cond3A_120 {
        %add3A_156 = arith.constant 2 : i32
        %add3A_157 = arith.addi %add3A_101, %add3A_156 : i32
        %sub3A = arith.constant 4 : i32
        %sub3A_158 = arith.subi %add3A_157, %sub3A : i32
        %dma_wait3A_159 = arith.constant 0 : i32
        %dma_wait3A_160 = tpu.memref_slice %arg8[%sub3A_158, %dma_wait3A_159] : memref<136x128xi32, #tpu.memory_space<vmem>> -> memref<1x128xi32, #tpu.memory_space<vmem>>
        %dma_wait3A_161 = tpu.memref_squeeze %dma_wait3A_160 : memref<1x128xi32, #tpu.memory_space<vmem>> -> memref<128xi32, #tpu.memory_space<vmem>>
        %dma_wait3A_162 = arith.constant 0 : i32
        %dma_wait3A_163 = arith.constant 0 : i32
        %dma_wait3A_164 = tpu.memref_slice %arg14[%dma_wait3A_162, %dma_wait3A_163] : memref<17280x32xf32, #tpu.memory_space<vmem_shared>> -> memref<17280x32xf32, #tpu.memory_space<vmem_shared>>
        tpu.wait_indirect_dma semaphore(%arg19 : memref<!tpu.dma_semaphore, #tpu.memory_space<semaphore_mem>>) src(%arg9 : memref<128x32xf32, #tpu.memory_space<vmem>>) dst(%dma_wait3A_164 : memref<17280x32xf32, #tpu.memory_space<vmem_shared>>)
      } else {
      }
      %add3A_121 = arith.constant 2 : i32
      %add3A_122 = arith.addi %add3A_101, %add3A_121 : i32
      %lt3A_123 = arith.constant 136 : i32
      %lt3A_124 = arith.cmpi slt, %add3A_122, %lt3A_123 : i32
      %convert_element_type3A_125 = arith.extui %lt3A_124 : i1 to i32
      %cond3A_126 = arith.constant 0 : i32
      %cond3A_127 = arith.cmpi ne, %convert_element_type3A_125, %cond3A_126 : i32
      scf.if %cond3A_127 {
        %add3A_156 = arith.constant 2 : i32
        %add3A_157 = arith.addi %add3A_101, %add3A_156 : i32
        %dma_start3A_158 = arith.constant 0 : i32
        %dma_start3A_159 = tpu.memref_slice %arg7[%add3A_157, %dma_start3A_158] : memref<136x128xi32, #tpu.memory_space<vmem>> -> memref<1x128xi32, #tpu.memory_space<vmem>>
        %dma_start3A_160 = tpu.memref_squeeze %dma_start3A_159 : memref<1x128xi32, #tpu.memory_space<vmem>> -> memref<128xi32, #tpu.memory_space<vmem>>
        %dma_start3A_161 = arith.constant 0 : i32
        %dma_start3A_162 = arith.constant 0 : i32
        %dma_start3A_163 = tpu.memref_slice %arg4[%dma_start3A_161, %dma_start3A_162] : memref<17280x32xf32, #tpu.memory_space<hbm>> -> memref<17280x32xf32, #tpu.memory_space<hbm>>
        tpu.enqueue_indirect_dma source(%dma_start3A_163 : memref<17280x32xf32, #tpu.memory_space<hbm>>) target(%arg9 : memref<128x32xf32, #tpu.memory_space<vmem>>) offsets(%dma_start3A_160 : memref<128xi32, #tpu.memory_space<vmem>>) semaphore(%arg15 : memref<!tpu.dma_semaphore, #tpu.memory_space<semaphore_mem>>)
      } else {
      }
      %add3A_128 = arith.constant 3 : i32
      %add3A_129 = arith.addi %mul3A_47, %add3A_128 : i32
      %dma_wait3A_130 = arith.constant 0 : i32
      %dma_wait3A_131 = tpu.memref_slice %arg7[%add3A_129, %dma_wait3A_130] : memref<136x128xi32, #tpu.memory_space<vmem>> -> memref<1x128xi32, #tpu.memory_space<vmem>>
      %dma_wait3A_132 = tpu.memref_squeeze %dma_wait3A_131 : memref<1x128xi32, #tpu.memory_space<vmem>> -> memref<128xi32, #tpu.memory_space<vmem>>
      %dma_wait3A_133 = arith.constant 0 : i32
      %dma_wait3A_134 = arith.constant 0 : i32
      %dma_wait3A_135 = tpu.memref_slice %arg4[%dma_wait3A_133, %dma_wait3A_134] : memref<17280x32xf32, #tpu.memory_space<hbm>> -> memref<17280x32xf32, #tpu.memory_space<hbm>>
      tpu.wait_indirect_dma semaphore(%arg18 : memref<!tpu.dma_semaphore, #tpu.memory_space<semaphore_mem>>) src(%dma_wait3A_135 : memref<17280x32xf32, #tpu.memory_space<hbm>>) dst(%arg12 : memref<128x32xf32, #tpu.memory_space<vmem>>)
      %dma_start3A_136 = arith.constant 0 : i32
      %dma_start3A_137 = tpu.memref_slice %arg8[%add3A_129, %dma_start3A_136] : memref<136x128xi32, #tpu.memory_space<vmem>> -> memref<1x128xi32, #tpu.memory_space<vmem>>
      %dma_start3A_138 = tpu.memref_squeeze %dma_start3A_137 : memref<1x128xi32, #tpu.memory_space<vmem>> -> memref<128xi32, #tpu.memory_space<vmem>>
      %dma_start3A_139 = arith.constant 0 : i32
      %dma_start3A_140 = arith.constant 0 : i32
      %dma_start3A_141 = tpu.memref_slice %arg14[%dma_start3A_139, %dma_start3A_140] : memref<17280x32xf32, #tpu.memory_space<vmem_shared>> -> memref<17280x32xf32, #tpu.memory_space<vmem_shared>>
      tpu.enqueue_indirect_dma source(%arg12 : memref<128x32xf32, #tpu.memory_space<vmem>>) target(%dma_start3A_141 : memref<17280x32xf32, #tpu.memory_space<vmem_shared>>) offsets(%dma_start3A_138 : memref<128xi32, #tpu.memory_space<vmem>>) semaphore(%arg22 : memref<!tpu.dma_semaphore, #tpu.memory_space<semaphore_mem>>) {add = true}
      %add3A_142 = arith.constant 2 : i32
      %add3A_143 = arith.addi %add3A_129, %add3A_142 : i32
      %ge3A_144 = arith.constant 4 : i32
      %ge3A_145 = arith.cmpi sge, %add3A_143, %ge3A_144 : i32
      %convert_element_type3A_146 = arith.extui %ge3A_145 : i1 to i32
      %cond3A_147 = arith.constant 0 : i32
      %cond3A_148 = arith.cmpi ne, %convert_element_type3A_146, %cond3A_147 : i32
      scf.if %cond3A_148 {
        %add3A_156 = arith.constant 2 : i32
        %add3A_157 = arith.addi %add3A_129, %add3A_156 : i32
        %sub3A = arith.constant 4 : i32
        %sub3A_158 = arith.subi %add3A_157, %sub3A : i32
        %dma_wait3A_159 = arith.constant 0 : i32
        %dma_wait3A_160 = tpu.memref_slice %arg8[%sub3A_158, %dma_wait3A_159] : memref<136x128xi32, #tpu.memory_space<vmem>> -> memref<1x128xi32, #tpu.memory_space<vmem>>
        %dma_wait3A_161 = tpu.memref_squeeze %dma_wait3A_160 : memref<1x128xi32, #tpu.memory_space<vmem>> -> memref<128xi32, #tpu.memory_space<vmem>>
        %dma_wait3A_162 = arith.constant 0 : i32
        %dma_wait3A_163 = arith.constant 0 : i32
        %dma_wait3A_164 = tpu.memref_slice %arg14[%dma_wait3A_162, %dma_wait3A_163] : memref<17280x32xf32, #tpu.memory_space<vmem_shared>> -> memref<17280x32xf32, #tpu.memory_space<vmem_shared>>
        tpu.wait_indirect_dma semaphore(%arg20 : memref<!tpu.dma_semaphore, #tpu.memory_space<semaphore_mem>>) src(%arg10 : memref<128x32xf32, #tpu.memory_space<vmem>>) dst(%dma_wait3A_164 : memref<17280x32xf32, #tpu.memory_space<vmem_shared>>)
      } else {
      }
      %add3A_149 = arith.constant 2 : i32
      %add3A_150 = arith.addi %add3A_129, %add3A_149 : i32
      %lt3A_151 = arith.constant 136 : i32
      %lt3A_152 = arith.cmpi slt, %add3A_150, %lt3A_151 : i32
      %convert_element_type3A_153 = arith.extui %lt3A_152 : i1 to i32
      %cond3A_154 = arith.constant 0 : i32
      %cond3A_155 = arith.cmpi ne, %convert_element_type3A_153, %cond3A_154 : i32
      scf.if %cond3A_155 {
        %add3A_156 = arith.constant 2 : i32
        %add3A_157 = arith.addi %add3A_129, %add3A_156 : i32
        %dma_start3A_158 = arith.constant 0 : i32
        %dma_start3A_159 = tpu.memref_slice %arg7[%add3A_157, %dma_start3A_158] : memref<136x128xi32, #tpu.memory_space<vmem>> -> memref<1x128xi32, #tpu.memory_space<vmem>>
        %dma_start3A_160 = tpu.memref_squeeze %dma_start3A_159 : memref<1x128xi32, #tpu.memory_space<vmem>> -> memref<128xi32, #tpu.memory_space<vmem>>
        %dma_start3A_161 = arith.constant 0 : i32
        %dma_start3A_162 = arith.constant 0 : i32
        %dma_start3A_163 = tpu.memref_slice %arg4[%dma_start3A_161, %dma_start3A_162] : memref<17280x32xf32, #tpu.memory_space<hbm>> -> memref<17280x32xf32, #tpu.memory_space<hbm>>
        tpu.enqueue_indirect_dma source(%dma_start3A_163 : memref<17280x32xf32, #tpu.memory_space<hbm>>) target(%arg10 : memref<128x32xf32, #tpu.memory_space<vmem>>) offsets(%dma_start3A_160 : memref<128xi32, #tpu.memory_space<vmem>>) semaphore(%arg16 : memref<!tpu.dma_semaphore, #tpu.memory_space<semaphore_mem>>)
      } else {
      }
    }
    %scan3A_26 = arith.constant 34 : i32
    %dma_wait3A = arith.constant 134 : i32
    %dma_wait3A_27 = arith.constant 0 : i32
    %dma_wait3A_28 = tpu.memref_slice %arg8[%dma_wait3A, %dma_wait3A_27] : memref<136x128xi32, #tpu.memory_space<vmem>> -> memref<1x128xi32, #tpu.memory_space<vmem>>
    %dma_wait3A_29 = tpu.memref_squeeze %dma_wait3A_28 : memref<1x128xi32, #tpu.memory_space<vmem>> -> memref<128xi32, #tpu.memory_space<vmem>>
    %dma_wait3A_30 = arith.constant 0 : i32
    %dma_wait3A_31 = arith.constant 0 : i32
    %dma_wait3A_32 = tpu.memref_slice %arg14[%dma_wait3A_30, %dma_wait3A_31] : memref<17280x32xf32, #tpu.memory_space<vmem_shared>> -> memref<17280x32xf32, #tpu.memory_space<vmem_shared>>
    tpu.wait_indirect_dma semaphore(%arg21 : memref<!tpu.dma_semaphore, #tpu.memory_space<semaphore_mem>>) src(%arg11 : memref<128x32xf32, #tpu.memory_space<vmem>>) dst(%dma_wait3A_32 : memref<17280x32xf32, #tpu.memory_space<vmem_shared>>)
    %dma_wait3A_33 = arith.constant 135 : i32
    %dma_wait3A_34 = arith.constant 0 : i32
    %dma_wait3A_35 = tpu.memref_slice %arg8[%dma_wait3A_33, %dma_wait3A_34] : memref<136x128xi32, #tpu.memory_space<vmem>> -> memref<1x128xi32, #tpu.memory_space<vmem>>
    %dma_wait3A_36 = tpu.memref_squeeze %dma_wait3A_35 : memref<1x128xi32, #tpu.memory_space<vmem>> -> memref<128xi32, #tpu.memory_space<vmem>>
    %dma_wait3A_37 = arith.constant 0 : i32
    %dma_wait3A_38 = arith.constant 0 : i32
    %dma_wait3A_39 = tpu.memref_slice %arg14[%dma_wait3A_37, %dma_wait3A_38] : memref<17280x32xf32, #tpu.memory_space<vmem_shared>> -> memref<17280x32xf32, #tpu.memory_space<vmem_shared>>
    tpu.wait_indirect_dma semaphore(%arg22 : memref<!tpu.dma_semaphore, #tpu.memory_space<semaphore_mem>>) src(%arg12 : memref<128x32xf32, #tpu.memory_space<vmem>>) dst(%dma_wait3A_39 : memref<17280x32xf32, #tpu.memory_space<vmem_shared>>)
    %barrier3A_40 = arith.constant 0 : index
    tpu.barrier barrier_id(%barrier3A_40)
    %mul3A_41 = arith.constant 1080 : i32
    %mul3A_42 = arith.muli %arg1, %mul3A_41 : i32
    "tpu.region"() ({
      %run_scoped3A = tpu.sem_alloc : memref<!tpu.dma_semaphore, #tpu.memory_space<semaphore_mem>>
      %dma_start3A_45 = arith.constant 0 : i32
      %dma_start3A_46 = tpu.memref_slice %arg14[%mul3A_42, %dma_start3A_45] : memref<17280x32xf32, #tpu.memory_space<vmem_shared>> -> memref<1080x32xf32, #tpu.memory_space<vmem_shared>>
      %dma_start3A_47 = arith.constant 0 : i32
      %dma_start3A_48 = tpu.memref_slice %arg14[%mul3A_42, %dma_start3A_47] : memref<17280x32xf32, #tpu.memory_space<vmem_shared>> -> memref<1080x32xf32, #tpu.memory_space<vmem_shared>>
      tpu.enqueue_dma source(%dma_start3A_48 : memref<1080x32xf32, #tpu.memory_space<vmem_shared>>) target(%arg13 : memref<1080x32xf32, #tpu.memory_space<vmem>>) target_semaphore(%run_scoped3A : memref<!tpu.dma_semaphore, #tpu.memory_space<semaphore_mem>>)
      %dma_wait3A_49 = arith.constant 0 : i32
      %dma_wait3A_50 = tpu.memref_slice %arg14[%mul3A_42, %dma_wait3A_49] : memref<17280x32xf32, #tpu.memory_space<vmem_shared>> -> memref<1080x32xf32, #tpu.memory_space<vmem_shared>>
      %dma_wait3A_51 = arith.constant 0 : i32
      %dma_wait3A_52 = tpu.memref_slice %arg14[%mul3A_42, %dma_wait3A_51] : memref<17280x32xf32, #tpu.memory_space<vmem_shared>> -> memref<1080x32xf32, #tpu.memory_space<vmem_shared>>
      tpu.wait_dma2 semaphore(%run_scoped3A : memref<!tpu.dma_semaphore, #tpu.memory_space<semaphore_mem>>) src(%dma_wait3A_52 : memref<1080x32xf32, #tpu.memory_space<vmem_shared>>) dst(%arg13 : memref<1080x32xf32, #tpu.memory_space<vmem>>)
      tpu.yield
    }) : () -> ()
    %mul3A_43 = arith.constant 1080 : i32
    %mul3A_44 = arith.muli %arg1, %mul3A_43 : i32
    "tpu.region"() ({
      %run_scoped3A = tpu.sem_alloc : memref<!tpu.dma_semaphore, #tpu.memory_space<semaphore_mem>>
      %dma_start3A_45 = arith.constant 0 : i32
      %dma_start3A_46 = tpu.memref_slice %arg6[%arg0, %mul3A_44, %dma_start3A_45] : memref<2x17280x32xf32, #tpu.memory_space<hbm>> -> memref<1x1080x32xf32, #tpu.memory_space<hbm>>
      %dma_start3A_47 = tpu.memref_squeeze %dma_start3A_46 : memref<1x1080x32xf32, #tpu.memory_space<hbm>> -> memref<1080x32xf32, #tpu.memory_space<hbm>>
      %dma_start3A_48 = arith.constant 0 : i32
      %dma_start3A_49 = tpu.memref_slice %arg6[%arg0, %mul3A_44, %dma_start3A_48] : memref<2x17280x32xf32, #tpu.memory_space<hbm>> -> memref<1x1080x32xf32, #tpu.memory_space<hbm>>
      %dma_start3A_50 = tpu.memref_squeeze %dma_start3A_49 : memref<1x1080x32xf32, #tpu.memory_space<hbm>> -> memref<1080x32xf32, #tpu.memory_space<hbm>>
      tpu.enqueue_dma source(%arg13 : memref<1080x32xf32, #tpu.memory_space<vmem>>) target(%dma_start3A_50 : memref<1080x32xf32, #tpu.memory_space<hbm>>) target_semaphore(%run_scoped3A : memref<!tpu.dma_semaphore, #tpu.memory_space<semaphore_mem>>)
      %dma_wait3A_51 = arith.constant 0 : i32
      %dma_wait3A_52 = tpu.memref_slice %arg6[%arg0, %mul3A_44, %dma_wait3A_51] : memref<2x17280x32xf32, #tpu.memory_space<hbm>> -> memref<1x1080x32xf32, #tpu.memory_space<hbm>>
      %dma_wait3A_53 = tpu.memref_squeeze %dma_wait3A_52 : memref<1x1080x32xf32, #tpu.memory_space<hbm>> -> memref<1080x32xf32, #tpu.memory_space<hbm>>
      %dma_wait3A_54 = arith.constant 0 : i32
      %dma_wait3A_55 = tpu.memref_slice %arg6[%arg0, %mul3A_44, %dma_wait3A_54] : memref<2x17280x32xf32, #tpu.memory_space<hbm>> -> memref<1x1080x32xf32, #tpu.memory_space<hbm>>
      %dma_wait3A_56 = tpu.memref_squeeze %dma_wait3A_55 : memref<1x1080x32xf32, #tpu.memory_space<hbm>> -> memref<1080x32xf32, #tpu.memory_space<hbm>>
      tpu.wait_dma2 semaphore(%run_scoped3A : memref<!tpu.dma_semaphore, #tpu.memory_space<semaphore_mem>>) src(%arg13 : memref<1080x32xf32, #tpu.memory_space<vmem>>) dst(%dma_wait3A_56 : memref<1080x32xf32, #tpu.memory_space<hbm>>)
      tpu.yield
    }) : () -> ()
    return
  }
}

#map = affine_map<(d0, d1) -> (0, 0)>
#map1 = affine_map<(d0, d1) -> (0, 0, 0)>
module attributes {stable_mosaic.version = 14 : i64} {
  func.func @body(%arg0: i32, %arg1: i32, %arg2: memref<4352x128xi32, #tpu.memory_space<hbm>>, %arg3: memref<4352x128xi32, #tpu.memory_space<hbm>>, %arg4: memref<17280x32xf32, #tpu.memory_space<hbm>>, %arg5: memref<17280x32xf32, #tpu.memory_space<hbm>>, %arg6: memref<2x17280x32xf32, #tpu.memory_space<hbm>>, %arg7: memref<136x128xi32, #tpu.memory_space<vmem>>, %arg8: memref<136x128xi32, #tpu.memory_space<vmem>>, %arg9: memref<128x32xf32, #tpu.memory_space<vmem>>, %arg10: memref<128x32xf32, #tpu.memory_space<vmem>>, %arg11: memref<128x32xf32, #tpu.memory_space<vmem>>, %arg12: memref<128x32xf32, #tpu.memory_space<vmem>>, %arg13: memref<1080x32xf32, #tpu.memory_space<vmem>>, %arg14: memref<17280x32xf32, #tpu.memory_space<vmem_shared>>, %arg15: memref<!tpu.dma_semaphore, #tpu.memory_space<semaphore_mem>>, %arg16: memref<!tpu.dma_semaphore, #tpu.memory_space<semaphore_mem>>, %arg17: memref<!tpu.dma_semaphore, #tpu.memory_space<semaphore_mem>>, %arg18: memref<!tpu.dma_semaphore, #tpu.memory_space<semaphore_mem>>, %arg19: memref<!tpu.dma_semaphore, #tpu.memory_space<semaphore_mem>>, %arg20: memref<!tpu.dma_semaphore, #tpu.memory_space<semaphore_mem>>, %arg21: memref<!tpu.dma_semaphore, #tpu.memory_space<semaphore_mem>>, %arg22: memref<!tpu.dma_semaphore, #tpu.memory_space<semaphore_mem>>) attributes {dimension_semantics = [#tpu.dimension_semantics<core_parallel>, #tpu.dimension_semantics<subcore_parallel>], iteration_bounds = array<i64: 2, 16>, scalar_prefetch = 0 : i64, scratch_operands = 16 : i64, tpu.core_type = #tpu.core_type<sc_vector_subcore>, window_params = [{transform_indices = #map}, {transform_indices = #map}, {transform_indices = #map}, {transform_indices = #map}, {transform_indices = #map1}]} {
    %mul3A = arith.constant 16 : i32
    %mul3A_0 = arith.muli %arg0, %mul3A : i32
    %add3A = arith.addi %mul3A_0, %arg1 : i32
    %mul3A_1 = arith.constant 1080 : i32
    %mul3A_2 = arith.muli %arg1, %mul3A_1 : i32
    "tpu.region"() ({
      %run_scoped3A = tpu.sem_alloc : memref<!tpu.dma_semaphore, #tpu.memory_space<semaphore_mem>>
      %dma_start3A_45 = arith.constant 0 : i32
      %dma_start3A_46 = tpu.memref_slice %arg5[%mul3A_2, %dma_start3A_45] : memref<17280x32xf32, #tpu.memory_space<hbm>> -> memref<1080x32xf32, #tpu.memory_space<hbm>>
      %dma_start3A_47 = arith.constant 0 : i32
      %dma_start3A_48 = tpu.memref_slice %arg5[%mul3A_2, %dma_start3A_47] : memref<17280x32xf32, #tpu.memory_space<hbm>> -> memref<1080x32xf32, #tpu.memory_space<hbm>>
      tpu.enqueue_dma source(%dma_start3A_48 : memref<1080x32xf32, #tpu.memory_space<hbm>>) target(%arg13 : memref<1080x32xf32, #tpu.memory_space<vmem>>) target_semaphore(%run_scoped3A : memref<!tpu.dma_semaphore, #tpu.memory_space<semaphore_mem>>)
      %dma_wait3A_49 = arith.constant 0 : i32
      %dma_wait3A_50 = tpu.memref_slice %arg5[%mul3A_2, %dma_wait3A_49] : memref<17280x32xf32, #tpu.memory_space<hbm>> -> memref<1080x32xf32, #tpu.memory_space<hbm>>
      %dma_wait3A_51 = arith.constant 0 : i32
      %dma_wait3A_52 = tpu.memref_slice %arg5[%mul3A_2, %dma_wait3A_51] : memref<17280x32xf32, #tpu.memory_space<hbm>> -> memref<1080x32xf32, #tpu.memory_space<hbm>>
      tpu.wait_dma2 semaphore(%run_scoped3A : memref<!tpu.dma_semaphore, #tpu.memory_space<semaphore_mem>>) src(%dma_wait3A_52 : memref<1080x32xf32, #tpu.memory_space<hbm>>) dst(%arg13 : memref<1080x32xf32, #tpu.memory_space<vmem>>)
      tpu.yield
    }) : () -> ()
    %mul3A_3 = arith.constant 1080 : i32
    %mul3A_4 = arith.muli %arg1, %mul3A_3 : i32
    "tpu.region"() ({
      %run_scoped3A = tpu.sem_alloc : memref<!tpu.dma_semaphore, #tpu.memory_space<semaphore_mem>>
      %dma_start3A_45 = arith.constant 0 : i32
      %dma_start3A_46 = tpu.memref_slice %arg14[%mul3A_4, %dma_start3A_45] : memref<17280x32xf32, #tpu.memory_space<vmem_shared>> -> memref<1080x32xf32, #tpu.memory_space<vmem_shared>>
      %dma_start3A_47 = arith.constant 0 : i32
      %dma_start3A_48 = tpu.memref_slice %arg14[%mul3A_4, %dma_start3A_47] : memref<17280x32xf32, #tpu.memory_space<vmem_shared>> -> memref<1080x32xf32, #tpu.memory_space<vmem_shared>>
      tpu.enqueue_dma source(%arg13 : memref<1080x32xf32, #tpu.memory_space<vmem>>) target(%dma_start3A_48 : memref<1080x32xf32, #tpu.memory_space<vmem_shared>>) target_semaphore(%run_scoped3A : memref<!tpu.dma_semaphore, #tpu.memory_space<semaphore_mem>>)
      %dma_wait3A_49 = arith.constant 0 : i32
      %dma_wait3A_50 = tpu.memref_slice %arg14[%mul3A_4, %dma_wait3A_49] : memref<17280x32xf32, #tpu.memory_space<vmem_shared>> -> memref<1080x32xf32, #tpu.memory_space<vmem_shared>>
      %dma_wait3A_51 = arith.constant 0 : i32
      %dma_wait3A_52 = tpu.memref_slice %arg14[%mul3A_4, %dma_wait3A_51] : memref<17280x32xf32, #tpu.memory_space<vmem_shared>> -> memref<1080x32xf32, #tpu.memory_space<vmem_shared>>
      tpu.wait_dma2 semaphore(%run_scoped3A : memref<!tpu.dma_semaphore, #tpu.memory_space<semaphore_mem>>) src(%arg13 : memref<1080x32xf32, #tpu.memory_space<vmem>>) dst(%dma_wait3A_52 : memref<1080x32xf32, #tpu.memory_space<vmem_shared>>)
      tpu.yield
    }) : () -> ()
    %mul3A_5 = arith.constant 136 : i32
    %mul3A_6 = arith.muli %add3A, %mul3A_5 : i32
    "tpu.region"() ({
      %run_scoped3A = tpu.sem_alloc : memref<!tpu.dma_semaphore, #tpu.memory_space<semaphore_mem>>
      %dma_start3A_45 = arith.constant 0 : i32
      %dma_start3A_46 = tpu.memref_slice %arg2[%mul3A_6, %dma_start3A_45] : memref<4352x128xi32, #tpu.memory_space<hbm>> -> memref<136x128xi32, #tpu.memory_space<hbm>>
      %dma_start3A_47 = arith.constant 0 : i32
      %dma_start3A_48 = tpu.memref_slice %arg2[%mul3A_6, %dma_start3A_47] : memref<4352x128xi32, #tpu.memory_space<hbm>> -> memref<136x128xi32, #tpu.memory_space<hbm>>
      tpu.enqueue_dma source(%dma_start3A_48 : memref<136x128xi32, #tpu.memory_space<hbm>>) target(%arg7 : memref<136x128xi32, #tpu.memory_space<vmem>>) target_semaphore(%run_scoped3A : memref<!tpu.dma_semaphore, #tpu.memory_space<semaphore_mem>>)
      %dma_wait3A_49 = arith.constant 0 : i32
      %dma_wait3A_50 = tpu.memref_slice %arg2[%mul3A_6, %dma_wait3A_49] : memref<4352x128xi32, #tpu.memory_space<hbm>> -> memref<136x128xi32, #tpu.memory_space<hbm>>
      %dma_wait3A_51 = arith.constant 0 : i32
      %dma_wait3A_52 = tpu.memref_slice %arg2[%mul3A_6, %dma_wait3A_51] : memref<4352x128xi32, #tpu.memory_space<hbm>> -> memref<136x128xi32, #tpu.memory_space<hbm>>
      tpu.wait_dma2 semaphore(%run_scoped3A : memref<!tpu.dma_semaphore, #tpu.memory_space<semaphore_mem>>) src(%dma_wait3A_52 : memref<136x128xi32, #tpu.memory_space<hbm>>) dst(%arg7 : memref<136x128xi32, #tpu.memory_space<vmem>>)
      tpu.yield
    }) : () -> ()
    %mul3A_7 = arith.constant 136 : i32
    %mul3A_8 = arith.muli %add3A, %mul3A_7 : i32
    "tpu.region"() ({
      %run_scoped3A = tpu.sem_alloc : memref<!tpu.dma_semaphore, #tpu.memory_space<semaphore_mem>>
      %dma_start3A_45 = arith.constant 0 : i32
      %dma_start3A_46 = tpu.memref_slice %arg3[%mul3A_8, %dma_start3A_45] : memref<4352x128xi32, #tpu.memory_space<hbm>> -> memref<136x128xi32, #tpu.memory_space<hbm>>
      %dma_start3A_47 = arith.constant 0 : i32
      %dma_start3A_48 = tpu.memref_slice %arg3[%mul3A_8, %dma_start3A_47] : memref<4352x128xi32, #tpu.memory_space<hbm>> -> memref<136x128xi32, #tpu.memory_space<hbm>>
      tpu.enqueue_dma source(%dma_start3A_48 : memref<136x128xi32, #tpu.memory_space<hbm>>) target(%arg8 : memref<136x128xi32, #tpu.memory_space<vmem>>) target_semaphore(%run_scoped3A : memref<!tpu.dma_semaphore, #tpu.memory_space<semaphore_mem>>)
      %dma_wait3A_49 = arith.constant 0 : i32
      %dma_wait3A_50 = tpu.memref_slice %arg3[%mul3A_8, %dma_wait3A_49] : memref<4352x128xi32, #tpu.memory_space<hbm>> -> memref<136x128xi32, #tpu.memory_space<hbm>>
      %dma_wait3A_51 = arith.constant 0 : i32
      %dma_wait3A_52 = tpu.memref_slice %arg3[%mul3A_8, %dma_wait3A_51] : memref<4352x128xi32, #tpu.memory_space<hbm>> -> memref<136x128xi32, #tpu.memory_space<hbm>>
      tpu.wait_dma2 semaphore(%run_scoped3A : memref<!tpu.dma_semaphore, #tpu.memory_space<semaphore_mem>>) src(%dma_wait3A_52 : memref<136x128xi32, #tpu.memory_space<hbm>>) dst(%arg8 : memref<136x128xi32, #tpu.memory_space<vmem>>)
      tpu.yield
    }) : () -> ()
    %barrier3A = arith.constant 0 : index
    tpu.barrier barrier_id(%barrier3A)
    %dma_start3A = arith.constant 0 : i32
    %dma_start3A_9 = arith.constant 0 : i32
    %dma_start3A_10 = tpu.memref_slice %arg7[%dma_start3A, %dma_start3A_9] : memref<136x128xi32, #tpu.memory_space<vmem>> -> memref<1x128xi32, #tpu.memory_space<vmem>>
    %dma_start3A_11 = tpu.memref_squeeze %dma_start3A_10 : memref<1x128xi32, #tpu.memory_space<vmem>> -> memref<128xi32, #tpu.memory_space<vmem>>
    %dma_start3A_12 = arith.constant 0 : i32
    %dma_start3A_13 = arith.constant 0 : i32
    %dma_start3A_14 = tpu.memref_slice %arg4[%dma_start3A_12, %dma_start3A_13] : memref<17280x32xf32, #tpu.memory_space<hbm>> -> memref<17280x32xf32, #tpu.memory_space<hbm>>
    tpu.enqueue_indirect_dma source(%dma_start3A_14 : memref<17280x32xf32, #tpu.memory_space<hbm>>) target(%arg9 : memref<128x32xf32, #tpu.memory_space<vmem>>) offsets(%dma_start3A_11 : memref<128xi32, #tpu.memory_space<vmem>>) semaphore(%arg15 : memref<!tpu.dma_semaphore, #tpu.memory_space<semaphore_mem>>)
    %dma_start3A_15 = arith.constant 1 : i32
    %dma_start3A_16 = arith.constant 0 : i32
    %dma_start3A_17 = tpu.memref_slice %arg7[%dma_start3A_15, %dma_start3A_16] : memref<136x128xi32, #tpu.memory_space<vmem>> -> memref<1x128xi32, #tpu.memory_space<vmem>>
    %dma_start3A_18 = tpu.memref_squeeze %dma_start3A_17 : memref<1x128xi32, #tpu.memory_space<vmem>> -> memref<128xi32, #tpu.memory_space<vmem>>
    %dma_start3A_19 = arith.constant 0 : i32
    %dma_start3A_20 = arith.constant 0 : i32
    %dma_start3A_21 = tpu.memref_slice %arg4[%dma_start3A_19, %dma_start3A_20] : memref<17280x32xf32, #tpu.memory_space<hbm>> -> memref<17280x32xf32, #tpu.memory_space<hbm>>
    tpu.enqueue_indirect_dma source(%dma_start3A_21 : memref<17280x32xf32, #tpu.memory_space<hbm>>) target(%arg10 : memref<128x32xf32, #tpu.memory_space<vmem>>) offsets(%dma_start3A_18 : memref<128xi32, #tpu.memory_space<vmem>>) semaphore(%arg16 : memref<!tpu.dma_semaphore, #tpu.memory_space<semaphore_mem>>)
    %scan3A = arith.constant 0 : i32
    %scan3A_22 = arith.constant 0 : i32
    %scan3A_23 = arith.constant 34 : i32
    %scan3A_24 = arith.addi %scan3A_22, %scan3A_23 : i32
    %scan3A_25 = arith.constant 1 : i32
    scf.for %scan3A_45 = %scan3A_22 to %scan3A_24 step %scan3A_25  : i32 {
      %mul3A_46 = arith.constant 4 : i32
      %mul3A_47 = arith.muli %mul3A_46, %scan3A_45 : i32
      %add3A_48 = arith.constant 0 : i32
      %add3A_49 = arith.addi %mul3A_47, %add3A_48 : i32
      %dma_wait3A_50 = arith.constant 0 : i32
      %dma_wait3A_51 = tpu.memref_slice %arg7[%add3A_49, %dma_wait3A_50] : memref<136x128xi32, #tpu.memory_space<vmem>> -> memref<1x128xi32, #tpu.memory_space<vmem>>
      %dma_wait3A_52 = tpu.memref_squeeze %dma_wait3A_51 : memref<1x128xi32, #tpu.memory_space<vmem>> -> memref<128xi32, #tpu.memory_space<vmem>>
      %dma_wait3A_53 = arith.constant 0 : i32
      %dma_wait3A_54 = arith.constant 0 : i32
      %dma_wait3A_55 = tpu.memref_slice %arg4[%dma_wait3A_53, %dma_wait3A_54] : memref<17280x32xf32, #tpu.memory_space<hbm>> -> memref<17280x32xf32, #tpu.memory_space<hbm>>
      tpu.wait_indirect_dma semaphore(%arg15 : memref<!tpu.dma_semaphore, #tpu.memory_space<semaphore_mem>>) src(%dma_wait3A_55 : memref<17280x32xf32, #tpu.memory_space<hbm>>) dst(%arg9 : memref<128x32xf32, #tpu.memory_space<vmem>>)
      %dma_start3A_56 = arith.constant 0 : i32
      %dma_start3A_57 = tpu.memref_slice %arg8[%add3A_49, %dma_start3A_56] : memref<136x128xi32, #tpu.memory_space<vmem>> -> memref<1x128xi32, #tpu.memory_space<vmem>>
      %dma_start3A_58 = tpu.memref_squeeze %dma_start3A_57 : memref<1x128xi32, #tpu.memory_space<vmem>> -> memref<128xi32, #tpu.memory_space<vmem>>
      %dma_start3A_59 = arith.constant 0 : i32
      %dma_start3A_60 = arith.constant 0 : i32
      %dma_start3A_61 = tpu.memref_slice %arg14[%dma_start3A_59, %dma_start3A_60] : memref<17280x32xf32, #tpu.memory_space<vmem_shared>> -> memref<17280x32xf32, #tpu.memory_space<vmem_shared>>
      tpu.enqueue_indirect_dma source(%arg9 : memref<128x32xf32, #tpu.memory_space<vmem>>) target(%dma_start3A_61 : memref<17280x32xf32, #tpu.memory_space<vmem_shared>>) offsets(%dma_start3A_58 : memref<128xi32, #tpu.memory_space<vmem>>) semaphore(%arg19 : memref<!tpu.dma_semaphore, #tpu.memory_space<semaphore_mem>>) {add = true}
      %add3A_62 = arith.constant 2 : i32
      %add3A_63 = arith.addi %add3A_49, %add3A_62 : i32
      %ge3A = arith.constant 4 : i32
      %ge3A_64 = arith.cmpi sge, %add3A_63, %ge3A : i32
      %convert_element_type3A = arith.extui %ge3A_64 : i1 to i32
      %cond3A = arith.constant 0 : i32
      %cond3A_65 = arith.cmpi ne, %convert_element_type3A, %cond3A : i32
      scf.if %cond3A_65 {
        %add3A_156 = arith.constant 2 : i32
        %add3A_157 = arith.addi %add3A_49, %add3A_156 : i32
        %sub3A = arith.constant 4 : i32
        %sub3A_158 = arith.subi %add3A_157, %sub3A : i32
        %dma_wait3A_159 = arith.constant 0 : i32
        %dma_wait3A_160 = tpu.memref_slice %arg8[%sub3A_158, %dma_wait3A_159] : memref<136x128xi32, #tpu.memory_space<vmem>> -> memref<1x128xi32, #tpu.memory_space<vmem>>
        %dma_wait3A_161 = tpu.memref_squeeze %dma_wait3A_160 : memref<1x128xi32, #tpu.memory_space<vmem>> -> memref<128xi32, #tpu.memory_space<vmem>>
        %dma_wait3A_162 = arith.constant 0 : i32
        %dma_wait3A_163 = arith.constant 0 : i32
        %dma_wait3A_164 = tpu.memref_slice %arg14[%dma_wait3A_162, %dma_wait3A_163] : memref<17280x32xf32, #tpu.memory_space<vmem_shared>> -> memref<17280x32xf32, #tpu.memory_space<vmem_shared>>
        tpu.wait_indirect_dma semaphore(%arg21 : memref<!tpu.dma_semaphore, #tpu.memory_space<semaphore_mem>>) src(%arg11 : memref<128x32xf32, #tpu.memory_space<vmem>>) dst(%dma_wait3A_164 : memref<17280x32xf32, #tpu.memory_space<vmem_shared>>)
      } else {
      }
      %add3A_66 = arith.constant 2 : i32
      %add3A_67 = arith.addi %add3A_49, %add3A_66 : i32
      %lt3A = arith.constant 136 : i32
      %lt3A_68 = arith.cmpi slt, %add3A_67, %lt3A : i32
      %convert_element_type3A_69 = arith.extui %lt3A_68 : i1 to i32
      %cond3A_70 = arith.constant 0 : i32
      %cond3A_71 = arith.cmpi ne, %convert_element_type3A_69, %cond3A_70 : i32
      scf.if %cond3A_71 {
        %add3A_156 = arith.constant 2 : i32
        %add3A_157 = arith.addi %add3A_49, %add3A_156 : i32
        %dma_start3A_158 = arith.constant 0 : i32
        %dma_start3A_159 = tpu.memref_slice %arg7[%add3A_157, %dma_start3A_158] : memref<136x128xi32, #tpu.memory_space<vmem>> -> memref<1x128xi32, #tpu.memory_space<vmem>>
        %dma_start3A_160 = tpu.memref_squeeze %dma_start3A_159 : memref<1x128xi32, #tpu.memory_space<vmem>> -> memref<128xi32, #tpu.memory_space<vmem>>
        %dma_start3A_161 = arith.constant 0 : i32
        %dma_start3A_162 = arith.constant 0 : i32
        %dma_start3A_163 = tpu.memref_slice %arg4[%dma_start3A_161, %dma_start3A_162] : memref<17280x32xf32, #tpu.memory_space<hbm>> -> memref<17280x32xf32, #tpu.memory_space<hbm>>
        tpu.enqueue_indirect_dma source(%dma_start3A_163 : memref<17280x32xf32, #tpu.memory_space<hbm>>) target(%arg11 : memref<128x32xf32, #tpu.memory_space<vmem>>) offsets(%dma_start3A_160 : memref<128xi32, #tpu.memory_space<vmem>>) semaphore(%arg17 : memref<!tpu.dma_semaphore, #tpu.memory_space<semaphore_mem>>)
      } else {
      }
      %add3A_72 = arith.constant 1 : i32
      %add3A_73 = arith.addi %mul3A_47, %add3A_72 : i32
      %dma_wait3A_74 = arith.constant 0 : i32
      %dma_wait3A_75 = tpu.memref_slice %arg7[%add3A_73, %dma_wait3A_74] : memref<136x128xi32, #tpu.memory_space<vmem>> -> memref<1x128xi32, #tpu.memory_space<vmem>>
      %dma_wait3A_76 = tpu.memref_squeeze %dma_wait3A_75 : memref<1x128xi32, #tpu.memory_space<vmem>> -> memref<128xi32, #tpu.memory_space<vmem>>
      %dma_wait3A_77 = arith.constant 0 : i32
      %dma_wait3A_78 = arith.constant 0 : i32
      %dma_wait3A_79 = tpu.memref_slice %arg4[%dma_wait3A_77, %dma_wait3A_78] : memref<17280x32xf32, #tpu.memory_space<hbm>> -> memref<17280x32xf32, #tpu.memory_space<hbm>>
      tpu.wait_indirect_dma semaphore(%arg16 : memref<!tpu.dma_semaphore, #tpu.memory_space<semaphore_mem>>) src(%dma_wait3A_79 : memref<17280x32xf32, #tpu.memory_space<hbm>>) dst(%arg10 : memref<128x32xf32, #tpu.memory_space<vmem>>)
      %dma_start3A_80 = arith.constant 0 : i32
      %dma_start3A_81 = tpu.memref_slice %arg8[%add3A_73, %dma_start3A_80] : memref<136x128xi32, #tpu.memory_space<vmem>> -> memref<1x128xi32, #tpu.memory_space<vmem>>
      %dma_start3A_82 = tpu.memref_squeeze %dma_start3A_81 : memref<1x128xi32, #tpu.memory_space<vmem>> -> memref<128xi32, #tpu.memory_space<vmem>>
      %dma_start3A_83 = arith.constant 0 : i32
      %dma_start3A_84 = arith.constant 0 : i32
      %dma_start3A_85 = tpu.memref_slice %arg14[%dma_start3A_83, %dma_start3A_84] : memref<17280x32xf32, #tpu.memory_space<vmem_shared>> -> memref<17280x32xf32, #tpu.memory_space<vmem_shared>>
      tpu.enqueue_indirect_dma source(%arg10 : memref<128x32xf32, #tpu.memory_space<vmem>>) target(%dma_start3A_85 : memref<17280x32xf32, #tpu.memory_space<vmem_shared>>) offsets(%dma_start3A_82 : memref<128xi32, #tpu.memory_space<vmem>>) semaphore(%arg20 : memref<!tpu.dma_semaphore, #tpu.memory_space<semaphore_mem>>) {add = true}
      %add3A_86 = arith.constant 2 : i32
      %add3A_87 = arith.addi %add3A_73, %add3A_86 : i32
      %ge3A_88 = arith.constant 4 : i32
      %ge3A_89 = arith.cmpi sge, %add3A_87, %ge3A_88 : i32
      %convert_element_type3A_90 = arith.extui %ge3A_89 : i1 to i32
      %cond3A_91 = arith.constant 0 : i32
      %cond3A_92 = arith.cmpi ne, %convert_element_type3A_90, %cond3A_91 : i32
      scf.if %cond3A_92 {
        %add3A_156 = arith.constant 2 : i32
        %add3A_157 = arith.addi %add3A_73, %add3A_156 : i32
        %sub3A = arith.constant 4 : i32
        %sub3A_158 = arith.subi %add3A_157, %sub3A : i32
        %dma_wait3A_159 = arith.constant 0 : i32
        %dma_wait3A_160 = tpu.memref_slice %arg8[%sub3A_158, %dma_wait3A_159] : memref<136x128xi32, #tpu.memory_space<vmem>> -> memref<1x128xi32, #tpu.memory_space<vmem>>
        %dma_wait3A_161 = tpu.memref_squeeze %dma_wait3A_160 : memref<1x128xi32, #tpu.memory_space<vmem>> -> memref<128xi32, #tpu.memory_space<vmem>>
        %dma_wait3A_162 = arith.constant 0 : i32
        %dma_wait3A_163 = arith.constant 0 : i32
        %dma_wait3A_164 = tpu.memref_slice %arg14[%dma_wait3A_162, %dma_wait3A_163] : memref<17280x32xf32, #tpu.memory_space<vmem_shared>> -> memref<17280x32xf32, #tpu.memory_space<vmem_shared>>
        tpu.wait_indirect_dma semaphore(%arg22 : memref<!tpu.dma_semaphore, #tpu.memory_space<semaphore_mem>>) src(%arg12 : memref<128x32xf32, #tpu.memory_space<vmem>>) dst(%dma_wait3A_164 : memref<17280x32xf32, #tpu.memory_space<vmem_shared>>)
      } else {
      }
      %add3A_93 = arith.constant 2 : i32
      %add3A_94 = arith.addi %add3A_73, %add3A_93 : i32
      %lt3A_95 = arith.constant 136 : i32
      %lt3A_96 = arith.cmpi slt, %add3A_94, %lt3A_95 : i32
      %convert_element_type3A_97 = arith.extui %lt3A_96 : i1 to i32
      %cond3A_98 = arith.constant 0 : i32
      %cond3A_99 = arith.cmpi ne, %convert_element_type3A_97, %cond3A_98 : i32
      scf.if %cond3A_99 {
        %add3A_156 = arith.constant 2 : i32
        %add3A_157 = arith.addi %add3A_73, %add3A_156 : i32
        %dma_start3A_158 = arith.constant 0 : i32
        %dma_start3A_159 = tpu.memref_slice %arg7[%add3A_157, %dma_start3A_158] : memref<136x128xi32, #tpu.memory_space<vmem>> -> memref<1x128xi32, #tpu.memory_space<vmem>>
        %dma_start3A_160 = tpu.memref_squeeze %dma_start3A_159 : memref<1x128xi32, #tpu.memory_space<vmem>> -> memref<128xi32, #tpu.memory_space<vmem>>
        %dma_start3A_161 = arith.constant 0 : i32
        %dma_start3A_162 = arith.constant 0 : i32
        %dma_start3A_163 = tpu.memref_slice %arg4[%dma_start3A_161, %dma_start3A_162] : memref<17280x32xf32, #tpu.memory_space<hbm>> -> memref<17280x32xf32, #tpu.memory_space<hbm>>
        tpu.enqueue_indirect_dma source(%dma_start3A_163 : memref<17280x32xf32, #tpu.memory_space<hbm>>) target(%arg12 : memref<128x32xf32, #tpu.memory_space<vmem>>) offsets(%dma_start3A_160 : memref<128xi32, #tpu.memory_space<vmem>>) semaphore(%arg18 : memref<!tpu.dma_semaphore, #tpu.memory_space<semaphore_mem>>)
      } else {
      }
      %add3A_100 = arith.constant 2 : i32
      %add3A_101 = arith.addi %mul3A_47, %add3A_100 : i32
      %dma_wait3A_102 = arith.constant 0 : i32
      %dma_wait3A_103 = tpu.memref_slice %arg7[%add3A_101, %dma_wait3A_102] : memref<136x128xi32, #tpu.memory_space<vmem>> -> memref<1x128xi32, #tpu.memory_space<vmem>>
      %dma_wait3A_104 = tpu.memref_squeeze %dma_wait3A_103 : memref<1x128xi32, #tpu.memory_space<vmem>> -> memref<128xi32, #tpu.memory_space<vmem>>
      %dma_wait3A_105 = arith.constant 0 : i32
      %dma_wait3A_106 = arith.constant 0 : i32
      %dma_wait3A_107 = tpu.memref_slice %arg4[%dma_wait3A_105, %dma_wait3A_106] : memref<17280x32xf32, #tpu.memory_space<hbm>> -> memref<17280x32xf32, #tpu.memory_space<hbm>>
      tpu.wait_indirect_dma semaphore(%arg17 : memref<!tpu.dma_semaphore, #tpu.memory_space<semaphore_mem>>) src(%dma_wait3A_107 : memref<17280x32xf32, #tpu.memory_space<hbm>>) dst(%arg11 : memref<128x32xf32, #tpu.memory_space<vmem>>)
      %dma_start3A_108 = arith.constant 0 : i32
      %dma_start3A_109 = tpu.memref_slice %arg8[%add3A_101, %dma_start3A_108] : memref<136x128xi32, #tpu.memory_space<vmem>> -> memref<1x128xi32, #tpu.memory_space<vmem>>
      %dma_start3A_110 = tpu.memref_squeeze %dma_start3A_109 : memref<1x128xi32, #tpu.memory_space<vmem>> -> memref<128xi32, #tpu.memory_space<vmem>>
      %dma_start3A_111 = arith.constant 0 : i32
      %dma_start3A_112 = arith.constant 0 : i32
      %dma_start3A_113 = tpu.memref_slice %arg14[%dma_start3A_111, %dma_start3A_112] : memref<17280x32xf32, #tpu.memory_space<vmem_shared>> -> memref<17280x32xf32, #tpu.memory_space<vmem_shared>>
      tpu.enqueue_indirect_dma source(%arg11 : memref<128x32xf32, #tpu.memory_space<vmem>>) target(%dma_start3A_113 : memref<17280x32xf32, #tpu.memory_space<vmem_shared>>) offsets(%dma_start3A_110 : memref<128xi32, #tpu.memory_space<vmem>>) semaphore(%arg21 : memref<!tpu.dma_semaphore, #tpu.memory_space<semaphore_mem>>) {add = true}
      %add3A_114 = arith.constant 2 : i32
      %add3A_115 = arith.addi %add3A_101, %add3A_114 : i32
      %ge3A_116 = arith.constant 4 : i32
      %ge3A_117 = arith.cmpi sge, %add3A_115, %ge3A_116 : i32
      %convert_element_type3A_118 = arith.extui %ge3A_117 : i1 to i32
      %cond3A_119 = arith.constant 0 : i32
      %cond3A_120 = arith.cmpi ne, %convert_element_type3A_118, %cond3A_119 : i32
      scf.if %cond3A_120 {
        %add3A_156 = arith.constant 2 : i32
        %add3A_157 = arith.addi %add3A_101, %add3A_156 : i32
        %sub3A = arith.constant 4 : i32
        %sub3A_158 = arith.subi %add3A_157, %sub3A : i32
        %dma_wait3A_159 = arith.constant 0 : i32
        %dma_wait3A_160 = tpu.memref_slice %arg8[%sub3A_158, %dma_wait3A_159] : memref<136x128xi32, #tpu.memory_space<vmem>> -> memref<1x128xi32, #tpu.memory_space<vmem>>
        %dma_wait3A_161 = tpu.memref_squeeze %dma_wait3A_160 : memref<1x128xi32, #tpu.memory_space<vmem>> -> memref<128xi32, #tpu.memory_space<vmem>>
        %dma_wait3A_162 = arith.constant 0 : i32
        %dma_wait3A_163 = arith.constant 0 : i32
        %dma_wait3A_164 = tpu.memref_slice %arg14[%dma_wait3A_162, %dma_wait3A_163] : memref<17280x32xf32, #tpu.memory_space<vmem_shared>> -> memref<17280x32xf32, #tpu.memory_space<vmem_shared>>
        tpu.wait_indirect_dma semaphore(%arg19 : memref<!tpu.dma_semaphore, #tpu.memory_space<semaphore_mem>>) src(%arg9 : memref<128x32xf32, #tpu.memory_space<vmem>>) dst(%dma_wait3A_164 : memref<17280x32xf32, #tpu.memory_space<vmem_shared>>)
      } else {
      }
      %add3A_121 = arith.constant 2 : i32
      %add3A_122 = arith.addi %add3A_101, %add3A_121 : i32
      %lt3A_123 = arith.constant 136 : i32
      %lt3A_124 = arith.cmpi slt, %add3A_122, %lt3A_123 : i32
      %convert_element_type3A_125 = arith.extui %lt3A_124 : i1 to i32
      %cond3A_126 = arith.constant 0 : i32
      %cond3A_127 = arith.cmpi ne, %convert_element_type3A_125, %cond3A_126 : i32
      scf.if %cond3A_127 {
        %add3A_156 = arith.constant 2 : i32
        %add3A_157 = arith.addi %add3A_101, %add3A_156 : i32
        %dma_start3A_158 = arith.constant 0 : i32
        %dma_start3A_159 = tpu.memref_slice %arg7[%add3A_157, %dma_start3A_158] : memref<136x128xi32, #tpu.memory_space<vmem>> -> memref<1x128xi32, #tpu.memory_space<vmem>>
        %dma_start3A_160 = tpu.memref_squeeze %dma_start3A_159 : memref<1x128xi32, #tpu.memory_space<vmem>> -> memref<128xi32, #tpu.memory_space<vmem>>
        %dma_start3A_161 = arith.constant 0 : i32
        %dma_start3A_162 = arith.constant 0 : i32
        %dma_start3A_163 = tpu.memref_slice %arg4[%dma_start3A_161, %dma_start3A_162] : memref<17280x32xf32, #tpu.memory_space<hbm>> -> memref<17280x32xf32, #tpu.memory_space<hbm>>
        tpu.enqueue_indirect_dma source(%dma_start3A_163 : memref<17280x32xf32, #tpu.memory_space<hbm>>) target(%arg9 : memref<128x32xf32, #tpu.memory_space<vmem>>) offsets(%dma_start3A_160 : memref<128xi32, #tpu.memory_space<vmem>>) semaphore(%arg15 : memref<!tpu.dma_semaphore, #tpu.memory_space<semaphore_mem>>)
      } else {
      }
      %add3A_128 = arith.constant 3 : i32
      %add3A_129 = arith.addi %mul3A_47, %add3A_128 : i32
      %dma_wait3A_130 = arith.constant 0 : i32
      %dma_wait3A_131 = tpu.memref_slice %arg7[%add3A_129, %dma_wait3A_130] : memref<136x128xi32, #tpu.memory_space<vmem>> -> memref<1x128xi32, #tpu.memory_space<vmem>>
      %dma_wait3A_132 = tpu.memref_squeeze %dma_wait3A_131 : memref<1x128xi32, #tpu.memory_space<vmem>> -> memref<128xi32, #tpu.memory_space<vmem>>
      %dma_wait3A_133 = arith.constant 0 : i32
      %dma_wait3A_134 = arith.constant 0 : i32
      %dma_wait3A_135 = tpu.memref_slice %arg4[%dma_wait3A_133, %dma_wait3A_134] : memref<17280x32xf32, #tpu.memory_space<hbm>> -> memref<17280x32xf32, #tpu.memory_space<hbm>>
      tpu.wait_indirect_dma semaphore(%arg18 : memref<!tpu.dma_semaphore, #tpu.memory_space<semaphore_mem>>) src(%dma_wait3A_135 : memref<17280x32xf32, #tpu.memory_space<hbm>>) dst(%arg12 : memref<128x32xf32, #tpu.memory_space<vmem>>)
      %dma_start3A_136 = arith.constant 0 : i32
      %dma_start3A_137 = tpu.memref_slice %arg8[%add3A_129, %dma_start3A_136] : memref<136x128xi32, #tpu.memory_space<vmem>> -> memref<1x128xi32, #tpu.memory_space<vmem>>
      %dma_start3A_138 = tpu.memref_squeeze %dma_start3A_137 : memref<1x128xi32, #tpu.memory_space<vmem>> -> memref<128xi32, #tpu.memory_space<vmem>>
      %dma_start3A_139 = arith.constant 0 : i32
      %dma_start3A_140 = arith.constant 0 : i32
      %dma_start3A_141 = tpu.memref_slice %arg14[%dma_start3A_139, %dma_start3A_140] : memref<17280x32xf32, #tpu.memory_space<vmem_shared>> -> memref<17280x32xf32, #tpu.memory_space<vmem_shared>>
      tpu.enqueue_indirect_dma source(%arg12 : memref<128x32xf32, #tpu.memory_space<vmem>>) target(%dma_start3A_141 : memref<17280x32xf32, #tpu.memory_space<vmem_shared>>) offsets(%dma_start3A_138 : memref<128xi32, #tpu.memory_space<vmem>>) semaphore(%arg22 : memref<!tpu.dma_semaphore, #tpu.memory_space<semaphore_mem>>) {add = true}
      %add3A_142 = arith.constant 2 : i32
      %add3A_143 = arith.addi %add3A_129, %add3A_142 : i32
      %ge3A_144 = arith.constant 4 : i32
      %ge3A_145 = arith.cmpi sge, %add3A_143, %ge3A_144 : i32
      %convert_element_type3A_146 = arith.extui %ge3A_145 : i1 to i32
      %cond3A_147 = arith.constant 0 : i32
      %cond3A_148 = arith.cmpi ne, %convert_element_type3A_146, %cond3A_147 : i32
      scf.if %cond3A_148 {
        %add3A_156 = arith.constant 2 : i32
        %add3A_157 = arith.addi %add3A_129, %add3A_156 : i32
        %sub3A = arith.constant 4 : i32
        %sub3A_158 = arith.subi %add3A_157, %sub3A : i32
        %dma_wait3A_159 = arith.constant 0 : i32
        %dma_wait3A_160 = tpu.memref_slice %arg8[%sub3A_158, %dma_wait3A_159] : memref<136x128xi32, #tpu.memory_space<vmem>> -> memref<1x128xi32, #tpu.memory_space<vmem>>
        %dma_wait3A_161 = tpu.memref_squeeze %dma_wait3A_160 : memref<1x128xi32, #tpu.memory_space<vmem>> -> memref<128xi32, #tpu.memory_space<vmem>>
        %dma_wait3A_162 = arith.constant 0 : i32
        %dma_wait3A_163 = arith.constant 0 : i32
        %dma_wait3A_164 = tpu.memref_slice %arg14[%dma_wait3A_162, %dma_wait3A_163] : memref<17280x32xf32, #tpu.memory_space<vmem_shared>> -> memref<17280x32xf32, #tpu.memory_space<vmem_shared>>
        tpu.wait_indirect_dma semaphore(%arg20 : memref<!tpu.dma_semaphore, #tpu.memory_space<semaphore_mem>>) src(%arg10 : memref<128x32xf32, #tpu.memory_space<vmem>>) dst(%dma_wait3A_164 : memref<17280x32xf32, #tpu.memory_space<vmem_shared>>)
      } else {
      }
      %add3A_149 = arith.constant 2 : i32
      %add3A_150 = arith.addi %add3A_129, %add3A_149 : i32
      %lt3A_151 = arith.constant 136 : i32
      %lt3A_152 = arith.cmpi slt, %add3A_150, %lt3A_151 : i32
      %convert_element_type3A_153 = arith.extui %lt3A_152 : i1 to i32
      %cond3A_154 = arith.constant 0 : i32
      %cond3A_155 = arith.cmpi ne, %convert_element_type3A_153, %cond3A_154 : i32
      scf.if %cond3A_155 {
        %add3A_156 = arith.constant 2 : i32
        %add3A_157 = arith.addi %add3A_129, %add3A_156 : i32
        %dma_start3A_158 = arith.constant 0 : i32
        %dma_start3A_159 = tpu.memref_slice %arg7[%add3A_157, %dma_start3A_158] : memref<136x128xi32, #tpu.memory_space<vmem>> -> memref<1x128xi32, #tpu.memory_space<vmem>>
        %dma_start3A_160 = tpu.memref_squeeze %dma_start3A_159 : memref<1x128xi32, #tpu.memory_space<vmem>> -> memref<128xi32, #tpu.memory_space<vmem>>
        %dma_start3A_161 = arith.constant 0 : i32
        %dma_start3A_162 = arith.constant 0 : i32
        %dma_start3A_163 = tpu.memref_slice %arg4[%dma_start3A_161, %dma_start3A_162] : memref<17280x32xf32, #tpu.memory_space<hbm>> -> memref<17280x32xf32, #tpu.memory_space<hbm>>
        tpu.enqueue_indirect_dma source(%dma_start3A_163 : memref<17280x32xf32, #tpu.memory_space<hbm>>) target(%arg10 : memref<128x32xf32, #tpu.memory_space<vmem>>) offsets(%dma_start3A_160 : memref<128xi32, #tpu.memory_space<vmem>>) semaphore(%arg16 : memref<!tpu.dma_semaphore, #tpu.memory_space<semaphore_mem>>)
      } else {
      }
    }
    %scan3A_26 = arith.constant 34 : i32
    %dma_wait3A = arith.constant 134 : i32
    %dma_wait3A_27 = arith.constant 0 : i32
    %dma_wait3A_28 = tpu.memref_slice %arg8[%dma_wait3A, %dma_wait3A_27] : memref<136x128xi32, #tpu.memory_space<vmem>> -> memref<1x128xi32, #tpu.memory_space<vmem>>
    %dma_wait3A_29 = tpu.memref_squeeze %dma_wait3A_28 : memref<1x128xi32, #tpu.memory_space<vmem>> -> memref<128xi32, #tpu.memory_space<vmem>>
    %dma_wait3A_30 = arith.constant 0 : i32
    %dma_wait3A_31 = arith.constant 0 : i32
    %dma_wait3A_32 = tpu.memref_slice %arg14[%dma_wait3A_30, %dma_wait3A_31] : memref<17280x32xf32, #tpu.memory_space<vmem_shared>> -> memref<17280x32xf32, #tpu.memory_space<vmem_shared>>
    tpu.wait_indirect_dma semaphore(%arg21 : memref<!tpu.dma_semaphore, #tpu.memory_space<semaphore_mem>>) src(%arg11 : memref<128x32xf32, #tpu.memory_space<vmem>>) dst(%dma_wait3A_32 : memref<17280x32xf32, #tpu.memory_space<vmem_shared>>)
    %dma_wait3A_33 = arith.constant 135 : i32
    %dma_wait3A_34 = arith.constant 0 : i32
    %dma_wait3A_35 = tpu.memref_slice %arg8[%dma_wait3A_33, %dma_wait3A_34] : memref<136x128xi32, #tpu.memory_space<vmem>> -> memref<1x128xi32, #tpu.memory_space<vmem>>
    %dma_wait3A_36 = tpu.memref_squeeze %dma_wait3A_35 : memref<1x128xi32, #tpu.memory_space<vmem>> -> memref<128xi32, #tpu.memory_space<vmem>>
    %dma_wait3A_37 = arith.constant 0 : i32
    %dma_wait3A_38 = arith.constant 0 : i32
    %dma_wait3A_39 = tpu.memref_slice %arg14[%dma_wait3A_37, %dma_wait3A_38] : memref<17280x32xf32, #tpu.memory_space<vmem_shared>> -> memref<17280x32xf32, #tpu.memory_space<vmem_shared>>
    tpu.wait_indirect_dma semaphore(%arg22 : memref<!tpu.dma_semaphore, #tpu.memory_space<semaphore_mem>>) src(%arg12 : memref<128x32xf32, #tpu.memory_space<vmem>>) dst(%dma_wait3A_39 : memref<17280x32xf32, #tpu.memory_space<vmem_shared>>)
    %barrier3A_40 = arith.constant 0 : index
    tpu.barrier barrier_id(%barrier3A_40)
    %mul3A_41 = arith.constant 1080 : i32
    %mul3A_42 = arith.muli %arg1, %mul3A_41 : i32
    "tpu.region"() ({
      %run_scoped3A = tpu.sem_alloc : memref<!tpu.dma_semaphore, #tpu.memory_space<semaphore_mem>>
      %dma_start3A_45 = arith.constant 0 : i32
      %dma_start3A_46 = tpu.memref_slice %arg14[%mul3A_42, %dma_start3A_45] : memref<17280x32xf32, #tpu.memory_space<vmem_shared>> -> memref<1080x32xf32, #tpu.memory_space<vmem_shared>>
      %dma_start3A_47 = arith.constant 0 : i32
      %dma_start3A_48 = tpu.memref_slice %arg14[%mul3A_42, %dma_start3A_47] : memref<17280x32xf32, #tpu.memory_space<vmem_shared>> -> memref<1080x32xf32, #tpu.memory_space<vmem_shared>>
      tpu.enqueue_dma source(%dma_start3A_48 : memref<1080x32xf32, #tpu.memory_space<vmem_shared>>) target(%arg13 : memref<1080x32xf32, #tpu.memory_space<vmem>>) target_semaphore(%run_scoped3A : memref<!tpu.dma_semaphore, #tpu.memory_space<semaphore_mem>>)
      %dma_wait3A_49 = arith.constant 0 : i32
      %dma_wait3A_50 = tpu.memref_slice %arg14[%mul3A_42, %dma_wait3A_49] : memref<17280x32xf32, #tpu.memory_space<vmem_shared>> -> memref<1080x32xf32, #tpu.memory_space<vmem_shared>>
      %dma_wait3A_51 = arith.constant 0 : i32
      %dma_wait3A_52 = tpu.memref_slice %arg14[%mul3A_42, %dma_wait3A_51] : memref<17280x32xf32, #tpu.memory_space<vmem_shared>> -> memref<1080x32xf32, #tpu.memory_space<vmem_shared>>
      tpu.wait_dma2 semaphore(%run_scoped3A : memref<!tpu.dma_semaphore, #tpu.memory_space<semaphore_mem>>) src(%dma_wait3A_52 : memref<1080x32xf32, #tpu.memory_space<vmem_shared>>) dst(%arg13 : memref<1080x32xf32, #tpu.memory_space<vmem>>)
      tpu.yield
    }) : () -> ()
    %mul3A_43 = arith.constant 1080 : i32
    %mul3A_44 = arith.muli %arg1, %mul3A_43 : i32
    "tpu.region"() ({
      %run_scoped3A = tpu.sem_alloc : memref<!tpu.dma_semaphore, #tpu.memory_space<semaphore_mem>>
      %dma_start3A_45 = arith.constant 0 : i32
      %dma_start3A_46 = tpu.memref_slice %arg6[%arg0, %mul3A_44, %dma_start3A_45] : memref<2x17280x32xf32, #tpu.memory_space<hbm>> -> memref<1x1080x32xf32, #tpu.memory_space<hbm>>
      %dma_start3A_47 = tpu.memref_squeeze %dma_start3A_46 : memref<1x1080x32xf32, #tpu.memory_space<hbm>> -> memref<1080x32xf32, #tpu.memory_space<hbm>>
      %dma_start3A_48 = arith.constant 0 : i32
      %dma_start3A_49 = tpu.memref_slice %arg6[%arg0, %mul3A_44, %dma_start3A_48] : memref<2x17280x32xf32, #tpu.memory_space<hbm>> -> memref<1x1080x32xf32, #tpu.memory_space<hbm>>
      %dma_start3A_50 = tpu.memref_squeeze %dma_start3A_49 : memref<1x1080x32xf32, #tpu.memory_space<hbm>> -> memref<1080x32xf32, #tpu.memory_space<hbm>>
      tpu.enqueue_dma source(%arg13 : memref<1080x32xf32, #tpu.memory_space<vmem>>) target(%dma_start3A_50 : memref<1080x32xf32, #tpu.memory_space<hbm>>) target_semaphore(%run_scoped3A : memref<!tpu.dma_semaphore, #tpu.memory_space<semaphore_mem>>)
      %dma_wait3A_51 = arith.constant 0 : i32
      %dma_wait3A_52 = tpu.memref_slice %arg6[%arg0, %mul3A_44, %dma_wait3A_51] : memref<2x17280x32xf32, #tpu.memory_space<hbm>> -> memref<1x1080x32xf32, #tpu.memory_space<hbm>>
      %dma_wait3A_53 = tpu.memref_squeeze %dma_wait3A_52 : memref<1x1080x32xf32, #tpu.memory_space<hbm>> -> memref<1080x32xf32, #tpu.memory_space<hbm>>
      %dma_wait3A_54 = arith.constant 0 : i32
      %dma_wait3A_55 = tpu.memref_slice %arg6[%arg0, %mul3A_44, %dma_wait3A_54] : memref<2x17280x32xf32, #tpu.memory_space<hbm>> -> memref<1x1080x32xf32, #tpu.memory_space<hbm>>
      %dma_wait3A_56 = tpu.memref_squeeze %dma_wait3A_55 : memref<1x1080x32xf32, #tpu.memory_space<hbm>> -> memref<1080x32xf32, #tpu.memory_space<hbm>>
      tpu.wait_dma2 semaphore(%run_scoped3A : memref<!tpu.dma_semaphore, #tpu.memory_space<semaphore_mem>>) src(%arg13 : memref<1080x32xf32, #tpu.memory_space<vmem>>) dst(%dma_wait3A_56 : memref<1080x32xf32, #tpu.memory_space<hbm>>)
      tpu.yield
    }) : () -> ()
    return
  }
}

#map = affine_map<(d0, d1) -> (0, 0)>
#map1 = affine_map<(d0, d1) -> (0)>
module attributes {stable_mosaic.version = 14 : i64} {
  func.func @body(%arg0: i32, %arg1: i32, %arg2: memref<4352x128xi32, #tpu.memory_space<hbm>>, %arg3: memref<4352x128xi32, #tpu.memory_space<hbm>>, %arg4: memref<17280xf32, #tpu.memory_space<hbm>>, %arg5: memref<17280xf32, #tpu.memory_space<hbm>>, %arg6: memref<34560xf32, #tpu.memory_space<hbm>>, %arg7: memref<136x128xi32, #tpu.memory_space<vmem>>, %arg8: memref<136x128xi32, #tpu.memory_space<vmem>>, %arg9: memref<128xf32, #tpu.memory_space<vmem>>, %arg10: memref<128xf32, #tpu.memory_space<vmem>>, %arg11: memref<128xf32, #tpu.memory_space<vmem>>, %arg12: memref<128xf32, #tpu.memory_space<vmem>>, %arg13: memref<1080xf32, #tpu.memory_space<vmem>>, %arg14: memref<17280xf32, #tpu.memory_space<vmem_shared>>, %arg15: memref<!tpu.dma_semaphore, #tpu.memory_space<semaphore_mem>>, %arg16: memref<!tpu.dma_semaphore, #tpu.memory_space<semaphore_mem>>, %arg17: memref<!tpu.dma_semaphore, #tpu.memory_space<semaphore_mem>>, %arg18: memref<!tpu.dma_semaphore, #tpu.memory_space<semaphore_mem>>, %arg19: memref<!tpu.dma_semaphore, #tpu.memory_space<semaphore_mem>>, %arg20: memref<!tpu.dma_semaphore, #tpu.memory_space<semaphore_mem>>, %arg21: memref<!tpu.dma_semaphore, #tpu.memory_space<semaphore_mem>>, %arg22: memref<!tpu.dma_semaphore, #tpu.memory_space<semaphore_mem>>) attributes {dimension_semantics = [#tpu.dimension_semantics<core_parallel>, #tpu.dimension_semantics<subcore_parallel>], iteration_bounds = array<i64: 2, 16>, scalar_prefetch = 0 : i64, scratch_operands = 16 : i64, tpu.core_type = #tpu.core_type<sc_vector_subcore>, window_params = [{transform_indices = #map}, {transform_indices = #map}, {transform_indices = #map1}, {transform_indices = #map1}, {transform_indices = #map1}]} {
    %mul3A = arith.constant 16 : i32
    %mul3A_0 = arith.muli %arg0, %mul3A : i32
    %add3A = arith.addi %mul3A_0, %arg1 : i32
    %mul3A_1 = arith.constant 1080 : i32
    %mul3A_2 = arith.muli %arg1, %mul3A_1 : i32
    "tpu.region"() ({
      %run_scoped3A = tpu.sem_alloc : memref<!tpu.dma_semaphore, #tpu.memory_space<semaphore_mem>>
      %dma_start3A_44 = tpu.memref_slice %arg5[%mul3A_2] : memref<17280xf32, #tpu.memory_space<hbm>> -> memref<1080xf32, #tpu.memory_space<hbm>>
      %dma_start3A_45 = tpu.memref_slice %arg5[%mul3A_2] : memref<17280xf32, #tpu.memory_space<hbm>> -> memref<1080xf32, #tpu.memory_space<hbm>>
      tpu.enqueue_dma source(%dma_start3A_45 : memref<1080xf32, #tpu.memory_space<hbm>>) target(%arg13 : memref<1080xf32, #tpu.memory_space<vmem>>) target_semaphore(%run_scoped3A : memref<!tpu.dma_semaphore, #tpu.memory_space<semaphore_mem>>)
      %dma_wait3A_46 = tpu.memref_slice %arg5[%mul3A_2] : memref<17280xf32, #tpu.memory_space<hbm>> -> memref<1080xf32, #tpu.memory_space<hbm>>
      %dma_wait3A_47 = tpu.memref_slice %arg5[%mul3A_2] : memref<17280xf32, #tpu.memory_space<hbm>> -> memref<1080xf32, #tpu.memory_space<hbm>>
      tpu.wait_dma2 semaphore(%run_scoped3A : memref<!tpu.dma_semaphore, #tpu.memory_space<semaphore_mem>>) src(%dma_wait3A_47 : memref<1080xf32, #tpu.memory_space<hbm>>) dst(%arg13 : memref<1080xf32, #tpu.memory_space<vmem>>)
      tpu.yield
    }) : () -> ()
    %mul3A_3 = arith.constant 1080 : i32
    %mul3A_4 = arith.muli %arg1, %mul3A_3 : i32
    "tpu.region"() ({
      %run_scoped3A = tpu.sem_alloc : memref<!tpu.dma_semaphore, #tpu.memory_space<semaphore_mem>>
      %dma_start3A_44 = tpu.memref_slice %arg14[%mul3A_4] : memref<17280xf32, #tpu.memory_space<vmem_shared>> -> memref<1080xf32, #tpu.memory_space<vmem_shared>>
      %dma_start3A_45 = tpu.memref_slice %arg14[%mul3A_4] : memref<17280xf32, #tpu.memory_space<vmem_shared>> -> memref<1080xf32, #tpu.memory_space<vmem_shared>>
      tpu.enqueue_dma source(%arg13 : memref<1080xf32, #tpu.memory_space<vmem>>) target(%dma_start3A_45 : memref<1080xf32, #tpu.memory_space<vmem_shared>>) target_semaphore(%run_scoped3A : memref<!tpu.dma_semaphore, #tpu.memory_space<semaphore_mem>>)
      %dma_wait3A_46 = tpu.memref_slice %arg14[%mul3A_4] : memref<17280xf32, #tpu.memory_space<vmem_shared>> -> memref<1080xf32, #tpu.memory_space<vmem_shared>>
      %dma_wait3A_47 = tpu.memref_slice %arg14[%mul3A_4] : memref<17280xf32, #tpu.memory_space<vmem_shared>> -> memref<1080xf32, #tpu.memory_space<vmem_shared>>
      tpu.wait_dma2 semaphore(%run_scoped3A : memref<!tpu.dma_semaphore, #tpu.memory_space<semaphore_mem>>) src(%arg13 : memref<1080xf32, #tpu.memory_space<vmem>>) dst(%dma_wait3A_47 : memref<1080xf32, #tpu.memory_space<vmem_shared>>)
      tpu.yield
    }) : () -> ()
    %mul3A_5 = arith.constant 136 : i32
    %mul3A_6 = arith.muli %add3A, %mul3A_5 : i32
    "tpu.region"() ({
      %run_scoped3A = tpu.sem_alloc : memref<!tpu.dma_semaphore, #tpu.memory_space<semaphore_mem>>
      %dma_start3A_44 = arith.constant 0 : i32
      %dma_start3A_45 = tpu.memref_slice %arg2[%mul3A_6, %dma_start3A_44] : memref<4352x128xi32, #tpu.memory_space<hbm>> -> memref<136x128xi32, #tpu.memory_space<hbm>>
      %dma_start3A_46 = arith.constant 0 : i32
      %dma_start3A_47 = tpu.memref_slice %arg2[%mul3A_6, %dma_start3A_46] : memref<4352x128xi32, #tpu.memory_space<hbm>> -> memref<136x128xi32, #tpu.memory_space<hbm>>
      tpu.enqueue_dma source(%dma_start3A_47 : memref<136x128xi32, #tpu.memory_space<hbm>>) target(%arg7 : memref<136x128xi32, #tpu.memory_space<vmem>>) target_semaphore(%run_scoped3A : memref<!tpu.dma_semaphore, #tpu.memory_space<semaphore_mem>>)
      %dma_wait3A_48 = arith.constant 0 : i32
      %dma_wait3A_49 = tpu.memref_slice %arg2[%mul3A_6, %dma_wait3A_48] : memref<4352x128xi32, #tpu.memory_space<hbm>> -> memref<136x128xi32, #tpu.memory_space<hbm>>
      %dma_wait3A_50 = arith.constant 0 : i32
      %dma_wait3A_51 = tpu.memref_slice %arg2[%mul3A_6, %dma_wait3A_50] : memref<4352x128xi32, #tpu.memory_space<hbm>> -> memref<136x128xi32, #tpu.memory_space<hbm>>
      tpu.wait_dma2 semaphore(%run_scoped3A : memref<!tpu.dma_semaphore, #tpu.memory_space<semaphore_mem>>) src(%dma_wait3A_51 : memref<136x128xi32, #tpu.memory_space<hbm>>) dst(%arg7 : memref<136x128xi32, #tpu.memory_space<vmem>>)
      tpu.yield
    }) : () -> ()
    %mul3A_7 = arith.constant 136 : i32
    %mul3A_8 = arith.muli %add3A, %mul3A_7 : i32
    "tpu.region"() ({
      %run_scoped3A = tpu.sem_alloc : memref<!tpu.dma_semaphore, #tpu.memory_space<semaphore_mem>>
      %dma_start3A_44 = arith.constant 0 : i32
      %dma_start3A_45 = tpu.memref_slice %arg3[%mul3A_8, %dma_start3A_44] : memref<4352x128xi32, #tpu.memory_space<hbm>> -> memref<136x128xi32, #tpu.memory_space<hbm>>
      %dma_start3A_46 = arith.constant 0 : i32
      %dma_start3A_47 = tpu.memref_slice %arg3[%mul3A_8, %dma_start3A_46] : memref<4352x128xi32, #tpu.memory_space<hbm>> -> memref<136x128xi32, #tpu.memory_space<hbm>>
      tpu.enqueue_dma source(%dma_start3A_47 : memref<136x128xi32, #tpu.memory_space<hbm>>) target(%arg8 : memref<136x128xi32, #tpu.memory_space<vmem>>) target_semaphore(%run_scoped3A : memref<!tpu.dma_semaphore, #tpu.memory_space<semaphore_mem>>)
      %dma_wait3A_48 = arith.constant 0 : i32
      %dma_wait3A_49 = tpu.memref_slice %arg3[%mul3A_8, %dma_wait3A_48] : memref<4352x128xi32, #tpu.memory_space<hbm>> -> memref<136x128xi32, #tpu.memory_space<hbm>>
      %dma_wait3A_50 = arith.constant 0 : i32
      %dma_wait3A_51 = tpu.memref_slice %arg3[%mul3A_8, %dma_wait3A_50] : memref<4352x128xi32, #tpu.memory_space<hbm>> -> memref<136x128xi32, #tpu.memory_space<hbm>>
      tpu.wait_dma2 semaphore(%run_scoped3A : memref<!tpu.dma_semaphore, #tpu.memory_space<semaphore_mem>>) src(%dma_wait3A_51 : memref<136x128xi32, #tpu.memory_space<hbm>>) dst(%arg8 : memref<136x128xi32, #tpu.memory_space<vmem>>)
      tpu.yield
    }) : () -> ()
    %barrier3A = arith.constant 0 : index
    tpu.barrier barrier_id(%barrier3A)
    %dma_start3A = arith.constant 0 : i32
    %dma_start3A_9 = arith.constant 0 : i32
    %dma_start3A_10 = tpu.memref_slice %arg7[%dma_start3A, %dma_start3A_9] : memref<136x128xi32, #tpu.memory_space<vmem>> -> memref<1x128xi32, #tpu.memory_space<vmem>>
    %dma_start3A_11 = tpu.memref_squeeze %dma_start3A_10 : memref<1x128xi32, #tpu.memory_space<vmem>> -> memref<128xi32, #tpu.memory_space<vmem>>
    %dma_start3A_12 = arith.constant 0 : i32
    %dma_start3A_13 = tpu.memref_slice %arg4[%dma_start3A_12] : memref<17280xf32, #tpu.memory_space<hbm>> -> memref<17280xf32, #tpu.memory_space<hbm>>
    tpu.enqueue_indirect_dma source(%dma_start3A_13 : memref<17280xf32, #tpu.memory_space<hbm>>) target(%arg9 : memref<128xf32, #tpu.memory_space<vmem>>) offsets(%dma_start3A_11 : memref<128xi32, #tpu.memory_space<vmem>>) semaphore(%arg15 : memref<!tpu.dma_semaphore, #tpu.memory_space<semaphore_mem>>)
    %dma_start3A_14 = arith.constant 1 : i32
    %dma_start3A_15 = arith.constant 0 : i32
    %dma_start3A_16 = tpu.memref_slice %arg7[%dma_start3A_14, %dma_start3A_15] : memref<136x128xi32, #tpu.memory_space<vmem>> -> memref<1x128xi32, #tpu.memory_space<vmem>>
    %dma_start3A_17 = tpu.memref_squeeze %dma_start3A_16 : memref<1x128xi32, #tpu.memory_space<vmem>> -> memref<128xi32, #tpu.memory_space<vmem>>
    %dma_start3A_18 = arith.constant 0 : i32
    %dma_start3A_19 = tpu.memref_slice %arg4[%dma_start3A_18] : memref<17280xf32, #tpu.memory_space<hbm>> -> memref<17280xf32, #tpu.memory_space<hbm>>
    tpu.enqueue_indirect_dma source(%dma_start3A_19 : memref<17280xf32, #tpu.memory_space<hbm>>) target(%arg10 : memref<128xf32, #tpu.memory_space<vmem>>) offsets(%dma_start3A_17 : memref<128xi32, #tpu.memory_space<vmem>>) semaphore(%arg16 : memref<!tpu.dma_semaphore, #tpu.memory_space<semaphore_mem>>)
    %scan3A = arith.constant 0 : i32
    %scan3A_20 = arith.constant 0 : i32
    %scan3A_21 = arith.constant 34 : i32
    %scan3A_22 = arith.addi %scan3A_20, %scan3A_21 : i32
    %scan3A_23 = arith.constant 1 : i32
    scf.for %scan3A_44 = %scan3A_20 to %scan3A_22 step %scan3A_23  : i32 {
      %mul3A_45 = arith.constant 4 : i32
      %mul3A_46 = arith.muli %mul3A_45, %scan3A_44 : i32
      %add3A_47 = arith.constant 0 : i32
      %add3A_48 = arith.addi %mul3A_46, %add3A_47 : i32
      %dma_wait3A_49 = arith.constant 0 : i32
      %dma_wait3A_50 = tpu.memref_slice %arg7[%add3A_48, %dma_wait3A_49] : memref<136x128xi32, #tpu.memory_space<vmem>> -> memref<1x128xi32, #tpu.memory_space<vmem>>
      %dma_wait3A_51 = tpu.memref_squeeze %dma_wait3A_50 : memref<1x128xi32, #tpu.memory_space<vmem>> -> memref<128xi32, #tpu.memory_space<vmem>>
      %dma_wait3A_52 = arith.constant 0 : i32
      %dma_wait3A_53 = tpu.memref_slice %arg4[%dma_wait3A_52] : memref<17280xf32, #tpu.memory_space<hbm>> -> memref<17280xf32, #tpu.memory_space<hbm>>
      tpu.wait_indirect_dma semaphore(%arg15 : memref<!tpu.dma_semaphore, #tpu.memory_space<semaphore_mem>>) src(%dma_wait3A_53 : memref<17280xf32, #tpu.memory_space<hbm>>) dst(%arg9 : memref<128xf32, #tpu.memory_space<vmem>>)
      %dma_start3A_54 = arith.constant 0 : i32
      %dma_start3A_55 = tpu.memref_slice %arg8[%add3A_48, %dma_start3A_54] : memref<136x128xi32, #tpu.memory_space<vmem>> -> memref<1x128xi32, #tpu.memory_space<vmem>>
      %dma_start3A_56 = tpu.memref_squeeze %dma_start3A_55 : memref<1x128xi32, #tpu.memory_space<vmem>> -> memref<128xi32, #tpu.memory_space<vmem>>
      %dma_start3A_57 = arith.constant 0 : i32
      %dma_start3A_58 = tpu.memref_slice %arg14[%dma_start3A_57] : memref<17280xf32, #tpu.memory_space<vmem_shared>> -> memref<17280xf32, #tpu.memory_space<vmem_shared>>
      tpu.enqueue_indirect_dma source(%arg9 : memref<128xf32, #tpu.memory_space<vmem>>) target(%dma_start3A_58 : memref<17280xf32, #tpu.memory_space<vmem_shared>>) offsets(%dma_start3A_56 : memref<128xi32, #tpu.memory_space<vmem>>) semaphore(%arg19 : memref<!tpu.dma_semaphore, #tpu.memory_space<semaphore_mem>>) {add = true}
      %add3A_59 = arith.constant 2 : i32
      %add3A_60 = arith.addi %add3A_48, %add3A_59 : i32
      %ge3A = arith.constant 4 : i32
      %ge3A_61 = arith.cmpi sge, %add3A_60, %ge3A : i32
      %convert_element_type3A = arith.extui %ge3A_61 : i1 to i32
      %cond3A = arith.constant 0 : i32
      %cond3A_62 = arith.cmpi ne, %convert_element_type3A, %cond3A : i32
      scf.if %cond3A_62 {
        %add3A_147 = arith.constant 2 : i32
        %add3A_148 = arith.addi %add3A_48, %add3A_147 : i32
        %sub3A = arith.constant 4 : i32
        %sub3A_149 = arith.subi %add3A_148, %sub3A : i32
        %dma_wait3A_150 = arith.constant 0 : i32
        %dma_wait3A_151 = tpu.memref_slice %arg8[%sub3A_149, %dma_wait3A_150] : memref<136x128xi32, #tpu.memory_space<vmem>> -> memref<1x128xi32, #tpu.memory_space<vmem>>
        %dma_wait3A_152 = tpu.memref_squeeze %dma_wait3A_151 : memref<1x128xi32, #tpu.memory_space<vmem>> -> memref<128xi32, #tpu.memory_space<vmem>>
        %dma_wait3A_153 = arith.constant 0 : i32
        %dma_wait3A_154 = tpu.memref_slice %arg14[%dma_wait3A_153] : memref<17280xf32, #tpu.memory_space<vmem_shared>> -> memref<17280xf32, #tpu.memory_space<vmem_shared>>
        tpu.wait_indirect_dma semaphore(%arg21 : memref<!tpu.dma_semaphore, #tpu.memory_space<semaphore_mem>>) src(%arg11 : memref<128xf32, #tpu.memory_space<vmem>>) dst(%dma_wait3A_154 : memref<17280xf32, #tpu.memory_space<vmem_shared>>)
      } else {
      }
      %add3A_63 = arith.constant 2 : i32
      %add3A_64 = arith.addi %add3A_48, %add3A_63 : i32
      %lt3A = arith.constant 136 : i32
      %lt3A_65 = arith.cmpi slt, %add3A_64, %lt3A : i32
      %convert_element_type3A_66 = arith.extui %lt3A_65 : i1 to i32
      %cond3A_67 = arith.constant 0 : i32
      %cond3A_68 = arith.cmpi ne, %convert_element_type3A_66, %cond3A_67 : i32
      scf.if %cond3A_68 {
        %add3A_147 = arith.constant 2 : i32
        %add3A_148 = arith.addi %add3A_48, %add3A_147 : i32
        %dma_start3A_149 = arith.constant 0 : i32
        %dma_start3A_150 = tpu.memref_slice %arg7[%add3A_148, %dma_start3A_149] : memref<136x128xi32, #tpu.memory_space<vmem>> -> memref<1x128xi32, #tpu.memory_space<vmem>>
        %dma_start3A_151 = tpu.memref_squeeze %dma_start3A_150 : memref<1x128xi32, #tpu.memory_space<vmem>> -> memref<128xi32, #tpu.memory_space<vmem>>
        %dma_start3A_152 = arith.constant 0 : i32
        %dma_start3A_153 = tpu.memref_slice %arg4[%dma_start3A_152] : memref<17280xf32, #tpu.memory_space<hbm>> -> memref<17280xf32, #tpu.memory_space<hbm>>
        tpu.enqueue_indirect_dma source(%dma_start3A_153 : memref<17280xf32, #tpu.memory_space<hbm>>) target(%arg11 : memref<128xf32, #tpu.memory_space<vmem>>) offsets(%dma_start3A_151 : memref<128xi32, #tpu.memory_space<vmem>>) semaphore(%arg17 : memref<!tpu.dma_semaphore, #tpu.memory_space<semaphore_mem>>)
      } else {
      }
      %add3A_69 = arith.constant 1 : i32
      %add3A_70 = arith.addi %mul3A_46, %add3A_69 : i32
      %dma_wait3A_71 = arith.constant 0 : i32
      %dma_wait3A_72 = tpu.memref_slice %arg7[%add3A_70, %dma_wait3A_71] : memref<136x128xi32, #tpu.memory_space<vmem>> -> memref<1x128xi32, #tpu.memory_space<vmem>>
      %dma_wait3A_73 = tpu.memref_squeeze %dma_wait3A_72 : memref<1x128xi32, #tpu.memory_space<vmem>> -> memref<128xi32, #tpu.memory_space<vmem>>
      %dma_wait3A_74 = arith.constant 0 : i32
      %dma_wait3A_75 = tpu.memref_slice %arg4[%dma_wait3A_74] : memref<17280xf32, #tpu.memory_space<hbm>> -> memref<17280xf32, #tpu.memory_space<hbm>>
      tpu.wait_indirect_dma semaphore(%arg16 : memref<!tpu.dma_semaphore, #tpu.memory_space<semaphore_mem>>) src(%dma_wait3A_75 : memref<17280xf32, #tpu.memory_space<hbm>>) dst(%arg10 : memref<128xf32, #tpu.memory_space<vmem>>)
      %dma_start3A_76 = arith.constant 0 : i32
      %dma_start3A_77 = tpu.memref_slice %arg8[%add3A_70, %dma_start3A_76] : memref<136x128xi32, #tpu.memory_space<vmem>> -> memref<1x128xi32, #tpu.memory_space<vmem>>
      %dma_start3A_78 = tpu.memref_squeeze %dma_start3A_77 : memref<1x128xi32, #tpu.memory_space<vmem>> -> memref<128xi32, #tpu.memory_space<vmem>>
      %dma_start3A_79 = arith.constant 0 : i32
      %dma_start3A_80 = tpu.memref_slice %arg14[%dma_start3A_79] : memref<17280xf32, #tpu.memory_space<vmem_shared>> -> memref<17280xf32, #tpu.memory_space<vmem_shared>>
      tpu.enqueue_indirect_dma source(%arg10 : memref<128xf32, #tpu.memory_space<vmem>>) target(%dma_start3A_80 : memref<17280xf32, #tpu.memory_space<vmem_shared>>) offsets(%dma_start3A_78 : memref<128xi32, #tpu.memory_space<vmem>>) semaphore(%arg20 : memref<!tpu.dma_semaphore, #tpu.memory_space<semaphore_mem>>) {add = true}
      %add3A_81 = arith.constant 2 : i32
      %add3A_82 = arith.addi %add3A_70, %add3A_81 : i32
      %ge3A_83 = arith.constant 4 : i32
      %ge3A_84 = arith.cmpi sge, %add3A_82, %ge3A_83 : i32
      %convert_element_type3A_85 = arith.extui %ge3A_84 : i1 to i32
      %cond3A_86 = arith.constant 0 : i32
      %cond3A_87 = arith.cmpi ne, %convert_element_type3A_85, %cond3A_86 : i32
      scf.if %cond3A_87 {
        %add3A_147 = arith.constant 2 : i32
        %add3A_148 = arith.addi %add3A_70, %add3A_147 : i32
        %sub3A = arith.constant 4 : i32
        %sub3A_149 = arith.subi %add3A_148, %sub3A : i32
        %dma_wait3A_150 = arith.constant 0 : i32
        %dma_wait3A_151 = tpu.memref_slice %arg8[%sub3A_149, %dma_wait3A_150] : memref<136x128xi32, #tpu.memory_space<vmem>> -> memref<1x128xi32, #tpu.memory_space<vmem>>
        %dma_wait3A_152 = tpu.memref_squeeze %dma_wait3A_151 : memref<1x128xi32, #tpu.memory_space<vmem>> -> memref<128xi32, #tpu.memory_space<vmem>>
        %dma_wait3A_153 = arith.constant 0 : i32
        %dma_wait3A_154 = tpu.memref_slice %arg14[%dma_wait3A_153] : memref<17280xf32, #tpu.memory_space<vmem_shared>> -> memref<17280xf32, #tpu.memory_space<vmem_shared>>
        tpu.wait_indirect_dma semaphore(%arg22 : memref<!tpu.dma_semaphore, #tpu.memory_space<semaphore_mem>>) src(%arg12 : memref<128xf32, #tpu.memory_space<vmem>>) dst(%dma_wait3A_154 : memref<17280xf32, #tpu.memory_space<vmem_shared>>)
      } else {
      }
      %add3A_88 = arith.constant 2 : i32
      %add3A_89 = arith.addi %add3A_70, %add3A_88 : i32
      %lt3A_90 = arith.constant 136 : i32
      %lt3A_91 = arith.cmpi slt, %add3A_89, %lt3A_90 : i32
      %convert_element_type3A_92 = arith.extui %lt3A_91 : i1 to i32
      %cond3A_93 = arith.constant 0 : i32
      %cond3A_94 = arith.cmpi ne, %convert_element_type3A_92, %cond3A_93 : i32
      scf.if %cond3A_94 {
        %add3A_147 = arith.constant 2 : i32
        %add3A_148 = arith.addi %add3A_70, %add3A_147 : i32
        %dma_start3A_149 = arith.constant 0 : i32
        %dma_start3A_150 = tpu.memref_slice %arg7[%add3A_148, %dma_start3A_149] : memref<136x128xi32, #tpu.memory_space<vmem>> -> memref<1x128xi32, #tpu.memory_space<vmem>>
        %dma_start3A_151 = tpu.memref_squeeze %dma_start3A_150 : memref<1x128xi32, #tpu.memory_space<vmem>> -> memref<128xi32, #tpu.memory_space<vmem>>
        %dma_start3A_152 = arith.constant 0 : i32
        %dma_start3A_153 = tpu.memref_slice %arg4[%dma_start3A_152] : memref<17280xf32, #tpu.memory_space<hbm>> -> memref<17280xf32, #tpu.memory_space<hbm>>
        tpu.enqueue_indirect_dma source(%dma_start3A_153 : memref<17280xf32, #tpu.memory_space<hbm>>) target(%arg12 : memref<128xf32, #tpu.memory_space<vmem>>) offsets(%dma_start3A_151 : memref<128xi32, #tpu.memory_space<vmem>>) semaphore(%arg18 : memref<!tpu.dma_semaphore, #tpu.memory_space<semaphore_mem>>)
      } else {
      }
      %add3A_95 = arith.constant 2 : i32
      %add3A_96 = arith.addi %mul3A_46, %add3A_95 : i32
      %dma_wait3A_97 = arith.constant 0 : i32
      %dma_wait3A_98 = tpu.memref_slice %arg7[%add3A_96, %dma_wait3A_97] : memref<136x128xi32, #tpu.memory_space<vmem>> -> memref<1x128xi32, #tpu.memory_space<vmem>>
      %dma_wait3A_99 = tpu.memref_squeeze %dma_wait3A_98 : memref<1x128xi32, #tpu.memory_space<vmem>> -> memref<128xi32, #tpu.memory_space<vmem>>
      %dma_wait3A_100 = arith.constant 0 : i32
      %dma_wait3A_101 = tpu.memref_slice %arg4[%dma_wait3A_100] : memref<17280xf32, #tpu.memory_space<hbm>> -> memref<17280xf32, #tpu.memory_space<hbm>>
      tpu.wait_indirect_dma semaphore(%arg17 : memref<!tpu.dma_semaphore, #tpu.memory_space<semaphore_mem>>) src(%dma_wait3A_101 : memref<17280xf32, #tpu.memory_space<hbm>>) dst(%arg11 : memref<128xf32, #tpu.memory_space<vmem>>)
      %dma_start3A_102 = arith.constant 0 : i32
      %dma_start3A_103 = tpu.memref_slice %arg8[%add3A_96, %dma_start3A_102] : memref<136x128xi32, #tpu.memory_space<vmem>> -> memref<1x128xi32, #tpu.memory_space<vmem>>
      %dma_start3A_104 = tpu.memref_squeeze %dma_start3A_103 : memref<1x128xi32, #tpu.memory_space<vmem>> -> memref<128xi32, #tpu.memory_space<vmem>>
      %dma_start3A_105 = arith.constant 0 : i32
      %dma_start3A_106 = tpu.memref_slice %arg14[%dma_start3A_105] : memref<17280xf32, #tpu.memory_space<vmem_shared>> -> memref<17280xf32, #tpu.memory_space<vmem_shared>>
      tpu.enqueue_indirect_dma source(%arg11 : memref<128xf32, #tpu.memory_space<vmem>>) target(%dma_start3A_106 : memref<17280xf32, #tpu.memory_space<vmem_shared>>) offsets(%dma_start3A_104 : memref<128xi32, #tpu.memory_space<vmem>>) semaphore(%arg21 : memref<!tpu.dma_semaphore, #tpu.memory_space<semaphore_mem>>) {add = true}
      %add3A_107 = arith.constant 2 : i32
      %add3A_108 = arith.addi %add3A_96, %add3A_107 : i32
      %ge3A_109 = arith.constant 4 : i32
      %ge3A_110 = arith.cmpi sge, %add3A_108, %ge3A_109 : i32
      %convert_element_type3A_111 = arith.extui %ge3A_110 : i1 to i32
      %cond3A_112 = arith.constant 0 : i32
      %cond3A_113 = arith.cmpi ne, %convert_element_type3A_111, %cond3A_112 : i32
      scf.if %cond3A_113 {
        %add3A_147 = arith.constant 2 : i32
        %add3A_148 = arith.addi %add3A_96, %add3A_147 : i32
        %sub3A = arith.constant 4 : i32
        %sub3A_149 = arith.subi %add3A_148, %sub3A : i32
        %dma_wait3A_150 = arith.constant 0 : i32
        %dma_wait3A_151 = tpu.memref_slice %arg8[%sub3A_149, %dma_wait3A_150] : memref<136x128xi32, #tpu.memory_space<vmem>> -> memref<1x128xi32, #tpu.memory_space<vmem>>
        %dma_wait3A_152 = tpu.memref_squeeze %dma_wait3A_151 : memref<1x128xi32, #tpu.memory_space<vmem>> -> memref<128xi32, #tpu.memory_space<vmem>>
        %dma_wait3A_153 = arith.constant 0 : i32
        %dma_wait3A_154 = tpu.memref_slice %arg14[%dma_wait3A_153] : memref<17280xf32, #tpu.memory_space<vmem_shared>> -> memref<17280xf32, #tpu.memory_space<vmem_shared>>
        tpu.wait_indirect_dma semaphore(%arg19 : memref<!tpu.dma_semaphore, #tpu.memory_space<semaphore_mem>>) src(%arg9 : memref<128xf32, #tpu.memory_space<vmem>>) dst(%dma_wait3A_154 : memref<17280xf32, #tpu.memory_space<vmem_shared>>)
      } else {
      }
      %add3A_114 = arith.constant 2 : i32
      %add3A_115 = arith.addi %add3A_96, %add3A_114 : i32
      %lt3A_116 = arith.constant 136 : i32
      %lt3A_117 = arith.cmpi slt, %add3A_115, %lt3A_116 : i32
      %convert_element_type3A_118 = arith.extui %lt3A_117 : i1 to i32
      %cond3A_119 = arith.constant 0 : i32
      %cond3A_120 = arith.cmpi ne, %convert_element_type3A_118, %cond3A_119 : i32
      scf.if %cond3A_120 {
        %add3A_147 = arith.constant 2 : i32
        %add3A_148 = arith.addi %add3A_96, %add3A_147 : i32
        %dma_start3A_149 = arith.constant 0 : i32
        %dma_start3A_150 = tpu.memref_slice %arg7[%add3A_148, %dma_start3A_149] : memref<136x128xi32, #tpu.memory_space<vmem>> -> memref<1x128xi32, #tpu.memory_space<vmem>>
        %dma_start3A_151 = tpu.memref_squeeze %dma_start3A_150 : memref<1x128xi32, #tpu.memory_space<vmem>> -> memref<128xi32, #tpu.memory_space<vmem>>
        %dma_start3A_152 = arith.constant 0 : i32
        %dma_start3A_153 = tpu.memref_slice %arg4[%dma_start3A_152] : memref<17280xf32, #tpu.memory_space<hbm>> -> memref<17280xf32, #tpu.memory_space<hbm>>
        tpu.enqueue_indirect_dma source(%dma_start3A_153 : memref<17280xf32, #tpu.memory_space<hbm>>) target(%arg9 : memref<128xf32, #tpu.memory_space<vmem>>) offsets(%dma_start3A_151 : memref<128xi32, #tpu.memory_space<vmem>>) semaphore(%arg15 : memref<!tpu.dma_semaphore, #tpu.memory_space<semaphore_mem>>)
      } else {
      }
      %add3A_121 = arith.constant 3 : i32
      %add3A_122 = arith.addi %mul3A_46, %add3A_121 : i32
      %dma_wait3A_123 = arith.constant 0 : i32
      %dma_wait3A_124 = tpu.memref_slice %arg7[%add3A_122, %dma_wait3A_123] : memref<136x128xi32, #tpu.memory_space<vmem>> -> memref<1x128xi32, #tpu.memory_space<vmem>>
      %dma_wait3A_125 = tpu.memref_squeeze %dma_wait3A_124 : memref<1x128xi32, #tpu.memory_space<vmem>> -> memref<128xi32, #tpu.memory_space<vmem>>
      %dma_wait3A_126 = arith.constant 0 : i32
      %dma_wait3A_127 = tpu.memref_slice %arg4[%dma_wait3A_126] : memref<17280xf32, #tpu.memory_space<hbm>> -> memref<17280xf32, #tpu.memory_space<hbm>>
      tpu.wait_indirect_dma semaphore(%arg18 : memref<!tpu.dma_semaphore, #tpu.memory_space<semaphore_mem>>) src(%dma_wait3A_127 : memref<17280xf32, #tpu.memory_space<hbm>>) dst(%arg12 : memref<128xf32, #tpu.memory_space<vmem>>)
      %dma_start3A_128 = arith.constant 0 : i32
      %dma_start3A_129 = tpu.memref_slice %arg8[%add3A_122, %dma_start3A_128] : memref<136x128xi32, #tpu.memory_space<vmem>> -> memref<1x128xi32, #tpu.memory_space<vmem>>
      %dma_start3A_130 = tpu.memref_squeeze %dma_start3A_129 : memref<1x128xi32, #tpu.memory_space<vmem>> -> memref<128xi32, #tpu.memory_space<vmem>>
      %dma_start3A_131 = arith.constant 0 : i32
      %dma_start3A_132 = tpu.memref_slice %arg14[%dma_start3A_131] : memref<17280xf32, #tpu.memory_space<vmem_shared>> -> memref<17280xf32, #tpu.memory_space<vmem_shared>>
      tpu.enqueue_indirect_dma source(%arg12 : memref<128xf32, #tpu.memory_space<vmem>>) target(%dma_start3A_132 : memref<17280xf32, #tpu.memory_space<vmem_shared>>) offsets(%dma_start3A_130 : memref<128xi32, #tpu.memory_space<vmem>>) semaphore(%arg22 : memref<!tpu.dma_semaphore, #tpu.memory_space<semaphore_mem>>) {add = true}
      %add3A_133 = arith.constant 2 : i32
      %add3A_134 = arith.addi %add3A_122, %add3A_133 : i32
      %ge3A_135 = arith.constant 4 : i32
      %ge3A_136 = arith.cmpi sge, %add3A_134, %ge3A_135 : i32
      %convert_element_type3A_137 = arith.extui %ge3A_136 : i1 to i32
      %cond3A_138 = arith.constant 0 : i32
      %cond3A_139 = arith.cmpi ne, %convert_element_type3A_137, %cond3A_138 : i32
      scf.if %cond3A_139 {
        %add3A_147 = arith.constant 2 : i32
        %add3A_148 = arith.addi %add3A_122, %add3A_147 : i32
        %sub3A = arith.constant 4 : i32
        %sub3A_149 = arith.subi %add3A_148, %sub3A : i32
        %dma_wait3A_150 = arith.constant 0 : i32
        %dma_wait3A_151 = tpu.memref_slice %arg8[%sub3A_149, %dma_wait3A_150] : memref<136x128xi32, #tpu.memory_space<vmem>> -> memref<1x128xi32, #tpu.memory_space<vmem>>
        %dma_wait3A_152 = tpu.memref_squeeze %dma_wait3A_151 : memref<1x128xi32, #tpu.memory_space<vmem>> -> memref<128xi32, #tpu.memory_space<vmem>>
        %dma_wait3A_153 = arith.constant 0 : i32
        %dma_wait3A_154 = tpu.memref_slice %arg14[%dma_wait3A_153] : memref<17280xf32, #tpu.memory_space<vmem_shared>> -> memref<17280xf32, #tpu.memory_space<vmem_shared>>
        tpu.wait_indirect_dma semaphore(%arg20 : memref<!tpu.dma_semaphore, #tpu.memory_space<semaphore_mem>>) src(%arg10 : memref<128xf32, #tpu.memory_space<vmem>>) dst(%dma_wait3A_154 : memref<17280xf32, #tpu.memory_space<vmem_shared>>)
      } else {
      }
      %add3A_140 = arith.constant 2 : i32
      %add3A_141 = arith.addi %add3A_122, %add3A_140 : i32
      %lt3A_142 = arith.constant 136 : i32
      %lt3A_143 = arith.cmpi slt, %add3A_141, %lt3A_142 : i32
      %convert_element_type3A_144 = arith.extui %lt3A_143 : i1 to i32
      %cond3A_145 = arith.constant 0 : i32
      %cond3A_146 = arith.cmpi ne, %convert_element_type3A_144, %cond3A_145 : i32
      scf.if %cond3A_146 {
        %add3A_147 = arith.constant 2 : i32
        %add3A_148 = arith.addi %add3A_122, %add3A_147 : i32
        %dma_start3A_149 = arith.constant 0 : i32
        %dma_start3A_150 = tpu.memref_slice %arg7[%add3A_148, %dma_start3A_149] : memref<136x128xi32, #tpu.memory_space<vmem>> -> memref<1x128xi32, #tpu.memory_space<vmem>>
        %dma_start3A_151 = tpu.memref_squeeze %dma_start3A_150 : memref<1x128xi32, #tpu.memory_space<vmem>> -> memref<128xi32, #tpu.memory_space<vmem>>
        %dma_start3A_152 = arith.constant 0 : i32
        %dma_start3A_153 = tpu.memref_slice %arg4[%dma_start3A_152] : memref<17280xf32, #tpu.memory_space<hbm>> -> memref<17280xf32, #tpu.memory_space<hbm>>
        tpu.enqueue_indirect_dma source(%dma_start3A_153 : memref<17280xf32, #tpu.memory_space<hbm>>) target(%arg10 : memref<128xf32, #tpu.memory_space<vmem>>) offsets(%dma_start3A_151 : memref<128xi32, #tpu.memory_space<vmem>>) semaphore(%arg16 : memref<!tpu.dma_semaphore, #tpu.memory_space<semaphore_mem>>)
      } else {
      }
    }
    %scan3A_24 = arith.constant 34 : i32
    %dma_wait3A = arith.constant 134 : i32
    %dma_wait3A_25 = arith.constant 0 : i32
    %dma_wait3A_26 = tpu.memref_slice %arg8[%dma_wait3A, %dma_wait3A_25] : memref<136x128xi32, #tpu.memory_space<vmem>> -> memref<1x128xi32, #tpu.memory_space<vmem>>
    %dma_wait3A_27 = tpu.memref_squeeze %dma_wait3A_26 : memref<1x128xi32, #tpu.memory_space<vmem>> -> memref<128xi32, #tpu.memory_space<vmem>>
    %dma_wait3A_28 = arith.constant 0 : i32
    %dma_wait3A_29 = tpu.memref_slice %arg14[%dma_wait3A_28] : memref<17280xf32, #tpu.memory_space<vmem_shared>> -> memref<17280xf32, #tpu.memory_space<vmem_shared>>
    tpu.wait_indirect_dma semaphore(%arg21 : memref<!tpu.dma_semaphore, #tpu.memory_space<semaphore_mem>>) src(%arg11 : memref<128xf32, #tpu.memory_space<vmem>>) dst(%dma_wait3A_29 : memref<17280xf32, #tpu.memory_space<vmem_shared>>)
    %dma_wait3A_30 = arith.constant 135 : i32
    %dma_wait3A_31 = arith.constant 0 : i32
    %dma_wait3A_32 = tpu.memref_slice %arg8[%dma_wait3A_30, %dma_wait3A_31] : memref<136x128xi32, #tpu.memory_space<vmem>> -> memref<1x128xi32, #tpu.memory_space<vmem>>
    %dma_wait3A_33 = tpu.memref_squeeze %dma_wait3A_32 : memref<1x128xi32, #tpu.memory_space<vmem>> -> memref<128xi32, #tpu.memory_space<vmem>>
    %dma_wait3A_34 = arith.constant 0 : i32
    %dma_wait3A_35 = tpu.memref_slice %arg14[%dma_wait3A_34] : memref<17280xf32, #tpu.memory_space<vmem_shared>> -> memref<17280xf32, #tpu.memory_space<vmem_shared>>
    tpu.wait_indirect_dma semaphore(%arg22 : memref<!tpu.dma_semaphore, #tpu.memory_space<semaphore_mem>>) src(%arg12 : memref<128xf32, #tpu.memory_space<vmem>>) dst(%dma_wait3A_35 : memref<17280xf32, #tpu.memory_space<vmem_shared>>)
    %barrier3A_36 = arith.constant 0 : index
    tpu.barrier barrier_id(%barrier3A_36)
    %mul3A_37 = arith.constant 1080 : i32
    %mul3A_38 = arith.muli %arg1, %mul3A_37 : i32
    "tpu.region"() ({
      %run_scoped3A = tpu.sem_alloc : memref<!tpu.dma_semaphore, #tpu.memory_space<semaphore_mem>>
      %dma_start3A_44 = tpu.memref_slice %arg14[%mul3A_38] : memref<17280xf32, #tpu.memory_space<vmem_shared>> -> memref<1080xf32, #tpu.memory_space<vmem_shared>>
      %dma_start3A_45 = tpu.memref_slice %arg14[%mul3A_38] : memref<17280xf32, #tpu.memory_space<vmem_shared>> -> memref<1080xf32, #tpu.memory_space<vmem_shared>>
      tpu.enqueue_dma source(%dma_start3A_45 : memref<1080xf32, #tpu.memory_space<vmem_shared>>) target(%arg13 : memref<1080xf32, #tpu.memory_space<vmem>>) target_semaphore(%run_scoped3A : memref<!tpu.dma_semaphore, #tpu.memory_space<semaphore_mem>>)
      %dma_wait3A_46 = tpu.memref_slice %arg14[%mul3A_38] : memref<17280xf32, #tpu.memory_space<vmem_shared>> -> memref<1080xf32, #tpu.memory_space<vmem_shared>>
      %dma_wait3A_47 = tpu.memref_slice %arg14[%mul3A_38] : memref<17280xf32, #tpu.memory_space<vmem_shared>> -> memref<1080xf32, #tpu.memory_space<vmem_shared>>
      tpu.wait_dma2 semaphore(%run_scoped3A : memref<!tpu.dma_semaphore, #tpu.memory_space<semaphore_mem>>) src(%dma_wait3A_47 : memref<1080xf32, #tpu.memory_space<vmem_shared>>) dst(%arg13 : memref<1080xf32, #tpu.memory_space<vmem>>)
      tpu.yield
    }) : () -> ()
    %mul3A_39 = arith.constant 17280 : i32
    %mul3A_40 = arith.muli %arg0, %mul3A_39 : i32
    %mul3A_41 = arith.constant 1080 : i32
    %mul3A_42 = arith.muli %arg1, %mul3A_41 : i32
    %add3A_43 = arith.addi %mul3A_40, %mul3A_42 : i32
    "tpu.region"() ({
      %run_scoped3A = tpu.sem_alloc : memref<!tpu.dma_semaphore, #tpu.memory_space<semaphore_mem>>
      %dma_start3A_44 = tpu.memref_slice %arg6[%add3A_43] : memref<34560xf32, #tpu.memory_space<hbm>> -> memref<1080xf32, #tpu.memory_space<hbm>>
      %dma_start3A_45 = tpu.memref_slice %arg6[%add3A_43] : memref<34560xf32, #tpu.memory_space<hbm>> -> memref<1080xf32, #tpu.memory_space<hbm>>
      tpu.enqueue_dma source(%arg13 : memref<1080xf32, #tpu.memory_space<vmem>>) target(%dma_start3A_45 : memref<1080xf32, #tpu.memory_space<hbm>>) target_semaphore(%run_scoped3A : memref<!tpu.dma_semaphore, #tpu.memory_space<semaphore_mem>>)
      %dma_wait3A_46 = tpu.memref_slice %arg6[%add3A_43] : memref<34560xf32, #tpu.memory_space<hbm>> -> memref<1080xf32, #tpu.memory_space<hbm>>
      %dma_wait3A_47 = tpu.memref_slice %arg6[%add3A_43] : memref<34560xf32, #tpu.memory_space<hbm>> -> memref<1080xf32, #tpu.memory_space<hbm>>
      tpu.wait_dma2 semaphore(%run_scoped3A : memref<!tpu.dma_semaphore, #tpu.memory_space<semaphore_mem>>) src(%arg13 : memref<1080xf32, #tpu.memory_space<vmem>>) dst(%dma_wait3A_47 : memref<1080xf32, #tpu.memory_space<hbm>>)
      tpu.yield
    }) : () -> ()
    return
  }
}

#map = affine_map<(d0, d1) -> (0, 0)>
#map1 = affine_map<(d0, d1) -> (0)>
module attributes {stable_mosaic.version = 14 : i64} {
  func.func @body(%arg0: i32, %arg1: i32, %arg2: memref<4352x128xi32, #tpu.memory_space<hbm>>, %arg3: memref<4352x128xi32, #tpu.memory_space<hbm>>, %arg4: memref<17280xf32, #tpu.memory_space<hbm>>, %arg5: memref<17280xf32, #tpu.memory_space<hbm>>, %arg6: memref<34560xf32, #tpu.memory_space<hbm>>, %arg7: memref<136x128xi32, #tpu.memory_space<vmem>>, %arg8: memref<136x128xi32, #tpu.memory_space<vmem>>, %arg9: memref<128xf32, #tpu.memory_space<vmem>>, %arg10: memref<128xf32, #tpu.memory_space<vmem>>, %arg11: memref<128xf32, #tpu.memory_space<vmem>>, %arg12: memref<128xf32, #tpu.memory_space<vmem>>, %arg13: memref<1080xf32, #tpu.memory_space<vmem>>, %arg14: memref<17280xf32, #tpu.memory_space<vmem_shared>>, %arg15: memref<!tpu.dma_semaphore, #tpu.memory_space<semaphore_mem>>, %arg16: memref<!tpu.dma_semaphore, #tpu.memory_space<semaphore_mem>>, %arg17: memref<!tpu.dma_semaphore, #tpu.memory_space<semaphore_mem>>, %arg18: memref<!tpu.dma_semaphore, #tpu.memory_space<semaphore_mem>>, %arg19: memref<!tpu.dma_semaphore, #tpu.memory_space<semaphore_mem>>, %arg20: memref<!tpu.dma_semaphore, #tpu.memory_space<semaphore_mem>>, %arg21: memref<!tpu.dma_semaphore, #tpu.memory_space<semaphore_mem>>, %arg22: memref<!tpu.dma_semaphore, #tpu.memory_space<semaphore_mem>>) attributes {dimension_semantics = [#tpu.dimension_semantics<core_parallel>, #tpu.dimension_semantics<subcore_parallel>], iteration_bounds = array<i64: 2, 16>, scalar_prefetch = 0 : i64, scratch_operands = 16 : i64, tpu.core_type = #tpu.core_type<sc_vector_subcore>, window_params = [{transform_indices = #map}, {transform_indices = #map}, {transform_indices = #map1}, {transform_indices = #map1}, {transform_indices = #map1}]} {
    %mul3A = arith.constant 16 : i32
    %mul3A_0 = arith.muli %arg0, %mul3A : i32
    %add3A = arith.addi %mul3A_0, %arg1 : i32
    %mul3A_1 = arith.constant 1080 : i32
    %mul3A_2 = arith.muli %arg1, %mul3A_1 : i32
    "tpu.region"() ({
      %run_scoped3A = tpu.sem_alloc : memref<!tpu.dma_semaphore, #tpu.memory_space<semaphore_mem>>
      %dma_start3A_44 = tpu.memref_slice %arg5[%mul3A_2] : memref<17280xf32, #tpu.memory_space<hbm>> -> memref<1080xf32, #tpu.memory_space<hbm>>
      %dma_start3A_45 = tpu.memref_slice %arg5[%mul3A_2] : memref<17280xf32, #tpu.memory_space<hbm>> -> memref<1080xf32, #tpu.memory_space<hbm>>
      tpu.enqueue_dma source(%dma_start3A_45 : memref<1080xf32, #tpu.memory_space<hbm>>) target(%arg13 : memref<1080xf32, #tpu.memory_space<vmem>>) target_semaphore(%run_scoped3A : memref<!tpu.dma_semaphore, #tpu.memory_space<semaphore_mem>>)
      %dma_wait3A_46 = tpu.memref_slice %arg5[%mul3A_2] : memref<17280xf32, #tpu.memory_space<hbm>> -> memref<1080xf32, #tpu.memory_space<hbm>>
      %dma_wait3A_47 = tpu.memref_slice %arg5[%mul3A_2] : memref<17280xf32, #tpu.memory_space<hbm>> -> memref<1080xf32, #tpu.memory_space<hbm>>
      tpu.wait_dma2 semaphore(%run_scoped3A : memref<!tpu.dma_semaphore, #tpu.memory_space<semaphore_mem>>) src(%dma_wait3A_47 : memref<1080xf32, #tpu.memory_space<hbm>>) dst(%arg13 : memref<1080xf32, #tpu.memory_space<vmem>>)
      tpu.yield
    }) : () -> ()
    %mul3A_3 = arith.constant 1080 : i32
    %mul3A_4 = arith.muli %arg1, %mul3A_3 : i32
    "tpu.region"() ({
      %run_scoped3A = tpu.sem_alloc : memref<!tpu.dma_semaphore, #tpu.memory_space<semaphore_mem>>
      %dma_start3A_44 = tpu.memref_slice %arg14[%mul3A_4] : memref<17280xf32, #tpu.memory_space<vmem_shared>> -> memref<1080xf32, #tpu.memory_space<vmem_shared>>
      %dma_start3A_45 = tpu.memref_slice %arg14[%mul3A_4] : memref<17280xf32, #tpu.memory_space<vmem_shared>> -> memref<1080xf32, #tpu.memory_space<vmem_shared>>
      tpu.enqueue_dma source(%arg13 : memref<1080xf32, #tpu.memory_space<vmem>>) target(%dma_start3A_45 : memref<1080xf32, #tpu.memory_space<vmem_shared>>) target_semaphore(%run_scoped3A : memref<!tpu.dma_semaphore, #tpu.memory_space<semaphore_mem>>)
      %dma_wait3A_46 = tpu.memref_slice %arg14[%mul3A_4] : memref<17280xf32, #tpu.memory_space<vmem_shared>> -> memref<1080xf32, #tpu.memory_space<vmem_shared>>
      %dma_wait3A_47 = tpu.memref_slice %arg14[%mul3A_4] : memref<17280xf32, #tpu.memory_space<vmem_shared>> -> memref<1080xf32, #tpu.memory_space<vmem_shared>>
      tpu.wait_dma2 semaphore(%run_scoped3A : memref<!tpu.dma_semaphore, #tpu.memory_space<semaphore_mem>>) src(%arg13 : memref<1080xf32, #tpu.memory_space<vmem>>) dst(%dma_wait3A_47 : memref<1080xf32, #tpu.memory_space<vmem_shared>>)
      tpu.yield
    }) : () -> ()
    %mul3A_5 = arith.constant 136 : i32
    %mul3A_6 = arith.muli %add3A, %mul3A_5 : i32
    "tpu.region"() ({
      %run_scoped3A = tpu.sem_alloc : memref<!tpu.dma_semaphore, #tpu.memory_space<semaphore_mem>>
      %dma_start3A_44 = arith.constant 0 : i32
      %dma_start3A_45 = tpu.memref_slice %arg2[%mul3A_6, %dma_start3A_44] : memref<4352x128xi32, #tpu.memory_space<hbm>> -> memref<136x128xi32, #tpu.memory_space<hbm>>
      %dma_start3A_46 = arith.constant 0 : i32
      %dma_start3A_47 = tpu.memref_slice %arg2[%mul3A_6, %dma_start3A_46] : memref<4352x128xi32, #tpu.memory_space<hbm>> -> memref<136x128xi32, #tpu.memory_space<hbm>>
      tpu.enqueue_dma source(%dma_start3A_47 : memref<136x128xi32, #tpu.memory_space<hbm>>) target(%arg7 : memref<136x128xi32, #tpu.memory_space<vmem>>) target_semaphore(%run_scoped3A : memref<!tpu.dma_semaphore, #tpu.memory_space<semaphore_mem>>)
      %dma_wait3A_48 = arith.constant 0 : i32
      %dma_wait3A_49 = tpu.memref_slice %arg2[%mul3A_6, %dma_wait3A_48] : memref<4352x128xi32, #tpu.memory_space<hbm>> -> memref<136x128xi32, #tpu.memory_space<hbm>>
      %dma_wait3A_50 = arith.constant 0 : i32
      %dma_wait3A_51 = tpu.memref_slice %arg2[%mul3A_6, %dma_wait3A_50] : memref<4352x128xi32, #tpu.memory_space<hbm>> -> memref<136x128xi32, #tpu.memory_space<hbm>>
      tpu.wait_dma2 semaphore(%run_scoped3A : memref<!tpu.dma_semaphore, #tpu.memory_space<semaphore_mem>>) src(%dma_wait3A_51 : memref<136x128xi32, #tpu.memory_space<hbm>>) dst(%arg7 : memref<136x128xi32, #tpu.memory_space<vmem>>)
      tpu.yield
    }) : () -> ()
    %mul3A_7 = arith.constant 136 : i32
    %mul3A_8 = arith.muli %add3A, %mul3A_7 : i32
    "tpu.region"() ({
      %run_scoped3A = tpu.sem_alloc : memref<!tpu.dma_semaphore, #tpu.memory_space<semaphore_mem>>
      %dma_start3A_44 = arith.constant 0 : i32
      %dma_start3A_45 = tpu.memref_slice %arg3[%mul3A_8, %dma_start3A_44] : memref<4352x128xi32, #tpu.memory_space<hbm>> -> memref<136x128xi32, #tpu.memory_space<hbm>>
      %dma_start3A_46 = arith.constant 0 : i32
      %dma_start3A_47 = tpu.memref_slice %arg3[%mul3A_8, %dma_start3A_46] : memref<4352x128xi32, #tpu.memory_space<hbm>> -> memref<136x128xi32, #tpu.memory_space<hbm>>
      tpu.enqueue_dma source(%dma_start3A_47 : memref<136x128xi32, #tpu.memory_space<hbm>>) target(%arg8 : memref<136x128xi32, #tpu.memory_space<vmem>>) target_semaphore(%run_scoped3A : memref<!tpu.dma_semaphore, #tpu.memory_space<semaphore_mem>>)
      %dma_wait3A_48 = arith.constant 0 : i32
      %dma_wait3A_49 = tpu.memref_slice %arg3[%mul3A_8, %dma_wait3A_48] : memref<4352x128xi32, #tpu.memory_space<hbm>> -> memref<136x128xi32, #tpu.memory_space<hbm>>
      %dma_wait3A_50 = arith.constant 0 : i32
      %dma_wait3A_51 = tpu.memref_slice %arg3[%mul3A_8, %dma_wait3A_50] : memref<4352x128xi32, #tpu.memory_space<hbm>> -> memref<136x128xi32, #tpu.memory_space<hbm>>
      tpu.wait_dma2 semaphore(%run_scoped3A : memref<!tpu.dma_semaphore, #tpu.memory_space<semaphore_mem>>) src(%dma_wait3A_51 : memref<136x128xi32, #tpu.memory_space<hbm>>) dst(%arg8 : memref<136x128xi32, #tpu.memory_space<vmem>>)
      tpu.yield
    }) : () -> ()
    %barrier3A = arith.constant 0 : index
    tpu.barrier barrier_id(%barrier3A)
    %dma_start3A = arith.constant 0 : i32
    %dma_start3A_9 = arith.constant 0 : i32
    %dma_start3A_10 = tpu.memref_slice %arg7[%dma_start3A, %dma_start3A_9] : memref<136x128xi32, #tpu.memory_space<vmem>> -> memref<1x128xi32, #tpu.memory_space<vmem>>
    %dma_start3A_11 = tpu.memref_squeeze %dma_start3A_10 : memref<1x128xi32, #tpu.memory_space<vmem>> -> memref<128xi32, #tpu.memory_space<vmem>>
    %dma_start3A_12 = arith.constant 0 : i32
    %dma_start3A_13 = tpu.memref_slice %arg4[%dma_start3A_12] : memref<17280xf32, #tpu.memory_space<hbm>> -> memref<17280xf32, #tpu.memory_space<hbm>>
    tpu.enqueue_indirect_dma source(%dma_start3A_13 : memref<17280xf32, #tpu.memory_space<hbm>>) target(%arg9 : memref<128xf32, #tpu.memory_space<vmem>>) offsets(%dma_start3A_11 : memref<128xi32, #tpu.memory_space<vmem>>) semaphore(%arg15 : memref<!tpu.dma_semaphore, #tpu.memory_space<semaphore_mem>>)
    %dma_start3A_14 = arith.constant 1 : i32
    %dma_start3A_15 = arith.constant 0 : i32
    %dma_start3A_16 = tpu.memref_slice %arg7[%dma_start3A_14, %dma_start3A_15] : memref<136x128xi32, #tpu.memory_space<vmem>> -> memref<1x128xi32, #tpu.memory_space<vmem>>
    %dma_start3A_17 = tpu.memref_squeeze %dma_start3A_16 : memref<1x128xi32, #tpu.memory_space<vmem>> -> memref<128xi32, #tpu.memory_space<vmem>>
    %dma_start3A_18 = arith.constant 0 : i32
    %dma_start3A_19 = tpu.memref_slice %arg4[%dma_start3A_18] : memref<17280xf32, #tpu.memory_space<hbm>> -> memref<17280xf32, #tpu.memory_space<hbm>>
    tpu.enqueue_indirect_dma source(%dma_start3A_19 : memref<17280xf32, #tpu.memory_space<hbm>>) target(%arg10 : memref<128xf32, #tpu.memory_space<vmem>>) offsets(%dma_start3A_17 : memref<128xi32, #tpu.memory_space<vmem>>) semaphore(%arg16 : memref<!tpu.dma_semaphore, #tpu.memory_space<semaphore_mem>>)
    %scan3A = arith.constant 0 : i32
    %scan3A_20 = arith.constant 0 : i32
    %scan3A_21 = arith.constant 34 : i32
    %scan3A_22 = arith.addi %scan3A_20, %scan3A_21 : i32
    %scan3A_23 = arith.constant 1 : i32
    scf.for %scan3A_44 = %scan3A_20 to %scan3A_22 step %scan3A_23  : i32 {
      %mul3A_45 = arith.constant 4 : i32
      %mul3A_46 = arith.muli %mul3A_45, %scan3A_44 : i32
      %add3A_47 = arith.constant 0 : i32
      %add3A_48 = arith.addi %mul3A_46, %add3A_47 : i32
      %dma_wait3A_49 = arith.constant 0 : i32
      %dma_wait3A_50 = tpu.memref_slice %arg7[%add3A_48, %dma_wait3A_49] : memref<136x128xi32, #tpu.memory_space<vmem>> -> memref<1x128xi32, #tpu.memory_space<vmem>>
      %dma_wait3A_51 = tpu.memref_squeeze %dma_wait3A_50 : memref<1x128xi32, #tpu.memory_space<vmem>> -> memref<128xi32, #tpu.memory_space<vmem>>
      %dma_wait3A_52 = arith.constant 0 : i32
      %dma_wait3A_53 = tpu.memref_slice %arg4[%dma_wait3A_52] : memref<17280xf32, #tpu.memory_space<hbm>> -> memref<17280xf32, #tpu.memory_space<hbm>>
      tpu.wait_indirect_dma semaphore(%arg15 : memref<!tpu.dma_semaphore, #tpu.memory_space<semaphore_mem>>) src(%dma_wait3A_53 : memref<17280xf32, #tpu.memory_space<hbm>>) dst(%arg9 : memref<128xf32, #tpu.memory_space<vmem>>)
      %dma_start3A_54 = arith.constant 0 : i32
      %dma_start3A_55 = tpu.memref_slice %arg8[%add3A_48, %dma_start3A_54] : memref<136x128xi32, #tpu.memory_space<vmem>> -> memref<1x128xi32, #tpu.memory_space<vmem>>
      %dma_start3A_56 = tpu.memref_squeeze %dma_start3A_55 : memref<1x128xi32, #tpu.memory_space<vmem>> -> memref<128xi32, #tpu.memory_space<vmem>>
      %dma_start3A_57 = arith.constant 0 : i32
      %dma_start3A_58 = tpu.memref_slice %arg14[%dma_start3A_57] : memref<17280xf32, #tpu.memory_space<vmem_shared>> -> memref<17280xf32, #tpu.memory_space<vmem_shared>>
      tpu.enqueue_indirect_dma source(%arg9 : memref<128xf32, #tpu.memory_space<vmem>>) target(%dma_start3A_58 : memref<17280xf32, #tpu.memory_space<vmem_shared>>) offsets(%dma_start3A_56 : memref<128xi32, #tpu.memory_space<vmem>>) semaphore(%arg19 : memref<!tpu.dma_semaphore, #tpu.memory_space<semaphore_mem>>) {add = true}
      %add3A_59 = arith.constant 2 : i32
      %add3A_60 = arith.addi %add3A_48, %add3A_59 : i32
      %ge3A = arith.constant 4 : i32
      %ge3A_61 = arith.cmpi sge, %add3A_60, %ge3A : i32
      %convert_element_type3A = arith.extui %ge3A_61 : i1 to i32
      %cond3A = arith.constant 0 : i32
      %cond3A_62 = arith.cmpi ne, %convert_element_type3A, %cond3A : i32
      scf.if %cond3A_62 {
        %add3A_147 = arith.constant 2 : i32
        %add3A_148 = arith.addi %add3A_48, %add3A_147 : i32
        %sub3A = arith.constant 4 : i32
        %sub3A_149 = arith.subi %add3A_148, %sub3A : i32
        %dma_wait3A_150 = arith.constant 0 : i32
        %dma_wait3A_151 = tpu.memref_slice %arg8[%sub3A_149, %dma_wait3A_150] : memref<136x128xi32, #tpu.memory_space<vmem>> -> memref<1x128xi32, #tpu.memory_space<vmem>>
        %dma_wait3A_152 = tpu.memref_squeeze %dma_wait3A_151 : memref<1x128xi32, #tpu.memory_space<vmem>> -> memref<128xi32, #tpu.memory_space<vmem>>
        %dma_wait3A_153 = arith.constant 0 : i32
        %dma_wait3A_154 = tpu.memref_slice %arg14[%dma_wait3A_153] : memref<17280xf32, #tpu.memory_space<vmem_shared>> -> memref<17280xf32, #tpu.memory_space<vmem_shared>>
        tpu.wait_indirect_dma semaphore(%arg21 : memref<!tpu.dma_semaphore, #tpu.memory_space<semaphore_mem>>) src(%arg11 : memref<128xf32, #tpu.memory_space<vmem>>) dst(%dma_wait3A_154 : memref<17280xf32, #tpu.memory_space<vmem_shared>>)
      } else {
      }
      %add3A_63 = arith.constant 2 : i32
      %add3A_64 = arith.addi %add3A_48, %add3A_63 : i32
      %lt3A = arith.constant 136 : i32
      %lt3A_65 = arith.cmpi slt, %add3A_64, %lt3A : i32
      %convert_element_type3A_66 = arith.extui %lt3A_65 : i1 to i32
      %cond3A_67 = arith.constant 0 : i32
      %cond3A_68 = arith.cmpi ne, %convert_element_type3A_66, %cond3A_67 : i32
      scf.if %cond3A_68 {
        %add3A_147 = arith.constant 2 : i32
        %add3A_148 = arith.addi %add3A_48, %add3A_147 : i32
        %dma_start3A_149 = arith.constant 0 : i32
        %dma_start3A_150 = tpu.memref_slice %arg7[%add3A_148, %dma_start3A_149] : memref<136x128xi32, #tpu.memory_space<vmem>> -> memref<1x128xi32, #tpu.memory_space<vmem>>
        %dma_start3A_151 = tpu.memref_squeeze %dma_start3A_150 : memref<1x128xi32, #tpu.memory_space<vmem>> -> memref<128xi32, #tpu.memory_space<vmem>>
        %dma_start3A_152 = arith.constant 0 : i32
        %dma_start3A_153 = tpu.memref_slice %arg4[%dma_start3A_152] : memref<17280xf32, #tpu.memory_space<hbm>> -> memref<17280xf32, #tpu.memory_space<hbm>>
        tpu.enqueue_indirect_dma source(%dma_start3A_153 : memref<17280xf32, #tpu.memory_space<hbm>>) target(%arg11 : memref<128xf32, #tpu.memory_space<vmem>>) offsets(%dma_start3A_151 : memref<128xi32, #tpu.memory_space<vmem>>) semaphore(%arg17 : memref<!tpu.dma_semaphore, #tpu.memory_space<semaphore_mem>>)
      } else {
      }
      %add3A_69 = arith.constant 1 : i32
      %add3A_70 = arith.addi %mul3A_46, %add3A_69 : i32
      %dma_wait3A_71 = arith.constant 0 : i32
      %dma_wait3A_72 = tpu.memref_slice %arg7[%add3A_70, %dma_wait3A_71] : memref<136x128xi32, #tpu.memory_space<vmem>> -> memref<1x128xi32, #tpu.memory_space<vmem>>
      %dma_wait3A_73 = tpu.memref_squeeze %dma_wait3A_72 : memref<1x128xi32, #tpu.memory_space<vmem>> -> memref<128xi32, #tpu.memory_space<vmem>>
      %dma_wait3A_74 = arith.constant 0 : i32
      %dma_wait3A_75 = tpu.memref_slice %arg4[%dma_wait3A_74] : memref<17280xf32, #tpu.memory_space<hbm>> -> memref<17280xf32, #tpu.memory_space<hbm>>
      tpu.wait_indirect_dma semaphore(%arg16 : memref<!tpu.dma_semaphore, #tpu.memory_space<semaphore_mem>>) src(%dma_wait3A_75 : memref<17280xf32, #tpu.memory_space<hbm>>) dst(%arg10 : memref<128xf32, #tpu.memory_space<vmem>>)
      %dma_start3A_76 = arith.constant 0 : i32
      %dma_start3A_77 = tpu.memref_slice %arg8[%add3A_70, %dma_start3A_76] : memref<136x128xi32, #tpu.memory_space<vmem>> -> memref<1x128xi32, #tpu.memory_space<vmem>>
      %dma_start3A_78 = tpu.memref_squeeze %dma_start3A_77 : memref<1x128xi32, #tpu.memory_space<vmem>> -> memref<128xi32, #tpu.memory_space<vmem>>
      %dma_start3A_79 = arith.constant 0 : i32
      %dma_start3A_80 = tpu.memref_slice %arg14[%dma_start3A_79] : memref<17280xf32, #tpu.memory_space<vmem_shared>> -> memref<17280xf32, #tpu.memory_space<vmem_shared>>
      tpu.enqueue_indirect_dma source(%arg10 : memref<128xf32, #tpu.memory_space<vmem>>) target(%dma_start3A_80 : memref<17280xf32, #tpu.memory_space<vmem_shared>>) offsets(%dma_start3A_78 : memref<128xi32, #tpu.memory_space<vmem>>) semaphore(%arg20 : memref<!tpu.dma_semaphore, #tpu.memory_space<semaphore_mem>>) {add = true}
      %add3A_81 = arith.constant 2 : i32
      %add3A_82 = arith.addi %add3A_70, %add3A_81 : i32
      %ge3A_83 = arith.constant 4 : i32
      %ge3A_84 = arith.cmpi sge, %add3A_82, %ge3A_83 : i32
      %convert_element_type3A_85 = arith.extui %ge3A_84 : i1 to i32
      %cond3A_86 = arith.constant 0 : i32
      %cond3A_87 = arith.cmpi ne, %convert_element_type3A_85, %cond3A_86 : i32
      scf.if %cond3A_87 {
        %add3A_147 = arith.constant 2 : i32
        %add3A_148 = arith.addi %add3A_70, %add3A_147 : i32
        %sub3A = arith.constant 4 : i32
        %sub3A_149 = arith.subi %add3A_148, %sub3A : i32
        %dma_wait3A_150 = arith.constant 0 : i32
        %dma_wait3A_151 = tpu.memref_slice %arg8[%sub3A_149, %dma_wait3A_150] : memref<136x128xi32, #tpu.memory_space<vmem>> -> memref<1x128xi32, #tpu.memory_space<vmem>>
        %dma_wait3A_152 = tpu.memref_squeeze %dma_wait3A_151 : memref<1x128xi32, #tpu.memory_space<vmem>> -> memref<128xi32, #tpu.memory_space<vmem>>
        %dma_wait3A_153 = arith.constant 0 : i32
        %dma_wait3A_154 = tpu.memref_slice %arg14[%dma_wait3A_153] : memref<17280xf32, #tpu.memory_space<vmem_shared>> -> memref<17280xf32, #tpu.memory_space<vmem_shared>>
        tpu.wait_indirect_dma semaphore(%arg22 : memref<!tpu.dma_semaphore, #tpu.memory_space<semaphore_mem>>) src(%arg12 : memref<128xf32, #tpu.memory_space<vmem>>) dst(%dma_wait3A_154 : memref<17280xf32, #tpu.memory_space<vmem_shared>>)
      } else {
      }
      %add3A_88 = arith.constant 2 : i32
      %add3A_89 = arith.addi %add3A_70, %add3A_88 : i32
      %lt3A_90 = arith.constant 136 : i32
      %lt3A_91 = arith.cmpi slt, %add3A_89, %lt3A_90 : i32
      %convert_element_type3A_92 = arith.extui %lt3A_91 : i1 to i32
      %cond3A_93 = arith.constant 0 : i32
      %cond3A_94 = arith.cmpi ne, %convert_element_type3A_92, %cond3A_93 : i32
      scf.if %cond3A_94 {
        %add3A_147 = arith.constant 2 : i32
        %add3A_148 = arith.addi %add3A_70, %add3A_147 : i32
        %dma_start3A_149 = arith.constant 0 : i32
        %dma_start3A_150 = tpu.memref_slice %arg7[%add3A_148, %dma_start3A_149] : memref<136x128xi32, #tpu.memory_space<vmem>> -> memref<1x128xi32, #tpu.memory_space<vmem>>
        %dma_start3A_151 = tpu.memref_squeeze %dma_start3A_150 : memref<1x128xi32, #tpu.memory_space<vmem>> -> memref<128xi32, #tpu.memory_space<vmem>>
        %dma_start3A_152 = arith.constant 0 : i32
        %dma_start3A_153 = tpu.memref_slice %arg4[%dma_start3A_152] : memref<17280xf32, #tpu.memory_space<hbm>> -> memref<17280xf32, #tpu.memory_space<hbm>>
        tpu.enqueue_indirect_dma source(%dma_start3A_153 : memref<17280xf32, #tpu.memory_space<hbm>>) target(%arg12 : memref<128xf32, #tpu.memory_space<vmem>>) offsets(%dma_start3A_151 : memref<128xi32, #tpu.memory_space<vmem>>) semaphore(%arg18 : memref<!tpu.dma_semaphore, #tpu.memory_space<semaphore_mem>>)
      } else {
      }
      %add3A_95 = arith.constant 2 : i32
      %add3A_96 = arith.addi %mul3A_46, %add3A_95 : i32
      %dma_wait3A_97 = arith.constant 0 : i32
      %dma_wait3A_98 = tpu.memref_slice %arg7[%add3A_96, %dma_wait3A_97] : memref<136x128xi32, #tpu.memory_space<vmem>> -> memref<1x128xi32, #tpu.memory_space<vmem>>
      %dma_wait3A_99 = tpu.memref_squeeze %dma_wait3A_98 : memref<1x128xi32, #tpu.memory_space<vmem>> -> memref<128xi32, #tpu.memory_space<vmem>>
      %dma_wait3A_100 = arith.constant 0 : i32
      %dma_wait3A_101 = tpu.memref_slice %arg4[%dma_wait3A_100] : memref<17280xf32, #tpu.memory_space<hbm>> -> memref<17280xf32, #tpu.memory_space<hbm>>
      tpu.wait_indirect_dma semaphore(%arg17 : memref<!tpu.dma_semaphore, #tpu.memory_space<semaphore_mem>>) src(%dma_wait3A_101 : memref<17280xf32, #tpu.memory_space<hbm>>) dst(%arg11 : memref<128xf32, #tpu.memory_space<vmem>>)
      %dma_start3A_102 = arith.constant 0 : i32
      %dma_start3A_103 = tpu.memref_slice %arg8[%add3A_96, %dma_start3A_102] : memref<136x128xi32, #tpu.memory_space<vmem>> -> memref<1x128xi32, #tpu.memory_space<vmem>>
      %dma_start3A_104 = tpu.memref_squeeze %dma_start3A_103 : memref<1x128xi32, #tpu.memory_space<vmem>> -> memref<128xi32, #tpu.memory_space<vmem>>
      %dma_start3A_105 = arith.constant 0 : i32
      %dma_start3A_106 = tpu.memref_slice %arg14[%dma_start3A_105] : memref<17280xf32, #tpu.memory_space<vmem_shared>> -> memref<17280xf32, #tpu.memory_space<vmem_shared>>
      tpu.enqueue_indirect_dma source(%arg11 : memref<128xf32, #tpu.memory_space<vmem>>) target(%dma_start3A_106 : memref<17280xf32, #tpu.memory_space<vmem_shared>>) offsets(%dma_start3A_104 : memref<128xi32, #tpu.memory_space<vmem>>) semaphore(%arg21 : memref<!tpu.dma_semaphore, #tpu.memory_space<semaphore_mem>>) {add = true}
      %add3A_107 = arith.constant 2 : i32
      %add3A_108 = arith.addi %add3A_96, %add3A_107 : i32
      %ge3A_109 = arith.constant 4 : i32
      %ge3A_110 = arith.cmpi sge, %add3A_108, %ge3A_109 : i32
      %convert_element_type3A_111 = arith.extui %ge3A_110 : i1 to i32
      %cond3A_112 = arith.constant 0 : i32
      %cond3A_113 = arith.cmpi ne, %convert_element_type3A_111, %cond3A_112 : i32
      scf.if %cond3A_113 {
        %add3A_147 = arith.constant 2 : i32
        %add3A_148 = arith.addi %add3A_96, %add3A_147 : i32
        %sub3A = arith.constant 4 : i32
        %sub3A_149 = arith.subi %add3A_148, %sub3A : i32
        %dma_wait3A_150 = arith.constant 0 : i32
        %dma_wait3A_151 = tpu.memref_slice %arg8[%sub3A_149, %dma_wait3A_150] : memref<136x128xi32, #tpu.memory_space<vmem>> -> memref<1x128xi32, #tpu.memory_space<vmem>>
        %dma_wait3A_152 = tpu.memref_squeeze %dma_wait3A_151 : memref<1x128xi32, #tpu.memory_space<vmem>> -> memref<128xi32, #tpu.memory_space<vmem>>
        %dma_wait3A_153 = arith.constant 0 : i32
        %dma_wait3A_154 = tpu.memref_slice %arg14[%dma_wait3A_153] : memref<17280xf32, #tpu.memory_space<vmem_shared>> -> memref<17280xf32, #tpu.memory_space<vmem_shared>>
        tpu.wait_indirect_dma semaphore(%arg19 : memref<!tpu.dma_semaphore, #tpu.memory_space<semaphore_mem>>) src(%arg9 : memref<128xf32, #tpu.memory_space<vmem>>) dst(%dma_wait3A_154 : memref<17280xf32, #tpu.memory_space<vmem_shared>>)
      } else {
      }
      %add3A_114 = arith.constant 2 : i32
      %add3A_115 = arith.addi %add3A_96, %add3A_114 : i32
      %lt3A_116 = arith.constant 136 : i32
      %lt3A_117 = arith.cmpi slt, %add3A_115, %lt3A_116 : i32
      %convert_element_type3A_118 = arith.extui %lt3A_117 : i1 to i32
      %cond3A_119 = arith.constant 0 : i32
      %cond3A_120 = arith.cmpi ne, %convert_element_type3A_118, %cond3A_119 : i32
      scf.if %cond3A_120 {
        %add3A_147 = arith.constant 2 : i32
        %add3A_148 = arith.addi %add3A_96, %add3A_147 : i32
        %dma_start3A_149 = arith.constant 0 : i32
        %dma_start3A_150 = tpu.memref_slice %arg7[%add3A_148, %dma_start3A_149] : memref<136x128xi32, #tpu.memory_space<vmem>> -> memref<1x128xi32, #tpu.memory_space<vmem>>
        %dma_start3A_151 = tpu.memref_squeeze %dma_start3A_150 : memref<1x128xi32, #tpu.memory_space<vmem>> -> memref<128xi32, #tpu.memory_space<vmem>>
        %dma_start3A_152 = arith.constant 0 : i32
        %dma_start3A_153 = tpu.memref_slice %arg4[%dma_start3A_152] : memref<17280xf32, #tpu.memory_space<hbm>> -> memref<17280xf32, #tpu.memory_space<hbm>>
        tpu.enqueue_indirect_dma source(%dma_start3A_153 : memref<17280xf32, #tpu.memory_space<hbm>>) target(%arg9 : memref<128xf32, #tpu.memory_space<vmem>>) offsets(%dma_start3A_151 : memref<128xi32, #tpu.memory_space<vmem>>) semaphore(%arg15 : memref<!tpu.dma_semaphore, #tpu.memory_space<semaphore_mem>>)
      } else {
      }
      %add3A_121 = arith.constant 3 : i32
      %add3A_122 = arith.addi %mul3A_46, %add3A_121 : i32
      %dma_wait3A_123 = arith.constant 0 : i32
      %dma_wait3A_124 = tpu.memref_slice %arg7[%add3A_122, %dma_wait3A_123] : memref<136x128xi32, #tpu.memory_space<vmem>> -> memref<1x128xi32, #tpu.memory_space<vmem>>
      %dma_wait3A_125 = tpu.memref_squeeze %dma_wait3A_124 : memref<1x128xi32, #tpu.memory_space<vmem>> -> memref<128xi32, #tpu.memory_space<vmem>>
      %dma_wait3A_126 = arith.constant 0 : i32
      %dma_wait3A_127 = tpu.memref_slice %arg4[%dma_wait3A_126] : memref<17280xf32, #tpu.memory_space<hbm>> -> memref<17280xf32, #tpu.memory_space<hbm>>
      tpu.wait_indirect_dma semaphore(%arg18 : memref<!tpu.dma_semaphore, #tpu.memory_space<semaphore_mem>>) src(%dma_wait3A_127 : memref<17280xf32, #tpu.memory_space<hbm>>) dst(%arg12 : memref<128xf32, #tpu.memory_space<vmem>>)
      %dma_start3A_128 = arith.constant 0 : i32
      %dma_start3A_129 = tpu.memref_slice %arg8[%add3A_122, %dma_start3A_128] : memref<136x128xi32, #tpu.memory_space<vmem>> -> memref<1x128xi32, #tpu.memory_space<vmem>>
      %dma_start3A_130 = tpu.memref_squeeze %dma_start3A_129 : memref<1x128xi32, #tpu.memory_space<vmem>> -> memref<128xi32, #tpu.memory_space<vmem>>
      %dma_start3A_131 = arith.constant 0 : i32
      %dma_start3A_132 = tpu.memref_slice %arg14[%dma_start3A_131] : memref<17280xf32, #tpu.memory_space<vmem_shared>> -> memref<17280xf32, #tpu.memory_space<vmem_shared>>
      tpu.enqueue_indirect_dma source(%arg12 : memref<128xf32, #tpu.memory_space<vmem>>) target(%dma_start3A_132 : memref<17280xf32, #tpu.memory_space<vmem_shared>>) offsets(%dma_start3A_130 : memref<128xi32, #tpu.memory_space<vmem>>) semaphore(%arg22 : memref<!tpu.dma_semaphore, #tpu.memory_space<semaphore_mem>>) {add = true}
      %add3A_133 = arith.constant 2 : i32
      %add3A_134 = arith.addi %add3A_122, %add3A_133 : i32
      %ge3A_135 = arith.constant 4 : i32
      %ge3A_136 = arith.cmpi sge, %add3A_134, %ge3A_135 : i32
      %convert_element_type3A_137 = arith.extui %ge3A_136 : i1 to i32
      %cond3A_138 = arith.constant 0 : i32
      %cond3A_139 = arith.cmpi ne, %convert_element_type3A_137, %cond3A_138 : i32
      scf.if %cond3A_139 {
        %add3A_147 = arith.constant 2 : i32
        %add3A_148 = arith.addi %add3A_122, %add3A_147 : i32
        %sub3A = arith.constant 4 : i32
        %sub3A_149 = arith.subi %add3A_148, %sub3A : i32
        %dma_wait3A_150 = arith.constant 0 : i32
        %dma_wait3A_151 = tpu.memref_slice %arg8[%sub3A_149, %dma_wait3A_150] : memref<136x128xi32, #tpu.memory_space<vmem>> -> memref<1x128xi32, #tpu.memory_space<vmem>>
        %dma_wait3A_152 = tpu.memref_squeeze %dma_wait3A_151 : memref<1x128xi32, #tpu.memory_space<vmem>> -> memref<128xi32, #tpu.memory_space<vmem>>
        %dma_wait3A_153 = arith.constant 0 : i32
        %dma_wait3A_154 = tpu.memref_slice %arg14[%dma_wait3A_153] : memref<17280xf32, #tpu.memory_space<vmem_shared>> -> memref<17280xf32, #tpu.memory_space<vmem_shared>>
        tpu.wait_indirect_dma semaphore(%arg20 : memref<!tpu.dma_semaphore, #tpu.memory_space<semaphore_mem>>) src(%arg10 : memref<128xf32, #tpu.memory_space<vmem>>) dst(%dma_wait3A_154 : memref<17280xf32, #tpu.memory_space<vmem_shared>>)
      } else {
      }
      %add3A_140 = arith.constant 2 : i32
      %add3A_141 = arith.addi %add3A_122, %add3A_140 : i32
      %lt3A_142 = arith.constant 136 : i32
      %lt3A_143 = arith.cmpi slt, %add3A_141, %lt3A_142 : i32
      %convert_element_type3A_144 = arith.extui %lt3A_143 : i1 to i32
      %cond3A_145 = arith.constant 0 : i32
      %cond3A_146 = arith.cmpi ne, %convert_element_type3A_144, %cond3A_145 : i32
      scf.if %cond3A_146 {
        %add3A_147 = arith.constant 2 : i32
        %add3A_148 = arith.addi %add3A_122, %add3A_147 : i32
        %dma_start3A_149 = arith.constant 0 : i32
        %dma_start3A_150 = tpu.memref_slice %arg7[%add3A_148, %dma_start3A_149] : memref<136x128xi32, #tpu.memory_space<vmem>> -> memref<1x128xi32, #tpu.memory_space<vmem>>
        %dma_start3A_151 = tpu.memref_squeeze %dma_start3A_150 : memref<1x128xi32, #tpu.memory_space<vmem>> -> memref<128xi32, #tpu.memory_space<vmem>>
        %dma_start3A_152 = arith.constant 0 : i32
        %dma_start3A_153 = tpu.memref_slice %arg4[%dma_start3A_152] : memref<17280xf32, #tpu.memory_space<hbm>> -> memref<17280xf32, #tpu.memory_space<hbm>>
        tpu.enqueue_indirect_dma source(%dma_start3A_153 : memref<17280xf32, #tpu.memory_space<hbm>>) target(%arg10 : memref<128xf32, #tpu.memory_space<vmem>>) offsets(%dma_start3A_151 : memref<128xi32, #tpu.memory_space<vmem>>) semaphore(%arg16 : memref<!tpu.dma_semaphore, #tpu.memory_space<semaphore_mem>>)
      } else {
      }
    }
    %scan3A_24 = arith.constant 34 : i32
    %dma_wait3A = arith.constant 134 : i32
    %dma_wait3A_25 = arith.constant 0 : i32
    %dma_wait3A_26 = tpu.memref_slice %arg8[%dma_wait3A, %dma_wait3A_25] : memref<136x128xi32, #tpu.memory_space<vmem>> -> memref<1x128xi32, #tpu.memory_space<vmem>>
    %dma_wait3A_27 = tpu.memref_squeeze %dma_wait3A_26 : memref<1x128xi32, #tpu.memory_space<vmem>> -> memref<128xi32, #tpu.memory_space<vmem>>
    %dma_wait3A_28 = arith.constant 0 : i32
    %dma_wait3A_29 = tpu.memref_slice %arg14[%dma_wait3A_28] : memref<17280xf32, #tpu.memory_space<vmem_shared>> -> memref<17280xf32, #tpu.memory_space<vmem_shared>>
    tpu.wait_indirect_dma semaphore(%arg21 : memref<!tpu.dma_semaphore, #tpu.memory_space<semaphore_mem>>) src(%arg11 : memref<128xf32, #tpu.memory_space<vmem>>) dst(%dma_wait3A_29 : memref<17280xf32, #tpu.memory_space<vmem_shared>>)
    %dma_wait3A_30 = arith.constant 135 : i32
    %dma_wait3A_31 = arith.constant 0 : i32
    %dma_wait3A_32 = tpu.memref_slice %arg8[%dma_wait3A_30, %dma_wait3A_31] : memref<136x128xi32, #tpu.memory_space<vmem>> -> memref<1x128xi32, #tpu.memory_space<vmem>>
    %dma_wait3A_33 = tpu.memref_squeeze %dma_wait3A_32 : memref<1x128xi32, #tpu.memory_space<vmem>> -> memref<128xi32, #tpu.memory_space<vmem>>
    %dma_wait3A_34 = arith.constant 0 : i32
    %dma_wait3A_35 = tpu.memref_slice %arg14[%dma_wait3A_34] : memref<17280xf32, #tpu.memory_space<vmem_shared>> -> memref<17280xf32, #tpu.memory_space<vmem_shared>>
    tpu.wait_indirect_dma semaphore(%arg22 : memref<!tpu.dma_semaphore, #tpu.memory_space<semaphore_mem>>) src(%arg12 : memref<128xf32, #tpu.memory_space<vmem>>) dst(%dma_wait3A_35 : memref<17280xf32, #tpu.memory_space<vmem_shared>>)
    %barrier3A_36 = arith.constant 0 : index
    tpu.barrier barrier_id(%barrier3A_36)
    %mul3A_37 = arith.constant 1080 : i32
    %mul3A_38 = arith.muli %arg1, %mul3A_37 : i32
    "tpu.region"() ({
      %run_scoped3A = tpu.sem_alloc : memref<!tpu.dma_semaphore, #tpu.memory_space<semaphore_mem>>
      %dma_start3A_44 = tpu.memref_slice %arg14[%mul3A_38] : memref<17280xf32, #tpu.memory_space<vmem_shared>> -> memref<1080xf32, #tpu.memory_space<vmem_shared>>
      %dma_start3A_45 = tpu.memref_slice %arg14[%mul3A_38] : memref<17280xf32, #tpu.memory_space<vmem_shared>> -> memref<1080xf32, #tpu.memory_space<vmem_shared>>
      tpu.enqueue_dma source(%dma_start3A_45 : memref<1080xf32, #tpu.memory_space<vmem_shared>>) target(%arg13 : memref<1080xf32, #tpu.memory_space<vmem>>) target_semaphore(%run_scoped3A : memref<!tpu.dma_semaphore, #tpu.memory_space<semaphore_mem>>)
      %dma_wait3A_46 = tpu.memref_slice %arg14[%mul3A_38] : memref<17280xf32, #tpu.memory_space<vmem_shared>> -> memref<1080xf32, #tpu.memory_space<vmem_shared>>
      %dma_wait3A_47 = tpu.memref_slice %arg14[%mul3A_38] : memref<17280xf32, #tpu.memory_space<vmem_shared>> -> memref<1080xf32, #tpu.memory_space<vmem_shared>>
      tpu.wait_dma2 semaphore(%run_scoped3A : memref<!tpu.dma_semaphore, #tpu.memory_space<semaphore_mem>>) src(%dma_wait3A_47 : memref<1080xf32, #tpu.memory_space<vmem_shared>>) dst(%arg13 : memref<1080xf32, #tpu.memory_space<vmem>>)
      tpu.yield
    }) : () -> ()
    %mul3A_39 = arith.constant 17280 : i32
    %mul3A_40 = arith.muli %arg0, %mul3A_39 : i32
    %mul3A_41 = arith.constant 1080 : i32
    %mul3A_42 = arith.muli %arg1, %mul3A_41 : i32
    %add3A_43 = arith.addi %mul3A_40, %mul3A_42 : i32
    "tpu.region"() ({
      %run_scoped3A = tpu.sem_alloc : memref<!tpu.dma_semaphore, #tpu.memory_space<semaphore_mem>>
      %dma_start3A_44 = tpu.memref_slice %arg6[%add3A_43] : memref<34560xf32, #tpu.memory_space<hbm>> -> memref<1080xf32, #tpu.memory_space<hbm>>
      %dma_start3A_45 = tpu.memref_slice %arg6[%add3A_43] : memref<34560xf32, #tpu.memory_space<hbm>> -> memref<1080xf32, #tpu.memory_space<hbm>>
      tpu.enqueue_dma source(%arg13 : memref<1080xf32, #tpu.memory_space<vmem>>) target(%dma_start3A_45 : memref<1080xf32, #tpu.memory_space<hbm>>) target_semaphore(%run_scoped3A : memref<!tpu.dma_semaphore, #tpu.memory_space<semaphore_mem>>)
      %dma_wait3A_46 = tpu.memref_slice %arg6[%add3A_43] : memref<34560xf32, #tpu.memory_space<hbm>> -> memref<1080xf32, #tpu.memory_space<hbm>>
      %dma_wait3A_47 = tpu.memref_slice %arg6[%add3A_43] : memref<34560xf32, #tpu.memory_space<hbm>> -> memref<1080xf32, #tpu.memory_space<hbm>>
      tpu.wait_dma2 semaphore(%run_scoped3A : memref<!tpu.dma_semaphore, #tpu.memory_space<semaphore_mem>>) src(%arg13 : memref<1080xf32, #tpu.memory_space<vmem>>) dst(%dma_wait3A_47 : memref<1080xf32, #tpu.memory_space<hbm>>)
      tpu.yield
    }) : () -> ()
    return
  }
}

#map = affine_map<(d0, d1) -> (0, 0)>
#map1 = affine_map<(d0, d1) -> (0)>
module attributes {stable_mosaic.version = 14 : i64} {
  func.func @body(%arg0: i32, %arg1: i32, %arg2: memref<4352x128xi32, #tpu.memory_space<hbm>>, %arg3: memref<4352x128xi32, #tpu.memory_space<hbm>>, %arg4: memref<17280xf32, #tpu.memory_space<hbm>>, %arg5: memref<17280xf32, #tpu.memory_space<hbm>>, %arg6: memref<34560xf32, #tpu.memory_space<hbm>>, %arg7: memref<136x128xi32, #tpu.memory_space<vmem>>, %arg8: memref<136x128xi32, #tpu.memory_space<vmem>>, %arg9: memref<128xf32, #tpu.memory_space<vmem>>, %arg10: memref<128xf32, #tpu.memory_space<vmem>>, %arg11: memref<128xf32, #tpu.memory_space<vmem>>, %arg12: memref<128xf32, #tpu.memory_space<vmem>>, %arg13: memref<1080xf32, #tpu.memory_space<vmem>>, %arg14: memref<17280xf32, #tpu.memory_space<vmem_shared>>, %arg15: memref<!tpu.dma_semaphore, #tpu.memory_space<semaphore_mem>>, %arg16: memref<!tpu.dma_semaphore, #tpu.memory_space<semaphore_mem>>, %arg17: memref<!tpu.dma_semaphore, #tpu.memory_space<semaphore_mem>>, %arg18: memref<!tpu.dma_semaphore, #tpu.memory_space<semaphore_mem>>, %arg19: memref<!tpu.dma_semaphore, #tpu.memory_space<semaphore_mem>>, %arg20: memref<!tpu.dma_semaphore, #tpu.memory_space<semaphore_mem>>, %arg21: memref<!tpu.dma_semaphore, #tpu.memory_space<semaphore_mem>>, %arg22: memref<!tpu.dma_semaphore, #tpu.memory_space<semaphore_mem>>) attributes {dimension_semantics = [#tpu.dimension_semantics<core_parallel>, #tpu.dimension_semantics<subcore_parallel>], iteration_bounds = array<i64: 2, 16>, scalar_prefetch = 0 : i64, scratch_operands = 16 : i64, tpu.core_type = #tpu.core_type<sc_vector_subcore>, window_params = [{transform_indices = #map}, {transform_indices = #map}, {transform_indices = #map1}, {transform_indices = #map1}, {transform_indices = #map1}]} {
    %mul3A = arith.constant 16 : i32
    %mul3A_0 = arith.muli %arg0, %mul3A : i32
    %add3A = arith.addi %mul3A_0, %arg1 : i32
    %mul3A_1 = arith.constant 1080 : i32
    %mul3A_2 = arith.muli %arg1, %mul3A_1 : i32
    "tpu.region"() ({
      %run_scoped3A = tpu.sem_alloc : memref<!tpu.dma_semaphore, #tpu.memory_space<semaphore_mem>>
      %dma_start3A_44 = tpu.memref_slice %arg5[%mul3A_2] : memref<17280xf32, #tpu.memory_space<hbm>> -> memref<1080xf32, #tpu.memory_space<hbm>>
      %dma_start3A_45 = tpu.memref_slice %arg5[%mul3A_2] : memref<17280xf32, #tpu.memory_space<hbm>> -> memref<1080xf32, #tpu.memory_space<hbm>>
      tpu.enqueue_dma source(%dma_start3A_45 : memref<1080xf32, #tpu.memory_space<hbm>>) target(%arg13 : memref<1080xf32, #tpu.memory_space<vmem>>) target_semaphore(%run_scoped3A : memref<!tpu.dma_semaphore, #tpu.memory_space<semaphore_mem>>)
      %dma_wait3A_46 = tpu.memref_slice %arg5[%mul3A_2] : memref<17280xf32, #tpu.memory_space<hbm>> -> memref<1080xf32, #tpu.memory_space<hbm>>
      %dma_wait3A_47 = tpu.memref_slice %arg5[%mul3A_2] : memref<17280xf32, #tpu.memory_space<hbm>> -> memref<1080xf32, #tpu.memory_space<hbm>>
      tpu.wait_dma2 semaphore(%run_scoped3A : memref<!tpu.dma_semaphore, #tpu.memory_space<semaphore_mem>>) src(%dma_wait3A_47 : memref<1080xf32, #tpu.memory_space<hbm>>) dst(%arg13 : memref<1080xf32, #tpu.memory_space<vmem>>)
      tpu.yield
    }) : () -> ()
    %mul3A_3 = arith.constant 1080 : i32
    %mul3A_4 = arith.muli %arg1, %mul3A_3 : i32
    "tpu.region"() ({
      %run_scoped3A = tpu.sem_alloc : memref<!tpu.dma_semaphore, #tpu.memory_space<semaphore_mem>>
      %dma_start3A_44 = tpu.memref_slice %arg14[%mul3A_4] : memref<17280xf32, #tpu.memory_space<vmem_shared>> -> memref<1080xf32, #tpu.memory_space<vmem_shared>>
      %dma_start3A_45 = tpu.memref_slice %arg14[%mul3A_4] : memref<17280xf32, #tpu.memory_space<vmem_shared>> -> memref<1080xf32, #tpu.memory_space<vmem_shared>>
      tpu.enqueue_dma source(%arg13 : memref<1080xf32, #tpu.memory_space<vmem>>) target(%dma_start3A_45 : memref<1080xf32, #tpu.memory_space<vmem_shared>>) target_semaphore(%run_scoped3A : memref<!tpu.dma_semaphore, #tpu.memory_space<semaphore_mem>>)
      %dma_wait3A_46 = tpu.memref_slice %arg14[%mul3A_4] : memref<17280xf32, #tpu.memory_space<vmem_shared>> -> memref<1080xf32, #tpu.memory_space<vmem_shared>>
      %dma_wait3A_47 = tpu.memref_slice %arg14[%mul3A_4] : memref<17280xf32, #tpu.memory_space<vmem_shared>> -> memref<1080xf32, #tpu.memory_space<vmem_shared>>
      tpu.wait_dma2 semaphore(%run_scoped3A : memref<!tpu.dma_semaphore, #tpu.memory_space<semaphore_mem>>) src(%arg13 : memref<1080xf32, #tpu.memory_space<vmem>>) dst(%dma_wait3A_47 : memref<1080xf32, #tpu.memory_space<vmem_shared>>)
      tpu.yield
    }) : () -> ()
    %mul3A_5 = arith.constant 136 : i32
    %mul3A_6 = arith.muli %add3A, %mul3A_5 : i32
    "tpu.region"() ({
      %run_scoped3A = tpu.sem_alloc : memref<!tpu.dma_semaphore, #tpu.memory_space<semaphore_mem>>
      %dma_start3A_44 = arith.constant 0 : i32
      %dma_start3A_45 = tpu.memref_slice %arg2[%mul3A_6, %dma_start3A_44] : memref<4352x128xi32, #tpu.memory_space<hbm>> -> memref<136x128xi32, #tpu.memory_space<hbm>>
      %dma_start3A_46 = arith.constant 0 : i32
      %dma_start3A_47 = tpu.memref_slice %arg2[%mul3A_6, %dma_start3A_46] : memref<4352x128xi32, #tpu.memory_space<hbm>> -> memref<136x128xi32, #tpu.memory_space<hbm>>
      tpu.enqueue_dma source(%dma_start3A_47 : memref<136x128xi32, #tpu.memory_space<hbm>>) target(%arg7 : memref<136x128xi32, #tpu.memory_space<vmem>>) target_semaphore(%run_scoped3A : memref<!tpu.dma_semaphore, #tpu.memory_space<semaphore_mem>>)
      %dma_wait3A_48 = arith.constant 0 : i32
      %dma_wait3A_49 = tpu.memref_slice %arg2[%mul3A_6, %dma_wait3A_48] : memref<4352x128xi32, #tpu.memory_space<hbm>> -> memref<136x128xi32, #tpu.memory_space<hbm>>
      %dma_wait3A_50 = arith.constant 0 : i32
      %dma_wait3A_51 = tpu.memref_slice %arg2[%mul3A_6, %dma_wait3A_50] : memref<4352x128xi32, #tpu.memory_space<hbm>> -> memref<136x128xi32, #tpu.memory_space<hbm>>
      tpu.wait_dma2 semaphore(%run_scoped3A : memref<!tpu.dma_semaphore, #tpu.memory_space<semaphore_mem>>) src(%dma_wait3A_51 : memref<136x128xi32, #tpu.memory_space<hbm>>) dst(%arg7 : memref<136x128xi32, #tpu.memory_space<vmem>>)
      tpu.yield
    }) : () -> ()
    %mul3A_7 = arith.constant 136 : i32
    %mul3A_8 = arith.muli %add3A, %mul3A_7 : i32
    "tpu.region"() ({
      %run_scoped3A = tpu.sem_alloc : memref<!tpu.dma_semaphore, #tpu.memory_space<semaphore_mem>>
      %dma_start3A_44 = arith.constant 0 : i32
      %dma_start3A_45 = tpu.memref_slice %arg3[%mul3A_8, %dma_start3A_44] : memref<4352x128xi32, #tpu.memory_space<hbm>> -> memref<136x128xi32, #tpu.memory_space<hbm>>
      %dma_start3A_46 = arith.constant 0 : i32
      %dma_start3A_47 = tpu.memref_slice %arg3[%mul3A_8, %dma_start3A_46] : memref<4352x128xi32, #tpu.memory_space<hbm>> -> memref<136x128xi32, #tpu.memory_space<hbm>>
      tpu.enqueue_dma source(%dma_start3A_47 : memref<136x128xi32, #tpu.memory_space<hbm>>) target(%arg8 : memref<136x128xi32, #tpu.memory_space<vmem>>) target_semaphore(%run_scoped3A : memref<!tpu.dma_semaphore, #tpu.memory_space<semaphore_mem>>)
      %dma_wait3A_48 = arith.constant 0 : i32
      %dma_wait3A_49 = tpu.memref_slice %arg3[%mul3A_8, %dma_wait3A_48] : memref<4352x128xi32, #tpu.memory_space<hbm>> -> memref<136x128xi32, #tpu.memory_space<hbm>>
      %dma_wait3A_50 = arith.constant 0 : i32
      %dma_wait3A_51 = tpu.memref_slice %arg3[%mul3A_8, %dma_wait3A_50] : memref<4352x128xi32, #tpu.memory_space<hbm>> -> memref<136x128xi32, #tpu.memory_space<hbm>>
      tpu.wait_dma2 semaphore(%run_scoped3A : memref<!tpu.dma_semaphore, #tpu.memory_space<semaphore_mem>>) src(%dma_wait3A_51 : memref<136x128xi32, #tpu.memory_space<hbm>>) dst(%arg8 : memref<136x128xi32, #tpu.memory_space<vmem>>)
      tpu.yield
    }) : () -> ()
    %barrier3A = arith.constant 0 : index
    tpu.barrier barrier_id(%barrier3A)
    %dma_start3A = arith.constant 0 : i32
    %dma_start3A_9 = arith.constant 0 : i32
    %dma_start3A_10 = tpu.memref_slice %arg7[%dma_start3A, %dma_start3A_9] : memref<136x128xi32, #tpu.memory_space<vmem>> -> memref<1x128xi32, #tpu.memory_space<vmem>>
    %dma_start3A_11 = tpu.memref_squeeze %dma_start3A_10 : memref<1x128xi32, #tpu.memory_space<vmem>> -> memref<128xi32, #tpu.memory_space<vmem>>
    %dma_start3A_12 = arith.constant 0 : i32
    %dma_start3A_13 = tpu.memref_slice %arg4[%dma_start3A_12] : memref<17280xf32, #tpu.memory_space<hbm>> -> memref<17280xf32, #tpu.memory_space<hbm>>
    tpu.enqueue_indirect_dma source(%dma_start3A_13 : memref<17280xf32, #tpu.memory_space<hbm>>) target(%arg9 : memref<128xf32, #tpu.memory_space<vmem>>) offsets(%dma_start3A_11 : memref<128xi32, #tpu.memory_space<vmem>>) semaphore(%arg15 : memref<!tpu.dma_semaphore, #tpu.memory_space<semaphore_mem>>)
    %dma_start3A_14 = arith.constant 1 : i32
    %dma_start3A_15 = arith.constant 0 : i32
    %dma_start3A_16 = tpu.memref_slice %arg7[%dma_start3A_14, %dma_start3A_15] : memref<136x128xi32, #tpu.memory_space<vmem>> -> memref<1x128xi32, #tpu.memory_space<vmem>>
    %dma_start3A_17 = tpu.memref_squeeze %dma_start3A_16 : memref<1x128xi32, #tpu.memory_space<vmem>> -> memref<128xi32, #tpu.memory_space<vmem>>
    %dma_start3A_18 = arith.constant 0 : i32
    %dma_start3A_19 = tpu.memref_slice %arg4[%dma_start3A_18] : memref<17280xf32, #tpu.memory_space<hbm>> -> memref<17280xf32, #tpu.memory_space<hbm>>
    tpu.enqueue_indirect_dma source(%dma_start3A_19 : memref<17280xf32, #tpu.memory_space<hbm>>) target(%arg10 : memref<128xf32, #tpu.memory_space<vmem>>) offsets(%dma_start3A_17 : memref<128xi32, #tpu.memory_space<vmem>>) semaphore(%arg16 : memref<!tpu.dma_semaphore, #tpu.memory_space<semaphore_mem>>)
    %scan3A = arith.constant 0 : i32
    %scan3A_20 = arith.constant 0 : i32
    %scan3A_21 = arith.constant 34 : i32
    %scan3A_22 = arith.addi %scan3A_20, %scan3A_21 : i32
    %scan3A_23 = arith.constant 1 : i32
    scf.for %scan3A_44 = %scan3A_20 to %scan3A_22 step %scan3A_23  : i32 {
      %mul3A_45 = arith.constant 4 : i32
      %mul3A_46 = arith.muli %mul3A_45, %scan3A_44 : i32
      %add3A_47 = arith.constant 0 : i32
      %add3A_48 = arith.addi %mul3A_46, %add3A_47 : i32
      %dma_wait3A_49 = arith.constant 0 : i32
      %dma_wait3A_50 = tpu.memref_slice %arg7[%add3A_48, %dma_wait3A_49] : memref<136x128xi32, #tpu.memory_space<vmem>> -> memref<1x128xi32, #tpu.memory_space<vmem>>
      %dma_wait3A_51 = tpu.memref_squeeze %dma_wait3A_50 : memref<1x128xi32, #tpu.memory_space<vmem>> -> memref<128xi32, #tpu.memory_space<vmem>>
      %dma_wait3A_52 = arith.constant 0 : i32
      %dma_wait3A_53 = tpu.memref_slice %arg4[%dma_wait3A_52] : memref<17280xf32, #tpu.memory_space<hbm>> -> memref<17280xf32, #tpu.memory_space<hbm>>
      tpu.wait_indirect_dma semaphore(%arg15 : memref<!tpu.dma_semaphore, #tpu.memory_space<semaphore_mem>>) src(%dma_wait3A_53 : memref<17280xf32, #tpu.memory_space<hbm>>) dst(%arg9 : memref<128xf32, #tpu.memory_space<vmem>>)
      %dma_start3A_54 = arith.constant 0 : i32
      %dma_start3A_55 = tpu.memref_slice %arg8[%add3A_48, %dma_start3A_54] : memref<136x128xi32, #tpu.memory_space<vmem>> -> memref<1x128xi32, #tpu.memory_space<vmem>>
      %dma_start3A_56 = tpu.memref_squeeze %dma_start3A_55 : memref<1x128xi32, #tpu.memory_space<vmem>> -> memref<128xi32, #tpu.memory_space<vmem>>
      %dma_start3A_57 = arith.constant 0 : i32
      %dma_start3A_58 = tpu.memref_slice %arg14[%dma_start3A_57] : memref<17280xf32, #tpu.memory_space<vmem_shared>> -> memref<17280xf32, #tpu.memory_space<vmem_shared>>
      tpu.enqueue_indirect_dma source(%arg9 : memref<128xf32, #tpu.memory_space<vmem>>) target(%dma_start3A_58 : memref<17280xf32, #tpu.memory_space<vmem_shared>>) offsets(%dma_start3A_56 : memref<128xi32, #tpu.memory_space<vmem>>) semaphore(%arg19 : memref<!tpu.dma_semaphore, #tpu.memory_space<semaphore_mem>>) {add = true}
      %add3A_59 = arith.constant 2 : i32
      %add3A_60 = arith.addi %add3A_48, %add3A_59 : i32
      %ge3A = arith.constant 4 : i32
      %ge3A_61 = arith.cmpi sge, %add3A_60, %ge3A : i32
      %convert_element_type3A = arith.extui %ge3A_61 : i1 to i32
      %cond3A = arith.constant 0 : i32
      %cond3A_62 = arith.cmpi ne, %convert_element_type3A, %cond3A : i32
      scf.if %cond3A_62 {
        %add3A_147 = arith.constant 2 : i32
        %add3A_148 = arith.addi %add3A_48, %add3A_147 : i32
        %sub3A = arith.constant 4 : i32
        %sub3A_149 = arith.subi %add3A_148, %sub3A : i32
        %dma_wait3A_150 = arith.constant 0 : i32
        %dma_wait3A_151 = tpu.memref_slice %arg8[%sub3A_149, %dma_wait3A_150] : memref<136x128xi32, #tpu.memory_space<vmem>> -> memref<1x128xi32, #tpu.memory_space<vmem>>
        %dma_wait3A_152 = tpu.memref_squeeze %dma_wait3A_151 : memref<1x128xi32, #tpu.memory_space<vmem>> -> memref<128xi32, #tpu.memory_space<vmem>>
        %dma_wait3A_153 = arith.constant 0 : i32
        %dma_wait3A_154 = tpu.memref_slice %arg14[%dma_wait3A_153] : memref<17280xf32, #tpu.memory_space<vmem_shared>> -> memref<17280xf32, #tpu.memory_space<vmem_shared>>
        tpu.wait_indirect_dma semaphore(%arg21 : memref<!tpu.dma_semaphore, #tpu.memory_space<semaphore_mem>>) src(%arg11 : memref<128xf32, #tpu.memory_space<vmem>>) dst(%dma_wait3A_154 : memref<17280xf32, #tpu.memory_space<vmem_shared>>)
      } else {
      }
      %add3A_63 = arith.constant 2 : i32
      %add3A_64 = arith.addi %add3A_48, %add3A_63 : i32
      %lt3A = arith.constant 136 : i32
      %lt3A_65 = arith.cmpi slt, %add3A_64, %lt3A : i32
      %convert_element_type3A_66 = arith.extui %lt3A_65 : i1 to i32
      %cond3A_67 = arith.constant 0 : i32
      %cond3A_68 = arith.cmpi ne, %convert_element_type3A_66, %cond3A_67 : i32
      scf.if %cond3A_68 {
        %add3A_147 = arith.constant 2 : i32
        %add3A_148 = arith.addi %add3A_48, %add3A_147 : i32
        %dma_start3A_149 = arith.constant 0 : i32
        %dma_start3A_150 = tpu.memref_slice %arg7[%add3A_148, %dma_start3A_149] : memref<136x128xi32, #tpu.memory_space<vmem>> -> memref<1x128xi32, #tpu.memory_space<vmem>>
        %dma_start3A_151 = tpu.memref_squeeze %dma_start3A_150 : memref<1x128xi32, #tpu.memory_space<vmem>> -> memref<128xi32, #tpu.memory_space<vmem>>
        %dma_start3A_152 = arith.constant 0 : i32
        %dma_start3A_153 = tpu.memref_slice %arg4[%dma_start3A_152] : memref<17280xf32, #tpu.memory_space<hbm>> -> memref<17280xf32, #tpu.memory_space<hbm>>
        tpu.enqueue_indirect_dma source(%dma_start3A_153 : memref<17280xf32, #tpu.memory_space<hbm>>) target(%arg11 : memref<128xf32, #tpu.memory_space<vmem>>) offsets(%dma_start3A_151 : memref<128xi32, #tpu.memory_space<vmem>>) semaphore(%arg17 : memref<!tpu.dma_semaphore, #tpu.memory_space<semaphore_mem>>)
      } else {
      }
      %add3A_69 = arith.constant 1 : i32
      %add3A_70 = arith.addi %mul3A_46, %add3A_69 : i32
      %dma_wait3A_71 = arith.constant 0 : i32
      %dma_wait3A_72 = tpu.memref_slice %arg7[%add3A_70, %dma_wait3A_71] : memref<136x128xi32, #tpu.memory_space<vmem>> -> memref<1x128xi32, #tpu.memory_space<vmem>>
      %dma_wait3A_73 = tpu.memref_squeeze %dma_wait3A_72 : memref<1x128xi32, #tpu.memory_space<vmem>> -> memref<128xi32, #tpu.memory_space<vmem>>
      %dma_wait3A_74 = arith.constant 0 : i32
      %dma_wait3A_75 = tpu.memref_slice %arg4[%dma_wait3A_74] : memref<17280xf32, #tpu.memory_space<hbm>> -> memref<17280xf32, #tpu.memory_space<hbm>>
      tpu.wait_indirect_dma semaphore(%arg16 : memref<!tpu.dma_semaphore, #tpu.memory_space<semaphore_mem>>) src(%dma_wait3A_75 : memref<17280xf32, #tpu.memory_space<hbm>>) dst(%arg10 : memref<128xf32, #tpu.memory_space<vmem>>)
      %dma_start3A_76 = arith.constant 0 : i32
      %dma_start3A_77 = tpu.memref_slice %arg8[%add3A_70, %dma_start3A_76] : memref<136x128xi32, #tpu.memory_space<vmem>> -> memref<1x128xi32, #tpu.memory_space<vmem>>
      %dma_start3A_78 = tpu.memref_squeeze %dma_start3A_77 : memref<1x128xi32, #tpu.memory_space<vmem>> -> memref<128xi32, #tpu.memory_space<vmem>>
      %dma_start3A_79 = arith.constant 0 : i32
      %dma_start3A_80 = tpu.memref_slice %arg14[%dma_start3A_79] : memref<17280xf32, #tpu.memory_space<vmem_shared>> -> memref<17280xf32, #tpu.memory_space<vmem_shared>>
      tpu.enqueue_indirect_dma source(%arg10 : memref<128xf32, #tpu.memory_space<vmem>>) target(%dma_start3A_80 : memref<17280xf32, #tpu.memory_space<vmem_shared>>) offsets(%dma_start3A_78 : memref<128xi32, #tpu.memory_space<vmem>>) semaphore(%arg20 : memref<!tpu.dma_semaphore, #tpu.memory_space<semaphore_mem>>) {add = true}
      %add3A_81 = arith.constant 2 : i32
      %add3A_82 = arith.addi %add3A_70, %add3A_81 : i32
      %ge3A_83 = arith.constant 4 : i32
      %ge3A_84 = arith.cmpi sge, %add3A_82, %ge3A_83 : i32
      %convert_element_type3A_85 = arith.extui %ge3A_84 : i1 to i32
      %cond3A_86 = arith.constant 0 : i32
      %cond3A_87 = arith.cmpi ne, %convert_element_type3A_85, %cond3A_86 : i32
      scf.if %cond3A_87 {
        %add3A_147 = arith.constant 2 : i32
        %add3A_148 = arith.addi %add3A_70, %add3A_147 : i32
        %sub3A = arith.constant 4 : i32
        %sub3A_149 = arith.subi %add3A_148, %sub3A : i32
        %dma_wait3A_150 = arith.constant 0 : i32
        %dma_wait3A_151 = tpu.memref_slice %arg8[%sub3A_149, %dma_wait3A_150] : memref<136x128xi32, #tpu.memory_space<vmem>> -> memref<1x128xi32, #tpu.memory_space<vmem>>
        %dma_wait3A_152 = tpu.memref_squeeze %dma_wait3A_151 : memref<1x128xi32, #tpu.memory_space<vmem>> -> memref<128xi32, #tpu.memory_space<vmem>>
        %dma_wait3A_153 = arith.constant 0 : i32
        %dma_wait3A_154 = tpu.memref_slice %arg14[%dma_wait3A_153] : memref<17280xf32, #tpu.memory_space<vmem_shared>> -> memref<17280xf32, #tpu.memory_space<vmem_shared>>
        tpu.wait_indirect_dma semaphore(%arg22 : memref<!tpu.dma_semaphore, #tpu.memory_space<semaphore_mem>>) src(%arg12 : memref<128xf32, #tpu.memory_space<vmem>>) dst(%dma_wait3A_154 : memref<17280xf32, #tpu.memory_space<vmem_shared>>)
      } else {
      }
      %add3A_88 = arith.constant 2 : i32
      %add3A_89 = arith.addi %add3A_70, %add3A_88 : i32
      %lt3A_90 = arith.constant 136 : i32
      %lt3A_91 = arith.cmpi slt, %add3A_89, %lt3A_90 : i32
      %convert_element_type3A_92 = arith.extui %lt3A_91 : i1 to i32
      %cond3A_93 = arith.constant 0 : i32
      %cond3A_94 = arith.cmpi ne, %convert_element_type3A_92, %cond3A_93 : i32
      scf.if %cond3A_94 {
        %add3A_147 = arith.constant 2 : i32
        %add3A_148 = arith.addi %add3A_70, %add3A_147 : i32
        %dma_start3A_149 = arith.constant 0 : i32
        %dma_start3A_150 = tpu.memref_slice %arg7[%add3A_148, %dma_start3A_149] : memref<136x128xi32, #tpu.memory_space<vmem>> -> memref<1x128xi32, #tpu.memory_space<vmem>>
        %dma_start3A_151 = tpu.memref_squeeze %dma_start3A_150 : memref<1x128xi32, #tpu.memory_space<vmem>> -> memref<128xi32, #tpu.memory_space<vmem>>
        %dma_start3A_152 = arith.constant 0 : i32
        %dma_start3A_153 = tpu.memref_slice %arg4[%dma_start3A_152] : memref<17280xf32, #tpu.memory_space<hbm>> -> memref<17280xf32, #tpu.memory_space<hbm>>
        tpu.enqueue_indirect_dma source(%dma_start3A_153 : memref<17280xf32, #tpu.memory_space<hbm>>) target(%arg12 : memref<128xf32, #tpu.memory_space<vmem>>) offsets(%dma_start3A_151 : memref<128xi32, #tpu.memory_space<vmem>>) semaphore(%arg18 : memref<!tpu.dma_semaphore, #tpu.memory_space<semaphore_mem>>)
      } else {
      }
      %add3A_95 = arith.constant 2 : i32
      %add3A_96 = arith.addi %mul3A_46, %add3A_95 : i32
      %dma_wait3A_97 = arith.constant 0 : i32
      %dma_wait3A_98 = tpu.memref_slice %arg7[%add3A_96, %dma_wait3A_97] : memref<136x128xi32, #tpu.memory_space<vmem>> -> memref<1x128xi32, #tpu.memory_space<vmem>>
      %dma_wait3A_99 = tpu.memref_squeeze %dma_wait3A_98 : memref<1x128xi32, #tpu.memory_space<vmem>> -> memref<128xi32, #tpu.memory_space<vmem>>
      %dma_wait3A_100 = arith.constant 0 : i32
      %dma_wait3A_101 = tpu.memref_slice %arg4[%dma_wait3A_100] : memref<17280xf32, #tpu.memory_space<hbm>> -> memref<17280xf32, #tpu.memory_space<hbm>>
      tpu.wait_indirect_dma semaphore(%arg17 : memref<!tpu.dma_semaphore, #tpu.memory_space<semaphore_mem>>) src(%dma_wait3A_101 : memref<17280xf32, #tpu.memory_space<hbm>>) dst(%arg11 : memref<128xf32, #tpu.memory_space<vmem>>)
      %dma_start3A_102 = arith.constant 0 : i32
      %dma_start3A_103 = tpu.memref_slice %arg8[%add3A_96, %dma_start3A_102] : memref<136x128xi32, #tpu.memory_space<vmem>> -> memref<1x128xi32, #tpu.memory_space<vmem>>
      %dma_start3A_104 = tpu.memref_squeeze %dma_start3A_103 : memref<1x128xi32, #tpu.memory_space<vmem>> -> memref<128xi32, #tpu.memory_space<vmem>>
      %dma_start3A_105 = arith.constant 0 : i32
      %dma_start3A_106 = tpu.memref_slice %arg14[%dma_start3A_105] : memref<17280xf32, #tpu.memory_space<vmem_shared>> -> memref<17280xf32, #tpu.memory_space<vmem_shared>>
      tpu.enqueue_indirect_dma source(%arg11 : memref<128xf32, #tpu.memory_space<vmem>>) target(%dma_start3A_106 : memref<17280xf32, #tpu.memory_space<vmem_shared>>) offsets(%dma_start3A_104 : memref<128xi32, #tpu.memory_space<vmem>>) semaphore(%arg21 : memref<!tpu.dma_semaphore, #tpu.memory_space<semaphore_mem>>) {add = true}
      %add3A_107 = arith.constant 2 : i32
      %add3A_108 = arith.addi %add3A_96, %add3A_107 : i32
      %ge3A_109 = arith.constant 4 : i32
      %ge3A_110 = arith.cmpi sge, %add3A_108, %ge3A_109 : i32
      %convert_element_type3A_111 = arith.extui %ge3A_110 : i1 to i32
      %cond3A_112 = arith.constant 0 : i32
      %cond3A_113 = arith.cmpi ne, %convert_element_type3A_111, %cond3A_112 : i32
      scf.if %cond3A_113 {
        %add3A_147 = arith.constant 2 : i32
        %add3A_148 = arith.addi %add3A_96, %add3A_147 : i32
        %sub3A = arith.constant 4 : i32
        %sub3A_149 = arith.subi %add3A_148, %sub3A : i32
        %dma_wait3A_150 = arith.constant 0 : i32
        %dma_wait3A_151 = tpu.memref_slice %arg8[%sub3A_149, %dma_wait3A_150] : memref<136x128xi32, #tpu.memory_space<vmem>> -> memref<1x128xi32, #tpu.memory_space<vmem>>
        %dma_wait3A_152 = tpu.memref_squeeze %dma_wait3A_151 : memref<1x128xi32, #tpu.memory_space<vmem>> -> memref<128xi32, #tpu.memory_space<vmem>>
        %dma_wait3A_153 = arith.constant 0 : i32
        %dma_wait3A_154 = tpu.memref_slice %arg14[%dma_wait3A_153] : memref<17280xf32, #tpu.memory_space<vmem_shared>> -> memref<17280xf32, #tpu.memory_space<vmem_shared>>
        tpu.wait_indirect_dma semaphore(%arg19 : memref<!tpu.dma_semaphore, #tpu.memory_space<semaphore_mem>>) src(%arg9 : memref<128xf32, #tpu.memory_space<vmem>>) dst(%dma_wait3A_154 : memref<17280xf32, #tpu.memory_space<vmem_shared>>)
      } else {
      }
      %add3A_114 = arith.constant 2 : i32
      %add3A_115 = arith.addi %add3A_96, %add3A_114 : i32
      %lt3A_116 = arith.constant 136 : i32
      %lt3A_117 = arith.cmpi slt, %add3A_115, %lt3A_116 : i32
      %convert_element_type3A_118 = arith.extui %lt3A_117 : i1 to i32
      %cond3A_119 = arith.constant 0 : i32
      %cond3A_120 = arith.cmpi ne, %convert_element_type3A_118, %cond3A_119 : i32
      scf.if %cond3A_120 {
        %add3A_147 = arith.constant 2 : i32
        %add3A_148 = arith.addi %add3A_96, %add3A_147 : i32
        %dma_start3A_149 = arith.constant 0 : i32
        %dma_start3A_150 = tpu.memref_slice %arg7[%add3A_148, %dma_start3A_149] : memref<136x128xi32, #tpu.memory_space<vmem>> -> memref<1x128xi32, #tpu.memory_space<vmem>>
        %dma_start3A_151 = tpu.memref_squeeze %dma_start3A_150 : memref<1x128xi32, #tpu.memory_space<vmem>> -> memref<128xi32, #tpu.memory_space<vmem>>
        %dma_start3A_152 = arith.constant 0 : i32
        %dma_start3A_153 = tpu.memref_slice %arg4[%dma_start3A_152] : memref<17280xf32, #tpu.memory_space<hbm>> -> memref<17280xf32, #tpu.memory_space<hbm>>
        tpu.enqueue_indirect_dma source(%dma_start3A_153 : memref<17280xf32, #tpu.memory_space<hbm>>) target(%arg9 : memref<128xf32, #tpu.memory_space<vmem>>) offsets(%dma_start3A_151 : memref<128xi32, #tpu.memory_space<vmem>>) semaphore(%arg15 : memref<!tpu.dma_semaphore, #tpu.memory_space<semaphore_mem>>)
      } else {
      }
      %add3A_121 = arith.constant 3 : i32
      %add3A_122 = arith.addi %mul3A_46, %add3A_121 : i32
      %dma_wait3A_123 = arith.constant 0 : i32
      %dma_wait3A_124 = tpu.memref_slice %arg7[%add3A_122, %dma_wait3A_123] : memref<136x128xi32, #tpu.memory_space<vmem>> -> memref<1x128xi32, #tpu.memory_space<vmem>>
      %dma_wait3A_125 = tpu.memref_squeeze %dma_wait3A_124 : memref<1x128xi32, #tpu.memory_space<vmem>> -> memref<128xi32, #tpu.memory_space<vmem>>
      %dma_wait3A_126 = arith.constant 0 : i32
      %dma_wait3A_127 = tpu.memref_slice %arg4[%dma_wait3A_126] : memref<17280xf32, #tpu.memory_space<hbm>> -> memref<17280xf32, #tpu.memory_space<hbm>>
      tpu.wait_indirect_dma semaphore(%arg18 : memref<!tpu.dma_semaphore, #tpu.memory_space<semaphore_mem>>) src(%dma_wait3A_127 : memref<17280xf32, #tpu.memory_space<hbm>>) dst(%arg12 : memref<128xf32, #tpu.memory_space<vmem>>)
      %dma_start3A_128 = arith.constant 0 : i32
      %dma_start3A_129 = tpu.memref_slice %arg8[%add3A_122, %dma_start3A_128] : memref<136x128xi32, #tpu.memory_space<vmem>> -> memref<1x128xi32, #tpu.memory_space<vmem>>
      %dma_start3A_130 = tpu.memref_squeeze %dma_start3A_129 : memref<1x128xi32, #tpu.memory_space<vmem>> -> memref<128xi32, #tpu.memory_space<vmem>>
      %dma_start3A_131 = arith.constant 0 : i32
      %dma_start3A_132 = tpu.memref_slice %arg14[%dma_start3A_131] : memref<17280xf32, #tpu.memory_space<vmem_shared>> -> memref<17280xf32, #tpu.memory_space<vmem_shared>>
      tpu.enqueue_indirect_dma source(%arg12 : memref<128xf32, #tpu.memory_space<vmem>>) target(%dma_start3A_132 : memref<17280xf32, #tpu.memory_space<vmem_shared>>) offsets(%dma_start3A_130 : memref<128xi32, #tpu.memory_space<vmem>>) semaphore(%arg22 : memref<!tpu.dma_semaphore, #tpu.memory_space<semaphore_mem>>) {add = true}
      %add3A_133 = arith.constant 2 : i32
      %add3A_134 = arith.addi %add3A_122, %add3A_133 : i32
      %ge3A_135 = arith.constant 4 : i32
      %ge3A_136 = arith.cmpi sge, %add3A_134, %ge3A_135 : i32
      %convert_element_type3A_137 = arith.extui %ge3A_136 : i1 to i32
      %cond3A_138 = arith.constant 0 : i32
      %cond3A_139 = arith.cmpi ne, %convert_element_type3A_137, %cond3A_138 : i32
      scf.if %cond3A_139 {
        %add3A_147 = arith.constant 2 : i32
        %add3A_148 = arith.addi %add3A_122, %add3A_147 : i32
        %sub3A = arith.constant 4 : i32
        %sub3A_149 = arith.subi %add3A_148, %sub3A : i32
        %dma_wait3A_150 = arith.constant 0 : i32
        %dma_wait3A_151 = tpu.memref_slice %arg8[%sub3A_149, %dma_wait3A_150] : memref<136x128xi32, #tpu.memory_space<vmem>> -> memref<1x128xi32, #tpu.memory_space<vmem>>
        %dma_wait3A_152 = tpu.memref_squeeze %dma_wait3A_151 : memref<1x128xi32, #tpu.memory_space<vmem>> -> memref<128xi32, #tpu.memory_space<vmem>>
        %dma_wait3A_153 = arith.constant 0 : i32
        %dma_wait3A_154 = tpu.memref_slice %arg14[%dma_wait3A_153] : memref<17280xf32, #tpu.memory_space<vmem_shared>> -> memref<17280xf32, #tpu.memory_space<vmem_shared>>
        tpu.wait_indirect_dma semaphore(%arg20 : memref<!tpu.dma_semaphore, #tpu.memory_space<semaphore_mem>>) src(%arg10 : memref<128xf32, #tpu.memory_space<vmem>>) dst(%dma_wait3A_154 : memref<17280xf32, #tpu.memory_space<vmem_shared>>)
      } else {
      }
      %add3A_140 = arith.constant 2 : i32
      %add3A_141 = arith.addi %add3A_122, %add3A_140 : i32
      %lt3A_142 = arith.constant 136 : i32
      %lt3A_143 = arith.cmpi slt, %add3A_141, %lt3A_142 : i32
      %convert_element_type3A_144 = arith.extui %lt3A_143 : i1 to i32
      %cond3A_145 = arith.constant 0 : i32
      %cond3A_146 = arith.cmpi ne, %convert_element_type3A_144, %cond3A_145 : i32
      scf.if %cond3A_146 {
        %add3A_147 = arith.constant 2 : i32
        %add3A_148 = arith.addi %add3A_122, %add3A_147 : i32
        %dma_start3A_149 = arith.constant 0 : i32
        %dma_start3A_150 = tpu.memref_slice %arg7[%add3A_148, %dma_start3A_149] : memref<136x128xi32, #tpu.memory_space<vmem>> -> memref<1x128xi32, #tpu.memory_space<vmem>>
        %dma_start3A_151 = tpu.memref_squeeze %dma_start3A_150 : memref<1x128xi32, #tpu.memory_space<vmem>> -> memref<128xi32, #tpu.memory_space<vmem>>
        %dma_start3A_152 = arith.constant 0 : i32
        %dma_start3A_153 = tpu.memref_slice %arg4[%dma_start3A_152] : memref<17280xf32, #tpu.memory_space<hbm>> -> memref<17280xf32, #tpu.memory_space<hbm>>
        tpu.enqueue_indirect_dma source(%dma_start3A_153 : memref<17280xf32, #tpu.memory_space<hbm>>) target(%arg10 : memref<128xf32, #tpu.memory_space<vmem>>) offsets(%dma_start3A_151 : memref<128xi32, #tpu.memory_space<vmem>>) semaphore(%arg16 : memref<!tpu.dma_semaphore, #tpu.memory_space<semaphore_mem>>)
      } else {
      }
    }
    %scan3A_24 = arith.constant 34 : i32
    %dma_wait3A = arith.constant 134 : i32
    %dma_wait3A_25 = arith.constant 0 : i32
    %dma_wait3A_26 = tpu.memref_slice %arg8[%dma_wait3A, %dma_wait3A_25] : memref<136x128xi32, #tpu.memory_space<vmem>> -> memref<1x128xi32, #tpu.memory_space<vmem>>
    %dma_wait3A_27 = tpu.memref_squeeze %dma_wait3A_26 : memref<1x128xi32, #tpu.memory_space<vmem>> -> memref<128xi32, #tpu.memory_space<vmem>>
    %dma_wait3A_28 = arith.constant 0 : i32
    %dma_wait3A_29 = tpu.memref_slice %arg14[%dma_wait3A_28] : memref<17280xf32, #tpu.memory_space<vmem_shared>> -> memref<17280xf32, #tpu.memory_space<vmem_shared>>
    tpu.wait_indirect_dma semaphore(%arg21 : memref<!tpu.dma_semaphore, #tpu.memory_space<semaphore_mem>>) src(%arg11 : memref<128xf32, #tpu.memory_space<vmem>>) dst(%dma_wait3A_29 : memref<17280xf32, #tpu.memory_space<vmem_shared>>)
    %dma_wait3A_30 = arith.constant 135 : i32
    %dma_wait3A_31 = arith.constant 0 : i32
    %dma_wait3A_32 = tpu.memref_slice %arg8[%dma_wait3A_30, %dma_wait3A_31] : memref<136x128xi32, #tpu.memory_space<vmem>> -> memref<1x128xi32, #tpu.memory_space<vmem>>
    %dma_wait3A_33 = tpu.memref_squeeze %dma_wait3A_32 : memref<1x128xi32, #tpu.memory_space<vmem>> -> memref<128xi32, #tpu.memory_space<vmem>>
    %dma_wait3A_34 = arith.constant 0 : i32
    %dma_wait3A_35 = tpu.memref_slice %arg14[%dma_wait3A_34] : memref<17280xf32, #tpu.memory_space<vmem_shared>> -> memref<17280xf32, #tpu.memory_space<vmem_shared>>
    tpu.wait_indirect_dma semaphore(%arg22 : memref<!tpu.dma_semaphore, #tpu.memory_space<semaphore_mem>>) src(%arg12 : memref<128xf32, #tpu.memory_space<vmem>>) dst(%dma_wait3A_35 : memref<17280xf32, #tpu.memory_space<vmem_shared>>)
    %barrier3A_36 = arith.constant 0 : index
    tpu.barrier barrier_id(%barrier3A_36)
    %mul3A_37 = arith.constant 1080 : i32
    %mul3A_38 = arith.muli %arg1, %mul3A_37 : i32
    "tpu.region"() ({
      %run_scoped3A = tpu.sem_alloc : memref<!tpu.dma_semaphore, #tpu.memory_space<semaphore_mem>>
      %dma_start3A_44 = tpu.memref_slice %arg14[%mul3A_38] : memref<17280xf32, #tpu.memory_space<vmem_shared>> -> memref<1080xf32, #tpu.memory_space<vmem_shared>>
      %dma_start3A_45 = tpu.memref_slice %arg14[%mul3A_38] : memref<17280xf32, #tpu.memory_space<vmem_shared>> -> memref<1080xf32, #tpu.memory_space<vmem_shared>>
      tpu.enqueue_dma source(%dma_start3A_45 : memref<1080xf32, #tpu.memory_space<vmem_shared>>) target(%arg13 : memref<1080xf32, #tpu.memory_space<vmem>>) target_semaphore(%run_scoped3A : memref<!tpu.dma_semaphore, #tpu.memory_space<semaphore_mem>>)
      %dma_wait3A_46 = tpu.memref_slice %arg14[%mul3A_38] : memref<17280xf32, #tpu.memory_space<vmem_shared>> -> memref<1080xf32, #tpu.memory_space<vmem_shared>>
      %dma_wait3A_47 = tpu.memref_slice %arg14[%mul3A_38] : memref<17280xf32, #tpu.memory_space<vmem_shared>> -> memref<1080xf32, #tpu.memory_space<vmem_shared>>
      tpu.wait_dma2 semaphore(%run_scoped3A : memref<!tpu.dma_semaphore, #tpu.memory_space<semaphore_mem>>) src(%dma_wait3A_47 : memref<1080xf32, #tpu.memory_space<vmem_shared>>) dst(%arg13 : memref<1080xf32, #tpu.memory_space<vmem>>)
      tpu.yield
    }) : () -> ()
    %mul3A_39 = arith.constant 17280 : i32
    %mul3A_40 = arith.muli %arg0, %mul3A_39 : i32
    %mul3A_41 = arith.constant 1080 : i32
    %mul3A_42 = arith.muli %arg1, %mul3A_41 : i32
    %add3A_43 = arith.addi %mul3A_40, %mul3A_42 : i32
    "tpu.region"() ({
      %run_scoped3A = tpu.sem_alloc : memref<!tpu.dma_semaphore, #tpu.memory_space<semaphore_mem>>
      %dma_start3A_44 = tpu.memref_slice %arg6[%add3A_43] : memref<34560xf32, #tpu.memory_space<hbm>> -> memref<1080xf32, #tpu.memory_space<hbm>>
      %dma_start3A_45 = tpu.memref_slice %arg6[%add3A_43] : memref<34560xf32, #tpu.memory_space<hbm>> -> memref<1080xf32, #tpu.memory_space<hbm>>
      tpu.enqueue_dma source(%arg13 : memref<1080xf32, #tpu.memory_space<vmem>>) target(%dma_start3A_45 : memref<1080xf32, #tpu.memory_space<hbm>>) target_semaphore(%run_scoped3A : memref<!tpu.dma_semaphore, #tpu.memory_space<semaphore_mem>>)
      %dma_wait3A_46 = tpu.memref_slice %arg6[%add3A_43] : memref<34560xf32, #tpu.memory_space<hbm>> -> memref<1080xf32, #tpu.memory_space<hbm>>
      %dma_wait3A_47 = tpu.memref_slice %arg6[%add3A_43] : memref<34560xf32, #tpu.memory_space<hbm>> -> memref<1080xf32, #tpu.memory_space<hbm>>
      tpu.wait_dma2 semaphore(%run_scoped3A : memref<!tpu.dma_semaphore, #tpu.memory_space<semaphore_mem>>) src(%arg13 : memref<1080xf32, #tpu.memory_space<vmem>>) dst(%dma_wait3A_47 : memref<1080xf32, #tpu.memory_space<hbm>>)
      tpu.yield
    }) : () -> ()
    return
  }
}

#map = affine_map<(d0, d1) -> (0, 0)>
#map1 = affine_map<(d0, d1) -> (0, 0, 0)>
module attributes {stable_mosaic.version = 14 : i64} {
  func.func @body(%arg0: i32, %arg1: i32, %arg2: memref<4352x128xi32, #tpu.memory_space<hbm>>, %arg3: memref<4352x128xi32, #tpu.memory_space<hbm>>, %arg4: memref<17280x32xf32, #tpu.memory_space<hbm>>, %arg5: memref<17280x32xf32, #tpu.memory_space<hbm>>, %arg6: memref<2x17280x32xf32, #tpu.memory_space<hbm>>, %arg7: memref<136x128xi32, #tpu.memory_space<vmem>>, %arg8: memref<136x128xi32, #tpu.memory_space<vmem>>, %arg9: memref<128x32xf32, #tpu.memory_space<vmem>>, %arg10: memref<128x32xf32, #tpu.memory_space<vmem>>, %arg11: memref<128x32xf32, #tpu.memory_space<vmem>>, %arg12: memref<128x32xf32, #tpu.memory_space<vmem>>, %arg13: memref<1080x32xf32, #tpu.memory_space<vmem>>, %arg14: memref<17280x32xf32, #tpu.memory_space<vmem_shared>>, %arg15: memref<!tpu.dma_semaphore, #tpu.memory_space<semaphore_mem>>, %arg16: memref<!tpu.dma_semaphore, #tpu.memory_space<semaphore_mem>>, %arg17: memref<!tpu.dma_semaphore, #tpu.memory_space<semaphore_mem>>, %arg18: memref<!tpu.dma_semaphore, #tpu.memory_space<semaphore_mem>>, %arg19: memref<!tpu.dma_semaphore, #tpu.memory_space<semaphore_mem>>, %arg20: memref<!tpu.dma_semaphore, #tpu.memory_space<semaphore_mem>>, %arg21: memref<!tpu.dma_semaphore, #tpu.memory_space<semaphore_mem>>, %arg22: memref<!tpu.dma_semaphore, #tpu.memory_space<semaphore_mem>>) attributes {dimension_semantics = [#tpu.dimension_semantics<core_parallel>, #tpu.dimension_semantics<subcore_parallel>], iteration_bounds = array<i64: 2, 16>, scalar_prefetch = 0 : i64, scratch_operands = 16 : i64, tpu.core_type = #tpu.core_type<sc_vector_subcore>, window_params = [{transform_indices = #map}, {transform_indices = #map}, {transform_indices = #map}, {transform_indices = #map}, {transform_indices = #map1}]} {
    %mul3A = arith.constant 16 : i32
    %mul3A_0 = arith.muli %arg0, %mul3A : i32
    %add3A = arith.addi %mul3A_0, %arg1 : i32
    %mul3A_1 = arith.constant 1080 : i32
    %mul3A_2 = arith.muli %arg1, %mul3A_1 : i32
    "tpu.region"() ({
      %run_scoped3A = tpu.sem_alloc : memref<!tpu.dma_semaphore, #tpu.memory_space<semaphore_mem>>
      %dma_start3A_45 = arith.constant 0 : i32
      %dma_start3A_46 = tpu.memref_slice %arg5[%mul3A_2, %dma_start3A_45] : memref<17280x32xf32, #tpu.memory_space<hbm>> -> memref<1080x32xf32, #tpu.memory_space<hbm>>
      %dma_start3A_47 = arith.constant 0 : i32
      %dma_start3A_48 = tpu.memref_slice %arg5[%mul3A_2, %dma_start3A_47] : memref<17280x32xf32, #tpu.memory_space<hbm>> -> memref<1080x32xf32, #tpu.memory_space<hbm>>
      tpu.enqueue_dma source(%dma_start3A_48 : memref<1080x32xf32, #tpu.memory_space<hbm>>) target(%arg13 : memref<1080x32xf32, #tpu.memory_space<vmem>>) target_semaphore(%run_scoped3A : memref<!tpu.dma_semaphore, #tpu.memory_space<semaphore_mem>>)
      %dma_wait3A_49 = arith.constant 0 : i32
      %dma_wait3A_50 = tpu.memref_slice %arg5[%mul3A_2, %dma_wait3A_49] : memref<17280x32xf32, #tpu.memory_space<hbm>> -> memref<1080x32xf32, #tpu.memory_space<hbm>>
      %dma_wait3A_51 = arith.constant 0 : i32
      %dma_wait3A_52 = tpu.memref_slice %arg5[%mul3A_2, %dma_wait3A_51] : memref<17280x32xf32, #tpu.memory_space<hbm>> -> memref<1080x32xf32, #tpu.memory_space<hbm>>
      tpu.wait_dma2 semaphore(%run_scoped3A : memref<!tpu.dma_semaphore, #tpu.memory_space<semaphore_mem>>) src(%dma_wait3A_52 : memref<1080x32xf32, #tpu.memory_space<hbm>>) dst(%arg13 : memref<1080x32xf32, #tpu.memory_space<vmem>>)
      tpu.yield
    }) : () -> ()
    %mul3A_3 = arith.constant 1080 : i32
    %mul3A_4 = arith.muli %arg1, %mul3A_3 : i32
    "tpu.region"() ({
      %run_scoped3A = tpu.sem_alloc : memref<!tpu.dma_semaphore, #tpu.memory_space<semaphore_mem>>
      %dma_start3A_45 = arith.constant 0 : i32
      %dma_start3A_46 = tpu.memref_slice %arg14[%mul3A_4, %dma_start3A_45] : memref<17280x32xf32, #tpu.memory_space<vmem_shared>> -> memref<1080x32xf32, #tpu.memory_space<vmem_shared>>
      %dma_start3A_47 = arith.constant 0 : i32
      %dma_start3A_48 = tpu.memref_slice %arg14[%mul3A_4, %dma_start3A_47] : memref<17280x32xf32, #tpu.memory_space<vmem_shared>> -> memref<1080x32xf32, #tpu.memory_space<vmem_shared>>
      tpu.enqueue_dma source(%arg13 : memref<1080x32xf32, #tpu.memory_space<vmem>>) target(%dma_start3A_48 : memref<1080x32xf32, #tpu.memory_space<vmem_shared>>) target_semaphore(%run_scoped3A : memref<!tpu.dma_semaphore, #tpu.memory_space<semaphore_mem>>)
      %dma_wait3A_49 = arith.constant 0 : i32
      %dma_wait3A_50 = tpu.memref_slice %arg14[%mul3A_4, %dma_wait3A_49] : memref<17280x32xf32, #tpu.memory_space<vmem_shared>> -> memref<1080x32xf32, #tpu.memory_space<vmem_shared>>
      %dma_wait3A_51 = arith.constant 0 : i32
      %dma_wait3A_52 = tpu.memref_slice %arg14[%mul3A_4, %dma_wait3A_51] : memref<17280x32xf32, #tpu.memory_space<vmem_shared>> -> memref<1080x32xf32, #tpu.memory_space<vmem_shared>>
      tpu.wait_dma2 semaphore(%run_scoped3A : memref<!tpu.dma_semaphore, #tpu.memory_space<semaphore_mem>>) src(%arg13 : memref<1080x32xf32, #tpu.memory_space<vmem>>) dst(%dma_wait3A_52 : memref<1080x32xf32, #tpu.memory_space<vmem_shared>>)
      tpu.yield
    }) : () -> ()
    %mul3A_5 = arith.constant 136 : i32
    %mul3A_6 = arith.muli %add3A, %mul3A_5 : i32
    "tpu.region"() ({
      %run_scoped3A = tpu.sem_alloc : memref<!tpu.dma_semaphore, #tpu.memory_space<semaphore_mem>>
      %dma_start3A_45 = arith.constant 0 : i32
      %dma_start3A_46 = tpu.memref_slice %arg2[%mul3A_6, %dma_start3A_45] : memref<4352x128xi32, #tpu.memory_space<hbm>> -> memref<136x128xi32, #tpu.memory_space<hbm>>
      %dma_start3A_47 = arith.constant 0 : i32
      %dma_start3A_48 = tpu.memref_slice %arg2[%mul3A_6, %dma_start3A_47] : memref<4352x128xi32, #tpu.memory_space<hbm>> -> memref<136x128xi32, #tpu.memory_space<hbm>>
      tpu.enqueue_dma source(%dma_start3A_48 : memref<136x128xi32, #tpu.memory_space<hbm>>) target(%arg7 : memref<136x128xi32, #tpu.memory_space<vmem>>) target_semaphore(%run_scoped3A : memref<!tpu.dma_semaphore, #tpu.memory_space<semaphore_mem>>)
      %dma_wait3A_49 = arith.constant 0 : i32
      %dma_wait3A_50 = tpu.memref_slice %arg2[%mul3A_6, %dma_wait3A_49] : memref<4352x128xi32, #tpu.memory_space<hbm>> -> memref<136x128xi32, #tpu.memory_space<hbm>>
      %dma_wait3A_51 = arith.constant 0 : i32
      %dma_wait3A_52 = tpu.memref_slice %arg2[%mul3A_6, %dma_wait3A_51] : memref<4352x128xi32, #tpu.memory_space<hbm>> -> memref<136x128xi32, #tpu.memory_space<hbm>>
      tpu.wait_dma2 semaphore(%run_scoped3A : memref<!tpu.dma_semaphore, #tpu.memory_space<semaphore_mem>>) src(%dma_wait3A_52 : memref<136x128xi32, #tpu.memory_space<hbm>>) dst(%arg7 : memref<136x128xi32, #tpu.memory_space<vmem>>)
      tpu.yield
    }) : () -> ()
    %mul3A_7 = arith.constant 136 : i32
    %mul3A_8 = arith.muli %add3A, %mul3A_7 : i32
    "tpu.region"() ({
      %run_scoped3A = tpu.sem_alloc : memref<!tpu.dma_semaphore, #tpu.memory_space<semaphore_mem>>
      %dma_start3A_45 = arith.constant 0 : i32
      %dma_start3A_46 = tpu.memref_slice %arg3[%mul3A_8, %dma_start3A_45] : memref<4352x128xi32, #tpu.memory_space<hbm>> -> memref<136x128xi32, #tpu.memory_space<hbm>>
      %dma_start3A_47 = arith.constant 0 : i32
      %dma_start3A_48 = tpu.memref_slice %arg3[%mul3A_8, %dma_start3A_47] : memref<4352x128xi32, #tpu.memory_space<hbm>> -> memref<136x128xi32, #tpu.memory_space<hbm>>
      tpu.enqueue_dma source(%dma_start3A_48 : memref<136x128xi32, #tpu.memory_space<hbm>>) target(%arg8 : memref<136x128xi32, #tpu.memory_space<vmem>>) target_semaphore(%run_scoped3A : memref<!tpu.dma_semaphore, #tpu.memory_space<semaphore_mem>>)
      %dma_wait3A_49 = arith.constant 0 : i32
      %dma_wait3A_50 = tpu.memref_slice %arg3[%mul3A_8, %dma_wait3A_49] : memref<4352x128xi32, #tpu.memory_space<hbm>> -> memref<136x128xi32, #tpu.memory_space<hbm>>
      %dma_wait3A_51 = arith.constant 0 : i32
      %dma_wait3A_52 = tpu.memref_slice %arg3[%mul3A_8, %dma_wait3A_51] : memref<4352x128xi32, #tpu.memory_space<hbm>> -> memref<136x128xi32, #tpu.memory_space<hbm>>
      tpu.wait_dma2 semaphore(%run_scoped3A : memref<!tpu.dma_semaphore, #tpu.memory_space<semaphore_mem>>) src(%dma_wait3A_52 : memref<136x128xi32, #tpu.memory_space<hbm>>) dst(%arg8 : memref<136x128xi32, #tpu.memory_space<vmem>>)
      tpu.yield
    }) : () -> ()
    %barrier3A = arith.constant 0 : index
    tpu.barrier barrier_id(%barrier3A)
    %dma_start3A = arith.constant 0 : i32
    %dma_start3A_9 = arith.constant 0 : i32
    %dma_start3A_10 = tpu.memref_slice %arg7[%dma_start3A, %dma_start3A_9] : memref<136x128xi32, #tpu.memory_space<vmem>> -> memref<1x128xi32, #tpu.memory_space<vmem>>
    %dma_start3A_11 = tpu.memref_squeeze %dma_start3A_10 : memref<1x128xi32, #tpu.memory_space<vmem>> -> memref<128xi32, #tpu.memory_space<vmem>>
    %dma_start3A_12 = arith.constant 0 : i32
    %dma_start3A_13 = arith.constant 0 : i32
    %dma_start3A_14 = tpu.memref_slice %arg4[%dma_start3A_12, %dma_start3A_13] : memref<17280x32xf32, #tpu.memory_space<hbm>> -> memref<17280x32xf32, #tpu.memory_space<hbm>>
    tpu.enqueue_indirect_dma source(%dma_start3A_14 : memref<17280x32xf32, #tpu.memory_space<hbm>>) target(%arg9 : memref<128x32xf32, #tpu.memory_space<vmem>>) offsets(%dma_start3A_11 : memref<128xi32, #tpu.memory_space<vmem>>) semaphore(%arg15 : memref<!tpu.dma_semaphore, #tpu.memory_space<semaphore_mem>>)
    %dma_start3A_15 = arith.constant 1 : i32
    %dma_start3A_16 = arith.constant 0 : i32
    %dma_start3A_17 = tpu.memref_slice %arg7[%dma_start3A_15, %dma_start3A_16] : memref<136x128xi32, #tpu.memory_space<vmem>> -> memref<1x128xi32, #tpu.memory_space<vmem>>
    %dma_start3A_18 = tpu.memref_squeeze %dma_start3A_17 : memref<1x128xi32, #tpu.memory_space<vmem>> -> memref<128xi32, #tpu.memory_space<vmem>>
    %dma_start3A_19 = arith.constant 0 : i32
    %dma_start3A_20 = arith.constant 0 : i32
    %dma_start3A_21 = tpu.memref_slice %arg4[%dma_start3A_19, %dma_start3A_20] : memref<17280x32xf32, #tpu.memory_space<hbm>> -> memref<17280x32xf32, #tpu.memory_space<hbm>>
    tpu.enqueue_indirect_dma source(%dma_start3A_21 : memref<17280x32xf32, #tpu.memory_space<hbm>>) target(%arg10 : memref<128x32xf32, #tpu.memory_space<vmem>>) offsets(%dma_start3A_18 : memref<128xi32, #tpu.memory_space<vmem>>) semaphore(%arg16 : memref<!tpu.dma_semaphore, #tpu.memory_space<semaphore_mem>>)
    %scan3A = arith.constant 0 : i32
    %scan3A_22 = arith.constant 0 : i32
    %scan3A_23 = arith.constant 34 : i32
    %scan3A_24 = arith.addi %scan3A_22, %scan3A_23 : i32
    %scan3A_25 = arith.constant 1 : i32
    scf.for %scan3A_45 = %scan3A_22 to %scan3A_24 step %scan3A_25  : i32 {
      %mul3A_46 = arith.constant 4 : i32
      %mul3A_47 = arith.muli %mul3A_46, %scan3A_45 : i32
      %add3A_48 = arith.constant 0 : i32
      %add3A_49 = arith.addi %mul3A_47, %add3A_48 : i32
      %dma_wait3A_50 = arith.constant 0 : i32
      %dma_wait3A_51 = tpu.memref_slice %arg7[%add3A_49, %dma_wait3A_50] : memref<136x128xi32, #tpu.memory_space<vmem>> -> memref<1x128xi32, #tpu.memory_space<vmem>>
      %dma_wait3A_52 = tpu.memref_squeeze %dma_wait3A_51 : memref<1x128xi32, #tpu.memory_space<vmem>> -> memref<128xi32, #tpu.memory_space<vmem>>
      %dma_wait3A_53 = arith.constant 0 : i32
      %dma_wait3A_54 = arith.constant 0 : i32
      %dma_wait3A_55 = tpu.memref_slice %arg4[%dma_wait3A_53, %dma_wait3A_54] : memref<17280x32xf32, #tpu.memory_space<hbm>> -> memref<17280x32xf32, #tpu.memory_space<hbm>>
      tpu.wait_indirect_dma semaphore(%arg15 : memref<!tpu.dma_semaphore, #tpu.memory_space<semaphore_mem>>) src(%dma_wait3A_55 : memref<17280x32xf32, #tpu.memory_space<hbm>>) dst(%arg9 : memref<128x32xf32, #tpu.memory_space<vmem>>)
      %dma_start3A_56 = arith.constant 0 : i32
      %dma_start3A_57 = tpu.memref_slice %arg8[%add3A_49, %dma_start3A_56] : memref<136x128xi32, #tpu.memory_space<vmem>> -> memref<1x128xi32, #tpu.memory_space<vmem>>
      %dma_start3A_58 = tpu.memref_squeeze %dma_start3A_57 : memref<1x128xi32, #tpu.memory_space<vmem>> -> memref<128xi32, #tpu.memory_space<vmem>>
      %dma_start3A_59 = arith.constant 0 : i32
      %dma_start3A_60 = arith.constant 0 : i32
      %dma_start3A_61 = tpu.memref_slice %arg14[%dma_start3A_59, %dma_start3A_60] : memref<17280x32xf32, #tpu.memory_space<vmem_shared>> -> memref<17280x32xf32, #tpu.memory_space<vmem_shared>>
      tpu.enqueue_indirect_dma source(%arg9 : memref<128x32xf32, #tpu.memory_space<vmem>>) target(%dma_start3A_61 : memref<17280x32xf32, #tpu.memory_space<vmem_shared>>) offsets(%dma_start3A_58 : memref<128xi32, #tpu.memory_space<vmem>>) semaphore(%arg19 : memref<!tpu.dma_semaphore, #tpu.memory_space<semaphore_mem>>) {add = true}
      %add3A_62 = arith.constant 2 : i32
      %add3A_63 = arith.addi %add3A_49, %add3A_62 : i32
      %ge3A = arith.constant 4 : i32
      %ge3A_64 = arith.cmpi sge, %add3A_63, %ge3A : i32
      %convert_element_type3A = arith.extui %ge3A_64 : i1 to i32
      %cond3A = arith.constant 0 : i32
      %cond3A_65 = arith.cmpi ne, %convert_element_type3A, %cond3A : i32
      scf.if %cond3A_65 {
        %add3A_156 = arith.constant 2 : i32
        %add3A_157 = arith.addi %add3A_49, %add3A_156 : i32
        %sub3A = arith.constant 4 : i32
        %sub3A_158 = arith.subi %add3A_157, %sub3A : i32
        %dma_wait3A_159 = arith.constant 0 : i32
        %dma_wait3A_160 = tpu.memref_slice %arg8[%sub3A_158, %dma_wait3A_159] : memref<136x128xi32, #tpu.memory_space<vmem>> -> memref<1x128xi32, #tpu.memory_space<vmem>>
        %dma_wait3A_161 = tpu.memref_squeeze %dma_wait3A_160 : memref<1x128xi32, #tpu.memory_space<vmem>> -> memref<128xi32, #tpu.memory_space<vmem>>
        %dma_wait3A_162 = arith.constant 0 : i32
        %dma_wait3A_163 = arith.constant 0 : i32
        %dma_wait3A_164 = tpu.memref_slice %arg14[%dma_wait3A_162, %dma_wait3A_163] : memref<17280x32xf32, #tpu.memory_space<vmem_shared>> -> memref<17280x32xf32, #tpu.memory_space<vmem_shared>>
        tpu.wait_indirect_dma semaphore(%arg21 : memref<!tpu.dma_semaphore, #tpu.memory_space<semaphore_mem>>) src(%arg11 : memref<128x32xf32, #tpu.memory_space<vmem>>) dst(%dma_wait3A_164 : memref<17280x32xf32, #tpu.memory_space<vmem_shared>>)
      } else {
      }
      %add3A_66 = arith.constant 2 : i32
      %add3A_67 = arith.addi %add3A_49, %add3A_66 : i32
      %lt3A = arith.constant 136 : i32
      %lt3A_68 = arith.cmpi slt, %add3A_67, %lt3A : i32
      %convert_element_type3A_69 = arith.extui %lt3A_68 : i1 to i32
      %cond3A_70 = arith.constant 0 : i32
      %cond3A_71 = arith.cmpi ne, %convert_element_type3A_69, %cond3A_70 : i32
      scf.if %cond3A_71 {
        %add3A_156 = arith.constant 2 : i32
        %add3A_157 = arith.addi %add3A_49, %add3A_156 : i32
        %dma_start3A_158 = arith.constant 0 : i32
        %dma_start3A_159 = tpu.memref_slice %arg7[%add3A_157, %dma_start3A_158] : memref<136x128xi32, #tpu.memory_space<vmem>> -> memref<1x128xi32, #tpu.memory_space<vmem>>
        %dma_start3A_160 = tpu.memref_squeeze %dma_start3A_159 : memref<1x128xi32, #tpu.memory_space<vmem>> -> memref<128xi32, #tpu.memory_space<vmem>>
        %dma_start3A_161 = arith.constant 0 : i32
        %dma_start3A_162 = arith.constant 0 : i32
        %dma_start3A_163 = tpu.memref_slice %arg4[%dma_start3A_161, %dma_start3A_162] : memref<17280x32xf32, #tpu.memory_space<hbm>> -> memref<17280x32xf32, #tpu.memory_space<hbm>>
        tpu.enqueue_indirect_dma source(%dma_start3A_163 : memref<17280x32xf32, #tpu.memory_space<hbm>>) target(%arg11 : memref<128x32xf32, #tpu.memory_space<vmem>>) offsets(%dma_start3A_160 : memref<128xi32, #tpu.memory_space<vmem>>) semaphore(%arg17 : memref<!tpu.dma_semaphore, #tpu.memory_space<semaphore_mem>>)
      } else {
      }
      %add3A_72 = arith.constant 1 : i32
      %add3A_73 = arith.addi %mul3A_47, %add3A_72 : i32
      %dma_wait3A_74 = arith.constant 0 : i32
      %dma_wait3A_75 = tpu.memref_slice %arg7[%add3A_73, %dma_wait3A_74] : memref<136x128xi32, #tpu.memory_space<vmem>> -> memref<1x128xi32, #tpu.memory_space<vmem>>
      %dma_wait3A_76 = tpu.memref_squeeze %dma_wait3A_75 : memref<1x128xi32, #tpu.memory_space<vmem>> -> memref<128xi32, #tpu.memory_space<vmem>>
      %dma_wait3A_77 = arith.constant 0 : i32
      %dma_wait3A_78 = arith.constant 0 : i32
      %dma_wait3A_79 = tpu.memref_slice %arg4[%dma_wait3A_77, %dma_wait3A_78] : memref<17280x32xf32, #tpu.memory_space<hbm>> -> memref<17280x32xf32, #tpu.memory_space<hbm>>
      tpu.wait_indirect_dma semaphore(%arg16 : memref<!tpu.dma_semaphore, #tpu.memory_space<semaphore_mem>>) src(%dma_wait3A_79 : memref<17280x32xf32, #tpu.memory_space<hbm>>) dst(%arg10 : memref<128x32xf32, #tpu.memory_space<vmem>>)
      %dma_start3A_80 = arith.constant 0 : i32
      %dma_start3A_81 = tpu.memref_slice %arg8[%add3A_73, %dma_start3A_80] : memref<136x128xi32, #tpu.memory_space<vmem>> -> memref<1x128xi32, #tpu.memory_space<vmem>>
      %dma_start3A_82 = tpu.memref_squeeze %dma_start3A_81 : memref<1x128xi32, #tpu.memory_space<vmem>> -> memref<128xi32, #tpu.memory_space<vmem>>
      %dma_start3A_83 = arith.constant 0 : i32
      %dma_start3A_84 = arith.constant 0 : i32
      %dma_start3A_85 = tpu.memref_slice %arg14[%dma_start3A_83, %dma_start3A_84] : memref<17280x32xf32, #tpu.memory_space<vmem_shared>> -> memref<17280x32xf32, #tpu.memory_space<vmem_shared>>
      tpu.enqueue_indirect_dma source(%arg10 : memref<128x32xf32, #tpu.memory_space<vmem>>) target(%dma_start3A_85 : memref<17280x32xf32, #tpu.memory_space<vmem_shared>>) offsets(%dma_start3A_82 : memref<128xi32, #tpu.memory_space<vmem>>) semaphore(%arg20 : memref<!tpu.dma_semaphore, #tpu.memory_space<semaphore_mem>>) {add = true}
      %add3A_86 = arith.constant 2 : i32
      %add3A_87 = arith.addi %add3A_73, %add3A_86 : i32
      %ge3A_88 = arith.constant 4 : i32
      %ge3A_89 = arith.cmpi sge, %add3A_87, %ge3A_88 : i32
      %convert_element_type3A_90 = arith.extui %ge3A_89 : i1 to i32
      %cond3A_91 = arith.constant 0 : i32
      %cond3A_92 = arith.cmpi ne, %convert_element_type3A_90, %cond3A_91 : i32
      scf.if %cond3A_92 {
        %add3A_156 = arith.constant 2 : i32
        %add3A_157 = arith.addi %add3A_73, %add3A_156 : i32
        %sub3A = arith.constant 4 : i32
        %sub3A_158 = arith.subi %add3A_157, %sub3A : i32
        %dma_wait3A_159 = arith.constant 0 : i32
        %dma_wait3A_160 = tpu.memref_slice %arg8[%sub3A_158, %dma_wait3A_159] : memref<136x128xi32, #tpu.memory_space<vmem>> -> memref<1x128xi32, #tpu.memory_space<vmem>>
        %dma_wait3A_161 = tpu.memref_squeeze %dma_wait3A_160 : memref<1x128xi32, #tpu.memory_space<vmem>> -> memref<128xi32, #tpu.memory_space<vmem>>
        %dma_wait3A_162 = arith.constant 0 : i32
        %dma_wait3A_163 = arith.constant 0 : i32
        %dma_wait3A_164 = tpu.memref_slice %arg14[%dma_wait3A_162, %dma_wait3A_163] : memref<17280x32xf32, #tpu.memory_space<vmem_shared>> -> memref<17280x32xf32, #tpu.memory_space<vmem_shared>>
        tpu.wait_indirect_dma semaphore(%arg22 : memref<!tpu.dma_semaphore, #tpu.memory_space<semaphore_mem>>) src(%arg12 : memref<128x32xf32, #tpu.memory_space<vmem>>) dst(%dma_wait3A_164 : memref<17280x32xf32, #tpu.memory_space<vmem_shared>>)
      } else {
      }
      %add3A_93 = arith.constant 2 : i32
      %add3A_94 = arith.addi %add3A_73, %add3A_93 : i32
      %lt3A_95 = arith.constant 136 : i32
      %lt3A_96 = arith.cmpi slt, %add3A_94, %lt3A_95 : i32
      %convert_element_type3A_97 = arith.extui %lt3A_96 : i1 to i32
      %cond3A_98 = arith.constant 0 : i32
      %cond3A_99 = arith.cmpi ne, %convert_element_type3A_97, %cond3A_98 : i32
      scf.if %cond3A_99 {
        %add3A_156 = arith.constant 2 : i32
        %add3A_157 = arith.addi %add3A_73, %add3A_156 : i32
        %dma_start3A_158 = arith.constant 0 : i32
        %dma_start3A_159 = tpu.memref_slice %arg7[%add3A_157, %dma_start3A_158] : memref<136x128xi32, #tpu.memory_space<vmem>> -> memref<1x128xi32, #tpu.memory_space<vmem>>
        %dma_start3A_160 = tpu.memref_squeeze %dma_start3A_159 : memref<1x128xi32, #tpu.memory_space<vmem>> -> memref<128xi32, #tpu.memory_space<vmem>>
        %dma_start3A_161 = arith.constant 0 : i32
        %dma_start3A_162 = arith.constant 0 : i32
        %dma_start3A_163 = tpu.memref_slice %arg4[%dma_start3A_161, %dma_start3A_162] : memref<17280x32xf32, #tpu.memory_space<hbm>> -> memref<17280x32xf32, #tpu.memory_space<hbm>>
        tpu.enqueue_indirect_dma source(%dma_start3A_163 : memref<17280x32xf32, #tpu.memory_space<hbm>>) target(%arg12 : memref<128x32xf32, #tpu.memory_space<vmem>>) offsets(%dma_start3A_160 : memref<128xi32, #tpu.memory_space<vmem>>) semaphore(%arg18 : memref<!tpu.dma_semaphore, #tpu.memory_space<semaphore_mem>>)
      } else {
      }
      %add3A_100 = arith.constant 2 : i32
      %add3A_101 = arith.addi %mul3A_47, %add3A_100 : i32
      %dma_wait3A_102 = arith.constant 0 : i32
      %dma_wait3A_103 = tpu.memref_slice %arg7[%add3A_101, %dma_wait3A_102] : memref<136x128xi32, #tpu.memory_space<vmem>> -> memref<1x128xi32, #tpu.memory_space<vmem>>
      %dma_wait3A_104 = tpu.memref_squeeze %dma_wait3A_103 : memref<1x128xi32, #tpu.memory_space<vmem>> -> memref<128xi32, #tpu.memory_space<vmem>>
      %dma_wait3A_105 = arith.constant 0 : i32
      %dma_wait3A_106 = arith.constant 0 : i32
      %dma_wait3A_107 = tpu.memref_slice %arg4[%dma_wait3A_105, %dma_wait3A_106] : memref<17280x32xf32, #tpu.memory_space<hbm>> -> memref<17280x32xf32, #tpu.memory_space<hbm>>
      tpu.wait_indirect_dma semaphore(%arg17 : memref<!tpu.dma_semaphore, #tpu.memory_space<semaphore_mem>>) src(%dma_wait3A_107 : memref<17280x32xf32, #tpu.memory_space<hbm>>) dst(%arg11 : memref<128x32xf32, #tpu.memory_space<vmem>>)
      %dma_start3A_108 = arith.constant 0 : i32
      %dma_start3A_109 = tpu.memref_slice %arg8[%add3A_101, %dma_start3A_108] : memref<136x128xi32, #tpu.memory_space<vmem>> -> memref<1x128xi32, #tpu.memory_space<vmem>>
      %dma_start3A_110 = tpu.memref_squeeze %dma_start3A_109 : memref<1x128xi32, #tpu.memory_space<vmem>> -> memref<128xi32, #tpu.memory_space<vmem>>
      %dma_start3A_111 = arith.constant 0 : i32
      %dma_start3A_112 = arith.constant 0 : i32
      %dma_start3A_113 = tpu.memref_slice %arg14[%dma_start3A_111, %dma_start3A_112] : memref<17280x32xf32, #tpu.memory_space<vmem_shared>> -> memref<17280x32xf32, #tpu.memory_space<vmem_shared>>
      tpu.enqueue_indirect_dma source(%arg11 : memref<128x32xf32, #tpu.memory_space<vmem>>) target(%dma_start3A_113 : memref<17280x32xf32, #tpu.memory_space<vmem_shared>>) offsets(%dma_start3A_110 : memref<128xi32, #tpu.memory_space<vmem>>) semaphore(%arg21 : memref<!tpu.dma_semaphore, #tpu.memory_space<semaphore_mem>>) {add = true}
      %add3A_114 = arith.constant 2 : i32
      %add3A_115 = arith.addi %add3A_101, %add3A_114 : i32
      %ge3A_116 = arith.constant 4 : i32
      %ge3A_117 = arith.cmpi sge, %add3A_115, %ge3A_116 : i32
      %convert_element_type3A_118 = arith.extui %ge3A_117 : i1 to i32
      %cond3A_119 = arith.constant 0 : i32
      %cond3A_120 = arith.cmpi ne, %convert_element_type3A_118, %cond3A_119 : i32
      scf.if %cond3A_120 {
        %add3A_156 = arith.constant 2 : i32
        %add3A_157 = arith.addi %add3A_101, %add3A_156 : i32
        %sub3A = arith.constant 4 : i32
        %sub3A_158 = arith.subi %add3A_157, %sub3A : i32
        %dma_wait3A_159 = arith.constant 0 : i32
        %dma_wait3A_160 = tpu.memref_slice %arg8[%sub3A_158, %dma_wait3A_159] : memref<136x128xi32, #tpu.memory_space<vmem>> -> memref<1x128xi32, #tpu.memory_space<vmem>>
        %dma_wait3A_161 = tpu.memref_squeeze %dma_wait3A_160 : memref<1x128xi32, #tpu.memory_space<vmem>> -> memref<128xi32, #tpu.memory_space<vmem>>
        %dma_wait3A_162 = arith.constant 0 : i32
        %dma_wait3A_163 = arith.constant 0 : i32
        %dma_wait3A_164 = tpu.memref_slice %arg14[%dma_wait3A_162, %dma_wait3A_163] : memref<17280x32xf32, #tpu.memory_space<vmem_shared>> -> memref<17280x32xf32, #tpu.memory_space<vmem_shared>>
        tpu.wait_indirect_dma semaphore(%arg19 : memref<!tpu.dma_semaphore, #tpu.memory_space<semaphore_mem>>) src(%arg9 : memref<128x32xf32, #tpu.memory_space<vmem>>) dst(%dma_wait3A_164 : memref<17280x32xf32, #tpu.memory_space<vmem_shared>>)
      } else {
      }
      %add3A_121 = arith.constant 2 : i32
      %add3A_122 = arith.addi %add3A_101, %add3A_121 : i32
      %lt3A_123 = arith.constant 136 : i32
      %lt3A_124 = arith.cmpi slt, %add3A_122, %lt3A_123 : i32
      %convert_element_type3A_125 = arith.extui %lt3A_124 : i1 to i32
      %cond3A_126 = arith.constant 0 : i32
      %cond3A_127 = arith.cmpi ne, %convert_element_type3A_125, %cond3A_126 : i32
      scf.if %cond3A_127 {
        %add3A_156 = arith.constant 2 : i32
        %add3A_157 = arith.addi %add3A_101, %add3A_156 : i32
        %dma_start3A_158 = arith.constant 0 : i32
        %dma_start3A_159 = tpu.memref_slice %arg7[%add3A_157, %dma_start3A_158] : memref<136x128xi32, #tpu.memory_space<vmem>> -> memref<1x128xi32, #tpu.memory_space<vmem>>
        %dma_start3A_160 = tpu.memref_squeeze %dma_start3A_159 : memref<1x128xi32, #tpu.memory_space<vmem>> -> memref<128xi32, #tpu.memory_space<vmem>>
        %dma_start3A_161 = arith.constant 0 : i32
        %dma_start3A_162 = arith.constant 0 : i32
        %dma_start3A_163 = tpu.memref_slice %arg4[%dma_start3A_161, %dma_start3A_162] : memref<17280x32xf32, #tpu.memory_space<hbm>> -> memref<17280x32xf32, #tpu.memory_space<hbm>>
        tpu.enqueue_indirect_dma source(%dma_start3A_163 : memref<17280x32xf32, #tpu.memory_space<hbm>>) target(%arg9 : memref<128x32xf32, #tpu.memory_space<vmem>>) offsets(%dma_start3A_160 : memref<128xi32, #tpu.memory_space<vmem>>) semaphore(%arg15 : memref<!tpu.dma_semaphore, #tpu.memory_space<semaphore_mem>>)
      } else {
      }
      %add3A_128 = arith.constant 3 : i32
      %add3A_129 = arith.addi %mul3A_47, %add3A_128 : i32
      %dma_wait3A_130 = arith.constant 0 : i32
      %dma_wait3A_131 = tpu.memref_slice %arg7[%add3A_129, %dma_wait3A_130] : memref<136x128xi32, #tpu.memory_space<vmem>> -> memref<1x128xi32, #tpu.memory_space<vmem>>
      %dma_wait3A_132 = tpu.memref_squeeze %dma_wait3A_131 : memref<1x128xi32, #tpu.memory_space<vmem>> -> memref<128xi32, #tpu.memory_space<vmem>>
      %dma_wait3A_133 = arith.constant 0 : i32
      %dma_wait3A_134 = arith.constant 0 : i32
      %dma_wait3A_135 = tpu.memref_slice %arg4[%dma_wait3A_133, %dma_wait3A_134] : memref<17280x32xf32, #tpu.memory_space<hbm>> -> memref<17280x32xf32, #tpu.memory_space<hbm>>
      tpu.wait_indirect_dma semaphore(%arg18 : memref<!tpu.dma_semaphore, #tpu.memory_space<semaphore_mem>>) src(%dma_wait3A_135 : memref<17280x32xf32, #tpu.memory_space<hbm>>) dst(%arg12 : memref<128x32xf32, #tpu.memory_space<vmem>>)
      %dma_start3A_136 = arith.constant 0 : i32
      %dma_start3A_137 = tpu.memref_slice %arg8[%add3A_129, %dma_start3A_136] : memref<136x128xi32, #tpu.memory_space<vmem>> -> memref<1x128xi32, #tpu.memory_space<vmem>>
      %dma_start3A_138 = tpu.memref_squeeze %dma_start3A_137 : memref<1x128xi32, #tpu.memory_space<vmem>> -> memref<128xi32, #tpu.memory_space<vmem>>
      %dma_start3A_139 = arith.constant 0 : i32
      %dma_start3A_140 = arith.constant 0 : i32
      %dma_start3A_141 = tpu.memref_slice %arg14[%dma_start3A_139, %dma_start3A_140] : memref<17280x32xf32, #tpu.memory_space<vmem_shared>> -> memref<17280x32xf32, #tpu.memory_space<vmem_shared>>
      tpu.enqueue_indirect_dma source(%arg12 : memref<128x32xf32, #tpu.memory_space<vmem>>) target(%dma_start3A_141 : memref<17280x32xf32, #tpu.memory_space<vmem_shared>>) offsets(%dma_start3A_138 : memref<128xi32, #tpu.memory_space<vmem>>) semaphore(%arg22 : memref<!tpu.dma_semaphore, #tpu.memory_space<semaphore_mem>>) {add = true}
      %add3A_142 = arith.constant 2 : i32
      %add3A_143 = arith.addi %add3A_129, %add3A_142 : i32
      %ge3A_144 = arith.constant 4 : i32
      %ge3A_145 = arith.cmpi sge, %add3A_143, %ge3A_144 : i32
      %convert_element_type3A_146 = arith.extui %ge3A_145 : i1 to i32
      %cond3A_147 = arith.constant 0 : i32
      %cond3A_148 = arith.cmpi ne, %convert_element_type3A_146, %cond3A_147 : i32
      scf.if %cond3A_148 {
        %add3A_156 = arith.constant 2 : i32
        %add3A_157 = arith.addi %add3A_129, %add3A_156 : i32
        %sub3A = arith.constant 4 : i32
        %sub3A_158 = arith.subi %add3A_157, %sub3A : i32
        %dma_wait3A_159 = arith.constant 0 : i32
        %dma_wait3A_160 = tpu.memref_slice %arg8[%sub3A_158, %dma_wait3A_159] : memref<136x128xi32, #tpu.memory_space<vmem>> -> memref<1x128xi32, #tpu.memory_space<vmem>>
        %dma_wait3A_161 = tpu.memref_squeeze %dma_wait3A_160 : memref<1x128xi32, #tpu.memory_space<vmem>> -> memref<128xi32, #tpu.memory_space<vmem>>
        %dma_wait3A_162 = arith.constant 0 : i32
        %dma_wait3A_163 = arith.constant 0 : i32
        %dma_wait3A_164 = tpu.memref_slice %arg14[%dma_wait3A_162, %dma_wait3A_163] : memref<17280x32xf32, #tpu.memory_space<vmem_shared>> -> memref<17280x32xf32, #tpu.memory_space<vmem_shared>>
        tpu.wait_indirect_dma semaphore(%arg20 : memref<!tpu.dma_semaphore, #tpu.memory_space<semaphore_mem>>) src(%arg10 : memref<128x32xf32, #tpu.memory_space<vmem>>) dst(%dma_wait3A_164 : memref<17280x32xf32, #tpu.memory_space<vmem_shared>>)
      } else {
      }
      %add3A_149 = arith.constant 2 : i32
      %add3A_150 = arith.addi %add3A_129, %add3A_149 : i32
      %lt3A_151 = arith.constant 136 : i32
      %lt3A_152 = arith.cmpi slt, %add3A_150, %lt3A_151 : i32
      %convert_element_type3A_153 = arith.extui %lt3A_152 : i1 to i32
      %cond3A_154 = arith.constant 0 : i32
      %cond3A_155 = arith.cmpi ne, %convert_element_type3A_153, %cond3A_154 : i32
      scf.if %cond3A_155 {
        %add3A_156 = arith.constant 2 : i32
        %add3A_157 = arith.addi %add3A_129, %add3A_156 : i32
        %dma_start3A_158 = arith.constant 0 : i32
        %dma_start3A_159 = tpu.memref_slice %arg7[%add3A_157, %dma_start3A_158] : memref<136x128xi32, #tpu.memory_space<vmem>> -> memref<1x128xi32, #tpu.memory_space<vmem>>
        %dma_start3A_160 = tpu.memref_squeeze %dma_start3A_159 : memref<1x128xi32, #tpu.memory_space<vmem>> -> memref<128xi32, #tpu.memory_space<vmem>>
        %dma_start3A_161 = arith.constant 0 : i32
        %dma_start3A_162 = arith.constant 0 : i32
        %dma_start3A_163 = tpu.memref_slice %arg4[%dma_start3A_161, %dma_start3A_162] : memref<17280x32xf32, #tpu.memory_space<hbm>> -> memref<17280x32xf32, #tpu.memory_space<hbm>>
        tpu.enqueue_indirect_dma source(%dma_start3A_163 : memref<17280x32xf32, #tpu.memory_space<hbm>>) target(%arg10 : memref<128x32xf32, #tpu.memory_space<vmem>>) offsets(%dma_start3A_160 : memref<128xi32, #tpu.memory_space<vmem>>) semaphore(%arg16 : memref<!tpu.dma_semaphore, #tpu.memory_space<semaphore_mem>>)
      } else {
      }
    }
    %scan3A_26 = arith.constant 34 : i32
    %dma_wait3A = arith.constant 134 : i32
    %dma_wait3A_27 = arith.constant 0 : i32
    %dma_wait3A_28 = tpu.memref_slice %arg8[%dma_wait3A, %dma_wait3A_27] : memref<136x128xi32, #tpu.memory_space<vmem>> -> memref<1x128xi32, #tpu.memory_space<vmem>>
    %dma_wait3A_29 = tpu.memref_squeeze %dma_wait3A_28 : memref<1x128xi32, #tpu.memory_space<vmem>> -> memref<128xi32, #tpu.memory_space<vmem>>
    %dma_wait3A_30 = arith.constant 0 : i32
    %dma_wait3A_31 = arith.constant 0 : i32
    %dma_wait3A_32 = tpu.memref_slice %arg14[%dma_wait3A_30, %dma_wait3A_31] : memref<17280x32xf32, #tpu.memory_space<vmem_shared>> -> memref<17280x32xf32, #tpu.memory_space<vmem_shared>>
    tpu.wait_indirect_dma semaphore(%arg21 : memref<!tpu.dma_semaphore, #tpu.memory_space<semaphore_mem>>) src(%arg11 : memref<128x32xf32, #tpu.memory_space<vmem>>) dst(%dma_wait3A_32 : memref<17280x32xf32, #tpu.memory_space<vmem_shared>>)
    %dma_wait3A_33 = arith.constant 135 : i32
    %dma_wait3A_34 = arith.constant 0 : i32
    %dma_wait3A_35 = tpu.memref_slice %arg8[%dma_wait3A_33, %dma_wait3A_34] : memref<136x128xi32, #tpu.memory_space<vmem>> -> memref<1x128xi32, #tpu.memory_space<vmem>>
    %dma_wait3A_36 = tpu.memref_squeeze %dma_wait3A_35 : memref<1x128xi32, #tpu.memory_space<vmem>> -> memref<128xi32, #tpu.memory_space<vmem>>
    %dma_wait3A_37 = arith.constant 0 : i32
    %dma_wait3A_38 = arith.constant 0 : i32
    %dma_wait3A_39 = tpu.memref_slice %arg14[%dma_wait3A_37, %dma_wait3A_38] : memref<17280x32xf32, #tpu.memory_space<vmem_shared>> -> memref<17280x32xf32, #tpu.memory_space<vmem_shared>>
    tpu.wait_indirect_dma semaphore(%arg22 : memref<!tpu.dma_semaphore, #tpu.memory_space<semaphore_mem>>) src(%arg12 : memref<128x32xf32, #tpu.memory_space<vmem>>) dst(%dma_wait3A_39 : memref<17280x32xf32, #tpu.memory_space<vmem_shared>>)
    %barrier3A_40 = arith.constant 0 : index
    tpu.barrier barrier_id(%barrier3A_40)
    %mul3A_41 = arith.constant 1080 : i32
    %mul3A_42 = arith.muli %arg1, %mul3A_41 : i32
    "tpu.region"() ({
      %run_scoped3A = tpu.sem_alloc : memref<!tpu.dma_semaphore, #tpu.memory_space<semaphore_mem>>
      %dma_start3A_45 = arith.constant 0 : i32
      %dma_start3A_46 = tpu.memref_slice %arg14[%mul3A_42, %dma_start3A_45] : memref<17280x32xf32, #tpu.memory_space<vmem_shared>> -> memref<1080x32xf32, #tpu.memory_space<vmem_shared>>
      %dma_start3A_47 = arith.constant 0 : i32
      %dma_start3A_48 = tpu.memref_slice %arg14[%mul3A_42, %dma_start3A_47] : memref<17280x32xf32, #tpu.memory_space<vmem_shared>> -> memref<1080x32xf32, #tpu.memory_space<vmem_shared>>
      tpu.enqueue_dma source(%dma_start3A_48 : memref<1080x32xf32, #tpu.memory_space<vmem_shared>>) target(%arg13 : memref<1080x32xf32, #tpu.memory_space<vmem>>) target_semaphore(%run_scoped3A : memref<!tpu.dma_semaphore, #tpu.memory_space<semaphore_mem>>)
      %dma_wait3A_49 = arith.constant 0 : i32
      %dma_wait3A_50 = tpu.memref_slice %arg14[%mul3A_42, %dma_wait3A_49] : memref<17280x32xf32, #tpu.memory_space<vmem_shared>> -> memref<1080x32xf32, #tpu.memory_space<vmem_shared>>
      %dma_wait3A_51 = arith.constant 0 : i32
      %dma_wait3A_52 = tpu.memref_slice %arg14[%mul3A_42, %dma_wait3A_51] : memref<17280x32xf32, #tpu.memory_space<vmem_shared>> -> memref<1080x32xf32, #tpu.memory_space<vmem_shared>>
      tpu.wait_dma2 semaphore(%run_scoped3A : memref<!tpu.dma_semaphore, #tpu.memory_space<semaphore_mem>>) src(%dma_wait3A_52 : memref<1080x32xf32, #tpu.memory_space<vmem_shared>>) dst(%arg13 : memref<1080x32xf32, #tpu.memory_space<vmem>>)
      tpu.yield
    }) : () -> ()
    %mul3A_43 = arith.constant 1080 : i32
    %mul3A_44 = arith.muli %arg1, %mul3A_43 : i32
    "tpu.region"() ({
      %run_scoped3A = tpu.sem_alloc : memref<!tpu.dma_semaphore, #tpu.memory_space<semaphore_mem>>
      %dma_start3A_45 = arith.constant 0 : i32
      %dma_start3A_46 = tpu.memref_slice %arg6[%arg0, %mul3A_44, %dma_start3A_45] : memref<2x17280x32xf32, #tpu.memory_space<hbm>> -> memref<1x1080x32xf32, #tpu.memory_space<hbm>>
      %dma_start3A_47 = tpu.memref_squeeze %dma_start3A_46 : memref<1x1080x32xf32, #tpu.memory_space<hbm>> -> memref<1080x32xf32, #tpu.memory_space<hbm>>
      %dma_start3A_48 = arith.constant 0 : i32
      %dma_start3A_49 = tpu.memref_slice %arg6[%arg0, %mul3A_44, %dma_start3A_48] : memref<2x17280x32xf32, #tpu.memory_space<hbm>> -> memref<1x1080x32xf32, #tpu.memory_space<hbm>>
      %dma_start3A_50 = tpu.memref_squeeze %dma_start3A_49 : memref<1x1080x32xf32, #tpu.memory_space<hbm>> -> memref<1080x32xf32, #tpu.memory_space<hbm>>
      tpu.enqueue_dma source(%arg13 : memref<1080x32xf32, #tpu.memory_space<vmem>>) target(%dma_start3A_50 : memref<1080x32xf32, #tpu.memory_space<hbm>>) target_semaphore(%run_scoped3A : memref<!tpu.dma_semaphore, #tpu.memory_space<semaphore_mem>>)
      %dma_wait3A_51 = arith.constant 0 : i32
      %dma_wait3A_52 = tpu.memref_slice %arg6[%arg0, %mul3A_44, %dma_wait3A_51] : memref<2x17280x32xf32, #tpu.memory_space<hbm>> -> memref<1x1080x32xf32, #tpu.memory_space<hbm>>
      %dma_wait3A_53 = tpu.memref_squeeze %dma_wait3A_52 : memref<1x1080x32xf32, #tpu.memory_space<hbm>> -> memref<1080x32xf32, #tpu.memory_space<hbm>>
      %dma_wait3A_54 = arith.constant 0 : i32
      %dma_wait3A_55 = tpu.memref_slice %arg6[%arg0, %mul3A_44, %dma_wait3A_54] : memref<2x17280x32xf32, #tpu.memory_space<hbm>> -> memref<1x1080x32xf32, #tpu.memory_space<hbm>>
      %dma_wait3A_56 = tpu.memref_squeeze %dma_wait3A_55 : memref<1x1080x32xf32, #tpu.memory_space<hbm>> -> memref<1080x32xf32, #tpu.memory_space<hbm>>
      tpu.wait_dma2 semaphore(%run_scoped3A : memref<!tpu.dma_semaphore, #tpu.memory_space<semaphore_mem>>) src(%arg13 : memref<1080x32xf32, #tpu.memory_space<vmem>>) dst(%dma_wait3A_56 : memref<1080x32xf32, #tpu.memory_space<hbm>>)
      tpu.yield
    }) : () -> ()
    return
  }
}

module attributes {stable_mosaic.version = 14 : i64} {
  func.func @_g0a_body(%arg0: i32, %arg1: memref<1080x6xf32, #tpu.memory_space<vmem>>, %arg2: memref<6x64xf32, #tpu.memory_space<vmem>>, %arg3: memref<2x1080x1xf32, #tpu.memory_space<vmem>>, %arg4: memref<1080x64xf32, #tpu.memory_space<vmem>>, %arg5: memref<1080x32xf32, #tpu.memory_space<vmem>>, %arg6: memref<1080x32xf32, #tpu.memory_space<vmem>>, %arg7: memref<1080x1xf32, #tpu.memory_space<vmem>>, %arg8: memref<1080x1xf32, #tpu.memory_space<vmem>>) attributes {dimension_semantics = [#tpu.dimension_semantics<arbitrary>], iteration_bounds = array<i64: 16>, scalar_prefetch = 0 : i64, scratch_operands = 0 : i64, tpu.core_type = #tpu.core_type<tc>, window_params = [{transform_indices = @transform_0, window_bounds = array<i64: 1080, 6>}, {pipeline_mode = #tpu.pipeline_mode<synchronous>, transform_indices = @transform_1, window_bounds = array<i64: 6, 64>}, {transform_indices = @transform_2, window_bounds = array<i64: 2, 1080, 1>}, {transform_indices = @transform_3, window_bounds = array<i64: 1080, 64>}, {transform_indices = @transform_4, window_bounds = array<i64: 1080, 32>}, {transform_indices = @transform_5, window_bounds = array<i64: 1080, 32>}, {transform_indices = @transform_6, window_bounds = array<i64: 1080, 1>}, {transform_indices = @transform_7, window_bounds = array<i64: 1080, 1>}]} {
    %get3A = arith.constant 0 : index
    %get3A_0 = arith.constant 0 : index
    %get3A_1 = vector.load %arg1[%get3A, %get3A_0] : memref<1080x6xf32, #tpu.memory_space<vmem>>, vector<1080x6xf32>
    %get3A_2 = arith.constant 0 : index
    %get3A_3 = arith.constant 0 : index
    %get3A_4 = vector.load %arg2[%get3A_2, %get3A_3] : memref<6x64xf32, #tpu.memory_space<vmem>>, vector<6x64xf32>
    %dot_general3A = arith.constant dense<0.000000e+00> : vector<1080x64xf32>
    %dot_general3A_5 = tpu.matmul %get3A_1, %get3A_4, %dot_general3A {dimension_numbers = #tpu.dot_dimension_numbers<[1], [0], [0], [1], [0, 0, 1, 1], [], []>, transpose_lhs_hint = false} : vector<1080x6xf32>, vector<6x64xf32>, vector<1080x64xf32> -> vector<1080x64xf32>
    %get3A_6 = arith.constant 0 : index
    %get3A_7 = arith.constant 0 : index
    %get3A_8 = arith.constant 0 : index
    %get3A_9 = vector.load %arg3[%get3A_6, %get3A_7, %get3A_8] : memref<2x1080x1xf32, #tpu.memory_space<vmem>>, vector<1x1080x1xf32>
    %get3A_10 = vector.shape_cast %get3A_9 : vector<1x1080x1xf32> to vector<1080x1xf32>
    %get3A_11 = arith.constant 1 : index
    %get3A_12 = arith.constant 0 : index
    %get3A_13 = arith.constant 0 : index
    %get3A_14 = vector.load %arg3[%get3A_11, %get3A_12, %get3A_13] : memref<2x1080x1xf32, #tpu.memory_space<vmem>>, vector<1x1080x1xf32>
    %get3A_15 = vector.shape_cast %get3A_14 : vector<1x1080x1xf32> to vector<1080x1xf32>
    %add3A = arith.addf %get3A_10, %get3A_15 : vector<1080x1xf32>
    %add3A_16 = arith.constant 1.000000e+00 : f32
    %add3A_17 = vector.broadcast %add3A_16 : f32 to vector<1080x1xf32>
    %add3A_18 = arith.addf %add3A, %add3A_17 : vector<1080x1xf32>
    %rsqrt3A = math.rsqrt %add3A_18 : vector<1080x1xf32>
    %div3A = arith.constant 1.000000e+00 : f32
    %div3A_19 = vector.broadcast %div3A : f32 to vector<1080x1xf32>
    %div3A_20 = arith.divf %div3A_19, %add3A_18 : vector<1080x1xf32>
    %swap3A = arith.constant 0 : index
    %swap3A_21 = arith.constant 0 : index
    %swap3A_22 = vector.load %arg4[%swap3A, %swap3A_21] : memref<1080x64xf32, #tpu.memory_space<vmem>>, vector<1080x64xf32>
    tpu.vector_store %arg4[%swap3A, %swap3A_21], %dot_general3A_5 {strides = array<i32>} : memref<1080x64xf32, #tpu.memory_space<vmem>>, vector<1080x64xf32>,
    %mul3A = vector.broadcast %rsqrt3A : vector<1080x1xf32> to vector<1080x64xf32>
    %mul3A_23 = arith.mulf %mul3A, %dot_general3A_5 : vector<1080x64xf32>
    %slice3A = vector.extract_strided_slice %mul3A_23 {offsets = [0, 0], sizes = [1080, 32], strides = [1, 1]} : vector<1080x64xf32> to vector<1080x32xf32>
    %swap3A_24 = arith.constant 0 : index
    %swap3A_25 = arith.constant 0 : index
    %swap3A_26 = vector.load %arg5[%swap3A_24, %swap3A_25] : memref<1080x32xf32, #tpu.memory_space<vmem>>, vector<1080x32xf32>
    tpu.vector_store %arg5[%swap3A_24, %swap3A_25], %slice3A {strides = array<i32>} : memref<1080x32xf32, #tpu.memory_space<vmem>>, vector<1080x32xf32>,
    %slice3A_27 = vector.extract_strided_slice %mul3A_23 {offsets = [0, 32], sizes = [1080, 32], strides = [1, 1]} : vector<1080x64xf32> to vector<1080x32xf32>
    %swap3A_28 = arith.constant 0 : index
    %swap3A_29 = arith.constant 0 : index
    %swap3A_30 = vector.load %arg6[%swap3A_28, %swap3A_29] : memref<1080x32xf32, #tpu.memory_space<vmem>>, vector<1080x32xf32>
    tpu.vector_store %arg6[%swap3A_28, %swap3A_29], %slice3A_27 {strides = array<i32>} : memref<1080x32xf32, #tpu.memory_space<vmem>>, vector<1080x32xf32>,
    %swap3A_31 = arith.constant 0 : index
    %swap3A_32 = arith.constant 0 : index
    %swap3A_33 = vector.load %arg7[%swap3A_31, %swap3A_32] : memref<1080x1xf32, #tpu.memory_space<vmem>>, vector<1080x1xf32>
    tpu.vector_store %arg7[%swap3A_31, %swap3A_32], %rsqrt3A {strides = array<i32>} : memref<1080x1xf32, #tpu.memory_space<vmem>>, vector<1080x1xf32>,
    %swap3A_34 = arith.constant 0 : index
    %swap3A_35 = arith.constant 0 : index
    %swap3A_36 = vector.load %arg8[%swap3A_34, %swap3A_35] : memref<1080x1xf32, #tpu.memory_space<vmem>>, vector<1080x1xf32>
    tpu.vector_store %arg8[%swap3A_34, %swap3A_35], %div3A_20 {strides = array<i32>} : memref<1080x1xf32, #tpu.memory_space<vmem>>, vector<1080x1xf32>,
    return
  }
  func.func @transform_0(%arg0: i32) -> (i32, i32) {
    %c0_i32 = arith.constant 0 : i32
    %c0_i32_0 = arith.constant 0 : i32
    return %arg0, %c0_i32 : i32, i32
  }
  func.func @transform_1(%arg0: i32) -> (i32, i32) {
    %c0_i32 = arith.constant 0 : i32
    %c0_i32_0 = arith.constant 0 : i32
    %c0_i32_1 = arith.constant 0 : i32
    return %c0_i32, %c0_i32_0 : i32, i32
  }
  func.func @transform_2(%arg0: i32) -> (i32, i32, i32) {
    %c0_i32 = arith.constant 0 : i32
    %c0_i32_0 = arith.constant 0 : i32
    %c0_i32_1 = arith.constant 0 : i32
    return %c0_i32, %arg0, %c0_i32_0 : i32, i32, i32
  }
  func.func @transform_3(%arg0: i32) -> (i32, i32) {
    %c0_i32 = arith.constant 0 : i32
    %c0_i32_0 = arith.constant 0 : i32
    return %arg0, %c0_i32 : i32, i32
  }
  func.func @transform_4(%arg0: i32) -> (i32, i32) {
    %c0_i32 = arith.constant 0 : i32
    %c0_i32_0 = arith.constant 0 : i32
    return %arg0, %c0_i32 : i32, i32
  }
  func.func @transform_5(%arg0: i32) -> (i32, i32) {
    %c0_i32 = arith.constant 0 : i32
    %c0_i32_0 = arith.constant 0 : i32
    return %arg0, %c0_i32 : i32, i32
  }
  func.func @transform_6(%arg0: i32) -> (i32, i32) {
    %c0_i32 = arith.constant 0 : i32
    %c0_i32_0 = arith.constant 0 : i32
    return %arg0, %c0_i32 : i32, i32
  }
  func.func @transform_7(%arg0: i32) -> (i32, i32) {
    %c0_i32 = arith.constant 0 : i32
    %c0_i32_0 = arith.constant 0 : i32
    return %arg0, %c0_i32 : i32, i32
  }
}

module attributes {stable_mosaic.version = 14 : i64} {
  func.func @_g0b_body(%arg0: i32, %arg1: memref<2x1080x32xf32, #tpu.memory_space<vmem>>, %arg2: memref<2x1080x32xf32, #tpu.memory_space<vmem>>, %arg3: memref<1080x64xf32, #tpu.memory_space<vmem>>, %arg4: memref<1080x1xf32, #tpu.memory_space<vmem>>, %arg5: memref<1080x1xf32, #tpu.memory_space<vmem>>, %arg6: memref<1x64xf32, #tpu.memory_space<vmem>>, %arg7: memref<1x64xf32, #tpu.memory_space<vmem>>, %arg8: memref<1080x64xf32, #tpu.memory_space<vmem>>, %arg9: memref<1080x1xf32, #tpu.memory_space<vmem>>, %arg10: memref<1080x1xf32, #tpu.memory_space<vmem>>) attributes {dimension_semantics = [#tpu.dimension_semantics<arbitrary>], iteration_bounds = array<i64: 16>, scalar_prefetch = 0 : i64, scratch_operands = 0 : i64, tpu.core_type = #tpu.core_type<tc>, window_params = [{transform_indices = @transform_0, window_bounds = array<i64: 2, 1080, 32>}, {transform_indices = @transform_1, window_bounds = array<i64: 2, 1080, 32>}, {transform_indices = @transform_2, window_bounds = array<i64: 1080, 64>}, {transform_indices = @transform_3, window_bounds = array<i64: 1080, 1>}, {transform_indices = @transform_4, window_bounds = array<i64: 1080, 1>}, {pipeline_mode = #tpu.pipeline_mode<synchronous>, transform_indices = @transform_5, window_bounds = array<i64: 1, 64>}, {pipeline_mode = #tpu.pipeline_mode<synchronous>, transform_indices = @transform_6, window_bounds = array<i64: 1, 64>}, {transform_indices = @transform_7, window_bounds = array<i64: 1080, 64>}, {transform_indices = @transform_8, window_bounds = array<i64: 1080, 1>}, {transform_indices = @transform_9, window_bounds = array<i64: 1080, 1>}]} {
    %get3A = arith.constant 0 : index
    %get3A_0 = arith.constant 0 : index
    %get3A_1 = arith.constant 0 : index
    %get3A_2 = vector.load %arg1[%get3A, %get3A_0, %get3A_1] : memref<2x1080x32xf32, #tpu.memory_space<vmem>>, vector<1x1080x32xf32>
    %get3A_3 = vector.shape_cast %get3A_2 : vector<1x1080x32xf32> to vector<1080x32xf32>
    %get3A_4 = arith.constant 1 : index
    %get3A_5 = arith.constant 0 : index
    %get3A_6 = arith.constant 0 : index
    %get3A_7 = vector.load %arg1[%get3A_4, %get3A_5, %get3A_6] : memref<2x1080x32xf32, #tpu.memory_space<vmem>>, vector<1x1080x32xf32>
    %get3A_8 = vector.shape_cast %get3A_7 : vector<1x1080x32xf32> to vector<1080x32xf32>
    %add3A = arith.addf %get3A_3, %get3A_8 : vector<1080x32xf32>
    %get3A_9 = arith.constant 0 : index
    %get3A_10 = arith.constant 0 : index
    %get3A_11 = arith.constant 0 : index
    %get3A_12 = vector.load %arg2[%get3A_9, %get3A_10, %get3A_11] : memref<2x1080x32xf32, #tpu.memory_space<vmem>>, vector<1x1080x32xf32>
    %get3A_13 = vector.shape_cast %get3A_12 : vector<1x1080x32xf32> to vector<1080x32xf32>
    %get3A_14 = arith.constant 1 : index
    %get3A_15 = arith.constant 0 : index
    %get3A_16 = arith.constant 0 : index
    %get3A_17 = vector.load %arg2[%get3A_14, %get3A_15, %get3A_16] : memref<2x1080x32xf32, #tpu.memory_space<vmem>>, vector<1x1080x32xf32>
    %get3A_18 = vector.shape_cast %get3A_17 : vector<1x1080x32xf32> to vector<1080x32xf32>
    %add3A_19 = arith.addf %get3A_13, %get3A_18 : vector<1080x32xf32>
    %concatenate3A = tpu.concatenate %add3A, %add3A_19 in 1 : vector<1080x32xf32>, vector<1080x32xf32> -> vector<1080x64xf32>
    %get3A_20 = arith.constant 0 : index
    %get3A_21 = arith.constant 0 : index
    %get3A_22 = vector.load %arg4[%get3A_20, %get3A_21] : memref<1080x1xf32, #tpu.memory_space<vmem>>, vector<1080x1xf32>
    %mul3A = vector.broadcast %get3A_22 : vector<1080x1xf32> to vector<1080x64xf32>
    %mul3A_23 = arith.mulf %mul3A, %concatenate3A : vector<1080x64xf32>
    %get3A_24 = arith.constant 0 : index
    %get3A_25 = arith.constant 0 : index
    %get3A_26 = vector.load %arg5[%get3A_24, %get3A_25] : memref<1080x1xf32, #tpu.memory_space<vmem>>, vector<1080x1xf32>
    %get3A_27 = arith.constant 0 : index
    %get3A_28 = arith.constant 0 : index
    %get3A_29 = vector.load %arg3[%get3A_27, %get3A_28] : memref<1080x64xf32, #tpu.memory_space<vmem>>, vector<1080x64xf32>
    %mul3A_30 = vector.broadcast %get3A_26 : vector<1080x1xf32> to vector<1080x64xf32>
    %mul3A_31 = arith.mulf %mul3A_30, %get3A_29 : vector<1080x64xf32>
    %add3A_32 = arith.addf %mul3A_23, %mul3A_31 : vector<1080x64xf32>
    %get3A_33 = arith.constant 0 : index
    %get3A_34 = arith.constant 0 : index
    %get3A_35 = vector.load %arg6[%get3A_33, %get3A_34] : memref<1x64xf32, #tpu.memory_space<vmem>>, vector<1x64xf32>
    %add3A_36 = vector.broadcast %get3A_35 : vector<1x64xf32> to vector<1080x64xf32>
    %add3A_37 = arith.addf %add3A_32, %add3A_36 : vector<1080x64xf32>
    %max3A = arith.constant 0.000000e+00 : f32
    %max3A_38 = vector.broadcast %max3A : f32 to vector<1080x64xf32>
    %max3A_39 = arith.maximumf %add3A_37, %max3A_38 : vector<1080x64xf32>
    %swap3A = arith.constant 0 : index
    %swap3A_40 = arith.constant 0 : index
    %swap3A_41 = vector.load %arg8[%swap3A, %swap3A_40] : memref<1080x64xf32, #tpu.memory_space<vmem>>, vector<1080x64xf32>
    tpu.vector_store %arg8[%swap3A, %swap3A_40], %max3A_39 {strides = array<i32>} : memref<1080x64xf32, #tpu.memory_space<vmem>>, vector<1080x64xf32>,
    %get3A_42 = arith.constant 0 : index
    %get3A_43 = arith.constant 0 : index
    %get3A_44 = vector.load %arg7[%get3A_42, %get3A_43] : memref<1x64xf32, #tpu.memory_space<vmem>>, vector<1x64xf32>
    %mul3A_45 = vector.broadcast %get3A_44 : vector<1x64xf32> to vector<1080x64xf32>
    %mul3A_46 = arith.mulf %max3A_39, %mul3A_45 : vector<1080x64xf32>
    %reduce_sum3A = arith.constant dense<0.000000e+00> : vector<1080xf32>
    %reduce_sum3A_47 = vector.multi_reduction <add>, %mul3A_46, %reduce_sum3A [1] : vector<1080x64xf32> to vector<1080xf32>
    %broadcast_in_dim3A = vector.shape_cast %reduce_sum3A_47 : vector<1080xf32> to vector<1080x1xf32>
    %swap3A_48 = arith.constant 0 : index
    %swap3A_49 = arith.constant 0 : index
    %swap3A_50 = vector.load %arg10[%swap3A_48, %swap3A_49] : memref<1080x1xf32, #tpu.memory_space<vmem>>, vector<1080x1xf32>
    tpu.vector_store %arg10[%swap3A_48, %swap3A_49], %broadcast_in_dim3A {strides = array<i32>} : memref<1080x1xf32, #tpu.memory_space<vmem>>, vector<1080x1xf32>,
    %get3A_51 = arith.constant 0 : index
    %get3A_52 = arith.constant 0 : index
    %get3A_53 = vector.load %arg4[%get3A_51, %get3A_52] : memref<1080x1xf32, #tpu.memory_space<vmem>>, vector<1080x1xf32>
    %mul3A_54 = arith.mulf %get3A_53, %broadcast_in_dim3A : vector<1080x1xf32>
    %swap3A_55 = arith.constant 0 : index
    %swap3A_56 = arith.constant 0 : index
    %swap3A_57 = vector.load %arg9[%swap3A_55, %swap3A_56] : memref<1080x1xf32, #tpu.memory_space<vmem>>, vector<1080x1xf32>
    tpu.vector_store %arg9[%swap3A_55, %swap3A_56], %mul3A_54 {strides = array<i32>} : memref<1080x1xf32, #tpu.memory_space<vmem>>, vector<1080x1xf32>,
    return
  }
  func.func @transform_0(%arg0: i32) -> (i32, i32, i32) {
    %c0_i32 = arith.constant 0 : i32
    %c0_i32_0 = arith.constant 0 : i32
    %c0_i32_1 = arith.constant 0 : i32
    return %c0_i32, %arg0, %c0_i32_0 : i32, i32, i32
  }
  func.func @transform_1(%arg0: i32) -> (i32, i32, i32) {
    %c0_i32 = arith.constant 0 : i32
    %c0_i32_0 = arith.constant 0 : i32
    %c0_i32_1 = arith.constant 0 : i32
    return %c0_i32, %arg0, %c0_i32_0 : i32, i32, i32
  }
  func.func @transform_2(%arg0: i32) -> (i32, i32) {
    %c0_i32 = arith.constant 0 : i32
    %c0_i32_0 = arith.constant 0 : i32
    return %arg0, %c0_i32 : i32, i32
  }
  func.func @transform_3(%arg0: i32) -> (i32, i32) {
    %c0_i32 = arith.constant 0 : i32
    %c0_i32_0 = arith.constant 0 : i32
    return %arg0, %c0_i32 : i32, i32
  }
  func.func @transform_4(%arg0: i32) -> (i32, i32) {
    %c0_i32 = arith.constant 0 : i32
    %c0_i32_0 = arith.constant 0 : i32
    return %arg0, %c0_i32 : i32, i32
  }
  func.func @transform_5(%arg0: i32) -> (i32, i32) {
    %c0_i32 = arith.constant 0 : i32
    %c0_i32_0 = arith.constant 0 : i32
    %c0_i32_1 = arith.constant 0 : i32
    return %c0_i32, %c0_i32_0 : i32, i32
  }
  func.func @transform_6(%arg0: i32) -> (i32, i32) {
    %c0_i32 = arith.constant 0 : i32
    %c0_i32_0 = arith.constant 0 : i32
    %c0_i32_1 = arith.constant 0 : i32
    return %c0_i32, %c0_i32_0 : i32, i32
  }
  func.func @transform_7(%arg0: i32) -> (i32, i32) {
    %c0_i32 = arith.constant 0 : i32
    %c0_i32_0 = arith.constant 0 : i32
    return %arg0, %c0_i32 : i32, i32
  }
  func.func @transform_8(%arg0: i32) -> (i32, i32) {
    %c0_i32 = arith.constant 0 : i32
    %c0_i32_0 = arith.constant 0 : i32
    return %arg0, %c0_i32 : i32, i32
  }
  func.func @transform_9(%arg0: i32) -> (i32, i32) {
    %c0_i32 = arith.constant 0 : i32
    %c0_i32_0 = arith.constant 0 : i32
    return %arg0, %c0_i32 : i32, i32
  }
}

module attributes {stable_mosaic.version = 14 : i64} {
  func.func @_b1_body(%arg0: i32, %arg1: memref<2048x6xf32, #tpu.memory_space<vmem>>, %arg2: memref<6x64xf32, #tpu.memory_space<vmem>>, %arg3: memref<1x64xf32, #tpu.memory_space<vmem>>, %arg4: memref<1x64xf32, #tpu.memory_space<vmem>>, %arg5: memref<1xf32, #tpu.memory_space<smem>>, %arg6: memref<2048x64xf32, #tpu.memory_space<vmem>>, %arg7: memref<2048x1xf32, #tpu.memory_space<vmem>>) attributes {dimension_semantics = [#tpu.dimension_semantics<arbitrary>], iteration_bounds = array<i64: 126>, scalar_prefetch = 0 : i64, scratch_operands = 0 : i64, tpu.core_type = #tpu.core_type<tc>, window_params = [{transform_indices = @transform_0, window_bounds = array<i64: 2048, 6>}, {pipeline_mode = #tpu.pipeline_mode<synchronous>, transform_indices = @transform_1, window_bounds = array<i64: 6, 64>}, {pipeline_mode = #tpu.pipeline_mode<synchronous>, transform_indices = @transform_2, window_bounds = array<i64: 1, 64>}, {pipeline_mode = #tpu.pipeline_mode<synchronous>, transform_indices = @transform_3, window_bounds = array<i64: 1, 64>}, {transform_indices = @transform_4, window_bounds = array<i64: 1>}, {transform_indices = @transform_5, window_bounds = array<i64: 2048, 64>}, {transform_indices = @transform_6, window_bounds = array<i64: 2048, 1>}]} {
    %get3A = arith.constant 0 : index
    %get3A_0 = arith.constant 0 : index
    %get3A_1 = vector.load %arg1[%get3A, %get3A_0] : memref<2048x6xf32, #tpu.memory_space<vmem>>, vector<2048x6xf32>
    %get3A_2 = arith.constant 0 : index
    %get3A_3 = arith.constant 0 : index
    %get3A_4 = vector.load %arg2[%get3A_2, %get3A_3] : memref<6x64xf32, #tpu.memory_space<vmem>>, vector<6x64xf32>
    %dot_general3A = arith.constant dense<0.000000e+00> : vector<2048x64xf32>
    %dot_general3A_5 = tpu.matmul %get3A_1, %get3A_4, %dot_general3A {dimension_numbers = #tpu.dot_dimension_numbers<[1], [0], [0], [1], [0, 0, 1, 1], [], []>, transpose_lhs_hint = false} : vector<2048x6xf32>, vector<6x64xf32>, vector<2048x64xf32> -> vector<2048x64xf32>
    %get3A_6 = arith.constant 0 : index
    %get3A_7 = arith.constant 0 : index
    %get3A_8 = vector.load %arg3[%get3A_6, %get3A_7] : memref<1x64xf32, #tpu.memory_space<vmem>>, vector<1x64xf32>
    %add3A = vector.broadcast %get3A_8 : vector<1x64xf32> to vector<2048x64xf32>
    %add3A_9 = arith.addf %dot_general3A_5, %add3A : vector<2048x64xf32>
    %max3A = arith.constant 0.000000e+00 : f32
    %max3A_10 = vector.broadcast %max3A : f32 to vector<2048x64xf32>
    %max3A_11 = arith.maximumf %add3A_9, %max3A_10 : vector<2048x64xf32>
    %swap3A = arith.constant 0 : index
    %swap3A_12 = arith.constant 0 : index
    %swap3A_13 = vector.load %arg6[%swap3A, %swap3A_12] : memref<2048x64xf32, #tpu.memory_space<vmem>>, vector<2048x64xf32>
    tpu.vector_store %arg6[%swap3A, %swap3A_12], %max3A_11 {strides = array<i32>} : memref<2048x64xf32, #tpu.memory_space<vmem>>, vector<2048x64xf32>,
    %get3A_14 = arith.constant 0 : index
    %get3A_15 = arith.constant 0 : index
    %get3A_16 = vector.load %arg4[%get3A_14, %get3A_15] : memref<1x64xf32, #tpu.memory_space<vmem>>, vector<1x64xf32>
    %mul3A = vector.broadcast %get3A_16 : vector<1x64xf32> to vector<2048x64xf32>
    %mul3A_17 = arith.mulf %max3A_11, %mul3A : vector<2048x64xf32>
    %reduce_sum3A = arith.constant dense<0.000000e+00> : vector<2048xf32>
    %reduce_sum3A_18 = vector.multi_reduction <add>, %mul3A_17, %reduce_sum3A [1] : vector<2048x64xf32> to vector<2048xf32>
    %broadcast_in_dim3A = vector.shape_cast %reduce_sum3A_18 : vector<2048xf32> to vector<2048x1xf32>
    %get3A_19 = arith.constant 0 : index
    %get3A_20 = memref.load %arg5[%get3A_19] : memref<1xf32, #tpu.memory_space<smem>>
    %add3A_21 = vector.broadcast %get3A_20 : f32 to vector<2048x1xf32>
    %add3A_22 = arith.addf %broadcast_in_dim3A, %add3A_21 : vector<2048x1xf32>
    %swap3A_23 = arith.constant 0 : index
    %swap3A_24 = arith.constant 0 : index
    %swap3A_25 = vector.load %arg7[%swap3A_23, %swap3A_24] : memref<2048x1xf32, #tpu.memory_space<vmem>>, vector<2048x1xf32>
    tpu.vector_store %arg7[%swap3A_23, %swap3A_24], %add3A_22 {strides = array<i32>} : memref<2048x1xf32, #tpu.memory_space<vmem>>, vector<2048x1xf32>,
    return
  }
  func.func @transform_0(%arg0: i32) -> (i32, i32) {
    %c0_i32 = arith.constant 0 : i32
    %c0_i32_0 = arith.constant 0 : i32
    return %arg0, %c0_i32 : i32, i32
  }
  func.func @transform_1(%arg0: i32) -> (i32, i32) {
    %c0_i32 = arith.constant 0 : i32
    %c0_i32_0 = arith.constant 0 : i32
    %c0_i32_1 = arith.constant 0 : i32
    return %c0_i32, %c0_i32_0 : i32, i32
  }
  func.func @transform_2(%arg0: i32) -> (i32, i32) {
    %c0_i32 = arith.constant 0 : i32
    %c0_i32_0 = arith.constant 0 : i32
    %c0_i32_1 = arith.constant 0 : i32
    return %c0_i32, %c0_i32_0 : i32, i32
  }
  func.func @transform_3(%arg0: i32) -> (i32, i32) {
    %c0_i32 = arith.constant 0 : i32
    %c0_i32_0 = arith.constant 0 : i32
    %c0_i32_1 = arith.constant 0 : i32
    return %c0_i32, %c0_i32_0 : i32, i32
  }
  func.func @transform_4(%arg0: i32) -> i32 {
    %c0_i32 = arith.constant 0 : i32
    %c0_i32_0 = arith.constant 0 : i32
    return %c0_i32 : i32
  }
  func.func @transform_5(%arg0: i32) -> (i32, i32) {
    %c0_i32 = arith.constant 0 : i32
    %c0_i32_0 = arith.constant 0 : i32
    return %arg0, %c0_i32 : i32, i32
  }
  func.func @transform_6(%arg0: i32) -> (i32, i32) {
    %c0_i32 = arith.constant 0 : i32
    %c0_i32_0 = arith.constant 0 : i32
    return %arg0, %c0_i32 : i32, i32
  }
}

module attributes {stable_mosaic.version = 14 : i64} {
  func.func @_attn0_body(%arg0: i32, %arg1: memref<2x1080x1xf32, #tpu.memory_space<vmem>>, %arg2: memref<1080x1xf32, #tpu.memory_space<vmem>>, %arg3: memref<1080x1xf32, #tpu.memory_space<vmem>>, %arg4: memref<1080x1xf32, #tpu.memory_space<vmem>>, %arg5: memref<1xf32, #tpu.memory_space<smem>>, %arg6: memref<1080x1xf32, #tpu.memory_space<vmem>>) attributes {dimension_semantics = [#tpu.dimension_semantics<arbitrary>], iteration_bounds = array<i64: 16>, scalar_prefetch = 0 : i64, scratch_operands = 0 : i64, tpu.core_type = #tpu.core_type<tc>, window_params = [{transform_indices = @transform_0, window_bounds = array<i64: 2, 1080, 1>}, {transform_indices = @transform_1, window_bounds = array<i64: 1080, 1>}, {transform_indices = @transform_2, window_bounds = array<i64: 1080, 1>}, {transform_indices = @transform_3, window_bounds = array<i64: 1080, 1>}, {transform_indices = @transform_4, window_bounds = array<i64: 1>}, {transform_indices = @transform_5, window_bounds = array<i64: 1080, 1>}]} {
    %get3A = arith.constant 0 : index
    %get3A_0 = arith.constant 0 : index
    %get3A_1 = arith.constant 0 : index
    %get3A_2 = vector.load %arg1[%get3A, %get3A_0, %get3A_1] : memref<2x1080x1xf32, #tpu.memory_space<vmem>>, vector<1x1080x1xf32>
    %get3A_3 = vector.shape_cast %get3A_2 : vector<1x1080x1xf32> to vector<1080x1xf32>
    %get3A_4 = arith.constant 1 : index
    %get3A_5 = arith.constant 0 : index
    %get3A_6 = arith.constant 0 : index
    %get3A_7 = vector.load %arg1[%get3A_4, %get3A_5, %get3A_6] : memref<2x1080x1xf32, #tpu.memory_space<vmem>>, vector<1x1080x1xf32>
    %get3A_8 = vector.shape_cast %get3A_7 : vector<1x1080x1xf32> to vector<1080x1xf32>
    %add3A = arith.addf %get3A_3, %get3A_8 : vector<1080x1xf32>
    %get3A_9 = arith.constant 0 : index
    %get3A_10 = arith.constant 0 : index
    %get3A_11 = vector.load %arg2[%get3A_9, %get3A_10] : memref<1080x1xf32, #tpu.memory_space<vmem>>, vector<1080x1xf32>
    %mul3A = arith.mulf %get3A_11, %add3A : vector<1080x1xf32>
    %get3A_12 = arith.constant 0 : index
    %get3A_13 = arith.constant 0 : index
    %get3A_14 = vector.load %arg3[%get3A_12, %get3A_13] : memref<1080x1xf32, #tpu.memory_space<vmem>>, vector<1080x1xf32>
    %get3A_15 = arith.constant 0 : index
    %get3A_16 = arith.constant 0 : index
    %get3A_17 = vector.load %arg4[%get3A_15, %get3A_16] : memref<1080x1xf32, #tpu.memory_space<vmem>>, vector<1080x1xf32>
    %mul3A_18 = arith.mulf %get3A_14, %get3A_17 : vector<1080x1xf32>
    %add3A_19 = arith.addf %mul3A, %mul3A_18 : vector<1080x1xf32>
    %get3A_20 = arith.constant 0 : index
    %get3A_21 = memref.load %arg5[%get3A_20] : memref<1xf32, #tpu.memory_space<smem>>
    %add3A_22 = vector.broadcast %get3A_21 : f32 to vector<1080x1xf32>
    %add3A_23 = arith.addf %add3A_19, %add3A_22 : vector<1080x1xf32>
    %swap3A = arith.constant 0 : index
    %swap3A_24 = arith.constant 0 : index
    %swap3A_25 = vector.load %arg6[%swap3A, %swap3A_24] : memref<1080x1xf32, #tpu.memory_space<vmem>>, vector<1080x1xf32>
    tpu.vector_store %arg6[%swap3A, %swap3A_24], %add3A_23 {strides = array<i32>} : memref<1080x1xf32, #tpu.memory_space<vmem>>, vector<1080x1xf32>,
    return
  }
  func.func @transform_0(%arg0: i32) -> (i32, i32, i32) {
    %c0_i32 = arith.constant 0 : i32
    %c0_i32_0 = arith.constant 0 : i32
    %c0_i32_1 = arith.constant 0 : i32
    return %c0_i32, %arg0, %c0_i32_0 : i32, i32, i32
  }
  func.func @transform_1(%arg0: i32) -> (i32, i32) {
    %c0_i32 = arith.constant 0 : i32
    %c0_i32_0 = arith.constant 0 : i32
    return %arg0, %c0_i32 : i32, i32
  }
  func.func @transform_2(%arg0: i32) -> (i32, i32) {
    %c0_i32 = arith.constant 0 : i32
    %c0_i32_0 = arith.constant 0 : i32
    return %arg0, %c0_i32 : i32, i32
  }
  func.func @transform_3(%arg0: i32) -> (i32, i32) {
    %c0_i32 = arith.constant 0 : i32
    %c0_i32_0 = arith.constant 0 : i32
    return %arg0, %c0_i32 : i32, i32
  }
  func.func @transform_4(%arg0: i32) -> i32 {
    %c0_i32 = arith.constant 0 : i32
    %c0_i32_0 = arith.constant 0 : i32
    return %c0_i32 : i32
  }
  func.func @transform_5(%arg0: i32) -> (i32, i32) {
    %c0_i32 = arith.constant 0 : i32
    %c0_i32_0 = arith.constant 0 : i32
    return %arg0, %c0_i32 : i32, i32
  }
}

module attributes {stable_mosaic.version = 14 : i64} {
  func.func @_select_body(%arg0: memref<16x17280xf32, #tpu.memory_space<vmem>>, %arg1: memref<16x17280xf32, #tpu.memory_space<vmem>>, %arg2: memref<16x17280xi32, #tpu.memory_space<vmem>>, %arg3: memref<16x17280xf32, #tpu.memory_space<vmem>>) attributes {dimension_semantics = [], scalar_prefetch = 0 : i64, scratch_operands = 2 : i64, tpu.core_type = #tpu.core_type<tc>} {
    %get3A = arith.constant 0 : index
    %get3A_0 = arith.constant 0 : index
    %get3A_1 = vector.load %arg0[%get3A, %get3A_0] : memref<16x17280xf32, #tpu.memory_space<vmem>>, vector<16x17280xf32>
    %bitcast_convert_type3A = tpu.bitcast %get3A_1 : vector<16x17280xf32> -> vector<16x17280xi32>
    %ge3A = arith.constant 0 : i32
    %ge3A_2 = vector.broadcast %ge3A : i32 to vector<16x17280xi32>
    %ge3A_3 = arith.cmpi sge, %bitcast_convert_type3A, %ge3A_2 : vector<16x17280xi32>
    %xor3A = arith.constant 2147483647 : i32
    %xor3A_4 = vector.broadcast %xor3A : i32 to vector<16x17280xi32>
    %xor3A_5 = arith.xori %bitcast_convert_type3A, %xor3A_4 : vector<16x17280xi32>
    %select_n3A = arith.select %ge3A_3, %bitcast_convert_type3A, %xor3A_5 : vector<16x17280xi1>, vector<16x17280xi32>
    %xor3A_6 = arith.constant -2147483648 : i32
    %xor3A_7 = vector.broadcast %xor3A_6 : i32 to vector<16x17280xi32>
    %xor3A_8 = arith.xori %select_n3A, %xor3A_7 : vector<16x17280xi32>
    %iota3A = tpu.iota {dimensions = array<i32: 1>} : vector<16x17280xi32>
    %lt3A = arith.constant 17186 : i32
    %lt3A_9 = vector.broadcast %lt3A : i32 to vector<16x17280xi32>
    %lt3A_10 = arith.cmpi slt, %iota3A, %lt3A_9 : vector<16x17280xi32>
    %jit3A = arith.constant 0 : i32
    %broadcast_in_dim3A = vector.broadcast %jit3A : i32 to vector<16x17280xi32>
    %select_n3A_11 = arith.select %lt3A_10, %xor3A_8, %broadcast_in_dim3A : vector<16x17280xi1>, vector<16x17280xi32>
    %swap3A = arith.constant 0 : index
    %swap3A_12 = arith.constant 0 : index
    %swap3A_13 = vector.load %arg2[%swap3A, %swap3A_12] : memref<16x17280xi32, #tpu.memory_space<vmem>>, vector<16x17280xi32>
    tpu.vector_store %arg2[%swap3A, %swap3A_12], %select_n3A_11 {strides = array<i32>} : memref<16x17280xi32, #tpu.memory_space<vmem>>, vector<16x17280xi32>,
    %broadcast_in_dim3A_14 = arith.constant 1.000000e+00 : f32
    %broadcast_in_dim3A_15 = vector.broadcast %broadcast_in_dim3A_14 : f32 to vector<16x17280xf32>
    %swap3A_16 = arith.constant 0 : index
    %swap3A_17 = arith.constant 0 : index
    %swap3A_18 = vector.load %arg3[%swap3A_16, %swap3A_17] : memref<16x17280xf32, #tpu.memory_space<vmem>>, vector<16x17280xf32>
    tpu.vector_store %arg3[%swap3A_16, %swap3A_17], %broadcast_in_dim3A_15 {strides = array<i32>} : memref<16x17280xf32, #tpu.memory_space<vmem>>, vector<16x17280xf32>,
    %broadcast_in_dim3A_19 = arith.constant 0.000000e+00 : f32
    %broadcast_in_dim3A_20 = vector.broadcast %broadcast_in_dim3A_19 : f32 to vector<16x17280xf32>
    %swap3A_21 = arith.constant 0 : index
    %swap3A_22 = arith.constant 0 : index
    %swap3A_23 = vector.load %arg1[%swap3A_21, %swap3A_22] : memref<16x17280xf32, #tpu.memory_space<vmem>>, vector<16x17280xf32>
    tpu.vector_store %arg1[%swap3A_21, %swap3A_22], %broadcast_in_dim3A_20 {strides = array<i32>} : memref<16x17280xf32, #tpu.memory_space<vmem>>, vector<16x17280xf32>,
    %broadcast_in_dim3A_24 = arith.constant 1.203100e+04 : f32
    %broadcast_in_dim3A_25 = vector.broadcast %broadcast_in_dim3A_24 : f32 to vector<16x1xf32>
    %scan3A = arith.constant 0 : i32
    %scan3A_26 = arith.constant 32 : i32
    %scan3A_27 = arith.addi %scan3A, %scan3A_26 : i32
    %scan3A_28 = arith.constant 1 : i32
    %scan3A_29 = scf.for %scan3A_53 = %scan3A to %scan3A_27 step %scan3A_28 iter_args(%scan3A_54 = %broadcast_in_dim3A_25) -> (vector<16x1xf32>)  : i32 {
      %sub3A = arith.constant 31 : i32
      %sub3A_55 = arith.subi %sub3A, %scan3A_53 : i32
      %get3A_56 = arith.constant 0 : index
      %get3A_57 = arith.constant 0 : index
      %get3A_58 = vector.load %arg2[%get3A_56, %get3A_57] : memref<16x17280xi32, #tpu.memory_space<vmem>>, vector<16x17280xi32>
      %shift_right_arithmetic3A = vector.broadcast %sub3A_55 : i32 to vector<16x17280xi32>
      %shift_right_arithmetic3A_59 = arith.shrsi %get3A_58, %shift_right_arithmetic3A : vector<16x17280xi32>
      %and3A = arith.constant 1 : i32
      %and3A_60 = vector.broadcast %and3A : i32 to vector<16x17280xi32>
      %and3A_61 = arith.andi %shift_right_arithmetic3A_59, %and3A_60 : vector<16x17280xi32>
      %convert_element_type3A_62 = arith.sitofp %and3A_61 : vector<16x17280xi32> to vector<16x17280xf32>
      %get3A_63 = arith.constant 0 : index
      %get3A_64 = arith.constant 0 : index
      %get3A_65 = vector.load %arg3[%get3A_63, %get3A_64] : memref<16x17280xf32, #tpu.memory_space<vmem>>, vector<16x17280xf32>
      %mul3A_66 = arith.mulf %get3A_65, %convert_element_type3A_62 : vector<16x17280xf32>
      %reduce_sum3A = arith.constant dense<0.000000e+00> : vector<16xf32>
      %reduce_sum3A_67 = vector.multi_reduction <add>, %mul3A_66, %reduce_sum3A [1] : vector<16x17280xf32> to vector<16xf32>
      %broadcast_in_dim3A_68 = vector.shape_cast %reduce_sum3A_67 : vector<16xf32> to vector<16x1xf32>
      %lt3A_69 = arith.cmpf olt, %broadcast_in_dim3A_68, %scan3A_54 : vector<16x1xf32>
      %convert_element_type3A_70 = arith.extui %lt3A_69 : vector<16x1xi1> to vector<16x1xi32>
      %convert_element_type3A_71 = arith.sitofp %convert_element_type3A_70 : vector<16x1xi32> to vector<16x1xf32>
      %get3A_72 = arith.constant 0 : index
      %get3A_73 = arith.constant 0 : index
      %get3A_74 = vector.load %arg1[%get3A_72, %get3A_73] : memref<16x17280xf32, #tpu.memory_space<vmem>>, vector<16x17280xf32>
      %mul3A_75 = arith.mulf %get3A_65, %convert_element_type3A_62 : vector<16x17280xf32>
      %mul3A_76 = vector.broadcast %convert_element_type3A_71 : vector<16x1xf32> to vector<16x17280xf32>
      %mul3A_77 = arith.mulf %mul3A_75, %mul3A_76 : vector<16x17280xf32>
      %add3A_78 = arith.addf %get3A_74, %mul3A_77 : vector<16x17280xf32>
      %swap3A_79 = arith.constant 0 : index
      %swap3A_80 = arith.constant 0 : index
      %swap3A_81 = vector.load %arg1[%swap3A_79, %swap3A_80] : memref<16x17280xf32, #tpu.memory_space<vmem>>, vector<16x17280xf32>
      tpu.vector_store %arg1[%swap3A_79, %swap3A_80], %add3A_78 {strides = array<i32>} : memref<16x17280xf32, #tpu.memory_space<vmem>>, vector<16x17280xf32>,
      %sub3A_82 = arith.constant 1.000000e+00 : f32
      %sub3A_83 = vector.broadcast %sub3A_82 : f32 to vector<16x1xf32>
      %sub3A_84 = arith.subf %sub3A_83, %convert_element_type3A_71 : vector<16x1xf32>
      %mul3A_85 = vector.broadcast %sub3A_84 : vector<16x1xf32> to vector<16x17280xf32>
      %mul3A_86 = arith.mulf %mul3A_85, %convert_element_type3A_62 : vector<16x17280xf32>
      %sub3A_87 = arith.constant 1.000000e+00 : f32
      %sub3A_88 = vector.broadcast %sub3A_87 : f32 to vector<16x17280xf32>
      %sub3A_89 = arith.subf %sub3A_88, %convert_element_type3A_62 : vector<16x17280xf32>
      %mul3A_90 = vector.broadcast %convert_element_type3A_71 : vector<16x1xf32> to vector<16x17280xf32>
      %mul3A_91 = arith.mulf %mul3A_90, %sub3A_89 : vector<16x17280xf32>
      %add3A_92 = arith.addf %mul3A_86, %mul3A_91 : vector<16x17280xf32>
      %mul3A_93 = arith.mulf %get3A_65, %add3A_92 : vector<16x17280xf32>
      %swap3A_94 = arith.constant 0 : index
      %swap3A_95 = arith.constant 0 : index
      %swap3A_96 = vector.load %arg3[%swap3A_94, %swap3A_95] : memref<16x17280xf32, #tpu.memory_space<vmem>>, vector<16x17280xf32>
      tpu.vector_store %arg3[%swap3A_94, %swap3A_95], %mul3A_93 {strides = array<i32>} : memref<16x17280xf32, #tpu.memory_space<vmem>>, vector<16x17280xf32>,
      %mul3A_97 = arith.mulf %broadcast_in_dim3A_68, %convert_element_type3A_71 : vector<16x1xf32>
      %sub3A_98 = arith.subf %scan3A_54, %mul3A_97 : vector<16x1xf32>
      scf.yield %sub3A_98 : vector<16x1xf32>
    }
    %scan3A_30 = arith.constant 32 : i32
    %scan3A_31 = arith.constant 0 : i32
    %scan3A_32 = arith.constant 15 : i32
    %scan3A_33 = arith.addi %scan3A_31, %scan3A_32 : i32
    %scan3A_34 = arith.constant 1 : i32
    %scan3A_35 = scf.for %scan3A_53 = %scan3A_31 to %scan3A_33 step %scan3A_34 iter_args(%scan3A_54 = %scan3A_29) -> (vector<16x1xf32>)  : i32 {
      %sub3A = arith.constant 14 : i32
      %sub3A_55 = arith.subi %sub3A, %scan3A_53 : i32
      %iota3A_56 = tpu.iota {dimensions = array<i32: 1>} : vector<16x17280xi32>
      %shift_right_arithmetic3A = vector.broadcast %sub3A_55 : i32 to vector<16x17280xi32>
      %shift_right_arithmetic3A_57 = arith.shrsi %iota3A_56, %shift_right_arithmetic3A : vector<16x17280xi32>
      %and3A = arith.constant 1 : i32
      %and3A_58 = vector.broadcast %and3A : i32 to vector<16x17280xi32>
      %and3A_59 = arith.andi %shift_right_arithmetic3A_57, %and3A_58 : vector<16x17280xi32>
      %sub3A_60 = arith.constant 1 : i32
      %sub3A_61 = vector.broadcast %sub3A_60 : i32 to vector<16x17280xi32>
      %sub3A_62 = arith.subi %sub3A_61, %and3A_59 : vector<16x17280xi32>
      %convert_element_type3A_63 = arith.sitofp %sub3A_62 : vector<16x17280xi32> to vector<16x17280xf32>
      %get3A_64 = arith.constant 0 : index
      %get3A_65 = arith.constant 0 : index
      %get3A_66 = vector.load %arg3[%get3A_64, %get3A_65] : memref<16x17280xf32, #tpu.memory_space<vmem>>, vector<16x17280xf32>
      %mul3A_67 = arith.mulf %get3A_66, %convert_element_type3A_63 : vector<16x17280xf32>
      %reduce_sum3A = arith.constant dense<0.000000e+00> : vector<16xf32>
      %reduce_sum3A_68 = vector.multi_reduction <add>, %mul3A_67, %reduce_sum3A [1] : vector<16x17280xf32> to vector<16xf32>
      %broadcast_in_dim3A_69 = vector.shape_cast %reduce_sum3A_68 : vector<16xf32> to vector<16x1xf32>
      %lt3A_70 = arith.cmpf olt, %broadcast_in_dim3A_69, %scan3A_54 : vector<16x1xf32>
      %convert_element_type3A_71 = arith.extui %lt3A_70 : vector<16x1xi1> to vector<16x1xi32>
      %convert_element_type3A_72 = arith.sitofp %convert_element_type3A_71 : vector<16x1xi32> to vector<16x1xf32>
      %get3A_73 = arith.constant 0 : index
      %get3A_74 = arith.constant 0 : index
      %get3A_75 = vector.load %arg1[%get3A_73, %get3A_74] : memref<16x17280xf32, #tpu.memory_space<vmem>>, vector<16x17280xf32>
      %mul3A_76 = arith.mulf %get3A_66, %convert_element_type3A_63 : vector<16x17280xf32>
      %mul3A_77 = vector.broadcast %convert_element_type3A_72 : vector<16x1xf32> to vector<16x17280xf32>
      %mul3A_78 = arith.mulf %mul3A_76, %mul3A_77 : vector<16x17280xf32>
      %add3A_79 = arith.addf %get3A_75, %mul3A_78 : vector<16x17280xf32>
      %swap3A_80 = arith.constant 0 : index
      %swap3A_81 = arith.constant 0 : index
      %swap3A_82 = vector.load %arg1[%swap3A_80, %swap3A_81] : memref<16x17280xf32, #tpu.memory_space<vmem>>, vector<16x17280xf32>
      tpu.vector_store %arg1[%swap3A_80, %swap3A_81], %add3A_79 {strides = array<i32>} : memref<16x17280xf32, #tpu.memory_space<vmem>>, vector<16x17280xf32>,
      %sub3A_83 = arith.constant 1.000000e+00 : f32
      %sub3A_84 = vector.broadcast %sub3A_83 : f32 to vector<16x1xf32>
      %sub3A_85 = arith.subf %sub3A_84, %convert_element_type3A_72 : vector<16x1xf32>
      %mul3A_86 = vector.broadcast %sub3A_85 : vector<16x1xf32> to vector<16x17280xf32>
      %mul3A_87 = arith.mulf %mul3A_86, %convert_element_type3A_63 : vector<16x17280xf32>
      %sub3A_88 = arith.constant 1.000000e+00 : f32
      %sub3A_89 = vector.broadcast %sub3A_88 : f32 to vector<16x17280xf32>
      %sub3A_90 = arith.subf %sub3A_89, %convert_element_type3A_63 : vector<16x17280xf32>
      %mul3A_91 = vector.broadcast %convert_element_type3A_72 : vector<16x1xf32> to vector<16x17280xf32>
      %mul3A_92 = arith.mulf %mul3A_91, %sub3A_90 : vector<16x17280xf32>
      %add3A_93 = arith.addf %mul3A_87, %mul3A_92 : vector<16x17280xf32>
      %mul3A_94 = arith.mulf %get3A_66, %add3A_93 : vector<16x17280xf32>
      %swap3A_95 = arith.constant 0 : index
      %swap3A_96 = arith.constant 0 : index
      %swap3A_97 = vector.load %arg3[%swap3A_95, %swap3A_96] : memref<16x17280xf32, #tpu.memory_space<vmem>>, vector<16x17280xf32>
      tpu.vector_store %arg3[%swap3A_95, %swap3A_96], %mul3A_94 {strides = array<i32>} : memref<16x17280xf32, #tpu.memory_space<vmem>>, vector<16x17280xf32>,
      %mul3A_98 = arith.mulf %broadcast_in_dim3A_69, %convert_element_type3A_72 : vector<16x1xf32>
      %sub3A_99 = arith.subf %scan3A_54, %mul3A_98 : vector<16x1xf32>
      scf.yield %sub3A_99 : vector<16x1xf32>
    }
    %scan3A_36 = arith.constant 15 : i32
    %ge3A_37 = arith.constant 5.000000e-01 : f32
    %ge3A_38 = vector.broadcast %ge3A_37 : f32 to vector<16x1xf32>
    %ge3A_39 = arith.cmpf oge, %scan3A_35, %ge3A_38 : vector<16x1xf32>
    %convert_element_type3A = arith.extui %ge3A_39 : vector<16x1xi1> to vector<16x1xi32>
    %convert_element_type3A_40 = arith.sitofp %convert_element_type3A : vector<16x1xi32> to vector<16x1xf32>
    %get3A_41 = arith.constant 0 : index
    %get3A_42 = arith.constant 0 : index
    %get3A_43 = vector.load %arg1[%get3A_41, %get3A_42] : memref<16x17280xf32, #tpu.memory_space<vmem>>, vector<16x17280xf32>
    %get3A_44 = arith.constant 0 : index
    %get3A_45 = arith.constant 0 : index
    %get3A_46 = vector.load %arg3[%get3A_44, %get3A_45] : memref<16x17280xf32, #tpu.memory_space<vmem>>, vector<16x17280xf32>
    %mul3A = vector.broadcast %convert_element_type3A_40 : vector<16x1xf32> to vector<16x17280xf32>
    %mul3A_47 = arith.mulf %get3A_46, %mul3A : vector<16x17280xf32>
    %add3A = arith.addf %get3A_43, %mul3A_47 : vector<16x17280xf32>
    %min3A = arith.constant 1.000000e+00 : f32
    %min3A_48 = vector.broadcast %min3A : f32 to vector<16x17280xf32>
    %min3A_49 = arith.minimumf %add3A, %min3A_48 : vector<16x17280xf32>
    %swap3A_50 = arith.constant 0 : index
    %swap3A_51 = arith.constant 0 : index
    %swap3A_52 = vector.load %arg1[%swap3A_50, %swap3A_51] : memref<16x17280xf32, #tpu.memory_space<vmem>>, vector<16x17280xf32>
    tpu.vector_store %arg1[%swap3A_50, %swap3A_51], %min3A_49 {strides = array<i32>} : memref<16x17280xf32, #tpu.memory_space<vmem>>, vector<16x17280xf32>,
    return
  }
}

module attributes {stable_mosaic.version = 14 : i64} {
  func.func @_g0c_body(%arg0: i32, %arg1: memref<1080x64xf32, #tpu.memory_space<vmem>>, %arg2: memref<1080x1xf32, #tpu.memory_space<vmem>>, %arg3: memref<1080x1xf32, #tpu.memory_space<vmem>>, %arg4: memref<2x1080x1xf32, #tpu.memory_space<vmem>>, %arg5: memref<64x32xf32, #tpu.memory_space<vmem>>, %arg6: memref<1080x32xf32, #tpu.memory_space<vmem>>, %arg7: memref<1080x32xf32, #tpu.memory_space<vmem>>, %arg8: memref<1080x1xf32, #tpu.memory_space<vmem>>, %arg9: memref<1080x1xf32, #tpu.memory_space<vmem>>) attributes {dimension_semantics = [#tpu.dimension_semantics<arbitrary>], iteration_bounds = array<i64: 16>, scalar_prefetch = 0 : i64, scratch_operands = 0 : i64, tpu.core_type = #tpu.core_type<tc>, window_params = [{transform_indices = @transform_0, window_bounds = array<i64: 1080, 64>}, {transform_indices = @transform_1, window_bounds = array<i64: 1080, 1>}, {transform_indices = @transform_2, window_bounds = array<i64: 1080, 1>}, {transform_indices = @transform_3, window_bounds = array<i64: 2, 1080, 1>}, {pipeline_mode = #tpu.pipeline_mode<synchronous>, transform_indices = @transform_4, window_bounds = array<i64: 64, 32>}, {transform_indices = @transform_5, window_bounds = array<i64: 1080, 32>}, {transform_indices = @transform_6, window_bounds = array<i64: 1080, 32>}, {transform_indices = @transform_7, window_bounds = array<i64: 1080, 1>}, {transform_indices = @transform_8, window_bounds = array<i64: 1080, 1>}]} {
    %get3A = arith.constant 0 : index
    %get3A_0 = arith.constant 0 : index
    %get3A_1 = vector.load %arg3[%get3A, %get3A_0] : memref<1080x1xf32, #tpu.memory_space<vmem>>, vector<1080x1xf32>
    %get3A_2 = arith.constant 0 : index
    %get3A_3 = arith.constant 0 : index
    %get3A_4 = vector.load %arg2[%get3A_2, %get3A_3] : memref<1080x1xf32, #tpu.memory_space<vmem>>, vector<1080x1xf32>
    %tanh3A = math.tanh %get3A_4 : vector<1080x1xf32>
    %mul3A = arith.mulf %get3A_1, %tanh3A : vector<1080x1xf32>
    %get3A_5 = arith.constant 0 : index
    %get3A_6 = arith.constant 0 : index
    %get3A_7 = vector.load %arg1[%get3A_5, %get3A_6] : memref<1080x64xf32, #tpu.memory_space<vmem>>, vector<1080x64xf32>
    %mul3A_8 = vector.broadcast %mul3A : vector<1080x1xf32> to vector<1080x64xf32>
    %mul3A_9 = arith.mulf %mul3A_8, %get3A_7 : vector<1080x64xf32>
    %get3A_10 = arith.constant 0 : index
    %get3A_11 = arith.constant 0 : index
    %get3A_12 = vector.load %arg5[%get3A_10, %get3A_11] : memref<64x32xf32, #tpu.memory_space<vmem>>, vector<64x32xf32>
    %dot_general3A = arith.constant dense<0.000000e+00> : vector<1080x32xf32>
    %dot_general3A_13 = tpu.matmul %mul3A_9, %get3A_12, %dot_general3A {dimension_numbers = #tpu.dot_dimension_numbers<[1], [0], [0], [1], [0, 0, 1, 1], [], []>, transpose_lhs_hint = false} : vector<1080x64xf32>, vector<64x32xf32>, vector<1080x32xf32> -> vector<1080x32xf32>
    %get3A_14 = arith.constant 0 : index
    %get3A_15 = arith.constant 0 : index
    %get3A_16 = arith.constant 0 : index
    %get3A_17 = vector.load %arg4[%get3A_14, %get3A_15, %get3A_16] : memref<2x1080x1xf32, #tpu.memory_space<vmem>>, vector<1x1080x1xf32>
    %get3A_18 = vector.shape_cast %get3A_17 : vector<1x1080x1xf32> to vector<1080x1xf32>
    %get3A_19 = arith.constant 1 : index
    %get3A_20 = arith.constant 0 : index
    %get3A_21 = arith.constant 0 : index
    %get3A_22 = vector.load %arg4[%get3A_19, %get3A_20, %get3A_21] : memref<2x1080x1xf32, #tpu.memory_space<vmem>>, vector<1x1080x1xf32>
    %get3A_23 = vector.shape_cast %get3A_22 : vector<1x1080x1xf32> to vector<1080x1xf32>
    %add3A = arith.addf %get3A_18, %get3A_23 : vector<1080x1xf32>
    %add3A_24 = arith.constant 1.000000e+00 : f32
    %add3A_25 = vector.broadcast %add3A_24 : f32 to vector<1080x1xf32>
    %add3A_26 = arith.addf %add3A, %add3A_25 : vector<1080x1xf32>
    %rsqrt3A = math.rsqrt %add3A_26 : vector<1080x1xf32>
    %swap3A = arith.constant 0 : index
    %swap3A_27 = arith.constant 0 : index
    %swap3A_28 = vector.load %arg6[%swap3A, %swap3A_27] : memref<1080x32xf32, #tpu.memory_space<vmem>>, vector<1080x32xf32>
    tpu.vector_store %arg6[%swap3A, %swap3A_27], %dot_general3A_13 {strides = array<i32>} : memref<1080x32xf32, #tpu.memory_space<vmem>>, vector<1080x32xf32>,
    %mul3A_29 = arith.mulf %get3A_1, %rsqrt3A : vector<1080x1xf32>
    %mul3A_30 = vector.broadcast %mul3A_29 : vector<1080x1xf32> to vector<1080x32xf32>
    %mul3A_31 = arith.mulf %mul3A_30, %dot_general3A_13 : vector<1080x32xf32>
    %swap3A_32 = arith.constant 0 : index
    %swap3A_33 = arith.constant 0 : index
    %swap3A_34 = vector.load %arg7[%swap3A_32, %swap3A_33] : memref<1080x32xf32, #tpu.memory_space<vmem>>, vector<1080x32xf32>
    tpu.vector_store %arg7[%swap3A_32, %swap3A_33], %mul3A_31 {strides = array<i32>} : memref<1080x32xf32, #tpu.memory_space<vmem>>, vector<1080x32xf32>,
    %swap3A_35 = arith.constant 0 : index
    %swap3A_36 = arith.constant 0 : index
    %swap3A_37 = vector.load %arg8[%swap3A_35, %swap3A_36] : memref<1080x1xf32, #tpu.memory_space<vmem>>, vector<1080x1xf32>
    tpu.vector_store %arg8[%swap3A_35, %swap3A_36], %rsqrt3A {strides = array<i32>} : memref<1080x1xf32, #tpu.memory_space<vmem>>, vector<1080x1xf32>,
    %div3A = arith.constant 1.000000e+00 : f32
    %div3A_38 = vector.broadcast %div3A : f32 to vector<1080x1xf32>
    %div3A_39 = arith.divf %div3A_38, %add3A_26 : vector<1080x1xf32>
    %swap3A_40 = arith.constant 0 : index
    %swap3A_41 = arith.constant 0 : index
    %swap3A_42 = vector.load %arg9[%swap3A_40, %swap3A_41] : memref<1080x1xf32, #tpu.memory_space<vmem>>, vector<1080x1xf32>
    tpu.vector_store %arg9[%swap3A_40, %swap3A_41], %div3A_39 {strides = array<i32>} : memref<1080x1xf32, #tpu.memory_space<vmem>>, vector<1080x1xf32>,
    return
  }
  func.func @transform_0(%arg0: i32) -> (i32, i32) {
    %c0_i32 = arith.constant 0 : i32
    %c0_i32_0 = arith.constant 0 : i32
    return %arg0, %c0_i32 : i32, i32
  }
  func.func @transform_1(%arg0: i32) -> (i32, i32) {
    %c0_i32 = arith.constant 0 : i32
    %c0_i32_0 = arith.constant 0 : i32
    return %arg0, %c0_i32 : i32, i32
  }
  func.func @transform_2(%arg0: i32) -> (i32, i32) {
    %c0_i32 = arith.constant 0 : i32
    %c0_i32_0 = arith.constant 0 : i32
    return %arg0, %c0_i32 : i32, i32
  }
  func.func @transform_3(%arg0: i32) -> (i32, i32, i32) {
    %c0_i32 = arith.constant 0 : i32
    %c0_i32_0 = arith.constant 0 : i32
    %c0_i32_1 = arith.constant 0 : i32
    return %c0_i32, %arg0, %c0_i32_0 : i32, i32, i32
  }
  func.func @transform_4(%arg0: i32) -> (i32, i32) {
    %c0_i32 = arith.constant 0 : i32
    %c0_i32_0 = arith.constant 0 : i32
    %c0_i32_1 = arith.constant 0 : i32
    return %c0_i32, %c0_i32_0 : i32, i32
  }
  func.func @transform_5(%arg0: i32) -> (i32, i32) {
    %c0_i32 = arith.constant 0 : i32
    %c0_i32_0 = arith.constant 0 : i32
    return %arg0, %c0_i32 : i32, i32
  }
  func.func @transform_6(%arg0: i32) -> (i32, i32) {
    %c0_i32 = arith.constant 0 : i32
    %c0_i32_0 = arith.constant 0 : i32
    return %arg0, %c0_i32 : i32, i32
  }
  func.func @transform_7(%arg0: i32) -> (i32, i32) {
    %c0_i32 = arith.constant 0 : i32
    %c0_i32_0 = arith.constant 0 : i32
    return %arg0, %c0_i32 : i32, i32
  }
  func.func @transform_8(%arg0: i32) -> (i32, i32) {
    %c0_i32 = arith.constant 0 : i32
    %c0_i32_0 = arith.constant 0 : i32
    return %arg0, %c0_i32 : i32, i32
  }
}

module attributes {stable_mosaic.version = 14 : i64} {
  func.func @_b2_body(%arg0: i32, %arg1: i32, %arg2: memref<1x1080x64xf32, #tpu.memory_space<vmem>>, %arg3: memref<1x1080x1xf32, #tpu.memory_space<vmem>>, %arg4: memref<1x1080x1xf32, #tpu.memory_space<vmem>>, %arg5: memref<64x32xf32, #tpu.memory_space<vmem>>, %arg6: memref<1x32xf32, #tpu.memory_space<vmem>>, %arg7: memref<1x1x32xf32, #tpu.memory_space<vmem>>) attributes {dimension_semantics = [#tpu.dimension_semantics<arbitrary>, #tpu.dimension_semantics<arbitrary>], iteration_bounds = array<i64: 15, 16>, scalar_prefetch = 0 : i64, scratch_operands = 0 : i64, tpu.core_type = #tpu.core_type<tc>, window_params = [{transform_indices = @transform_0, window_bounds = array<i64: 1, 1080, 64>}, {transform_indices = @transform_1, window_bounds = array<i64: 1, 1080, 1>}, {transform_indices = @transform_2, window_bounds = array<i64: 1, 1080, 1>}, {pipeline_mode = #tpu.pipeline_mode<synchronous>, transform_indices = @transform_3, window_bounds = array<i64: 64, 32>}, {pipeline_mode = #tpu.pipeline_mode<synchronous>, transform_indices = @transform_4, window_bounds = array<i64: 1, 32>}, {transform_indices = @transform_5, window_bounds = array<i64: 1, 1, 32>}]} {
    %get3A = arith.constant 0 : index
    %get3A_0 = arith.constant 0 : index
    %get3A_1 = arith.constant 0 : index
    %get3A_2 = vector.load %arg4[%get3A, %get3A_0, %get3A_1] : memref<1x1080x1xf32, #tpu.memory_space<vmem>>, vector<1x1080x1xf32>
    %get3A_3 = vector.shape_cast %get3A_2 : vector<1x1080x1xf32> to vector<1080x1xf32>
    %get3A_4 = arith.constant 0 : index
    %get3A_5 = arith.constant 0 : index
    %get3A_6 = arith.constant 0 : index
    %get3A_7 = vector.load %arg2[%get3A_4, %get3A_5, %get3A_6] : memref<1x1080x64xf32, #tpu.memory_space<vmem>>, vector<1x1080x64xf32>
    %get3A_8 = vector.shape_cast %get3A_7 : vector<1x1080x64xf32> to vector<1080x64xf32>
    %get3A_9 = arith.constant 0 : index
    %get3A_10 = arith.constant 0 : index
    %get3A_11 = arith.constant 0 : index
    %get3A_12 = vector.load %arg3[%get3A_9, %get3A_10, %get3A_11] : memref<1x1080x1xf32, #tpu.memory_space<vmem>>, vector<1x1080x1xf32>
    %get3A_13 = vector.shape_cast %get3A_12 : vector<1x1080x1xf32> to vector<1080x1xf32>
    %tanh3A = math.tanh %get3A_13 : vector<1080x1xf32>
    %mul3A = arith.mulf %get3A_3, %tanh3A : vector<1080x1xf32>
    %mul3A_14 = vector.broadcast %mul3A : vector<1080x1xf32> to vector<1080x64xf32>
    %mul3A_15 = arith.mulf %mul3A_14, %get3A_8 : vector<1080x64xf32>
    %get3A_16 = arith.constant 0 : index
    %get3A_17 = arith.constant 0 : index
    %get3A_18 = vector.load %arg5[%get3A_16, %get3A_17] : memref<64x32xf32, #tpu.memory_space<vmem>>, vector<64x32xf32>
    %dot_general3A = arith.constant dense<0.000000e+00> : vector<1080x32xf32>
    %dot_general3A_19 = tpu.matmul %mul3A_15, %get3A_18, %dot_general3A {dimension_numbers = #tpu.dot_dimension_numbers<[1], [0], [0], [1], [0, 0, 1, 1], [], []>, transpose_lhs_hint = false} : vector<1080x64xf32>, vector<64x32xf32>, vector<1080x32xf32> -> vector<1080x32xf32>
    %get3A_20 = arith.constant 0 : index
    %get3A_21 = arith.constant 0 : index
    %get3A_22 = vector.load %arg6[%get3A_20, %get3A_21] : memref<1x32xf32, #tpu.memory_space<vmem>>, vector<1x32xf32>
    %add3A = vector.broadcast %get3A_22 : vector<1x32xf32> to vector<1080x32xf32>
    %add3A_23 = arith.addf %dot_general3A_19, %add3A : vector<1080x32xf32>
    %max3A = arith.constant 0.000000e+00 : f32
    %max3A_24 = vector.broadcast %max3A : f32 to vector<1080x32xf32>
    %max3A_25 = arith.maximumf %add3A_23, %max3A_24 : vector<1080x32xf32>
    %mul3A_26 = arith.constant 1080 : i32
    %mul3A_27 = arith.muli %arg1, %mul3A_26 : i32
    %iota3A = tpu.iota {dimensions = array<i32: 0>} : vector<1080x1xi32>
    %add3A_28 = vector.broadcast %mul3A_27 : i32 to vector<1080x1xi32>
    %add3A_29 = arith.addi %add3A_28, %iota3A : vector<1080x1xi32>
    %gt3A = arith.constant 5.000000e-01 : f32
    %gt3A_30 = vector.broadcast %gt3A : f32 to vector<1080x1xf32>
    %gt3A_31 = arith.cmpf ogt, %get3A_3, %gt3A_30 : vector<1080x1xf32>
    %lt3A = arith.constant 17186 : i32
    %lt3A_32 = vector.broadcast %lt3A : i32 to vector<1080x1xi32>
    %lt3A_33 = arith.cmpi slt, %add3A_29, %lt3A_32 : vector<1080x1xi32>
    %and3A = arith.andi %gt3A_31, %lt3A_33 : vector<1080x1xi1>
    %jit3A = arith.constant -3.000000e+38 : f32
    %broadcast_in_dim3A = vector.shape_cast %and3A : vector<1080x1xi1> to vector<1080x1xi1>
    %broadcast_in_dim3A_34 = vector.broadcast %broadcast_in_dim3A : vector<1080x1xi1> to vector<1080x32xi1>
    %broadcast_in_dim3A_35 = vector.broadcast %jit3A : f32 to vector<1080x32xf32>
    %select_n3A = arith.select %broadcast_in_dim3A_34, %max3A_25, %broadcast_in_dim3A_35 : vector<1080x32xi1>, vector<1080x32xf32>
    %reduce_max3A = arith.constant dense<0xFF800000> : vector<32xf32>
    %reduce_max3A_36 = vector.multi_reduction <maximumf>, %select_n3A, %reduce_max3A [0] : vector<1080x32xf32> to vector<32xf32>
    %broadcast_in_dim3A_37 = vector.shape_cast %reduce_max3A_36 : vector<32xf32> to vector<1x32xf32>
    %broadcast_in_dim3A_38 = vector.shape_cast %broadcast_in_dim3A_37 : vector<1x32xf32> to vector<1x1x32xf32>
    %eq3A = arith.constant 0 : i32
    %eq3A_39 = arith.cmpi eq, %arg1, %eq3A : i32
    %convert_element_type3A = arith.extui %eq3A_39 : i1 to i32
    %cond3A = arith.constant 0 : i32
    %cond3A_40 = arith.cmpi ne, %convert_element_type3A, %cond3A : i32
    scf.if %cond3A_40 {
      %swap3A = arith.constant 0 : index
      %swap3A_46 = arith.constant 0 : index
      %swap3A_47 = arith.constant 0 : index
      %swap3A_48 = vector.load %arg7[%swap3A, %swap3A_46, %swap3A_47] : memref<1x1x32xf32, #tpu.memory_space<vmem>>, vector<1x1x32xf32>
      tpu.vector_store %arg7[%swap3A, %swap3A_46, %swap3A_47], %broadcast_in_dim3A_38 {strides = array<i32>} : memref<1x1x32xf32, #tpu.memory_space<vmem>>, vector<1x1x32xf32>,
    } else {
    }
    %gt3A_41 = arith.constant 0 : i32
    %gt3A_42 = arith.cmpi sgt, %arg1, %gt3A_41 : i32
    %convert_element_type3A_43 = arith.extui %gt3A_42 : i1 to i32
    %cond3A_44 = arith.constant 0 : i32
    %cond3A_45 = arith.cmpi ne, %convert_element_type3A_43, %cond3A_44 : i32
    scf.if %cond3A_45 {
      %get3A_46 = arith.constant 0 : index
      %get3A_47 = arith.constant 0 : index
      %get3A_48 = arith.constant 0 : index
      %get3A_49 = vector.load %arg7[%get3A_46, %get3A_47, %get3A_48] : memref<1x1x32xf32, #tpu.memory_space<vmem>>, vector<1x1x32xf32>
      %max3A_50 = arith.maximumf %get3A_49, %broadcast_in_dim3A_38 : vector<1x1x32xf32>
      %swap3A = arith.constant 0 : index
      %swap3A_51 = arith.constant 0 : index
      %swap3A_52 = arith.constant 0 : index
      %swap3A_53 = vector.load %arg7[%swap3A, %swap3A_51, %swap3A_52] : memref<1x1x32xf32, #tpu.memory_space<vmem>>, vector<1x1x32xf32>
      tpu.vector_store %arg7[%swap3A, %swap3A_51, %swap3A_52], %max3A_50 {strides = array<i32>} : memref<1x1x32xf32, #tpu.memory_space<vmem>>, vector<1x1x32xf32>,
    } else {
    }
    return
  }
  func.func @transform_0(%arg0: i32, %arg1: i32) -> (i32, i32, i32) {
    %c0_i32 = arith.constant 0 : i32
    %c0_i32_0 = arith.constant 0 : i32
    return %arg0, %arg1, %c0_i32 : i32, i32, i32
  }
  func.func @transform_1(%arg0: i32, %arg1: i32) -> (i32, i32, i32) {
    %c0_i32 = arith.constant 0 : i32
    %c0_i32_0 = arith.constant 0 : i32
    return %arg0, %arg1, %c0_i32 : i32, i32, i32
  }
  func.func @transform_2(%arg0: i32, %arg1: i32) -> (i32, i32, i32) {
    %c0_i32 = arith.constant 0 : i32
    %c0_i32_0 = arith.constant 0 : i32
    return %arg0, %arg1, %c0_i32 : i32, i32, i32
  }
  func.func @transform_3(%arg0: i32, %arg1: i32) -> (i32, i32) {
    %c0_i32 = arith.constant 0 : i32
    %c0_i32_0 = arith.constant 0 : i32
    %c0_i32_1 = arith.constant 0 : i32
    return %c0_i32, %c0_i32_0 : i32, i32
  }
  func.func @transform_4(%arg0: i32, %arg1: i32) -> (i32, i32) {
    %c0_i32 = arith.constant 0 : i32
    %c0_i32_0 = arith.constant 0 : i32
    %c0_i32_1 = arith.constant 0 : i32
    return %c0_i32, %c0_i32_0 : i32, i32
  }
  func.func @transform_5(%arg0: i32, %arg1: i32) -> (i32, i32, i32) {
    %c0_i32 = arith.constant 0 : i32
    %c0_i32_0 = arith.constant 0 : i32
    %c0_i32_1 = arith.constant 0 : i32
    return %arg0, %c0_i32, %c0_i32_0 : i32, i32, i32
  }
}

module attributes {stable_mosaic.version = 14 : i64} {
  func.func @_g0d_body(%arg0: i32, %arg1: memref<2x1080x32xf32, #tpu.memory_space<vmem>>, %arg2: memref<1080x32xf32, #tpu.memory_space<vmem>>, %arg3: memref<1080x1xf32, #tpu.memory_space<vmem>>, %arg4: memref<1080x1xf32, #tpu.memory_space<vmem>>, %arg5: memref<1080x1xf32, #tpu.memory_space<vmem>>, %arg6: memref<1x32xf32, #tpu.memory_space<vmem>>, %arg7: memref<1x32xf32, #tpu.memory_space<vmem>>) attributes {dimension_semantics = [#tpu.dimension_semantics<arbitrary>], iteration_bounds = array<i64: 16>, scalar_prefetch = 0 : i64, scratch_operands = 0 : i64, tpu.core_type = #tpu.core_type<tc>, window_params = [{transform_indices = @transform_0, window_bounds = array<i64: 2, 1080, 32>}, {transform_indices = @transform_1, window_bounds = array<i64: 1080, 32>}, {transform_indices = @transform_2, window_bounds = array<i64: 1080, 1>}, {transform_indices = @transform_3, window_bounds = array<i64: 1080, 1>}, {transform_indices = @transform_4, window_bounds = array<i64: 1080, 1>}, {pipeline_mode = #tpu.pipeline_mode<synchronous>, transform_indices = @transform_5, window_bounds = array<i64: 1, 32>}, {pipeline_mode = #tpu.pipeline_mode<synchronous>, transform_indices = @transform_6, window_bounds = array<i64: 1, 32>}]} {
    %get3A = arith.constant 0 : index
    %get3A_0 = arith.constant 0 : index
    %get3A_1 = arith.constant 0 : index
    %get3A_2 = vector.load %arg1[%get3A, %get3A_0, %get3A_1] : memref<2x1080x32xf32, #tpu.memory_space<vmem>>, vector<1x1080x32xf32>
    %get3A_3 = vector.shape_cast %get3A_2 : vector<1x1080x32xf32> to vector<1080x32xf32>
    %get3A_4 = arith.constant 1 : index
    %get3A_5 = arith.constant 0 : index
    %get3A_6 = arith.constant 0 : index
    %get3A_7 = vector.load %arg1[%get3A_4, %get3A_5, %get3A_6] : memref<2x1080x32xf32, #tpu.memory_space<vmem>>, vector<1x1080x32xf32>
    %get3A_8 = vector.shape_cast %get3A_7 : vector<1x1080x32xf32> to vector<1080x32xf32>
    %add3A = arith.addf %get3A_3, %get3A_8 : vector<1080x32xf32>
    %get3A_9 = arith.constant 0 : index
    %get3A_10 = arith.constant 0 : index
    %get3A_11 = vector.load %arg3[%get3A_9, %get3A_10] : memref<1080x1xf32, #tpu.memory_space<vmem>>, vector<1080x1xf32>
    %mul3A = vector.broadcast %get3A_11 : vector<1080x1xf32> to vector<1080x32xf32>
    %mul3A_12 = arith.mulf %mul3A, %add3A : vector<1080x32xf32>
    %get3A_13 = arith.constant 0 : index
    %get3A_14 = arith.constant 0 : index
    %get3A_15 = vector.load %arg4[%get3A_13, %get3A_14] : memref<1080x1xf32, #tpu.memory_space<vmem>>, vector<1080x1xf32>
    %get3A_16 = arith.constant 0 : index
    %get3A_17 = arith.constant 0 : index
    %get3A_18 = vector.load %arg2[%get3A_16, %get3A_17] : memref<1080x32xf32, #tpu.memory_space<vmem>>, vector<1080x32xf32>
    %mul3A_19 = vector.broadcast %get3A_15 : vector<1080x1xf32> to vector<1080x32xf32>
    %mul3A_20 = arith.mulf %mul3A_19, %get3A_18 : vector<1080x32xf32>
    %add3A_21 = arith.addf %mul3A_12, %mul3A_20 : vector<1080x32xf32>
    %get3A_22 = arith.constant 0 : index
    %get3A_23 = arith.constant 0 : index
    %get3A_24 = vector.load %arg6[%get3A_22, %get3A_23] : memref<1x32xf32, #tpu.memory_space<vmem>>, vector<1x32xf32>
    %add3A_25 = vector.broadcast %get3A_24 : vector<1x32xf32> to vector<1080x32xf32>
    %add3A_26 = arith.addf %add3A_21, %add3A_25 : vector<1080x32xf32>
    %max3A = arith.constant 0.000000e+00 : f32
    %max3A_27 = vector.broadcast %max3A : f32 to vector<1080x32xf32>
    %max3A_28 = arith.maximumf %add3A_26, %max3A_27 : vector<1080x32xf32>
    %get3A_29 = arith.constant 0 : index
    %get3A_30 = arith.constant 0 : index
    %get3A_31 = vector.load %arg5[%get3A_29, %get3A_30] : memref<1080x1xf32, #tpu.memory_space<vmem>>, vector<1080x1xf32>
    %gt3A = arith.constant 5.000000e-01 : f32
    %gt3A_32 = vector.broadcast %gt3A : f32 to vector<1080x1xf32>
    %gt3A_33 = arith.cmpf ogt, %get3A_31, %gt3A_32 : vector<1080x1xf32>
    %jit3A = arith.constant -3.000000e+38 : f32
    %broadcast_in_dim3A = vector.shape_cast %gt3A_33 : vector<1080x1xi1> to vector<1080x1xi1>
    %broadcast_in_dim3A_34 = vector.broadcast %broadcast_in_dim3A : vector<1080x1xi1> to vector<1080x32xi1>
    %broadcast_in_dim3A_35 = vector.broadcast %jit3A : f32 to vector<1080x32xf32>
    %select_n3A = arith.select %broadcast_in_dim3A_34, %max3A_28, %broadcast_in_dim3A_35 : vector<1080x32xi1>, vector<1080x32xf32>
    %reduce_max3A = arith.constant dense<0xFF800000> : vector<32xf32>
    %reduce_max3A_36 = vector.multi_reduction <maximumf>, %select_n3A, %reduce_max3A [0] : vector<1080x32xf32> to vector<32xf32>
    %broadcast_in_dim3A_37 = vector.shape_cast %reduce_max3A_36 : vector<32xf32> to vector<1x32xf32>
    %eq3A = arith.constant 0 : i32
    %eq3A_38 = arith.cmpi eq, %arg0, %eq3A : i32
    %convert_element_type3A = arith.extui %eq3A_38 : i1 to i32
    %cond3A = arith.constant 0 : i32
    %cond3A_39 = arith.cmpi ne, %convert_element_type3A, %cond3A : i32
    scf.if %cond3A_39 {
      %swap3A = arith.constant 0 : index
      %swap3A_45 = arith.constant 0 : index
      %swap3A_46 = vector.load %arg7[%swap3A, %swap3A_45] : memref<1x32xf32, #tpu.memory_space<vmem>>, vector<1x32xf32>
      tpu.vector_store %arg7[%swap3A, %swap3A_45], %broadcast_in_dim3A_37 {strides = array<i32>} : memref<1x32xf32, #tpu.memory_space<vmem>>, vector<1x32xf32>,
    } else {
    }
    %gt3A_40 = arith.constant 0 : i32
    %gt3A_41 = arith.cmpi sgt, %arg0, %gt3A_40 : i32
    %convert_element_type3A_42 = arith.extui %gt3A_41 : i1 to i32
    %cond3A_43 = arith.constant 0 : i32
    %cond3A_44 = arith.cmpi ne, %convert_element_type3A_42, %cond3A_43 : i32
    scf.if %cond3A_44 {
      %get3A_45 = arith.constant 0 : index
      %get3A_46 = arith.constant 0 : index
      %get3A_47 = vector.load %arg7[%get3A_45, %get3A_46] : memref<1x32xf32, #tpu.memory_space<vmem>>, vector<1x32xf32>
      %max3A_48 = arith.maximumf %get3A_47, %broadcast_in_dim3A_37 : vector<1x32xf32>
      %swap3A = arith.constant 0 : index
      %swap3A_49 = arith.constant 0 : index
      %swap3A_50 = vector.load %arg7[%swap3A, %swap3A_49] : memref<1x32xf32, #tpu.memory_space<vmem>>, vector<1x32xf32>
      tpu.vector_store %arg7[%swap3A, %swap3A_49], %max3A_48 {strides = array<i32>} : memref<1x32xf32, #tpu.memory_space<vmem>>, vector<1x32xf32>,
    } else {
    }
    return
  }
  func.func @transform_0(%arg0: i32) -> (i32, i32, i32) {
    %c0_i32 = arith.constant 0 : i32
    %c0_i32_0 = arith.constant 0 : i32
    %c0_i32_1 = arith.constant 0 : i32
    return %c0_i32, %arg0, %c0_i32_0 : i32, i32, i32
  }
  func.func @transform_1(%arg0: i32) -> (i32, i32) {
    %c0_i32 = arith.constant 0 : i32
    %c0_i32_0 = arith.constant 0 : i32
    return %arg0, %c0_i32 : i32, i32
  }
  func.func @transform_2(%arg0: i32) -> (i32, i32) {
    %c0_i32 = arith.constant 0 : i32
    %c0_i32_0 = arith.constant 0 : i32
    return %arg0, %c0_i32 : i32, i32
  }
  func.func @transform_3(%arg0: i32) -> (i32, i32) {
    %c0_i32 = arith.constant 0 : i32
    %c0_i32_0 = arith.constant 0 : i32
    return %arg0, %c0_i32 : i32, i32
  }
  func.func @transform_4(%arg0: i32) -> (i32, i32) {
    %c0_i32 = arith.constant 0 : i32
    %c0_i32_0 = arith.constant 0 : i32
    return %arg0, %c0_i32 : i32, i32
  }
  func.func @transform_5(%arg0: i32) -> (i32, i32) {
    %c0_i32 = arith.constant 0 : i32
    %c0_i32_0 = arith.constant 0 : i32
    %c0_i32_1 = arith.constant 0 : i32
    return %c0_i32, %c0_i32_0 : i32, i32
  }
  func.func @transform_6(%arg0: i32) -> (i32, i32) {
    %c0_i32 = arith.constant 0 : i32
    %c0_i32_0 = arith.constant 0 : i32
    %c0_i32_1 = arith.constant 0 : i32
    return %c0_i32, %c0_i32_0 : i32, i32
  }
}

module attributes {stable_mosaic.version = 14 : i64} {
  func.func @_head_body(%arg0: memref<16x32xf32, #tpu.memory_space<vmem>>, %arg1: memref<32x1xf32, #tpu.memory_space<vmem>>, %arg2: memref<1xf32, #tpu.memory_space<smem>>, %arg3: memref<16x1xf32, #tpu.memory_space<vmem>>) attributes {dimension_semantics = [], scalar_prefetch = 0 : i64, scratch_operands = 0 : i64, tpu.core_type = #tpu.core_type<tc>} {
    %get3A = arith.constant 0 : index
    %get3A_0 = arith.constant 0 : index
    %get3A_1 = vector.load %arg0[%get3A, %get3A_0] : memref<16x32xf32, #tpu.memory_space<vmem>>, vector<16x32xf32>
    %get3A_2 = arith.constant 0 : index
    %get3A_3 = arith.constant 0 : index
    %get3A_4 = vector.load %arg1[%get3A_2, %get3A_3] : memref<32x1xf32, #tpu.memory_space<vmem>>, vector<32x1xf32>
    %dot_general3A = arith.constant dense<0.000000e+00> : vector<16x1xf32>
    %dot_general3A_5 = tpu.matmul %get3A_1, %get3A_4, %dot_general3A {dimension_numbers = #tpu.dot_dimension_numbers<[1], [0], [0], [1], [0, 0, 1, 1], [], []>, transpose_lhs_hint = false} : vector<16x32xf32>, vector<32x1xf32>, vector<16x1xf32> -> vector<16x1xf32>
    %get3A_6 = arith.constant 0 : index
    %get3A_7 = memref.load %arg2[%get3A_6] : memref<1xf32, #tpu.memory_space<smem>>
    %add3A = vector.broadcast %get3A_7 : f32 to vector<16x1xf32>
    %add3A_8 = arith.addf %dot_general3A_5, %add3A : vector<16x1xf32>
    %neg3A = arith.constant 0.000000e+00 : f32
    %neg3A_9 = vector.broadcast %neg3A : f32 to vector<16x1xf32>
    %neg3A_10 = arith.subf %neg3A_9, %add3A_8 : vector<16x1xf32>
    %exp3A = math.exp %neg3A_10 : vector<16x1xf32>
    %add3A_11 = arith.constant 1.000000e+00 : f32
    %add3A_12 = vector.broadcast %add3A_11 : f32 to vector<16x1xf32>
    %add3A_13 = arith.addf %add3A_12, %exp3A : vector<16x1xf32>
    %div3A = arith.constant 1.000000e+00 : f32
    %div3A_14 = vector.broadcast %div3A : f32 to vector<16x1xf32>
    %div3A_15 = arith.divf %div3A_14, %add3A_13 : vector<16x1xf32>
    %swap3A = arith.constant 0 : index
    %swap3A_16 = arith.constant 0 : index
    %swap3A_17 = vector.load %arg3[%swap3A, %swap3A_16] : memref<16x1xf32, #tpu.memory_space<vmem>>, vector<16x1xf32>
    tpu.vector_store %arg3[%swap3A, %swap3A_16], %div3A_15 {strides = array<i32>} : memref<16x1xf32, #tpu.memory_space<vmem>>, vector<16x1xf32>,
    return
  }
}

</mosaic_0001>

<sc_bundles>
// kernel: kernel.17.cloned.1.call-start
scs
__scs_entry_jumppad:
0x0: {  	(pc) =	sbr.rel $0x88, $3  }
0x1: {  	(tag) =	ssettag $0x0;
	lr =	simm.s32 $0x1  }
0x2: {  	[smem:$0x3F97] =	sst lr;
	_ =	strace $0xD0000000  }
0x3: {  	_ = 	snop  }
0x4: {  	_ = 	snop  }
0x5: {  	_ = 	snop  }
0x6: {  	_ = 	snop  }
0x7: {  	_ = 	snop  }
__scs_overlays_trampoline_lowered:
0x8: {  	[smem:$0x3FA6] =	sst s0  }
0x9: {  	[smem:$0x3FA7] =	sst s1  }
0xa: {  	[smem:$0x3FA8] =	sst s2  }
0xb: {  	[smem:$0x3FA9] =	sst s3  }
0xc: {  	[smem:$0x3FAA] =	sst s4  }
0xd: {  	[smem:$0x3FAB] =	sst s5  }
0xe: {  	[smem:$0x3FAC] =	sst s6  }
0xf: {  	[smem:$0x3FAD] =	sst s7  }
0x10: {  	[smem:$0x3FAE] =	sst s8  }
0x11: {  	[smem:$0x3FAF] =	sst s9;
	s0 =	simm.s32 @!p0 $0x0  }
0x12: {  	s1 =	sld [smem:$0x3F95];
	s0 =	simm.s32 @p0 $0x1  }
0x13: {  	[smem:$0x3FB0] =	sst s0;
	s0 =	simm.s32 @!p1 $0x0  }
0x14: {  	s2 =	sld [smem:$0x3F94];
	s0 =	simm.s32 @p1 $0x1  }
0x15: {  	[smem:$0x3FB1] =	sst s0;
	s0 =	simm.s32 @!p2 $0x0  }
0x16: {  	s3 =	sld [smem:$0x3FDB];
	s0 =	simm.s32 @p2 $0x1  }
0x17: {  	s4 =	simm.s32 $0x1BF5;
	[smem:$0x3FB3] =	sst s0  }
0x18: {  	s0 =	sld [smem:$0x3F96];
	_ =	swait.ge [sflag:s4], $0x0  }
0x19: {  	s7 =	sld [smem:$0x3F97]  }
0x1a: {  	s8 =	sadd.s32 $0xFFFFE003, lr  }
0x1b: {  	s9 =	sadd.s32 $0xFFFFFEF7, lr;
	s5 =	simm.s32 $0xFFFFFFFF;
	p2 =	slt.u32 s8, $0xFFFFF086  }
0x1c: {  	p1 =	slt.u32 s9, $0xF7A;
	s5 =	simm.s32 @!p2 $0x0  }
0x1d: {  	s5 =	simm.s32 @p1 $0x1;
	p0 =	seq.s32 s7, s2  }
0x1e: {  	s7 =	smul.u32 @!p0 $0xF7A, s2;
	p2 =	seq.s32 @!p0 s5, $0x0  }
0x1f: {  	s9 =	smul.u32 $0xF7A, s1;
	s8 =	simm.s32 @!p0 $0x1BF5;
	p2 =	por !p2, p0  }
0x20: {  	[sflag:s8] =	ssyncset.s32 @!p0 $0xFFFFF086;
	s6 =	sadd.s32 @!p0 s3, s7;
	s7 =	simm.s32 @!p0 $0x108  }
0x21: {  	s3 =	sadd.s32 s3, s9;
	s6 =	sadd.s32 @!p0 $0x88, s6;
	s7 =	simm.s32 @p2 $0x1082  }
0x22: {  	[simem:s7], [sflag:s8] =	dma.local @!p0 [hbm:s6], $0xF7A  }
0x23: {  	s9 =	sor.u32 $0xD0000000, s2;
	s6 =	simm.s32 $0x108;
	_ =	swait.ge @!p0 [sflag:s8], $0x0  }
0x24: {  	s3 =	sadd.s32 $0x88, s3;
	s6 =	simm.s32 @!p1 $0x1082;
	[sflag:s4] =	ssyncset.s32 $0xFFFFF086  }
0x25: {  	[simem:s6], [sflag:s4] =	dma.local [hbm:s3], $0xF7A  }
0x26: {  	[smem:$0x3F97] =	sst s1;
	(tag) =	ssettag s2;
	_ =	strace s9  }
0x27: {  	s1 =	sld [smem:$0x3FA7]  }
0x28: {  	s2 =	sld [smem:$0x3FA8]  }
0x29: {  	s4 =	sld [smem:$0x3FAA]  }
0x2a: {  	p0 =	seq.s32 s5, $0x0;
	s5 =	sld [smem:$0x3FAB]  }
0x2b: {  	s6 =	sld [smem:$0x3FAC]  }
0x2c: {  	s7 =	sld [smem:$0x3FAD]  }
0x2d: {  	s3 =	simm.s32 $0x108;
	s8 =	sld [smem:$0x3FAE]  }
0x2e: {  	s3 =	simm.s32 @!p0 $0x1082;
	s9 =	sld [smem:$0x3FAF]  }
0x2f: {  	lr =	sadd.s32 s0, s3;
	s0 =	sld [smem:$0x3FA6]  }
0x30: {  	s3 =	sld [smem:$0x3FA9]  }
0x31: {  	[smem:$0x3FB2] =	sst s10  }
0x32: {  	s10 =	sld [smem:$0x3FB0];
	_ =	sdelay $0x3  }
0x33: {  	p0 =	seq.s32 s10, $0x1;
	s10 =	sld [smem:$0x3FB2];
	_ =	sdelay $0x3  }
0x34: {  	[smem:$0x3FB2] =	sst s10  }
0x35: {  	s10 =	sld [smem:$0x3FB1];
	_ =	sdelay $0x3  }
0x36: {  	p1 =	seq.s32 s10, $0x1;
	s10 =	sld [smem:$0x3FB2];
	_ =	sdelay $0x3  }
0x37: {  	[smem:$0x3FB2] =	sst s10  }
0x38: {  	s10 =	sld [smem:$0x3FB3]  }
0x39: {  	_ = 	snop;
	(pc) =	sbr.ind lr, $3  }
0x3a: {  	_ = 	snop  }
0x3b: {  	_ = 	snop  }
0x3c: {  	p2 =	seq.s32 s10, $0x1;
	s10 =	sld [smem:$0x3FB2]  }
0x3d: {  	_ =	shalt  }
0x3e: {  	_ =	shalt  }
0x3f: {  	_ =	shalt  }
0x40: {  	_ =	shalt  }
0x41: {  	_ =	shalt  }
0x42: {  	_ =	shalt  }
0x43: {  	_ =	shalt  }
0x44: {  	_ =	shalt  }
0x45: {  	_ =	shalt  }
0x46: {  	_ =	shalt  }
0x47: {  	_ =	shalt  }
0x48: {  	_ =	shalt  }
0x49: {  	_ =	shalt  }
0x4a: {  	_ =	shalt  }
0x4b: {  	_ =	shalt  }
0x4c: {  	_ =	shalt  }
0x4d: {  	_ =	shalt  }
0x4e: {  	_ =	shalt  }
0x4f: {  	_ =	shalt  }
0x50: {  	_ =	shalt  }
0x51: {  	_ =	shalt  }
0x52: {  	_ =	shalt  }
0x53: {  	_ =	shalt  }
0x54: {  	_ =	shalt  }
0x55: {  	_ =	shalt  }
0x56: {  	_ =	shalt  }
0x57: {  	_ =	shalt  }
0x58: {  	_ =	shalt  }
0x59: {  	_ =	shalt  }
0x5a: {  	_ =	shalt  }
0x5b: {  	_ =	shalt  }
0x5c: {  	_ =	shalt  }
0x5d: {  	_ =	shalt  }
0x5e: {  	_ =	shalt  }
0x5f: {  	_ =	shalt  }
0x60: {  	_ =	shalt  }
0x61: {  	_ =	shalt  }
0x62: {  	_ =	shalt  }
0x63: {  	_ =	shalt  }
0x64: {  	_ =	shalt  }
0x65: {  	_ =	shalt  }
0x66: {  	_ =	shalt  }
0x67: {  	_ =	shalt  }
0x68: {  	_ =	shalt  }
0x69: {  	_ =	shalt  }
0x6a: {  	_ =	shalt  }
0x6b: {  	_ =	shalt  }
0x6c: {  	_ =	shalt  }
0x6d: {  	_ =	shalt  }
0x6e: {  	_ =	shalt  }
0x6f: {  	_ =	shalt  }
0x70: {  	_ =	shalt  }
0x71: {  	_ =	shalt  }
0x72: {  	_ =	shalt  }
0x73: {  	_ =	shalt  }
0x74: {  	_ =	shalt  }
0x75: {  	_ =	shalt  }
0x76: {  	_ =	shalt  }
0x77: {  	_ =	shalt  }
0x78: {  	_ =	shalt  }
0x79: {  	_ =	shalt  }
0x7a: {  	_ =	shalt  }
0x7b: {  	_ =	shalt  }
0x7c: {  	_ =	shalt  }
0x7d: {  	_ =	shalt  }
0x7e: {  	_ =	shalt  }
0x7f: {  	_ =	shalt  }
0x80: {  	_ =	shalt  }
0x81: {  	_ =	shalt  }
0x82: {  	_ =	shalt  }
0x83: {  	_ =	shalt  }
0x84: {  	_ =	shalt  }
0x85: {  	_ =	shalt  }
0x86: {  	_ =	shalt  }
0x87: {  	_ =	shalt  }
.Lfunc_end0:
.L_simem_size_0:
called_computation_lowered:
.L_overlay_start_0:
0x88: {  	s2 =	sld [smem:$0x3FD9]  }
0x89: {  	s3 =	sld [smem:$0x3FFE];
	_ =	sdelay $0x1  }
0x8a: {  	s1 =	srdreg.scid  }
0x8b: {  	s0 =	sand.u32 $0x1, s1  }
0x8c: {  	s16 =	sshll.u32 s0, $0xA;
	s2 =	sadd.s32 s3, s2  }
0x8d: {  	s2 =	sadd.s32 s2, s16  }
0x8e: {  	[smem:$0x3FBE] =	sst s2  }
0x8f: {  	_ = 	snop  }
0x90: {  	(tm) =	ssettm $0x1  }
0x91: {  	s17 =	sld [smem:$0x3FFB];
	_ =	sdelay $0x3  }
0x92: {  	_ =	strace s17  }
0x93: {  	s2 =	sld [smem:$0x3FFC];
	_ =	sdelay $0x3  }
0x94: {  	_ =	strace s2  }
0x95: {  	s2 =	sld [smem:$0x3FFD];
	_ =	sdelay $0x3  }
0x96: {  	_ =	strace s2  }
0x97: {  	_ =	strace $0x8FFFFFFF  }
0x98: {  	s18 =	sld [smem:$0x3FDB];
	_ =	sdelay $0x1  }
0x99: {  	s19 =	simm.s32 $_scs_section_size  }
0x9a: {  	s4 =	simm.s32 $_size__tile_overlayer_lowered;
	s5 =	simm.s32 $_tile_overlayer_lowered  }
0x9b: {  	s22 =	simm.s32 $0x1BFF;
	s21 =	sshll.u32 s5, $0x1;
	s2 =	sadd.s32 s19, s18  }
0x9c: {  	s6 =	simm.s32 $0x0;
	s20 =	sshll.u32 s4, $0x1;
	s4 =	sadd.s32 s21, s2  }
0x9d: {  	[timem:s6], [sflag:s22] =	dma.local [hbm:s4], s20  }
0x9e: {  	_ =	swait.ge [sflag:s22], s20  }
0x9f: {  	s3 =	ssub.s32 $0x0, s20;
	[sflag:s22] =	ssyncset.done $0x0  }
0xa0: {  	[sflag:s22] =	ssyncadd.s32 s3;
	_ =	sdelay $0x1  }
0xa1: {  	s23 =	simm.s32 $0x1B8B  }
0xa2: {  	_ =	swait.ge [sflag:s23], $0x1  }
0xa3: {  	[sflag:s23] =	ssyncset.done $0x0  }
0xa4: {  	s25 =	simm.s32 $0x1B8E;
	s24 =	sld [smem:$0x3FFE];
	[sflag:s23] =	ssyncadd.s32 $0xFFFFFFFF  }
0xa5: {  	s26 =	simm.s32 $execute0_lowered;
	[smem:$0x3FD2] =	sst s25  }
0xa6: {  	s4 =	sshll.u32 s26, $0x1;
	_ =	strace $0x80000046;
	[dreg:$0x1] =	wrdreg $0xFFFFFFFF  }
0xa7: {  	s28 =	simm.s32 $_size_execute0_lowered;
	s2 =	sadd.s32 s2, s4;
	[dreg:$0x0] =	wrdreg $0x0  }
0xa8: {  	s4 =	sshll.u32 s28, $0x1;
	[dreg:$0x2] =	wrdreg s2  }
0xa9: {  	[dreg:$0x3] =	wrdreg s4  }
0xaa: {  	[dreg:$0x4] =	wrdreg $0xC0  }
0xab: {  	_ =	task [dreg:s6], $0x5FFFF  }
0xac: {  	[dreg:$0x1] =	wrdreg $0xFFFFFFFF  }
0xad: {  	[dreg:$0x0] =	wrdreg $0x60  }
0xae: {  	[dreg:$0x2] =	wrdreg s24  }
0xaf: {  	[dreg:$0x3] =	wrdreg $0x8E380  }
0xb0: {  	[dreg:$0x4] =	wrdreg $0x9  }
0xb1: {  	_ =	task.clear_ibuf [dreg:s6], $0x5FFFF;
	_ =	strace $0x90000046  }
0xb2: {  	s29 =	simm.s32 $0x9;
	_ =	strace $0x80000048  }
0xb3: {  	_ =	swait.ge [sflag:s29], $0x1  }
0xb4: {  	[sflag:s29] =	ssyncadd.s32 $0xFFFFFFFF  }
0xb5: {  	_ =	strace $0x90000048  }
0xb6: {  	_ =	sfence  }
0xb7: {  	s30 =	sld [smem:$0x0];
	_ =	sdelay $0x2  }
0xb8: {  	s31 =	sshll.u32 s1, $0xD;
	s1 =	sshrl.u32 s1, $0x2  }
0xb9: {  	s3 =	sand.u32 $0x4000, s31;
	s1 =	sadd.s32 s1, s30  }
0xba: {  	s0 =	sor.u32 s3, s0;
	s1 =	sshll.u32 s1, $0x11  }
0xbb: {  	s0 =	sor.u32 s1, s0  }
0xbc: {  	s0 =	sadd.s32 $0x8F2B, s0  }
0xbd: {  	[sflag:s0] =	ssyncadd.remote.s32 $0x1  }
0xbe: {  	_ =	sfence.sel $0xFFFF  }
0xbf: {  	[dreg:$0x0] =	wrdreg $0xFFFFFFFF;
	(pc) =	sbr.abs _section_cstart, $3  }
0xc0: {  	[dreg:$0x1] =	wrdreg $0xFFFFFFFF  }
0xc1: {  	_ =	task.clear_ibuf [dreg:s6], $0x2FFFF;
	_ =	strace $0x9FFFFFFF  }
0xc2: {  	(tm) =	ssettm $0x7FFFFFFF  }
0xc3: {  	_ =	shalt  }
tec
execute0_lowered:
.L_overlay_start_1:
0x0: {  	(tag) =	ssettag $0x1  }
0x1: {  	s0 =	srdreg.scid  }
0x2: {  	s4 =	stileid.u32;
	s5 =	rddreg [dreg:$0x0]  }
0x3: {  	s2 =	rddreg [dreg:$0x1];
	s3 =	simm.s32 $0x0;
	s11 =	simm.s32 $0x8A00  }
0x4: {  	s12 =	simm.s32 $0x9;
	s13 =	simm.s32 $0x4400;
	s14 =	simm.s32 $0x80  }
0x5: {  	s15 =	simm.s32 $0x8800;
	s16 =	simm.s32 $0x8880;
	s17 =	simm.s32 $0x1  }
0x6: {  	s19 =	simm.s32 $0x8900;
	s20 =	simm.s32 $0x2;
	s23 =	simm.s32 $0x8980  }
0x7: {  	s24 =	simm.s32 $0x3;
	s26 =	simm.s32 $0x5;
	s29 =	simm.s32 $0x4  }
0x8: {  	s31 =	simm.s32 $0x6;
	s18 =	simm.s32 $0x8;
	s21 =	simm.s32 $0x0  }
0x9: {  	s0 =	sand.u32 $0x1, s0;
	s6 =	smul.u32 $0x438, s4;
	[smem:$0x7FF] =	sst s3  }
0xa: {  	s1 =	sshll.u32 s0, $0x4;
	s7 =	smul.u32 $0x4380, s0;
	_ =	strace $0x80000047  }
0xb: {  	s0 =	ssub.s32 $0x2, s0;
	s1 =	sor.u32 s4, s1;
	s4 =	sadd.s32 $0x26C00, s5  }
0xc: {  	s8 =	sshrl.u32 s6, $0x3;
	s9 =	sshrl.u32 s0, $0x1;
	s1 =	smul.u32 $0x880, s1  }
.Ltmp0:
0xd: {  	s7 =	sadd.s32 s6, s7;
	s8 =	sadd.s32 s8, s5;
	(pc) =	sbr.rel .LBB2_1-.Ltmp0, $4  }
0xe: {  	s0 =	ssub.s32 s0, s9;
	s6 =	sadd.s32 s6, s2;
	s7 =	sshrl.u32 s7, $0x3  }
0xf: {  	s1 =	sadd.s32 s1, s5;
	s10 =	sadd.s32 s7, s5;
	s5 =	sadd.s32 $0x27600, s8  }
0x10: {  	s7 =	sadd.s32 $0x15C00, s1;
	s8 =	sadd.s32 $0x4C00, s1;
	s9 =	sadd.s32 $0x28000, s10  }
0x11: {  	s10 =	smax.u32 s0, $0x1;
	s1 =	simm.s32 $0x280;
	s0 =	simm.s32 $0x7  }
.LBB2_4:
0x12: {  	_ =	swait.ge [sflag:s29], $0x80  }
0x13: {  	[sflag:s29] =	ssyncset.done $0x0  }
0x14: {  	[sflag:s29] =	ssyncadd.s32 $0xFFFFFF80  }
0x15: {  	[spmem:s2] =	stream.indirect.scatter.add.f32 [tilespmem:s23], [sflag:$0x8], $0x1, s28, s14, $0xb8;
	[tilespmem:$0x9270] =	vst v63  }
0x16: {  	_ =	swait.ge [sflag:s31], $0x80  }
0x17: {  	[sflag:s31] =	ssyncset.done $0x0  }
0x18: {  	[sflag:s31] =	ssyncadd.s32 $0xFFFFFF80  }
0x19: {  	_ =	swait.ge [sflag:s0], $0x80  }
0x1a: {  	[sflag:s0] =	ssyncset.done $0x0  }
0x1b: {  	[sflag:s0] =	ssyncadd.s32 $0xFFFFFF80  }
0x1c: {  	_ =	swait.ge [sflag:s18], $0x80  }
0x1d: {  	[sflag:s18] =	ssyncset.done $0x0  }
0x1e: {  	[sflag:s18] =	ssyncadd.s32 $0xFFFFFF80  }
0x1f: {  	[bflag:$0x0] =	sbarrier.arrive $0xFFFF  }
0x20: {  	[tilespmem:s11], [sflag:$0x9] =	stream.linear.gather [spmem:s6], $0x438, $0x38;
	[tilespmem:$0x9270] =	vst v63  }
0x21: {  	s21 =	sadd.s32 $0x1, s21;
	_ =	swait.ge [sflag:s12], $0x438  }
0x22: {  	p0 =	sne.s32 s21, s10;
	[sflag:s12] =	ssyncset.done $0x0  }
.Ltmp1:
0x23: {  	[sflag:s12] =	ssyncadd.s32 $0xFFFFFBC8;
	(pc) =	sbr.rel @!p0 .LBB2_5-.Ltmp1, $4  }
0x24: {  	[hbm4b:s9+s3] =	stream.linear.scatter [tilespmem:s11], [sflag:$0x9], $0x438, $0x38;
	[tilespmem:$0x9270] =	vst v63  }
0x25: {  	_ =	swait.ge [sflag:s12], $0x438  }
0x26: {  	[sflag:s12] =	ssyncset.done $0x0  }
0x27: {  	[sflag:s12] =	ssyncadd.s32 $0xFFFFFBC8  }
.LBB2_1:
0x28: {  	[tilespmem:s11], [sflag:$0x9] =	stream.linear.gather [hbm4b:s5+s3], $0x438, $0x38;
	[tilespmem:$0x9270] =	vst v63  }
0x29: {  	_ =	swait.ge [sflag:s12], $0x438  }
0x2a: {  	[sflag:s12] =	ssyncset.done $0x0  }
0x2b: {  	[sflag:s12] =	ssyncadd.s32 $0xFFFFFBC8  }
0x2c: {  	[spmem:s6] =	stream.linear.scatter [tilespmem:s11], [sflag:$0x9], $0x438, $0x38;
	[tilespmem:$0x9270] =	vst v63  }
0x2d: {  	_ =	swait.ge [sflag:s12], $0x438  }
0x2e: {  	[sflag:s12] =	ssyncset.done $0x0  }
0x2f: {  	[sflag:s12] =	ssyncadd.s32 $0xFFFFFBC8  }
0x30: {  	[tilespmem:s3], [sflag:$0x9] =	stream.linear.gather [hbm4b:s7+s3], $0x4400, $0x38;
	[tilespmem:$0x9270] =	vst v63  }
0x31: {  	_ =	swait.ge [sflag:s12], $0x4400  }
0x32: {  	[sflag:s12] =	ssyncset.done $0x0  }
0x33: {  	[sflag:s12] =	ssyncadd.s32 $0xFFFFBC00  }
0x34: {  	[tilespmem:s13], [sflag:$0x9] =	stream.linear.gather [hbm4b:s8+s3], $0x4400, $0x38;
	[tilespmem:$0x9270] =	vst v63  }
0x35: {  	_ =	swait.ge [sflag:s12], $0x4400  }
0x36: {  	[sflag:s12] =	ssyncset.done $0x0  }
0x37: {  	[sflag:s12] =	ssyncadd.s32 $0xFFFFBC00  }
0x38: {  	[bflag:$0x0] =	sbarrier.arrive $0xFFFF  }
0x39: {  	[tilespmem:s15], [sflag:$0x1] =	stream.indirect.gather [hbm4b:s4+s14], $0x1, s3, s14, $0xb8;
	[tilespmem:$0x9270] =	vst v63  }
0x3a: {  	_ = 	snop  }
0x3b: {  	[tilespmem:s16], [sflag:$0x2] =	stream.indirect.gather [hbm4b:s4+s14], $0x1, s14, s14, $0xb8;
	[tilespmem:$0x9270] =	vst v63  }
0x3c: {  	_ =	swait.ge [sflag:s17], $0x80  }
0x3d: {  	[sflag:s17] =	ssyncset.done $0x0  }
0x3e: {  	[sflag:s17] =	ssyncadd.s32 $0xFFFFFF80  }
0x3f: {  	[spmem:s2] =	stream.indirect.scatter.add.f32 [tilespmem:s15], [sflag:$0x5], $0x1, s13, s14, $0xb8;
	[tilespmem:$0x9270] =	vst v63  }
0x40: {  	s22 =	simm.s32 $0x100  }
0x41: {  	[tilespmem:s19], [sflag:$0x3] =	stream.indirect.gather [hbm4b:s4+s14], $0x1, s22, s14, $0xb8;
	[tilespmem:$0x9270] =	vst v63  }
0x42: {  	_ =	swait.ge [sflag:s20], $0x80  }
0x43: {  	[sflag:s20] =	ssyncset.done $0x0  }
0x44: {  	s28 =	simm.s32 $0x4480;
	[sflag:s20] =	ssyncadd.s32 $0xFFFFFF80  }
0x45: {  	[spmem:s2] =	stream.indirect.scatter.add.f32 [tilespmem:s16], [sflag:$0x6], $0x1, s28, s14, $0xb8;
	[tilespmem:$0x9270] =	vst v63  }
0x46: {  	s30 =	simm.s32 $0x180  }
0x47: {  	[tilespmem:s23], [sflag:$0x4] =	stream.indirect.gather [hbm4b:s4+s14], $0x1, s30, s14, $0xb8;
	[tilespmem:$0x9270] =	vst v63  }
0x48: {  	_ =	swait.ge [sflag:s24], $0x80  }
0x49: {  	[sflag:s24] =	ssyncset.done $0x0  }
0x4a: {  	s25 =	simm.s32 $0x4500;
	[sflag:s24] =	ssyncadd.s32 $0xFFFFFF80  }
0x4b: {  	[spmem:s2] =	stream.indirect.scatter.add.f32 [tilespmem:s19], [sflag:$0x7], $0x1, s25, s14, $0xb8;
	[tilespmem:$0x9270] =	vst v63  }
0x4c: {  	_ =	swait.ge [sflag:s26], $0x80  }
0x4d: {  	[sflag:s26] =	ssyncset.done $0x0  }
0x4e: {  	s28 =	simm.s32 $0x200;
	[sflag:s26] =	ssyncadd.s32 $0xFFFFFF80  }
0x4f: {  	[tilespmem:s15], [sflag:$0x1] =	stream.indirect.gather [hbm4b:s4+s14], $0x1, s28, s14, $0xb8;
	[tilespmem:$0x9270] =	vst v63  }
0x50: {  	_ =	swait.ge [sflag:s29], $0x80  }
0x51: {  	[sflag:s29] =	ssyncset.done $0x0  }
0x52: {  	s30 =	simm.s32 $0x4580;
	[sflag:s29] =	ssyncadd.s32 $0xFFFFFF80  }
0x53: {  	[spmem:s2] =	stream.indirect.scatter.add.f32 [tilespmem:s23], [sflag:$0x8], $0x1, s30, s14, $0xb8;
	[tilespmem:$0x9270] =	vst v63  }
0x54: {  	_ =	swait.ge [sflag:s31], $0x80  }
0x55: {  	[sflag:s31] =	ssyncset.done $0x0  }
0x56: {  	s22 =	simm.s32 $0x0;
	[sflag:s31] =	ssyncadd.s32 $0xFFFFFF80  }
0x57: {  	[tilespmem:s16], [sflag:$0x2] =	stream.indirect.gather [hbm4b:s4+s14], $0x1, s1, s14, $0xb8;
	[tilespmem:$0x9270] =	vst v63  }
.LBB2_2:
0x58: {  	_ =	swait.ge [sflag:s17], $0x80  }
0x59: {  	s25 =	sshra.s32 s22, $0x2;
	[sflag:s17] =	ssyncset.done $0x0  }
0x5a: {  	s28 =	sadd.s32 $0x4600, s25;
	[sflag:s17] =	ssyncadd.s32 $0xFFFFFF80  }
0x5b: {  	[spmem:s2] =	stream.indirect.scatter.add.f32 [tilespmem:s15], [sflag:$0x5], $0x1, s28, s14, $0xb8;
	[tilespmem:$0x9270] =	vst v63  }
0x5c: {  	_ =	swait.ge [sflag:s0], $0x80  }
0x5d: {  	[sflag:s0] =	ssyncset.done $0x0  }
0x5e: {  	s28 =	sadd.s32 $0x300, s25;
	[sflag:s0] =	ssyncadd.s32 $0xFFFFFF80  }
0x5f: {  	[tilespmem:s19], [sflag:$0x3] =	stream.indirect.gather [hbm4b:s4+s14], $0x1, s28, s14, $0xb8;
	[tilespmem:$0x9270] =	vst v63  }
0x60: {  	_ =	swait.ge [sflag:s20], $0x80  }
0x61: {  	[sflag:s20] =	ssyncset.done $0x0  }
0x62: {  	s28 =	sadd.s32 $0x4680, s25;
	[sflag:s20] =	ssyncadd.s32 $0xFFFFFF80  }
0x63: {  	[spmem:s2] =	stream.indirect.scatter.add.f32 [tilespmem:s16], [sflag:$0x6], $0x1, s28, s14, $0xb8;
	[tilespmem:$0x9270] =	vst v63  }
0x64: {  	_ =	swait.ge [sflag:s18], $0x80  }
0x65: {  	[sflag:s18] =	ssyncset.done $0x0  }
0x66: {  	s28 =	sadd.s32 $0x380, s25;
	[sflag:s18] =	ssyncadd.s32 $0xFFFFFF80  }
0x67: {  	[tilespmem:s23], [sflag:$0x4] =	stream.indirect.gather [hbm4b:s4+s14], $0x1, s28, s14, $0xb8;
	[tilespmem:$0x9270] =	vst v63  }
0x68: {  	_ =	swait.ge [sflag:s24], $0x80  }
0x69: {  	p0 =	seq.s32 s22, $0x10000;
	[sflag:s24] =	ssyncset.done $0x0  }
.Ltmp2:
0x6a: {  	s28 =	sadd.s32 $0x4700, s25;
	[sflag:s24] =	ssyncadd.s32 $0xFFFFFF80;
	(pc) =	sbr.rel @p0 .LBB2_4-.Ltmp2, $4  }
0x6b: {  	[spmem:s2] =	stream.indirect.scatter.add.f32 [tilespmem:s19], [sflag:$0x7], $0x1, s28, s14, $0xb8;
	[tilespmem:$0x9270] =	vst v63  }
0x6c: {  	_ =	swait.ge [sflag:s26], $0x80  }
0x6d: {  	[sflag:s26] =	ssyncset.done $0x0  }
0x6e: {  	s28 =	sadd.s32 $0x4780, s25;
	[sflag:s26] =	ssyncadd.s32 $0xFFFFFF80  }
0x6f: {  	s30 =	sadd.s32 $0x400, s25  }
0x70: {  	[tilespmem:s15], [sflag:$0x1] =	stream.indirect.gather [hbm4b:s4+s14], $0x1, s30, s14, $0xb8;
	[tilespmem:$0x9270] =	vst v63  }
0x71: {  	_ =	swait.ge [sflag:s29], $0x80  }
0x72: {  	[sflag:s29] =	ssyncset.done $0x0  }
0x73: {  	[sflag:s29] =	ssyncadd.s32 $0xFFFFFF80  }
0x74: {  	[spmem:s2] =	stream.indirect.scatter.add.f32 [tilespmem:s23], [sflag:$0x8], $0x1, s28, s14, $0xb8;
	[tilespmem:$0x9270] =	vst v63  }
.Ltmp3:
0x75: {  	_ = 	snop;
	(pc) =	sbr.rel .LBB2_2-.Ltmp3, $4  }
0x76: {  	_ =	swait.ge [sflag:s31], $0x80  }
0x77: {  	[sflag:s31] =	ssyncset.done $0x0  }
0x78: {  	s22 =	sadd.s32 $0x800, s22;
	s30 =	sadd.s32 $0x480, s25;
	[sflag:s31] =	ssyncadd.s32 $0xFFFFFF80  }
0x79: {  	[tilespmem:s16], [sflag:$0x2] =	stream.indirect.gather [hbm4b:s4+s14], $0x1, s30, s14, $0xb8;
	[tilespmem:$0x9270] =	vst v63  }
.LBB2_5:
0x7a: {  	_ =	sfence.sel $0x180000  }
0x7b: {  	[bflag:$0x0] =	sbarrier.arrive $0xFFFF  }
0x7c: {  	_ =	strace $0x90000047  }
0x7d: {  	s0 =	stileid.u32;
	[bflag:$0x2] =	sbarrier.arrive $0xFFFF  }
0x7e: {  	p0 =	sne.s32 s0, $0x0;
	s0 =	rddreg [dreg:$0x2]  }
0x7f: {  	s0 =	sadd.s32 @!p0 $0x100000, s0  }
0x80: {  	[sflag:s0] =	ssyncadd.tile.s32 @!p0 $0x1;
	_ =	shalt  }
.Lfunc_end2:
_tile_overlayer_lowered:
.L_overlay_start_2:
0x81: {  	(tag) =	ssettag $0x2  }
0x82: {  	s0 =	rddreg [dreg:$0x0];
	s2 =	stileid.u32  }
0x83: {  	s1 =	rddreg [dreg:$0x1];
	p0 =	sne.s32 s2, $0x0  }
0x84: {  	s3 =	rddreg [dreg:$0x2];
	[bflag:$0x3] =	sbarrier.arrive $0xFFFF;
	s2 =	simm.s32 @!p0 $0x1C09  }
0x85: {  	[timem:s3], [sflag:s2] =	dma.local @!p0 [hbm:s0], s1  }
0x86: {  	s0 =	simm.s32 @!p0 $0x9  }
0x87: {  	_ =	swait.ge @!p0 [sflag:s0], s1  }
0x88: {  	s1 =	ssub.s32 @!p0 $0x0, s1;
	[sflag:s0] =	ssyncset.done @!p0 $0x0  }
0x89: {  	[sflag:s0] =	ssyncadd.s32 @!p0 s1  }
0x8a: {  	[bflag:$0x3] =	sbarrier.arrive $0xFFFF  }
0x8b: {  	_ =	shalt  }

// kernel: kernel.20.cloned.1.call-start
scs
__scs_entry_jumppad:
0x0: {  	(pc) =	sbr.rel $0x88, $3  }
0x1: {  	(tag) =	ssettag $0x0;
	lr =	simm.s32 $0x1  }
0x2: {  	[smem:$0x3F97] =	sst lr;
	_ =	strace $0xD0000000  }
0x3: {  	_ = 	snop  }
0x4: {  	_ = 	snop  }
0x5: {  	_ = 	snop  }
0x6: {  	_ = 	snop  }
0x7: {  	_ = 	snop  }
__scs_overlays_trampoline_lowered:
0x8: {  	[smem:$0x3FA6] =	sst s0  }
0x9: {  	[smem:$0x3FA7] =	sst s1  }
0xa: {  	[smem:$0x3FA8] =	sst s2  }
0xb: {  	[smem:$0x3FA9] =	sst s3  }
0xc: {  	[smem:$0x3FAA] =	sst s4  }
0xd: {  	[smem:$0x3FAB] =	sst s5  }
0xe: {  	[smem:$0x3FAC] =	sst s6  }
0xf: {  	[smem:$0x3FAD] =	sst s7  }
0x10: {  	[smem:$0x3FAE] =	sst s8  }
0x11: {  	[smem:$0x3FAF] =	sst s9;
	s0 =	simm.s32 @!p0 $0x0  }
0x12: {  	s1 =	sld [smem:$0x3F95];
	s0 =	simm.s32 @p0 $0x1  }
0x13: {  	[smem:$0x3FB0] =	sst s0;
	s0 =	simm.s32 @!p1 $0x0  }
0x14: {  	s2 =	sld [smem:$0x3F94];
	s0 =	simm.s32 @p1 $0x1  }
0x15: {  	[smem:$0x3FB1] =	sst s0;
	s0 =	simm.s32 @!p2 $0x0  }
0x16: {  	s3 =	sld [smem:$0x3FDB];
	s0 =	simm.s32 @p2 $0x1  }
0x17: {  	s4 =	simm.s32 $0x1BF5;
	[smem:$0x3FB3] =	sst s0  }
0x18: {  	s0 =	sld [smem:$0x3F96];
	_ =	swait.ge [sflag:s4], $0x0  }
0x19: {  	s7 =	sld [smem:$0x3F97]  }
0x1a: {  	s8 =	sadd.s32 $0xFFFFE003, lr  }
0x1b: {  	s9 =	sadd.s32 $0xFFFFFEF7, lr;
	s5 =	simm.s32 $0xFFFFFFFF;
	p2 =	slt.u32 s8, $0xFFFFF086  }
0x1c: {  	p1 =	slt.u32 s9, $0xF7A;
	s5 =	simm.s32 @!p2 $0x0  }
0x1d: {  	s5 =	simm.s32 @p1 $0x1;
	p0 =	seq.s32 s7, s2  }
0x1e: {  	s7 =	smul.u32 @!p0 $0xF7A, s2;
	p2 =	seq.s32 @!p0 s5, $0x0  }
0x1f: {  	s9 =	smul.u32 $0xF7A, s1;
	s8 =	simm.s32 @!p0 $0x1BF5;
	p2 =	por !p2, p0  }
0x20: {  	[sflag:s8] =	ssyncset.s32 @!p0 $0xFFFFF086;
	s6 =	sadd.s32 @!p0 s3, s7;
	s7 =	simm.s32 @!p0 $0x108  }
0x21: {  	s3 =	sadd.s32 s3, s9;
	s6 =	sadd.s32 @!p0 $0x88, s6;
	s7 =	simm.s32 @p2 $0x1082  }
0x22: {  	[simem:s7], [sflag:s8] =	dma.local @!p0 [hbm:s6], $0xF7A  }
0x23: {  	s9 =	sor.u32 $0xD0000000, s2;
	s6 =	simm.s32 $0x108;
	_ =	swait.ge @!p0 [sflag:s8], $0x0  }
0x24: {  	s3 =	sadd.s32 $0x88, s3;
	s6 =	simm.s32 @!p1 $0x1082;
	[sflag:s4] =	ssyncset.s32 $0xFFFFF086  }
0x25: {  	[simem:s6], [sflag:s4] =	dma.local [hbm:s3], $0xF7A  }
0x26: {  	[smem:$0x3F97] =	sst s1;
	(tag) =	ssettag s2;
	_ =	strace s9  }
0x27: {  	s1 =	sld [smem:$0x3FA7]  }
0x28: {  	s2 =	sld [smem:$0x3FA8]  }
0x29: {  	s4 =	sld [smem:$0x3FAA]  }
0x2a: {  	p0 =	seq.s32 s5, $0x0;
	s5 =	sld [smem:$0x3FAB]  }
0x2b: {  	s6 =	sld [smem:$0x3FAC]  }
0x2c: {  	s7 =	sld [smem:$0x3FAD]  }
0x2d: {  	s3 =	simm.s32 $0x108;
	s8 =	sld [smem:$0x3FAE]  }
0x2e: {  	s3 =	simm.s32 @!p0 $0x1082;
	s9 =	sld [smem:$0x3FAF]  }
0x2f: {  	lr =	sadd.s32 s0, s3;
	s0 =	sld [smem:$0x3FA6]  }
0x30: {  	s3 =	sld [smem:$0x3FA9]  }
0x31: {  	[smem:$0x3FB2] =	sst s10  }
0x32: {  	s10 =	sld [smem:$0x3FB0];
	_ =	sdelay $0x3  }
0x33: {  	p0 =	seq.s32 s10, $0x1;
	s10 =	sld [smem:$0x3FB2];
	_ =	sdelay $0x3  }
0x34: {  	[smem:$0x3FB2] =	sst s10  }
0x35: {  	s10 =	sld [smem:$0x3FB1];
	_ =	sdelay $0x3  }
0x36: {  	p1 =	seq.s32 s10, $0x1;
	s10 =	sld [smem:$0x3FB2];
	_ =	sdelay $0x3  }
0x37: {  	[smem:$0x3FB2] =	sst s10  }
0x38: {  	s10 =	sld [smem:$0x3FB3]  }
0x39: {  	_ = 	snop;
	(pc) =	sbr.ind lr, $3  }
0x3a: {  	_ = 	snop  }
0x3b: {  	_ = 	snop  }
0x3c: {  	p2 =	seq.s32 s10, $0x1;
	s10 =	sld [smem:$0x3FB2]  }
0x3d: {  	_ =	shalt  }
0x3e: {  	_ =	shalt  }
0x3f: {  	_ =	shalt  }
0x40: {  	_ =	shalt  }
0x41: {  	_ =	shalt  }
0x42: {  	_ =	shalt  }
0x43: {  	_ =	shalt  }
0x44: {  	_ =	shalt  }
0x45: {  	_ =	shalt  }
0x46: {  	_ =	shalt  }
0x47: {  	_ =	shalt  }
0x48: {  	_ =	shalt  }
0x49: {  	_ =	shalt  }
0x4a: {  	_ =	shalt  }
0x4b: {  	_ =	shalt  }
0x4c: {  	_ =	shalt  }
0x4d: {  	_ =	shalt  }
0x4e: {  	_ =	shalt  }
0x4f: {  	_ =	shalt  }
0x50: {  	_ =	shalt  }
0x51: {  	_ =	shalt  }
0x52: {  	_ =	shalt  }
0x53: {  	_ =	shalt  }
0x54: {  	_ =	shalt  }
0x55: {  	_ =	shalt  }
0x56: {  	_ =	shalt  }
0x57: {  	_ =	shalt  }
0x58: {  	_ =	shalt  }
0x59: {  	_ =	shalt  }
0x5a: {  	_ =	shalt  }
0x5b: {  	_ =	shalt  }
0x5c: {  	_ =	shalt  }
0x5d: {  	_ =	shalt  }
0x5e: {  	_ =	shalt  }
0x5f: {  	_ =	shalt  }
0x60: {  	_ =	shalt  }
0x61: {  	_ =	shalt  }
0x62: {  	_ =	shalt  }
0x63: {  	_ =	shalt  }
0x64: {  	_ =	shalt  }
0x65: {  	_ =	shalt  }
0x66: {  	_ =	shalt  }
0x67: {  	_ =	shalt  }
0x68: {  	_ =	shalt  }
0x69: {  	_ =	shalt  }
0x6a: {  	_ =	shalt  }
0x6b: {  	_ =	shalt  }
0x6c: {  	_ =	shalt  }
0x6d: {  	_ =	shalt  }
0x6e: {  	_ =	shalt  }
0x6f: {  	_ =	shalt  }
0x70: {  	_ =	shalt  }
0x71: {  	_ =	shalt  }
0x72: {  	_ =	shalt  }
0x73: {  	_ =	shalt  }
0x74: {  	_ =	shalt  }
0x75: {  	_ =	shalt  }
0x76: {  	_ =	shalt  }
0x77: {  	_ =	shalt  }
0x78: {  	_ =	shalt  }
0x79: {  	_ =	shalt  }
0x7a: {  	_ =	shalt  }
0x7b: {  	_ =	shalt  }
0x7c: {  	_ =	shalt  }
0x7d: {  	_ =	shalt  }
0x7e: {  	_ =	shalt  }
0x7f: {  	_ =	shalt  }
0x80: {  	_ =	shalt  }
0x81: {  	_ =	shalt  }
0x82: {  	_ =	shalt  }
0x83: {  	_ =	shalt  }
0x84: {  	_ =	shalt  }
0x85: {  	_ =	shalt  }
0x86: {  	_ =	shalt  }
0x87: {  	_ =	shalt  }
.Lfunc_end0:
.L_simem_size_0:
called_computation.1_lowered:
.L_overlay_start_0:
0x88: {  	s2 =	sld [smem:$0x3FD9]  }
0x89: {  	s3 =	sld [smem:$0x3FFE];
	_ =	sdelay $0x1  }
0x8a: {  	s1 =	srdreg.scid  }
0x8b: {  	s0 =	sand.u32 $0x1, s1  }
0x8c: {  	s16 =	sshll.u32 s0, $0xA;
	s2 =	sadd.s32 s3, s2  }
0x8d: {  	s2 =	sadd.s32 s2, s16  }
0x8e: {  	[smem:$0x3FBE] =	sst s2  }
0x8f: {  	_ = 	snop  }
0x90: {  	(tm) =	ssettm $0x1  }
0x91: {  	s17 =	sld [smem:$0x3FFB];
	_ =	sdelay $0x3  }
0x92: {  	_ =	strace s17  }
0x93: {  	s2 =	sld [smem:$0x3FFC];
	_ =	sdelay $0x3  }
0x94: {  	_ =	strace s2  }
0x95: {  	s2 =	sld [smem:$0x3FFD];
	_ =	sdelay $0x3  }
0x96: {  	_ =	strace s2  }
0x97: {  	_ =	strace $0x8FFFFFFF  }
0x98: {  	s18 =	sld [smem:$0x3FDB];
	_ =	sdelay $0x1  }
0x99: {  	s19 =	simm.s32 $_scs_section_size  }
0x9a: {  	s4 =	simm.s32 $_size__tile_overlayer_lowered;
	s5 =	simm.s32 $_tile_overlayer_lowered  }
0x9b: {  	s22 =	simm.s32 $0x1BFF;
	s21 =	sshll.u32 s5, $0x1;
	s2 =	sadd.s32 s19, s18  }
0x9c: {  	s6 =	simm.s32 $0x0;
	s20 =	sshll.u32 s4, $0x1;
	s4 =	sadd.s32 s21, s2  }
0x9d: {  	[timem:s6], [sflag:s22] =	dma.local [hbm:s4], s20  }
0x9e: {  	_ =	swait.ge [sflag:s22], s20  }
0x9f: {  	s3 =	ssub.s32 $0x0, s20;
	[sflag:s22] =	ssyncset.done $0x0  }
0xa0: {  	[sflag:s22] =	ssyncadd.s32 s3;
	_ =	sdelay $0x1  }
0xa1: {  	s23 =	simm.s32 $0x1B8B  }
0xa2: {  	_ =	swait.ge [sflag:s23], $0x1  }
0xa3: {  	[sflag:s23] =	ssyncset.done $0x0  }
0xa4: {  	s25 =	simm.s32 $0x1B8E;
	s24 =	sld [smem:$0x3FFE];
	[sflag:s23] =	ssyncadd.s32 $0xFFFFFFFF  }
0xa5: {  	s26 =	simm.s32 $execute0_lowered;
	[smem:$0x3FD2] =	sst s25  }
0xa6: {  	s4 =	sshll.u32 s26, $0x1;
	_ =	strace $0x80000049;
	[dreg:$0x1] =	wrdreg $0xFFFFFFFF  }
0xa7: {  	s28 =	simm.s32 $_size_execute0_lowered;
	s2 =	sadd.s32 s2, s4;
	[dreg:$0x0] =	wrdreg $0x0  }
0xa8: {  	s4 =	sshll.u32 s28, $0x1;
	[dreg:$0x2] =	wrdreg s2  }
0xa9: {  	[dreg:$0x3] =	wrdreg s4  }
0xaa: {  	[dreg:$0x4] =	wrdreg $0xC0  }
0xab: {  	_ =	task [dreg:s6], $0x5FFFF  }
0xac: {  	[dreg:$0x1] =	wrdreg $0xFFFFFFFF  }
0xad: {  	[dreg:$0x0] =	wrdreg $0x60  }
0xae: {  	[dreg:$0x2] =	wrdreg s24  }
0xaf: {  	[dreg:$0x3] =	wrdreg $0x14F000  }
0xb0: {  	[dreg:$0x4] =	wrdreg $0x9  }
0xb1: {  	_ =	task.clear_ibuf [dreg:s6], $0x5FFFF;
	_ =	strace $0x90000049  }
0xb2: {  	s29 =	simm.s32 $0x9;
	_ =	strace $0x8000004B  }
0xb3: {  	_ =	swait.ge [sflag:s29], $0x1  }
0xb4: {  	[sflag:s29] =	ssyncadd.s32 $0xFFFFFFFF  }
0xb5: {  	_ =	strace $0x9000004B  }
0xb6: {  	_ =	sfence  }
0xb7: {  	s30 =	sld [smem:$0x0];
	_ =	sdelay $0x2  }
0xb8: {  	s31 =	sshll.u32 s1, $0xD;
	s1 =	sshrl.u32 s1, $0x2  }
0xb9: {  	s3 =	sand.u32 $0x4000, s31;
	s1 =	sadd.s32 s1, s30  }
0xba: {  	s0 =	sor.u32 s3, s0;
	s1 =	sshll.u32 s1, $0x11  }
0xbb: {  	s0 =	sor.u32 s1, s0  }
0xbc: {  	s0 =	sadd.s32 $0x8F2B, s0  }
0xbd: {  	[sflag:s0] =	ssyncadd.remote.s32 $0x1  }
0xbe: {  	_ =	sfence.sel $0xFFFF  }
0xbf: {  	[dreg:$0x0] =	wrdreg $0xFFFFFFFF;
	(pc) =	sbr.abs _section_cstart, $3  }
0xc0: {  	[dreg:$0x1] =	wrdreg $0xFFFFFFFF  }
0xc1: {  	_ =	task.clear_ibuf [dreg:s6], $0x2FFFF;
	_ =	strace $0x9FFFFFFF  }
0xc2: {  	(tm) =	ssettm $0x7FFFFFFF  }
0xc3: {  	_ =	shalt  }
tec
execute0_lowered:
.L_overlay_start_1:
0x0: {  	(tag) =	ssettag $0x1  }
0x1: {  	s0 =	srdreg.scid  }
0x2: {  	s4 =	stileid.u32;
	s5 =	rddreg [dreg:$0x0]  }
0x3: {  	s2 =	rddreg [dreg:$0x1];
	s3 =	simm.s32 $0x0;
	s11 =	simm.s32 $0xC800  }
0x4: {  	s12 =	simm.s32 $0x9;
	s13 =	simm.s32 $0x4400;
	s14 =	simm.s32 $0x80  }
0x5: {  	s15 =	simm.s32 $0x8800;
	s16 =	simm.s32 $0x9800;
	s17 =	simm.s32 $0x1  }
0x6: {  	s19 =	simm.s32 $0xA800;
	s20 =	simm.s32 $0x2;
	s23 =	simm.s32 $0xB800  }
0x7: {  	s24 =	simm.s32 $0x3;
	s26 =	simm.s32 $0x5;
	s29 =	simm.s32 $0x4  }
0x8: {  	s31 =	simm.s32 $0x6;
	s18 =	simm.s32 $0x8;
	s21 =	simm.s32 $0x0  }
0x9: {  	s0 =	sand.u32 $0x1, s0;
	s6 =	smul.u32 $0x8700, s4;
	[smem:$0x7FF] =	sst s3  }
0xa: {  	s1 =	sshll.u32 s0, $0x4;
	s7 =	smul.u32 $0x87000, s0;
	_ =	strace $0x8000004A  }
0xb: {  	s0 =	ssub.s32 $0x2, s0;
	s1 =	sor.u32 s4, s1;
	s4 =	sadd.s32 $0x6B800, s5  }
0xc: {  	s8 =	sshrl.u32 s6, $0x3;
	s9 =	sshrl.u32 s0, $0x1;
	s1 =	smul.u32 $0x880, s1  }
.Ltmp0:
0xd: {  	s7 =	sadd.s32 s6, s7;
	s8 =	sadd.s32 s8, s5;
	(pc) =	sbr.rel .LBB2_1-.Ltmp0, $4  }
0xe: {  	s0 =	ssub.s32 s0, s9;
	s6 =	sadd.s32 s6, s2;
	s7 =	sshrl.u32 s7, $0x3  }
0xf: {  	s1 =	sadd.s32 s1, s5;
	s10 =	sadd.s32 s7, s5;
	s5 =	sadd.s32 $0x7C600, s8  }
0x10: {  	s7 =	sadd.s32 $0x15C00, s1;
	s8 =	sadd.s32 $0x4C00, s1;
	s9 =	sadd.s32 $0x8D400, s10  }
0x11: {  	s10 =	smax.u32 s0, $0x1;
	s1 =	simm.s32 $0x280;
	s0 =	simm.s32 $0x7  }
.LBB2_4:
0x12: {  	_ =	swait.ge [sflag:s29], $0x1000  }
0x13: {  	[sflag:s29] =	ssyncset.done $0x0  }
0x14: {  	[sflag:s29] =	ssyncadd.s32 $0xFFFFF000  }
0x15: {  	[spmem:s2] =	stream.indirect.scatter.add.f32 [tilespmem:s23], [sflag:$0x8], $0x20, s28, s14, $0xb8;
	[tilespmem:$0x1D600] =	vst v63  }
0x16: {  	_ =	swait.ge [sflag:s31], $0x1000  }
0x17: {  	[sflag:s31] =	ssyncset.done $0x0  }
0x18: {  	[sflag:s31] =	ssyncadd.s32 $0xFFFFF000  }
0x19: {  	_ =	swait.ge [sflag:s0], $0x1000  }
0x1a: {  	[sflag:s0] =	ssyncset.done $0x0  }
0x1b: {  	[sflag:s0] =	ssyncadd.s32 $0xFFFFF000  }
0x1c: {  	_ =	swait.ge [sflag:s18], $0x1000  }
0x1d: {  	[sflag:s18] =	ssyncset.done $0x0  }
0x1e: {  	[sflag:s18] =	ssyncadd.s32 $0xFFFFF000  }
0x1f: {  	[bflag:$0x0] =	sbarrier.arrive $0xFFFF  }
0x20: {  	[tilespmem:s11], [sflag:$0x9] =	stream.linear.gather [spmem:s6], $0x8700, $0x38;
	[tilespmem:$0x1D600] =	vst v63  }
0x21: {  	s21 =	sadd.s32 $0x1, s21;
	_ =	swait.ge [sflag:s12], $0x8700  }
0x22: {  	p0 =	sne.s32 s21, s10;
	[sflag:s12] =	ssyncset.done $0x0  }
.Ltmp1:
0x23: {  	[sflag:s12] =	ssyncadd.s32 $0xFFFF7900;
	(pc) =	sbr.rel @!p0 .LBB2_5-.Ltmp1, $4  }
0x24: {  	[hbm4b:s9+s3] =	stream.linear.scatter [tilespmem:s11], [sflag:$0x9], $0x8700, $0x38;
	[tilespmem:$0x1D600] =	vst v63  }
0x25: {  	_ =	swait.ge [sflag:s12], $0x8700  }
0x26: {  	[sflag:s12] =	ssyncset.done $0x0  }
0x27: {  	[sflag:s12] =	ssyncadd.s32 $0xFFFF7900  }
.LBB2_1:
0x28: {  	[tilespmem:s11], [sflag:$0x9] =	stream.linear.gather [hbm4b:s5+s3], $0x8700, $0x38;
	[tilespmem:$0x1D600] =	vst v63  }
0x29: {  	_ =	swait.ge [sflag:s12], $0x8700  }
0x2a: {  	[sflag:s12] =	ssyncset.done $0x0  }
0x2b: {  	[sflag:s12] =	ssyncadd.s32 $0xFFFF7900  }
0x2c: {  	[spmem:s6] =	stream.linear.scatter [tilespmem:s11], [sflag:$0x9], $0x8700, $0x38;
	[tilespmem:$0x1D600] =	vst v63  }
0x2d: {  	_ =	swait.ge [sflag:s12], $0x8700  }
0x2e: {  	[sflag:s12] =	ssyncset.done $0x0  }
0x2f: {  	[sflag:s12] =	ssyncadd.s32 $0xFFFF7900  }
0x30: {  	[tilespmem:s3], [sflag:$0x9] =	stream.linear.gather [hbm4b:s7+s3], $0x4400, $0x38;
	[tilespmem:$0x1D600] =	vst v63  }
0x31: {  	_ =	swait.ge [sflag:s12], $0x4400  }
0x32: {  	[sflag:s12] =	ssyncset.done $0x0  }
0x33: {  	[sflag:s12] =	ssyncadd.s32 $0xFFFFBC00  }
0x34: {  	[tilespmem:s13], [sflag:$0x9] =	stream.linear.gather [hbm4b:s8+s3], $0x4400, $0x38;
	[tilespmem:$0x1D600] =	vst v63  }
0x35: {  	_ =	swait.ge [sflag:s12], $0x4400  }
0x36: {  	[sflag:s12] =	ssyncset.done $0x0  }
0x37: {  	[sflag:s12] =	ssyncadd.s32 $0xFFFFBC00  }
0x38: {  	[bflag:$0x0] =	sbarrier.arrive $0xFFFF  }
0x39: {  	[tilespmem:s15], [sflag:$0x1] =	stream.indirect.gather [hbm4b:s4+s14], $0x20, s3, s14, $0xb8;
	[tilespmem:$0x1D600] =	vst v63  }
0x3a: {  	_ = 	snop  }
0x3b: {  	[tilespmem:s16], [sflag:$0x2] =	stream.indirect.gather [hbm4b:s4+s14], $0x20, s14, s14, $0xb8;
	[tilespmem:$0x1D600] =	vst v63  }
0x3c: {  	_ =	swait.ge [sflag:s17], $0x1000  }
0x3d: {  	[sflag:s17] =	ssyncset.done $0x0  }
0x3e: {  	[sflag:s17] =	ssyncadd.s32 $0xFFFFF000  }
0x3f: {  	[spmem:s2] =	stream.indirect.scatter.add.f32 [tilespmem:s15], [sflag:$0x5], $0x20, s13, s14, $0xb8;
	[tilespmem:$0x1D600] =	vst v63  }
0x40: {  	s22 =	simm.s32 $0x100  }
0x41: {  	[tilespmem:s19], [sflag:$0x3] =	stream.indirect.gather [hbm4b:s4+s14], $0x20, s22, s14, $0xb8;
	[tilespmem:$0x1D600] =	vst v63  }
0x42: {  	_ =	swait.ge [sflag:s20], $0x1000  }
0x43: {  	[sflag:s20] =	ssyncset.done $0x0  }
0x44: {  	s28 =	simm.s32 $0x4480;
	[sflag:s20] =	ssyncadd.s32 $0xFFFFF000  }
0x45: {  	[spmem:s2] =	stream.indirect.scatter.add.f32 [tilespmem:s16], [sflag:$0x6], $0x20, s28, s14, $0xb8;
	[tilespmem:$0x1D600] =	vst v63  }
0x46: {  	s30 =	simm.s32 $0x180  }
0x47: {  	[tilespmem:s23], [sflag:$0x4] =	stream.indirect.gather [hbm4b:s4+s14], $0x20, s30, s14, $0xb8;
	[tilespmem:$0x1D600] =	vst v63  }
0x48: {  	_ =	swait.ge [sflag:s24], $0x1000  }
0x49: {  	[sflag:s24] =	ssyncset.done $0x0  }
0x4a: {  	s25 =	simm.s32 $0x4500;
	[sflag:s24] =	ssyncadd.s32 $0xFFFFF000  }
0x4b: {  	[spmem:s2] =	stream.indirect.scatter.add.f32 [tilespmem:s19], [sflag:$0x7], $0x20, s25, s14, $0xb8;
	[tilespmem:$0x1D600] =	vst v63  }
0x4c: {  	_ =	swait.ge [sflag:s26], $0x1000  }
0x4d: {  	[sflag:s26] =	ssyncset.done $0x0  }
0x4e: {  	s28 =	simm.s32 $0x200;
	[sflag:s26] =	ssyncadd.s32 $0xFFFFF000  }
0x4f: {  	[tilespmem:s15], [sflag:$0x1] =	stream.indirect.gather [hbm4b:s4+s14], $0x20, s28, s14, $0xb8;
	[tilespmem:$0x1D600] =	vst v63  }
0x50: {  	_ =	swait.ge [sflag:s29], $0x1000  }
0x51: {  	[sflag:s29] =	ssyncset.done $0x0  }
0x52: {  	s30 =	simm.s32 $0x4580;
	[sflag:s29] =	ssyncadd.s32 $0xFFFFF000  }
0x53: {  	[spmem:s2] =	stream.indirect.scatter.add.f32 [tilespmem:s23], [sflag:$0x8], $0x20, s30, s14, $0xb8;
	[tilespmem:$0x1D600] =	vst v63  }
0x54: {  	_ =	swait.ge [sflag:s31], $0x1000  }
0x55: {  	[sflag:s31] =	ssyncset.done $0x0  }
0x56: {  	s22 =	simm.s32 $0x0;
	[sflag:s31] =	ssyncadd.s32 $0xFFFFF000  }
0x57: {  	[tilespmem:s16], [sflag:$0x2] =	stream.indirect.gather [hbm4b:s4+s14], $0x20, s1, s14, $0xb8;
	[tilespmem:$0x1D600] =	vst v63  }
.LBB2_2:
0x58: {  	_ =	swait.ge [sflag:s17], $0x1000  }
0x59: {  	s25 =	sshra.s32 s22, $0x2;
	[sflag:s17] =	ssyncset.done $0x0  }
0x5a: {  	s28 =	sadd.s32 $0x4600, s25;
	[sflag:s17] =	ssyncadd.s32 $0xFFFFF000  }
0x5b: {  	[spmem:s2] =	stream.indirect.scatter.add.f32 [tilespmem:s15], [sflag:$0x5], $0x20, s28, s14, $0xb8;
	[tilespmem:$0x1D600] =	vst v63  }
0x5c: {  	_ =	swait.ge [sflag:s0], $0x1000  }
0x5d: {  	[sflag:s0] =	ssyncset.done $0x0  }
0x5e: {  	s28 =	sadd.s32 $0x300, s25;
	[sflag:s0] =	ssyncadd.s32 $0xFFFFF000  }
0x5f: {  	[tilespmem:s19], [sflag:$0x3] =	stream.indirect.gather [hbm4b:s4+s14], $0x20, s28, s14, $0xb8;
	[tilespmem:$0x1D600] =	vst v63  }
0x60: {  	_ =	swait.ge [sflag:s20], $0x1000  }
0x61: {  	[sflag:s20] =	ssyncset.done $0x0  }
0x62: {  	s28 =	sadd.s32 $0x4680, s25;
	[sflag:s20] =	ssyncadd.s32 $0xFFFFF000  }
0x63: {  	[spmem:s2] =	stream.indirect.scatter.add.f32 [tilespmem:s16], [sflag:$0x6], $0x20, s28, s14, $0xb8;
	[tilespmem:$0x1D600] =	vst v63  }
0x64: {  	_ =	swait.ge [sflag:s18], $0x1000  }
0x65: {  	[sflag:s18] =	ssyncset.done $0x0  }
0x66: {  	s28 =	sadd.s32 $0x380, s25;
	[sflag:s18] =	ssyncadd.s32 $0xFFFFF000  }
0x67: {  	[tilespmem:s23], [sflag:$0x4] =	stream.indirect.gather [hbm4b:s4+s14], $0x20, s28, s14, $0xb8;
	[tilespmem:$0x1D600] =	vst v63  }
0x68: {  	_ =	swait.ge [sflag:s24], $0x1000  }
0x69: {  	p0 =	seq.s32 s22, $0x10000;
	[sflag:s24] =	ssyncset.done $0x0  }
.Ltmp2:
0x6a: {  	s28 =	sadd.s32 $0x4700, s25;
	[sflag:s24] =	ssyncadd.s32 $0xFFFFF000;
	(pc) =	sbr.rel @p0 .LBB2_4-.Ltmp2, $4  }
0x6b: {  	[spmem:s2] =	stream.indirect.scatter.add.f32 [tilespmem:s19], [sflag:$0x7], $0x20, s28, s14, $0xb8;
	[tilespmem:$0x1D600] =	vst v63  }
0x6c: {  	_ =	swait.ge [sflag:s26], $0x1000  }
0x6d: {  	[sflag:s26] =	ssyncset.done $0x0  }
0x6e: {  	s28 =	sadd.s32 $0x4780, s25;
	[sflag:s26] =	ssyncadd.s32 $0xFFFFF000  }
0x6f: {  	s30 =	sadd.s32 $0x400, s25  }
0x70: {  	[tilespmem:s15], [sflag:$0x1] =	stream.indirect.gather [hbm4b:s4+s14], $0x20, s30, s14, $0xb8;
	[tilespmem:$0x1D600] =	vst v63  }
0x71: {  	_ =	swait.ge [sflag:s29], $0x1000  }
0x72: {  	[sflag:s29] =	ssyncset.done $0x0  }
0x73: {  	[sflag:s29] =	ssyncadd.s32 $0xFFFFF000  }
0x74: {  	[spmem:s2] =	stream.indirect.scatter.add.f32 [tilespmem:s23], [sflag:$0x8], $0x20, s28, s14, $0xb8;
	[tilespmem:$0x1D600] =	vst v63  }
.Ltmp3:
0x75: {  	_ = 	snop;
	(pc) =	sbr.rel .LBB2_2-.Ltmp3, $4  }
0x76: {  	_ =	swait.ge [sflag:s31], $0x1000  }
0x77: {  	[sflag:s31] =	ssyncset.done $0x0  }
0x78: {  	s22 =	sadd.s32 $0x800, s22;
	s30 =	sadd.s32 $0x480, s25;
	[sflag:s31] =	ssyncadd.s32 $0xFFFFF000  }
0x79: {  	[tilespmem:s16], [sflag:$0x2] =	stream.indirect.gather [hbm4b:s4+s14], $0x20, s30, s14, $0xb8;
	[tilespmem:$0x1D600] =	vst v63  }
.LBB2_5:
0x7a: {  	_ =	sfence.sel $0x180000  }
0x7b: {  	[bflag:$0x0] =	sbarrier.arrive $0xFFFF  }
0x7c: {  	_ =	strace $0x9000004A  }
0x7d: {  	s0 =	stileid.u32;
	[bflag:$0x2] =	sbarrier.arrive $0xFFFF  }
0x7e: {  	p0 =	sne.s32 s0, $0x0;
	s0 =	rddreg [dreg:$0x2]  }
0x7f: {  	s0 =	sadd.s32 @!p0 $0x100000, s0  }
0x80: {  	[sflag:s0] =	ssyncadd.tile.s32 @!p0 $0x1;
	_ =	shalt  }
.Lfunc_end2:
_tile_overlayer_lowered:
.L_overlay_start_2:
0x81: {  	(tag) =	ssettag $0x2  }
0x82: {  	s0 =	rddreg [dreg:$0x0];
	s2 =	stileid.u32  }
0x83: {  	s1 =	rddreg [dreg:$0x1];
	p0 =	sne.s32 s2, $0x0  }
0x84: {  	s3 =	rddreg [dreg:$0x2];
	[bflag:$0x3] =	sbarrier.arrive $0xFFFF;
	s2 =	simm.s32 @!p0 $0x1C09  }
0x85: {  	[timem:s3], [sflag:s2] =	dma.local @!p0 [hbm:s0], s1  }
0x86: {  	s0 =	simm.s32 @!p0 $0x9  }
0x87: {  	_ =	swait.ge @!p0 [sflag:s0], s1  }
0x88: {  	s1 =	ssub.s32 @!p0 $0x0, s1;
	[sflag:s0] =	ssyncset.done @!p0 $0x0  }
0x89: {  	[sflag:s0] =	ssyncadd.s32 @!p0 s1  }
0x8a: {  	[bflag:$0x3] =	sbarrier.arrive $0xFFFF  }
0x8b: {  	_ =	shalt  }

// kernel: kernel.23.cloned.1.call-start
scs
__scs_entry_jumppad:
0x0: {  	(pc) =	sbr.rel $0x88, $3  }
0x1: {  	(tag) =	ssettag $0x0;
	lr =	simm.s32 $0x1  }
0x2: {  	[smem:$0x3F97] =	sst lr;
	_ =	strace $0xD0000000  }
0x3: {  	_ = 	snop  }
0x4: {  	_ = 	snop  }
0x5: {  	_ = 	snop  }
0x6: {  	_ = 	snop  }
0x7: {  	_ = 	snop  }
__scs_overlays_trampoline_lowered:
0x8: {  	[smem:$0x3FA6] =	sst s0  }
0x9: {  	[smem:$0x3FA7] =	sst s1  }
0xa: {  	[smem:$0x3FA8] =	sst s2  }
0xb: {  	[smem:$0x3FA9] =	sst s3  }
0xc: {  	[smem:$0x3FAA] =	sst s4  }
0xd: {  	[smem:$0x3FAB] =	sst s5  }
0xe: {  	[smem:$0x3FAC] =	sst s6  }
0xf: {  	[smem:$0x3FAD] =	sst s7  }
0x10: {  	[smem:$0x3FAE] =	sst s8  }
0x11: {  	[smem:$0x3FAF] =	sst s9;
	s0 =	simm.s32 @!p0 $0x0  }
0x12: {  	s1 =	sld [smem:$0x3F95];
	s0 =	simm.s32 @p0 $0x1  }
0x13: {  	[smem:$0x3FB0] =	sst s0;
	s0 =	simm.s32 @!p1 $0x0  }
0x14: {  	s2 =	sld [smem:$0x3F94];
	s0 =	simm.s32 @p1 $0x1  }
0x15: {  	[smem:$0x3FB1] =	sst s0;
	s0 =	simm.s32 @!p2 $0x0  }
0x16: {  	s3 =	sld [smem:$0x3FDB];
	s0 =	simm.s32 @p2 $0x1  }
0x17: {  	s4 =	simm.s32 $0x1BF5;
	[smem:$0x3FB3] =	sst s0  }
0x18: {  	s0 =	sld [smem:$0x3F96];
	_ =	swait.ge [sflag:s4], $0x0  }
0x19: {  	s7 =	sld [smem:$0x3F97]  }
0x1a: {  	s8 =	sadd.s32 $0xFFFFE003, lr  }
0x1b: {  	s9 =	sadd.s32 $0xFFFFFEF7, lr;
	s5 =	simm.s32 $0xFFFFFFFF;
	p2 =	slt.u32 s8, $0xFFFFF086  }
0x1c: {  	p1 =	slt.u32 s9, $0xF7A;
	s5 =	simm.s32 @!p2 $0x0  }
0x1d: {  	s5 =	simm.s32 @p1 $0x1;
	p0 =	seq.s32 s7, s2  }
0x1e: {  	s7 =	smul.u32 @!p0 $0xF7A, s2;
	p2 =	seq.s32 @!p0 s5, $0x0  }
0x1f: {  	s9 =	smul.u32 $0xF7A, s1;
	s8 =	simm.s32 @!p0 $0x1BF5;
	p2 =	por !p2, p0  }
0x20: {  	[sflag:s8] =	ssyncset.s32 @!p0 $0xFFFFF086;
	s6 =	sadd.s32 @!p0 s3, s7;
	s7 =	simm.s32 @!p0 $0x108  }
0x21: {  	s3 =	sadd.s32 s3, s9;
	s6 =	sadd.s32 @!p0 $0x88, s6;
	s7 =	simm.s32 @p2 $0x1082  }
0x22: {  	[simem:s7], [sflag:s8] =	dma.local @!p0 [hbm:s6], $0xF7A  }
0x23: {  	s9 =	sor.u32 $0xD0000000, s2;
	s6 =	simm.s32 $0x108;
	_ =	swait.ge @!p0 [sflag:s8], $0x0  }
0x24: {  	s3 =	sadd.s32 $0x88, s3;
	s6 =	simm.s32 @!p1 $0x1082;
	[sflag:s4] =	ssyncset.s32 $0xFFFFF086  }
0x25: {  	[simem:s6], [sflag:s4] =	dma.local [hbm:s3], $0xF7A  }
0x26: {  	[smem:$0x3F97] =	sst s1;
	(tag) =	ssettag s2;
	_ =	strace s9  }
0x27: {  	s1 =	sld [smem:$0x3FA7]  }
0x28: {  	s2 =	sld [smem:$0x3FA8]  }
0x29: {  	s4 =	sld [smem:$0x3FAA]  }
0x2a: {  	p0 =	seq.s32 s5, $0x0;
	s5 =	sld [smem:$0x3FAB]  }
0x2b: {  	s6 =	sld [smem:$0x3FAC]  }
0x2c: {  	s7 =	sld [smem:$0x3FAD]  }
0x2d: {  	s3 =	simm.s32 $0x108;
	s8 =	sld [smem:$0x3FAE]  }
0x2e: {  	s3 =	simm.s32 @!p0 $0x1082;
	s9 =	sld [smem:$0x3FAF]  }
0x2f: {  	lr =	sadd.s32 s0, s3;
	s0 =	sld [smem:$0x3FA6]  }
0x30: {  	s3 =	sld [smem:$0x3FA9]  }
0x31: {  	[smem:$0x3FB2] =	sst s10  }
0x32: {  	s10 =	sld [smem:$0x3FB0];
	_ =	sdelay $0x3  }
0x33: {  	p0 =	seq.s32 s10, $0x1;
	s10 =	sld [smem:$0x3FB2];
	_ =	sdelay $0x3  }
0x34: {  	[smem:$0x3FB2] =	sst s10  }
0x35: {  	s10 =	sld [smem:$0x3FB1];
	_ =	sdelay $0x3  }
0x36: {  	p1 =	seq.s32 s10, $0x1;
	s10 =	sld [smem:$0x3FB2];
	_ =	sdelay $0x3  }
0x37: {  	[smem:$0x3FB2] =	sst s10  }
0x38: {  	s10 =	sld [smem:$0x3FB3]  }
0x39: {  	_ = 	snop;
	(pc) =	sbr.ind lr, $3  }
0x3a: {  	_ = 	snop  }
0x3b: {  	_ = 	snop  }
0x3c: {  	p2 =	seq.s32 s10, $0x1;
	s10 =	sld [smem:$0x3FB2]  }
0x3d: {  	_ =	shalt  }
0x3e: {  	_ =	shalt  }
0x3f: {  	_ =	shalt  }
0x40: {  	_ =	shalt  }
0x41: {  	_ =	shalt  }
0x42: {  	_ =	shalt  }
0x43: {  	_ =	shalt  }
0x44: {  	_ =	shalt  }
0x45: {  	_ =	shalt  }
0x46: {  	_ =	shalt  }
0x47: {  	_ =	shalt  }
0x48: {  	_ =	shalt  }
0x49: {  	_ =	shalt  }
0x4a: {  	_ =	shalt  }
0x4b: {  	_ =	shalt  }
0x4c: {  	_ =	shalt  }
0x4d: {  	_ =	shalt  }
0x4e: {  	_ =	shalt  }
0x4f: {  	_ =	shalt  }
0x50: {  	_ =	shalt  }
0x51: {  	_ =	shalt  }
0x52: {  	_ =	shalt  }
0x53: {  	_ =	shalt  }
0x54: {  	_ =	shalt  }
0x55: {  	_ =	shalt  }
0x56: {  	_ =	shalt  }
0x57: {  	_ =	shalt  }
0x58: {  	_ =	shalt  }
0x59: {  	_ =	shalt  }
0x5a: {  	_ =	shalt  }
0x5b: {  	_ =	shalt  }
0x5c: {  	_ =	shalt  }
0x5d: {  	_ =	shalt  }
0x5e: {  	_ =	shalt  }
0x5f: {  	_ =	shalt  }
0x60: {  	_ =	shalt  }
0x61: {  	_ =	shalt  }
0x62: {  	_ =	shalt  }
0x63: {  	_ =	shalt  }
0x64: {  	_ =	shalt  }
0x65: {  	_ =	shalt  }
0x66: {  	_ =	shalt  }
0x67: {  	_ =	shalt  }
0x68: {  	_ =	shalt  }
0x69: {  	_ =	shalt  }
0x6a: {  	_ =	shalt  }
0x6b: {  	_ =	shalt  }
0x6c: {  	_ =	shalt  }
0x6d: {  	_ =	shalt  }
0x6e: {  	_ =	shalt  }
0x6f: {  	_ =	shalt  }
0x70: {  	_ =	shalt  }
0x71: {  	_ =	shalt  }
0x72: {  	_ =	shalt  }
0x73: {  	_ =	shalt  }
0x74: {  	_ =	shalt  }
0x75: {  	_ =	shalt  }
0x76: {  	_ =	shalt  }
0x77: {  	_ =	shalt  }
0x78: {  	_ =	shalt  }
0x79: {  	_ =	shalt  }
0x7a: {  	_ =	shalt  }
0x7b: {  	_ =	shalt  }
0x7c: {  	_ =	shalt  }
0x7d: {  	_ =	shalt  }
0x7e: {  	_ =	shalt  }
0x7f: {  	_ =	shalt  }
0x80: {  	_ =	shalt  }
0x81: {  	_ =	shalt  }
0x82: {  	_ =	shalt  }
0x83: {  	_ =	shalt  }
0x84: {  	_ =	shalt  }
0x85: {  	_ =	shalt  }
0x86: {  	_ =	shalt  }
0x87: {  	_ =	shalt  }
.Lfunc_end0:
.L_simem_size_0:
called_computation.2_lowered:
.L_overlay_start_0:
0x88: {  	s2 =	sld [smem:$0x3FD9]  }
0x89: {  	s3 =	sld [smem:$0x3FFE];
	_ =	sdelay $0x1  }
0x8a: {  	s1 =	srdreg.scid  }
0x8b: {  	s0 =	sand.u32 $0x1, s1  }
0x8c: {  	s17 =	sshll.u32 s0, $0xA;
	s2 =	sadd.s32 s3, s2  }
0x8d: {  	s2 =	sadd.s32 s2, s17  }
0x8e: {  	[smem:$0x3FBE] =	sst s2  }
0x8f: {  	_ = 	snop  }
0x90: {  	(tm) =	ssettm $0x1  }
0x91: {  	s18 =	sld [smem:$0x3FFB];
	_ =	sdelay $0x3  }
0x92: {  	_ =	strace s18  }
0x93: {  	s2 =	sld [smem:$0x3FFC];
	_ =	sdelay $0x3  }
0x94: {  	_ =	strace s2  }
0x95: {  	s2 =	sld [smem:$0x3FFD];
	_ =	sdelay $0x3  }
0x96: {  	_ =	strace s2  }
0x97: {  	_ =	strace $0x8FFFFFFF  }
0x98: {  	s19 =	sld [smem:$0x3FDB];
	_ =	sdelay $0x1  }
0x99: {  	s20 =	simm.s32 $_scs_section_size  }
0x9a: {  	s4 =	simm.s32 $_size__tile_overlayer_lowered;
	s5 =	simm.s32 $_tile_overlayer_lowered  }
0x9b: {  	s6 =	simm.s32 $0x1BFF;
	s21 =	sshll.u32 s5, $0x1;
	s3 =	sadd.s32 s20, s19  }
0x9c: {  	s22 =	simm.s32 $0x0;
	s4 =	sshll.u32 s4, $0x1;
	s5 =	sadd.s32 s21, s3  }
0x9d: {  	[timem:s22], [sflag:s6] =	dma.local [hbm:s5], s4  }
0x9e: {  	_ =	swait.ge [sflag:s6], s4  }
0x9f: {  	s4 =	ssub.s32 $0x0, s4;
	[sflag:s6] =	ssyncset.done $0x0  }
0xa0: {  	[sflag:s6] =	ssyncadd.s32 s4;
	_ =	sdelay $0x1  }
0xa1: {  	s23 =	simm.s32 $0x1B8B  }
0xa2: {  	_ =	swait.ge [sflag:s23], $0x1  }
0xa3: {  	[sflag:s23] =	ssyncset.done $0x0  }
0xa4: {  	[sflag:s23] =	ssyncadd.s32 $0xFFFFFFFF  }
0xa5: {  	s4 =	sld [smem:$0x0]  }
0xa6: {  	s5 =	sand.u32 $0xFFFFFFFE, s1  }
0xa7: {  	p0 =	sne.s32 s1, s5  }
0xa8: {  	s5 =	sshll.u32 @p0 s5, $0xE  }
0xa9: {  	s5 =	sadd.s32 @p0 $0x11B8D, s5;
	s6 =	sshll.u32 @p0 s4, $0x11  }
0xaa: {  	s5 =	sor.u32 @p0 s6, s5  }
0xab: {  	[sflag:s5] =	ssyncadd.remote.s32 @p0 $0x1;
	_ =	sdelay $0x1  }
0xac: {  	s5 =	simm.s32 @p0 $0x1B8D  }
0xad: {  	_ =	swait.eq @p0 [sflag:s5], $0x1  }
0xae: {  	[sflag:s5] =	ssyncadd.s32 @p0 $0xFFFFFFFF  }
0xaf: {  	s6 =	sshll.u32 @!p0 s1, $0xE  }
0xb0: {  	s6 =	sor.u32 @!p0 $0x4000, s6;
	s5 =	simm.s32 @!p0 $0x1B8D  }
0xb1: {  	s4 =	sshll.u32 @!p0 s4, $0x11;
	s6 =	sadd.s32 @!p0 $0x11B8D, s6;
	_ =	swait.eq @!p0 [sflag:s5], $0x1  }
0xb2: {  	s4 =	sor.u32 @!p0 s4, s6;
	[sflag:s5] =	ssyncadd.s32 @!p0 $0xFFFFFFFF  }
0xb3: {  	s25 =	simm.s32 $0x1B8E;
	s24 =	sld [smem:$0x3FFE];
	[sflag:s4] =	ssyncadd.remote.s32 @!p0 $0x1  }
0xb4: {  	s26 =	simm.s32 $execute0_lowered;
	[smem:$0x3FD2] =	sst s25  }
0xb5: {  	s5 =	sshll.u32 s26, $0x1;
	_ =	strace $0x8000004C;
	[dreg:$0x1] =	wrdreg $0xFFFFFFFF  }
0xb6: {  	s28 =	simm.s32 $_size_execute0_lowered;
	s3 =	sadd.s32 s3, s5;
	[dreg:$0x0] =	wrdreg $0x0  }
0xb7: {  	s5 =	sshll.u32 s28, $0x1;
	[dreg:$0x2] =	wrdreg s3  }
0xb8: {  	[dreg:$0x3] =	wrdreg s5  }
0xb9: {  	[dreg:$0x4] =	wrdreg $0xC0  }
0xba: {  	_ =	task [dreg:s22], $0x5FFFF  }
0xbb: {  	[dreg:$0x1] =	wrdreg $0xFFFFFFFF  }
0xbc: {  	[dreg:$0x0] =	wrdreg $0x60  }
0xbd: {  	[dreg:$0x2] =	wrdreg s24  }
0xbe: {  	[dreg:$0x3] =	wrdreg $0x14F000  }
0xbf: {  	[dreg:$0x4] =	wrdreg $0xA  }
0xc0: {  	_ =	task.clear_ibuf [dreg:s22], $0x5FFFF;
	_ =	strace $0x9000004C  }
0xc1: {  	s29 =	simm.s32 $0xA;
	_ =	strace $0x8000004E  }
0xc2: {  	_ =	swait.ge [sflag:s29], $0x1  }
0xc3: {  	[sflag:s29] =	ssyncadd.s32 $0xFFFFFFFF  }
0xc4: {  	_ =	strace $0x9000004E  }
0xc5: {  	_ =	sfence  }
0xc6: {  	s30 =	sld [smem:$0x0];
	_ =	sdelay $0x2  }
0xc7: {  	s31 =	sshll.u32 s1, $0xD;
	s1 =	sshrl.u32 s1, $0x2  }
0xc8: {  	s4 =	sand.u32 $0x4000, s31;
	s1 =	sadd.s32 s1, s30  }
0xc9: {  	s0 =	sor.u32 s4, s0;
	s1 =	sshll.u32 s1, $0x11  }
0xca: {  	s0 =	sor.u32 s1, s0  }
0xcb: {  	s0 =	sadd.s32 $0x8F2B, s0  }
0xcc: {  	[sflag:s0] =	ssyncadd.remote.s32 $0x1  }
0xcd: {  	_ =	sfence.sel $0xFFFF  }
0xce: {  	[dreg:$0x0] =	wrdreg $0xFFFFFFFF;
	(pc) =	sbr.abs _section_cstart, $3  }
0xcf: {  	[dreg:$0x1] =	wrdreg $0xFFFFFFFF  }
0xd0: {  	_ =	task.clear_ibuf [dreg:s22], $0x2FFFF;
	_ =	strace $0x9FFFFFFF  }
0xd1: {  	(tm) =	ssettm $0x7FFFFFFF  }
tec
execute0_lowered:
.L_overlay_start_1:
0x0: {  	(tag) =	ssettag $0x1  }
0x1: {  	s0 =	srdreg.scid  }
0x2: {  	s4 =	stileid.u32;
	s5 =	rddreg [dreg:$0x0]  }
0x3: {  	s2 =	rddreg [dreg:$0x1];
	s3 =	simm.s32 $0x0;
	s11 =	simm.s32 $0xC800  }
0x4: {  	s12 =	simm.s32 $0x9;
	s13 =	simm.s32 $0x4400;
	s14 =	simm.s32 $0x80  }
0x5: {  	s15 =	simm.s32 $0x8800;
	s16 =	simm.s32 $0x9800;
	s17 =	simm.s32 $0x1  }
0x6: {  	s19 =	simm.s32 $0xA800;
	s20 =	simm.s32 $0x2;
	s23 =	simm.s32 $0xB800  }
0x7: {  	s24 =	simm.s32 $0x3;
	s26 =	simm.s32 $0x5;
	s29 =	simm.s32 $0x4  }
0x8: {  	s31 =	simm.s32 $0x6;
	s18 =	simm.s32 $0x8;
	s21 =	simm.s32 $0x0  }
0x9: {  	s0 =	sand.u32 $0x1, s0;
	s6 =	smul.u32 $0x8700, s4;
	[smem:$0x7FF] =	sst s3  }
0xa: {  	s1 =	sshll.u32 s0, $0x4;
	s7 =	smul.u32 $0x87000, s0;
	_ =	strace $0x8000004D  }
0xb: {  	s0 =	ssub.s32 $0x2, s0;
	s1 =	sor.u32 s4, s1;
	s4 =	sadd.s32 $0xAF000, s5  }
0xc: {  	s8 =	sshrl.u32 s6, $0x3;
	s9 =	sshrl.u32 s0, $0x1;
	s1 =	smul.u32 $0x880, s1  }
.Ltmp0:
0xd: {  	s7 =	sadd.s32 s6, s7;
	s8 =	sadd.s32 s8, s5;
	(pc) =	sbr.rel .LBB2_1-.Ltmp0, $4  }
0xe: {  	s0 =	ssub.s32 s0, s9;
	s6 =	sadd.s32 s6, s2;
	s7 =	sshrl.u32 s7, $0x3  }
0xf: {  	s1 =	sadd.s32 s1, s5;
	s10 =	sadd.s32 s7, s5;
	s5 =	sadd.s32 $0x7C600, s8  }
0x10: {  	s7 =	sadd.s32 $0x15C00, s1;
	s8 =	sadd.s32 $0x4C00, s1;
	s9 =	sadd.s32 $0xBFE00, s10  }
0x11: {  	s10 =	smax.u32 s0, $0x1;
	s1 =	simm.s32 $0x280;
	s0 =	simm.s32 $0x7  }
.LBB2_4:
0x12: {  	_ =	swait.ge [sflag:s29], $0x1000  }
0x13: {  	[sflag:s29] =	ssyncset.done $0x0  }
0x14: {  	[sflag:s29] =	ssyncadd.s32 $0xFFFFF000  }
0x15: {  	[spmem:s2] =	stream.indirect.scatter.add.f32 [tilespmem:s23], [sflag:$0x8], $0x20, s28, s14, $0xb8;
	[tilespmem:$0x1D600] =	vst v63  }
0x16: {  	_ =	swait.ge [sflag:s31], $0x1000  }
0x17: {  	[sflag:s31] =	ssyncset.done $0x0  }
0x18: {  	[sflag:s31] =	ssyncadd.s32 $0xFFFFF000  }
0x19: {  	_ =	swait.ge [sflag:s0], $0x1000  }
0x1a: {  	[sflag:s0] =	ssyncset.done $0x0  }
0x1b: {  	[sflag:s0] =	ssyncadd.s32 $0xFFFFF000  }
0x1c: {  	_ =	swait.ge [sflag:s18], $0x1000  }
0x1d: {  	[sflag:s18] =	ssyncset.done $0x0  }
0x1e: {  	[sflag:s18] =	ssyncadd.s32 $0xFFFFF000  }
0x1f: {  	[bflag:$0x0] =	sbarrier.arrive $0xFFFF  }
0x20: {  	[tilespmem:s11], [sflag:$0x9] =	stream.linear.gather [spmem:s6], $0x8700, $0x38;
	[tilespmem:$0x1D600] =	vst v63  }
0x21: {  	s21 =	sadd.s32 $0x1, s21;
	_ =	swait.ge [sflag:s12], $0x8700  }
0x22: {  	p0 =	sne.s32 s21, s10;
	[sflag:s12] =	ssyncset.done $0x0  }
.Ltmp1:
0x23: {  	[sflag:s12] =	ssyncadd.s32 $0xFFFF7900;
	(pc) =	sbr.rel @!p0 .LBB2_5-.Ltmp1, $4  }
0x24: {  	[hbm4b:s9+s3] =	stream.linear.scatter [tilespmem:s11], [sflag:$0x9], $0x8700, $0x38;
	[tilespmem:$0x1D600] =	vst v63  }
0x25: {  	_ =	swait.ge [sflag:s12], $0x8700  }
0x26: {  	[sflag:s12] =	ssyncset.done $0x0  }
0x27: {  	[sflag:s12] =	ssyncadd.s32 $0xFFFF7900  }
.LBB2_1:
0x28: {  	[tilespmem:s11], [sflag:$0x9] =	stream.linear.gather [hbm4b:s5+s3], $0x8700, $0x38;
	[tilespmem:$0x1D600] =	vst v63  }
0x29: {  	_ =	swait.ge [sflag:s12], $0x8700  }
0x2a: {  	[sflag:s12] =	ssyncset.done $0x0  }
0x2b: {  	[sflag:s12] =	ssyncadd.s32 $0xFFFF7900  }
0x2c: {  	[spmem:s6] =	stream.linear.scatter [tilespmem:s11], [sflag:$0x9], $0x8700, $0x38;
	[tilespmem:$0x1D600] =	vst v63  }
0x2d: {  	_ =	swait.ge [sflag:s12], $0x8700  }
0x2e: {  	[sflag:s12] =	ssyncset.done $0x0  }
0x2f: {  	[sflag:s12] =	ssyncadd.s32 $0xFFFF7900  }
0x30: {  	[tilespmem:s3], [sflag:$0x9] =	stream.linear.gather [hbm4b:s7+s3], $0x4400, $0x38;
	[tilespmem:$0x1D600] =	vst v63  }
0x31: {  	_ =	swait.ge [sflag:s12], $0x4400  }
0x32: {  	[sflag:s12] =	ssyncset.done $0x0  }
0x33: {  	[sflag:s12] =	ssyncadd.s32 $0xFFFFBC00  }
0x34: {  	[tilespmem:s13], [sflag:$0x9] =	stream.linear.gather [hbm4b:s8+s3], $0x4400, $0x38;
	[tilespmem:$0x1D600] =	vst v63  }
0x35: {  	_ =	swait.ge [sflag:s12], $0x4400  }
0x36: {  	[sflag:s12] =	ssyncset.done $0x0  }
0x37: {  	[sflag:s12] =	ssyncadd.s32 $0xFFFFBC00  }
0x38: {  	[bflag:$0x0] =	sbarrier.arrive $0xFFFF  }
0x39: {  	[tilespmem:s15], [sflag:$0x1] =	stream.indirect.gather [hbm4b:s4+s14], $0x20, s3, s14, $0xb8;
	[tilespmem:$0x1D600] =	vst v63  }
0x3a: {  	_ = 	snop  }
0x3b: {  	[tilespmem:s16], [sflag:$0x2] =	stream.indirect.gather [hbm4b:s4+s14], $0x20, s14, s14, $0xb8;
	[tilespmem:$0x1D600] =	vst v63  }
0x3c: {  	_ =	swait.ge [sflag:s17], $0x1000  }
0x3d: {  	[sflag:s17] =	ssyncset.done $0x0  }
0x3e: {  	[sflag:s17] =	ssyncadd.s32 $0xFFFFF000  }
0x3f: {  	[spmem:s2] =	stream.indirect.scatter.add.f32 [tilespmem:s15], [sflag:$0x5], $0x20, s13, s14, $0xb8;
	[tilespmem:$0x1D600] =	vst v63  }
0x40: {  	s22 =	simm.s32 $0x100  }
0x41: {  	[tilespmem:s19], [sflag:$0x3] =	stream.indirect.gather [hbm4b:s4+s14], $0x20, s22, s14, $0xb8;
	[tilespmem:$0x1D600] =	vst v63  }
0x42: {  	_ =	swait.ge [sflag:s20], $0x1000  }
0x43: {  	[sflag:s20] =	ssyncset.done $0x0  }
0x44: {  	s28 =	simm.s32 $0x4480;
	[sflag:s20] =	ssyncadd.s32 $0xFFFFF000  }
0x45: {  	[spmem:s2] =	stream.indirect.scatter.add.f32 [tilespmem:s16], [sflag:$0x6], $0x20, s28, s14, $0xb8;
	[tilespmem:$0x1D600] =	vst v63  }
0x46: {  	s30 =	simm.s32 $0x180  }
0x47: {  	[tilespmem:s23], [sflag:$0x4] =	stream.indirect.gather [hbm4b:s4+s14], $0x20, s30, s14, $0xb8;
	[tilespmem:$0x1D600] =	vst v63  }
0x48: {  	_ =	swait.ge [sflag:s24], $0x1000  }
0x49: {  	[sflag:s24] =	ssyncset.done $0x0  }
0x4a: {  	s25 =	simm.s32 $0x4500;
	[sflag:s24] =	ssyncadd.s32 $0xFFFFF000  }
0x4b: {  	[spmem:s2] =	stream.indirect.scatter.add.f32 [tilespmem:s19], [sflag:$0x7], $0x20, s25, s14, $0xb8;
	[tilespmem:$0x1D600] =	vst v63  }
0x4c: {  	_ =	swait.ge [sflag:s26], $0x1000  }
0x4d: {  	[sflag:s26] =	ssyncset.done $0x0  }
0x4e: {  	s28 =	simm.s32 $0x200;
	[sflag:s26] =	ssyncadd.s32 $0xFFFFF000  }
0x4f: {  	[tilespmem:s15], [sflag:$0x1] =	stream.indirect.gather [hbm4b:s4+s14], $0x20, s28, s14, $0xb8;
	[tilespmem:$0x1D600] =	vst v63  }
0x50: {  	_ =	swait.ge [sflag:s29], $0x1000  }
0x51: {  	[sflag:s29] =	ssyncset.done $0x0  }
0x52: {  	s30 =	simm.s32 $0x4580;
	[sflag:s29] =	ssyncadd.s32 $0xFFFFF000  }
0x53: {  	[spmem:s2] =	stream.indirect.scatter.add.f32 [tilespmem:s23], [sflag:$0x8], $0x20, s30, s14, $0xb8;
	[tilespmem:$0x1D600] =	vst v63  }
0x54: {  	_ =	swait.ge [sflag:s31], $0x1000  }
0x55: {  	[sflag:s31] =	ssyncset.done $0x0  }
0x56: {  	s22 =	simm.s32 $0x0;
	[sflag:s31] =	ssyncadd.s32 $0xFFFFF000  }
0x57: {  	[tilespmem:s16], [sflag:$0x2] =	stream.indirect.gather [hbm4b:s4+s14], $0x20, s1, s14, $0xb8;
	[tilespmem:$0x1D600] =	vst v63  }
.LBB2_2:
0x58: {  	_ =	swait.ge [sflag:s17], $0x1000  }
0x59: {  	s25 =	sshra.s32 s22, $0x2;
	[sflag:s17] =	ssyncset.done $0x0  }
0x5a: {  	s28 =	sadd.s32 $0x4600, s25;
	[sflag:s17] =	ssyncadd.s32 $0xFFFFF000  }
0x5b: {  	[spmem:s2] =	stream.indirect.scatter.add.f32 [tilespmem:s15], [sflag:$0x5], $0x20, s28, s14, $0xb8;
	[tilespmem:$0x1D600] =	vst v63  }
0x5c: {  	_ =	swait.ge [sflag:s0], $0x1000  }
0x5d: {  	[sflag:s0] =	ssyncset.done $0x0  }
0x5e: {  	s28 =	sadd.s32 $0x300, s25;
	[sflag:s0] =	ssyncadd.s32 $0xFFFFF000  }
0x5f: {  	[tilespmem:s19], [sflag:$0x3] =	stream.indirect.gather [hbm4b:s4+s14], $0x20, s28, s14, $0xb8;
	[tilespmem:$0x1D600] =	vst v63  }
0x60: {  	_ =	swait.ge [sflag:s20], $0x1000  }
0x61: {  	[sflag:s20] =	ssyncset.done $0x0  }
0x62: {  	s28 =	sadd.s32 $0x4680, s25;
	[sflag:s20] =	ssyncadd.s32 $0xFFFFF000  }
0x63: {  	[spmem:s2] =	stream.indirect.scatter.add.f32 [tilespmem:s16], [sflag:$0x6], $0x20, s28, s14, $0xb8;
	[tilespmem:$0x1D600] =	vst v63  }
0x64: {  	_ =	swait.ge [sflag:s18], $0x1000  }
0x65: {  	[sflag:s18] =	ssyncset.done $0x0  }
0x66: {  	s28 =	sadd.s32 $0x380, s25;
	[sflag:s18] =	ssyncadd.s32 $0xFFFFF000  }
0x67: {  	[tilespmem:s23], [sflag:$0x4] =	stream.indirect.gather [hbm4b:s4+s14], $0x20, s28, s14, $0xb8;
	[tilespmem:$0x1D600] =	vst v63  }
0x68: {  	_ =	swait.ge [sflag:s24], $0x1000  }
0x69: {  	p0 =	seq.s32 s22, $0x10000;
	[sflag:s24] =	ssyncset.done $0x0  }
.Ltmp2:
0x6a: {  	s28 =	sadd.s32 $0x4700, s25;
	[sflag:s24] =	ssyncadd.s32 $0xFFFFF000;
	(pc) =	sbr.rel @p0 .LBB2_4-.Ltmp2, $4  }
0x6b: {  	[spmem:s2] =	stream.indirect.scatter.add.f32 [tilespmem:s19], [sflag:$0x7], $0x20, s28, s14, $0xb8;
	[tilespmem:$0x1D600] =	vst v63  }
0x6c: {  	_ =	swait.ge [sflag:s26], $0x1000  }
0x6d: {  	[sflag:s26] =	ssyncset.done $0x0  }
0x6e: {  	s28 =	sadd.s32 $0x4780, s25;
	[sflag:s26] =	ssyncadd.s32 $0xFFFFF000  }
0x6f: {  	s30 =	sadd.s32 $0x400, s25  }
0x70: {  	[tilespmem:s15], [sflag:$0x1] =	stream.indirect.gather [hbm4b:s4+s14], $0x20, s30, s14, $0xb8;
	[tilespmem:$0x1D600] =	vst v63  }
0x71: {  	_ =	swait.ge [sflag:s29], $0x1000  }
0x72: {  	[sflag:s29] =	ssyncset.done $0x0  }
0x73: {  	[sflag:s29] =	ssyncadd.s32 $0xFFFFF000  }
0x74: {  	[spmem:s2] =	stream.indirect.scatter.add.f32 [tilespmem:s23], [sflag:$0x8], $0x20, s28, s14, $0xb8;
	[tilespmem:$0x1D600] =	vst v63  }
.Ltmp3:
0x75: {  	_ = 	snop;
	(pc) =	sbr.rel .LBB2_2-.Ltmp3, $4  }
0x76: {  	_ =	swait.ge [sflag:s31], $0x1000  }
0x77: {  	[sflag:s31] =	ssyncset.done $0x0  }
0x78: {  	s22 =	sadd.s32 $0x800, s22;
	s30 =	sadd.s32 $0x480, s25;
	[sflag:s31] =	ssyncadd.s32 $0xFFFFF000  }
0x79: {  	[tilespmem:s16], [sflag:$0x2] =	stream.indirect.gather [hbm4b:s4+s14], $0x20, s30, s14, $0xb8;
	[tilespmem:$0x1D600] =	vst v63  }
.LBB2_5:
0x7a: {  	_ =	sfence.sel $0x180000  }
0x7b: {  	[bflag:$0x0] =	sbarrier.arrive $0xFFFF  }
0x7c: {  	_ =	strace $0x9000004D  }
0x7d: {  	s0 =	stileid.u32;
	[bflag:$0x2] =	sbarrier.arrive $0xFFFF  }
0x7e: {  	p0 =	sne.s32 s0, $0x0;
	s0 =	rddreg [dreg:$0x2]  }
0x7f: {  	s0 =	sadd.s32 @!p0 $0x100000, s0  }
0x80: {  	[sflag:s0] =	ssyncadd.tile.s32 @!p0 $0x1;
	_ =	shalt  }
.Lfunc_end2:
_tile_overlayer_lowered:
.L_overlay_start_2:
0x81: {  	(tag) =	ssettag $0x2  }
0x82: {  	s0 =	rddreg [dreg:$0x0];
	s2 =	stileid.u32  }
0x83: {  	s1 =	rddreg [dreg:$0x1];
	p0 =	sne.s32 s2, $0x0  }
0x84: {  	s3 =	rddreg [dreg:$0x2];
	[bflag:$0x3] =	sbarrier.arrive $0xFFFF;
	s2 =	simm.s32 @!p0 $0x1C09  }
0x85: {  	[timem:s3], [sflag:s2] =	dma.local @!p0 [hbm:s0], s1  }
0x86: {  	s0 =	simm.s32 @!p0 $0x9  }
0x87: {  	_ =	swait.ge @!p0 [sflag:s0], s1  }
0x88: {  	s1 =	ssub.s32 @!p0 $0x0, s1;
	[sflag:s0] =	ssyncset.done @!p0 $0x0  }
0x89: {  	[sflag:s0] =	ssyncadd.s32 @!p0 s1  }
0x8a: {  	[bflag:$0x3] =	sbarrier.arrive $0xFFFF  }
0x8b: {  	_ =	shalt  }

// kernel: kernel.26.cloned.1.call-start
scs
__scs_entry_jumppad:
0x0: {  	(pc) =	sbr.rel $0x88, $3  }
0x1: {  	(tag) =	ssettag $0x0;
	lr =	simm.s32 $0x1  }
0x2: {  	[smem:$0x3F97] =	sst lr;
	_ =	strace $0xD0000000  }
0x3: {  	_ = 	snop  }
0x4: {  	_ = 	snop  }
0x5: {  	_ = 	snop  }
0x6: {  	_ = 	snop  }
0x7: {  	_ = 	snop  }
__scs_overlays_trampoline_lowered:
0x8: {  	[smem:$0x3FA6] =	sst s0  }
0x9: {  	[smem:$0x3FA7] =	sst s1  }
0xa: {  	[smem:$0x3FA8] =	sst s2  }
0xb: {  	[smem:$0x3FA9] =	sst s3  }
0xc: {  	[smem:$0x3FAA] =	sst s4  }
0xd: {  	[smem:$0x3FAB] =	sst s5  }
0xe: {  	[smem:$0x3FAC] =	sst s6  }
0xf: {  	[smem:$0x3FAD] =	sst s7  }
0x10: {  	[smem:$0x3FAE] =	sst s8  }
0x11: {  	[smem:$0x3FAF] =	sst s9;
	s0 =	simm.s32 @!p0 $0x0  }
0x12: {  	s1 =	sld [smem:$0x3F95];
	s0 =	simm.s32 @p0 $0x1  }
0x13: {  	[smem:$0x3FB0] =	sst s0;
	s0 =	simm.s32 @!p1 $0x0  }
0x14: {  	s2 =	sld [smem:$0x3F94];
	s0 =	simm.s32 @p1 $0x1  }
0x15: {  	[smem:$0x3FB1] =	sst s0;
	s0 =	simm.s32 @!p2 $0x0  }
0x16: {  	s3 =	sld [smem:$0x3FDB];
	s0 =	simm.s32 @p2 $0x1  }
0x17: {  	s4 =	simm.s32 $0x1BF5;
	[smem:$0x3FB3] =	sst s0  }
0x18: {  	s0 =	sld [smem:$0x3F96];
	_ =	swait.ge [sflag:s4], $0x0  }
0x19: {  	s7 =	sld [smem:$0x3F97]  }
0x1a: {  	s8 =	sadd.s32 $0xFFFFE003, lr  }
0x1b: {  	s9 =	sadd.s32 $0xFFFFFEF7, lr;
	s5 =	simm.s32 $0xFFFFFFFF;
	p2 =	slt.u32 s8, $0xFFFFF086  }
0x1c: {  	p1 =	slt.u32 s9, $0xF7A;
	s5 =	simm.s32 @!p2 $0x0  }
0x1d: {  	s5 =	simm.s32 @p1 $0x1;
	p0 =	seq.s32 s7, s2  }
0x1e: {  	s7 =	smul.u32 @!p0 $0xF7A, s2;
	p2 =	seq.s32 @!p0 s5, $0x0  }
0x1f: {  	s9 =	smul.u32 $0xF7A, s1;
	s8 =	simm.s32 @!p0 $0x1BF5;
	p2 =	por !p2, p0  }
0x20: {  	[sflag:s8] =	ssyncset.s32 @!p0 $0xFFFFF086;
	s6 =	sadd.s32 @!p0 s3, s7;
	s7 =	simm.s32 @!p0 $0x108  }
0x21: {  	s3 =	sadd.s32 s3, s9;
	s6 =	sadd.s32 @!p0 $0x88, s6;
	s7 =	simm.s32 @p2 $0x1082  }
0x22: {  	[simem:s7], [sflag:s8] =	dma.local @!p0 [hbm:s6], $0xF7A  }
0x23: {  	s9 =	sor.u32 $0xD0000000, s2;
	s6 =	simm.s32 $0x108;
	_ =	swait.ge @!p0 [sflag:s8], $0x0  }
0x24: {  	s3 =	sadd.s32 $0x88, s3;
	s6 =	simm.s32 @!p1 $0x1082;
	[sflag:s4] =	ssyncset.s32 $0xFFFFF086  }
0x25: {  	[simem:s6], [sflag:s4] =	dma.local [hbm:s3], $0xF7A  }
0x26: {  	[smem:$0x3F97] =	sst s1;
	(tag) =	ssettag s2;
	_ =	strace s9  }
0x27: {  	s1 =	sld [smem:$0x3FA7]  }
0x28: {  	s2 =	sld [smem:$0x3FA8]  }
0x29: {  	s4 =	sld [smem:$0x3FAA]  }
0x2a: {  	p0 =	seq.s32 s5, $0x0;
	s5 =	sld [smem:$0x3FAB]  }
0x2b: {  	s6 =	sld [smem:$0x3FAC]  }
0x2c: {  	s7 =	sld [smem:$0x3FAD]  }
0x2d: {  	s3 =	simm.s32 $0x108;
	s8 =	sld [smem:$0x3FAE]  }
0x2e: {  	s3 =	simm.s32 @!p0 $0x1082;
	s9 =	sld [smem:$0x3FAF]  }
0x2f: {  	lr =	sadd.s32 s0, s3;
	s0 =	sld [smem:$0x3FA6]  }
0x30: {  	s3 =	sld [smem:$0x3FA9]  }
0x31: {  	[smem:$0x3FB2] =	sst s10  }
0x32: {  	s10 =	sld [smem:$0x3FB0];
	_ =	sdelay $0x3  }
0x33: {  	p0 =	seq.s32 s10, $0x1;
	s10 =	sld [smem:$0x3FB2];
	_ =	sdelay $0x3  }
0x34: {  	[smem:$0x3FB2] =	sst s10  }
0x35: {  	s10 =	sld [smem:$0x3FB1];
	_ =	sdelay $0x3  }
0x36: {  	p1 =	seq.s32 s10, $0x1;
	s10 =	sld [smem:$0x3FB2];
	_ =	sdelay $0x3  }
0x37: {  	[smem:$0x3FB2] =	sst s10  }
0x38: {  	s10 =	sld [smem:$0x3FB3]  }
0x39: {  	_ = 	snop;
	(pc) =	sbr.ind lr, $3  }
0x3a: {  	_ = 	snop  }
0x3b: {  	_ = 	snop  }
0x3c: {  	p2 =	seq.s32 s10, $0x1;
	s10 =	sld [smem:$0x3FB2]  }
0x3d: {  	_ =	shalt  }
0x3e: {  	_ =	shalt  }
0x3f: {  	_ =	shalt  }
0x40: {  	_ =	shalt  }
0x41: {  	_ =	shalt  }
0x42: {  	_ =	shalt  }
0x43: {  	_ =	shalt  }
0x44: {  	_ =	shalt  }
0x45: {  	_ =	shalt  }
0x46: {  	_ =	shalt  }
0x47: {  	_ =	shalt  }
0x48: {  	_ =	shalt  }
0x49: {  	_ =	shalt  }
0x4a: {  	_ =	shalt  }
0x4b: {  	_ =	shalt  }
0x4c: {  	_ =	shalt  }
0x4d: {  	_ =	shalt  }
0x4e: {  	_ =	shalt  }
0x4f: {  	_ =	shalt  }
0x50: {  	_ =	shalt  }
0x51: {  	_ =	shalt  }
0x52: {  	_ =	shalt  }
0x53: {  	_ =	shalt  }
0x54: {  	_ =	shalt  }
0x55: {  	_ =	shalt  }
0x56: {  	_ =	shalt  }
0x57: {  	_ =	shalt  }
0x58: {  	_ =	shalt  }
0x59: {  	_ =	shalt  }
0x5a: {  	_ =	shalt  }
0x5b: {  	_ =	shalt  }
0x5c: {  	_ =	shalt  }
0x5d: {  	_ =	shalt  }
0x5e: {  	_ =	shalt  }
0x5f: {  	_ =	shalt  }
0x60: {  	_ =	shalt  }
0x61: {  	_ =	shalt  }
0x62: {  	_ =	shalt  }
0x63: {  	_ =	shalt  }
0x64: {  	_ =	shalt  }
0x65: {  	_ =	shalt  }
0x66: {  	_ =	shalt  }
0x67: {  	_ =	shalt  }
0x68: {  	_ =	shalt  }
0x69: {  	_ =	shalt  }
0x6a: {  	_ =	shalt  }
0x6b: {  	_ =	shalt  }
0x6c: {  	_ =	shalt  }
0x6d: {  	_ =	shalt  }
0x6e: {  	_ =	shalt  }
0x6f: {  	_ =	shalt  }
0x70: {  	_ =	shalt  }
0x71: {  	_ =	shalt  }
0x72: {  	_ =	shalt  }
0x73: {  	_ =	shalt  }
0x74: {  	_ =	shalt  }
0x75: {  	_ =	shalt  }
0x76: {  	_ =	shalt  }
0x77: {  	_ =	shalt  }
0x78: {  	_ =	shalt  }
0x79: {  	_ =	shalt  }
0x7a: {  	_ =	shalt  }
0x7b: {  	_ =	shalt  }
0x7c: {  	_ =	shalt  }
0x7d: {  	_ =	shalt  }
0x7e: {  	_ =	shalt  }
0x7f: {  	_ =	shalt  }
0x80: {  	_ =	shalt  }
0x81: {  	_ =	shalt  }
0x82: {  	_ =	shalt  }
0x83: {  	_ =	shalt  }
0x84: {  	_ =	shalt  }
0x85: {  	_ =	shalt  }
0x86: {  	_ =	shalt  }
0x87: {  	_ =	shalt  }
.Lfunc_end0:
.L_simem_size_0:
called_computation.3_lowered:
.L_overlay_start_0:
0x88: {  	s2 =	sld [smem:$0x3FD9]  }
0x89: {  	s3 =	sld [smem:$0x3FFE];
	_ =	sdelay $0x1  }
0x8a: {  	s1 =	srdreg.scid  }
0x8b: {  	s0 =	sand.u32 $0x1, s1  }
0x8c: {  	s16 =	sshll.u32 s0, $0xA;
	s2 =	sadd.s32 s3, s2  }
0x8d: {  	s2 =	sadd.s32 s2, s16  }
0x8e: {  	[smem:$0x3FBE] =	sst s2  }
0x8f: {  	_ = 	snop  }
0x90: {  	(tm) =	ssettm $0x1  }
0x91: {  	s17 =	sld [smem:$0x3FFB];
	_ =	sdelay $0x3  }
0x92: {  	_ =	strace s17  }
0x93: {  	s2 =	sld [smem:$0x3FFC];
	_ =	sdelay $0x3  }
0x94: {  	_ =	strace s2  }
0x95: {  	s2 =	sld [smem:$0x3FFD];
	_ =	sdelay $0x3  }
0x96: {  	_ =	strace s2  }
0x97: {  	_ =	strace $0x8FFFFFFF  }
0x98: {  	s18 =	sld [smem:$0x3FDB];
	_ =	sdelay $0x1  }
0x99: {  	s19 =	simm.s32 $_scs_section_size  }
0x9a: {  	s4 =	simm.s32 $_size__tile_overlayer_lowered;
	s5 =	simm.s32 $_tile_overlayer_lowered  }
0x9b: {  	s22 =	simm.s32 $0x1BFF;
	s21 =	sshll.u32 s5, $0x1;
	s2 =	sadd.s32 s19, s18  }
0x9c: {  	s6 =	simm.s32 $0x0;
	s20 =	sshll.u32 s4, $0x1;
	s4 =	sadd.s32 s21, s2  }
0x9d: {  	[timem:s6], [sflag:s22] =	dma.local [hbm:s4], s20  }
0x9e: {  	_ =	swait.ge [sflag:s22], s20  }
0x9f: {  	s3 =	ssub.s32 $0x0, s20;
	[sflag:s22] =	ssyncset.done $0x0  }
0xa0: {  	[sflag:s22] =	ssyncadd.s32 s3;
	_ =	sdelay $0x1  }
0xa1: {  	s23 =	simm.s32 $0x1B8B  }
0xa2: {  	_ =	swait.ge [sflag:s23], $0x1  }
0xa3: {  	[sflag:s23] =	ssyncset.done $0x0  }
0xa4: {  	s25 =	simm.s32 $0x1B8E;
	s24 =	sld [smem:$0x3FFE];
	[sflag:s23] =	ssyncadd.s32 $0xFFFFFFFF  }
0xa5: {  	s26 =	simm.s32 $execute0_lowered;
	[smem:$0x3FD2] =	sst s25  }
0xa6: {  	s4 =	sshll.u32 s26, $0x1;
	_ =	strace $0x8000004F;
	[dreg:$0x1] =	wrdreg $0xFFFFFFFF  }
0xa7: {  	s28 =	simm.s32 $_size_execute0_lowered;
	s2 =	sadd.s32 s2, s4;
	[dreg:$0x0] =	wrdreg $0x0  }
0xa8: {  	s4 =	sshll.u32 s28, $0x1;
	[dreg:$0x2] =	wrdreg s2  }
0xa9: {  	[dreg:$0x3] =	wrdreg s4  }
0xaa: {  	[dreg:$0x4] =	wrdreg $0xC0  }
0xab: {  	_ =	task [dreg:s6], $0x5FFFF  }
0xac: {  	[dreg:$0x1] =	wrdreg $0xFFFFFFFF  }
0xad: {  	[dreg:$0x0] =	wrdreg $0x60  }
0xae: {  	[dreg:$0x2] =	wrdreg s24  }
0xaf: {  	[dreg:$0x3] =	wrdreg $0x8E380  }
0xb0: {  	[dreg:$0x4] =	wrdreg $0x9  }
0xb1: {  	_ =	task.clear_ibuf [dreg:s6], $0x5FFFF;
	_ =	strace $0x9000004F  }
0xb2: {  	s29 =	simm.s32 $0x9;
	_ =	strace $0x80000051  }
0xb3: {  	_ =	swait.ge [sflag:s29], $0x1  }
0xb4: {  	[sflag:s29] =	ssyncadd.s32 $0xFFFFFFFF  }
0xb5: {  	_ =	strace $0x90000051  }
0xb6: {  	_ =	sfence  }
0xb7: {  	s30 =	sld [smem:$0x0];
	_ =	sdelay $0x2  }
0xb8: {  	s31 =	sshll.u32 s1, $0xD;
	s1 =	sshrl.u32 s1, $0x2  }
0xb9: {  	s3 =	sand.u32 $0x4000, s31;
	s1 =	sadd.s32 s1, s30  }
0xba: {  	s0 =	sor.u32 s3, s0;
	s1 =	sshll.u32 s1, $0x11  }
0xbb: {  	s0 =	sor.u32 s1, s0  }
0xbc: {  	s0 =	sadd.s32 $0x8F2B, s0  }
0xbd: {  	[sflag:s0] =	ssyncadd.remote.s32 $0x1  }
0xbe: {  	_ =	sfence.sel $0xFFFF  }
0xbf: {  	[dreg:$0x0] =	wrdreg $0xFFFFFFFF;
	(pc) =	sbr.abs _section_cstart, $3  }
0xc0: {  	[dreg:$0x1] =	wrdreg $0xFFFFFFFF  }
0xc1: {  	_ =	task.clear_ibuf [dreg:s6], $0x2FFFF;
	_ =	strace $0x9FFFFFFF  }
0xc2: {  	(tm) =	ssettm $0x7FFFFFFF  }
0xc3: {  	_ =	shalt  }
tec
execute0_lowered:
.L_overlay_start_1:
0x0: {  	(tag) =	ssettag $0x1  }
0x1: {  	s0 =	srdreg.scid  }
0x2: {  	s4 =	stileid.u32;
	s5 =	rddreg [dreg:$0x0]  }
0x3: {  	s2 =	rddreg [dreg:$0x1];
	s3 =	simm.s32 $0x0;
	s11 =	simm.s32 $0x8A00  }
0x4: {  	s12 =	simm.s32 $0x9;
	s13 =	simm.s32 $0x4400;
	s14 =	simm.s32 $0x80  }
0x5: {  	s15 =	simm.s32 $0x8800;
	s16 =	simm.s32 $0x8880;
	s17 =	simm.s32 $0x1  }
0x6: {  	s19 =	simm.s32 $0x8900;
	s20 =	simm.s32 $0x2;
	s23 =	simm.s32 $0x8980  }
0x7: {  	s24 =	simm.s32 $0x3;
	s26 =	simm.s32 $0x5;
	s29 =	simm.s32 $0x4  }
0x8: {  	s31 =	simm.s32 $0x6;
	s18 =	simm.s32 $0x8;
	s21 =	simm.s32 $0x0  }
0x9: {  	s0 =	sand.u32 $0x1, s0;
	s6 =	smul.u32 $0x438, s4;
	[smem:$0x7FF] =	sst s3  }
0xa: {  	s1 =	sshll.u32 s0, $0x4;
	s7 =	smul.u32 $0x4380, s0;
	_ =	strace $0x80000050  }
0xb: {  	s0 =	ssub.s32 $0x2, s0;
	s1 =	sor.u32 s4, s1;
	s4 =	sadd.s32 $0x26C00, s5  }
0xc: {  	s8 =	sshrl.u32 s6, $0x3;
	s9 =	sshrl.u32 s0, $0x1;
	s1 =	smul.u32 $0x880, s1  }
.Ltmp0:
0xd: {  	s7 =	sadd.s32 s6, s7;
	s8 =	sadd.s32 s8, s5;
	(pc) =	sbr.rel .LBB2_1-.Ltmp0, $4  }
0xe: {  	s0 =	ssub.s32 s0, s9;
	s6 =	sadd.s32 s6, s2;
	s7 =	sshrl.u32 s7, $0x3  }
0xf: {  	s1 =	sadd.s32 s1, s5;
	s10 =	sadd.s32 s7, s5;
	s5 =	sadd.s32 $0x27600, s8  }
0x10: {  	s7 =	sadd.s32 $0x15C00, s1;
	s8 =	sadd.s32 $0x4C00, s1;
	s9 =	sadd.s32 $0x6B800, s10  }
0x11: {  	s10 =	smax.u32 s0, $0x1;
	s1 =	simm.s32 $0x280;
	s0 =	simm.s32 $0x7  }
.LBB2_4:
0x12: {  	_ =	swait.ge [sflag:s29], $0x80  }
0x13: {  	[sflag:s29] =	ssyncset.done $0x0  }
0x14: {  	[sflag:s29] =	ssyncadd.s32 $0xFFFFFF80  }
0x15: {  	[spmem:s2] =	stream.indirect.scatter.add.f32 [tilespmem:s23], [sflag:$0x8], $0x1, s28, s14, $0xb8;
	[tilespmem:$0x9270] =	vst v63  }
0x16: {  	_ =	swait.ge [sflag:s31], $0x80  }
0x17: {  	[sflag:s31] =	ssyncset.done $0x0  }
0x18: {  	[sflag:s31] =	ssyncadd.s32 $0xFFFFFF80  }
0x19: {  	_ =	swait.ge [sflag:s0], $0x80  }
0x1a: {  	[sflag:s0] =	ssyncset.done $0x0  }
0x1b: {  	[sflag:s0] =	ssyncadd.s32 $0xFFFFFF80  }
0x1c: {  	_ =	swait.ge [sflag:s18], $0x80  }
0x1d: {  	[sflag:s18] =	ssyncset.done $0x0  }
0x1e: {  	[sflag:s18] =	ssyncadd.s32 $0xFFFFFF80  }
0x1f: {  	[bflag:$0x0] =	sbarrier.arrive $0xFFFF  }
0x20: {  	[tilespmem:s11], [sflag:$0x9] =	stream.linear.gather [spmem:s6], $0x438, $0x38;
	[tilespmem:$0x9270] =	vst v63  }
0x21: {  	s21 =	sadd.s32 $0x1, s21;
	_ =	swait.ge [sflag:s12], $0x438  }
0x22: {  	p0 =	sne.s32 s21, s10;
	[sflag:s12] =	ssyncset.done $0x0  }
.Ltmp1:
0x23: {  	[sflag:s12] =	ssyncadd.s32 $0xFFFFFBC8;
	(pc) =	sbr.rel @!p0 .LBB2_5-.Ltmp1, $4  }
0x24: {  	[hbm4b:s9+s3] =	stream.linear.scatter [tilespmem:s11], [sflag:$0x9], $0x438, $0x38;
	[tilespmem:$0x9270] =	vst v63  }
0x25: {  	_ =	swait.ge [sflag:s12], $0x438  }
0x26: {  	[sflag:s12] =	ssyncset.done $0x0  }
0x27: {  	[sflag:s12] =	ssyncadd.s32 $0xFFFFFBC8  }
.LBB2_1:
0x28: {  	[tilespmem:s11], [sflag:$0x9] =	stream.linear.gather [hbm4b:s5+s3], $0x438, $0x38;
	[tilespmem:$0x9270] =	vst v63  }
0x29: {  	_ =	swait.ge [sflag:s12], $0x438  }
0x2a: {  	[sflag:s12] =	ssyncset.done $0x0  }
0x2b: {  	[sflag:s12] =	ssyncadd.s32 $0xFFFFFBC8  }
0x2c: {  	[spmem:s6] =	stream.linear.scatter [tilespmem:s11], [sflag:$0x9], $0x438, $0x38;
	[tilespmem:$0x9270] =	vst v63  }
0x2d: {  	_ =	swait.ge [sflag:s12], $0x438  }
0x2e: {  	[sflag:s12] =	ssyncset.done $0x0  }
0x2f: {  	[sflag:s12] =	ssyncadd.s32 $0xFFFFFBC8  }
0x30: {  	[tilespmem:s3], [sflag:$0x9] =	stream.linear.gather [hbm4b:s7+s3], $0x4400, $0x38;
	[tilespmem:$0x9270] =	vst v63  }
0x31: {  	_ =	swait.ge [sflag:s12], $0x4400  }
0x32: {  	[sflag:s12] =	ssyncset.done $0x0  }
0x33: {  	[sflag:s12] =	ssyncadd.s32 $0xFFFFBC00  }
0x34: {  	[tilespmem:s13], [sflag:$0x9] =	stream.linear.gather [hbm4b:s8+s3], $0x4400, $0x38;
	[tilespmem:$0x9270] =	vst v63  }
0x35: {  	_ =	swait.ge [sflag:s12], $0x4400  }
0x36: {  	[sflag:s12] =	ssyncset.done $0x0  }
0x37: {  	[sflag:s12] =	ssyncadd.s32 $0xFFFFBC00  }
0x38: {  	[bflag:$0x0] =	sbarrier.arrive $0xFFFF  }
0x39: {  	[tilespmem:s15], [sflag:$0x1] =	stream.indirect.gather [hbm4b:s4+s14], $0x1, s3, s14, $0xb8;
	[tilespmem:$0x9270] =	vst v63  }
0x3a: {  	_ = 	snop  }
0x3b: {  	[tilespmem:s16], [sflag:$0x2] =	stream.indirect.gather [hbm4b:s4+s14], $0x1, s14, s14, $0xb8;
	[tilespmem:$0x9270] =	vst v63  }
0x3c: {  	_ =	swait.ge [sflag:s17], $0x80  }
0x3d: {  	[sflag:s17] =	ssyncset.done $0x0  }
0x3e: {  	[sflag:s17] =	ssyncadd.s32 $0xFFFFFF80  }
0x3f: {  	[spmem:s2] =	stream.indirect.scatter.add.f32 [tilespmem:s15], [sflag:$0x5], $0x1, s13, s14, $0xb8;
	[tilespmem:$0x9270] =	vst v63  }
0x40: {  	s22 =	simm.s32 $0x100  }
0x41: {  	[tilespmem:s19], [sflag:$0x3] =	stream.indirect.gather [hbm4b:s4+s14], $0x1, s22, s14, $0xb8;
	[tilespmem:$0x9270] =	vst v63  }
0x42: {  	_ =	swait.ge [sflag:s20], $0x80  }
0x43: {  	[sflag:s20] =	ssyncset.done $0x0  }
0x44: {  	s28 =	simm.s32 $0x4480;
	[sflag:s20] =	ssyncadd.s32 $0xFFFFFF80  }
0x45: {  	[spmem:s2] =	stream.indirect.scatter.add.f32 [tilespmem:s16], [sflag:$0x6], $0x1, s28, s14, $0xb8;
	[tilespmem:$0x9270] =	vst v63  }
0x46: {  	s30 =	simm.s32 $0x180  }
0x47: {  	[tilespmem:s23], [sflag:$0x4] =	stream.indirect.gather [hbm4b:s4+s14], $0x1, s30, s14, $0xb8;
	[tilespmem:$0x9270] =	vst v63  }
0x48: {  	_ =	swait.ge [sflag:s24], $0x80  }
0x49: {  	[sflag:s24] =	ssyncset.done $0x0  }
0x4a: {  	s25 =	simm.s32 $0x4500;
	[sflag:s24] =	ssyncadd.s32 $0xFFFFFF80  }
0x4b: {  	[spmem:s2] =	stream.indirect.scatter.add.f32 [tilespmem:s19], [sflag:$0x7], $0x1, s25, s14, $0xb8;
	[tilespmem:$0x9270] =	vst v63  }
0x4c: {  	_ =	swait.ge [sflag:s26], $0x80  }
0x4d: {  	[sflag:s26] =	ssyncset.done $0x0  }
0x4e: {  	s28 =	simm.s32 $0x200;
	[sflag:s26] =	ssyncadd.s32 $0xFFFFFF80  }
0x4f: {  	[tilespmem:s15], [sflag:$0x1] =	stream.indirect.gather [hbm4b:s4+s14], $0x1, s28, s14, $0xb8;
	[tilespmem:$0x9270] =	vst v63  }
0x50: {  	_ =	swait.ge [sflag:s29], $0x80  }
0x51: {  	[sflag:s29] =	ssyncset.done $0x0  }
0x52: {  	s30 =	simm.s32 $0x4580;
	[sflag:s29] =	ssyncadd.s32 $0xFFFFFF80  }
0x53: {  	[spmem:s2] =	stream.indirect.scatter.add.f32 [tilespmem:s23], [sflag:$0x8], $0x1, s30, s14, $0xb8;
	[tilespmem:$0x9270] =	vst v63  }
0x54: {  	_ =	swait.ge [sflag:s31], $0x80  }
0x55: {  	[sflag:s31] =	ssyncset.done $0x0  }
0x56: {  	s22 =	simm.s32 $0x0;
	[sflag:s31] =	ssyncadd.s32 $0xFFFFFF80  }
0x57: {  	[tilespmem:s16], [sflag:$0x2] =	stream.indirect.gather [hbm4b:s4+s14], $0x1, s1, s14, $0xb8;
	[tilespmem:$0x9270] =	vst v63  }
.LBB2_2:
0x58: {  	_ =	swait.ge [sflag:s17], $0x80  }
0x59: {  	s25 =	sshra.s32 s22, $0x2;
	[sflag:s17] =	ssyncset.done $0x0  }
0x5a: {  	s28 =	sadd.s32 $0x4600, s25;
	[sflag:s17] =	ssyncadd.s32 $0xFFFFFF80  }
0x5b: {  	[spmem:s2] =	stream.indirect.scatter.add.f32 [tilespmem:s15], [sflag:$0x5], $0x1, s28, s14, $0xb8;
	[tilespmem:$0x9270] =	vst v63  }
0x5c: {  	_ =	swait.ge [sflag:s0], $0x80  }
0x5d: {  	[sflag:s0] =	ssyncset.done $0x0  }
0x5e: {  	s28 =	sadd.s32 $0x300, s25;
	[sflag:s0] =	ssyncadd.s32 $0xFFFFFF80  }
0x5f: {  	[tilespmem:s19], [sflag:$0x3] =	stream.indirect.gather [hbm4b:s4+s14], $0x1, s28, s14, $0xb8;
	[tilespmem:$0x9270] =	vst v63  }
0x60: {  	_ =	swait.ge [sflag:s20], $0x80  }
0x61: {  	[sflag:s20] =	ssyncset.done $0x0  }
0x62: {  	s28 =	sadd.s32 $0x4680, s25;
	[sflag:s20] =	ssyncadd.s32 $0xFFFFFF80  }
0x63: {  	[spmem:s2] =	stream.indirect.scatter.add.f32 [tilespmem:s16], [sflag:$0x6], $0x1, s28, s14, $0xb8;
	[tilespmem:$0x9270] =	vst v63  }
0x64: {  	_ =	swait.ge [sflag:s18], $0x80  }
0x65: {  	[sflag:s18] =	ssyncset.done $0x0  }
0x66: {  	s28 =	sadd.s32 $0x380, s25;
	[sflag:s18] =	ssyncadd.s32 $0xFFFFFF80  }
0x67: {  	[tilespmem:s23], [sflag:$0x4] =	stream.indirect.gather [hbm4b:s4+s14], $0x1, s28, s14, $0xb8;
	[tilespmem:$0x9270] =	vst v63  }
0x68: {  	_ =	swait.ge [sflag:s24], $0x80  }
0x69: {  	p0 =	seq.s32 s22, $0x10000;
	[sflag:s24] =	ssyncset.done $0x0  }
.Ltmp2:
0x6a: {  	s28 =	sadd.s32 $0x4700, s25;
	[sflag:s24] =	ssyncadd.s32 $0xFFFFFF80;
	(pc) =	sbr.rel @p0 .LBB2_4-.Ltmp2, $4  }
0x6b: {  	[spmem:s2] =	stream.indirect.scatter.add.f32 [tilespmem:s19], [sflag:$0x7], $0x1, s28, s14, $0xb8;
	[tilespmem:$0x9270] =	vst v63  }
0x6c: {  	_ =	swait.ge [sflag:s26], $0x80  }
0x6d: {  	[sflag:s26] =	ssyncset.done $0x0  }
0x6e: {  	s28 =	sadd.s32 $0x4780, s25;
	[sflag:s26] =	ssyncadd.s32 $0xFFFFFF80  }
0x6f: {  	s30 =	sadd.s32 $0x400, s25  }
0x70: {  	[tilespmem:s15], [sflag:$0x1] =	stream.indirect.gather [hbm4b:s4+s14], $0x1, s30, s14, $0xb8;
	[tilespmem:$0x9270] =	vst v63  }
0x71: {  	_ =	swait.ge [sflag:s29], $0x80  }
0x72: {  	[sflag:s29] =	ssyncset.done $0x0  }
0x73: {  	[sflag:s29] =	ssyncadd.s32 $0xFFFFFF80  }
0x74: {  	[spmem:s2] =	stream.indirect.scatter.add.f32 [tilespmem:s23], [sflag:$0x8], $0x1, s28, s14, $0xb8;
	[tilespmem:$0x9270] =	vst v63  }
.Ltmp3:
0x75: {  	_ = 	snop;
	(pc) =	sbr.rel .LBB2_2-.Ltmp3, $4  }
0x76: {  	_ =	swait.ge [sflag:s31], $0x80  }
0x77: {  	[sflag:s31] =	ssyncset.done $0x0  }
0x78: {  	s22 =	sadd.s32 $0x800, s22;
	s30 =	sadd.s32 $0x480, s25;
	[sflag:s31] =	ssyncadd.s32 $0xFFFFFF80  }
0x79: {  	[tilespmem:s16], [sflag:$0x2] =	stream.indirect.gather [hbm4b:s4+s14], $0x1, s30, s14, $0xb8;
	[tilespmem:$0x9270] =	vst v63  }
.LBB2_5:
0x7a: {  	_ =	sfence.sel $0x180000  }
0x7b: {  	[bflag:$0x0] =	sbarrier.arrive $0xFFFF  }
0x7c: {  	_ =	strace $0x90000050  }
0x7d: {  	s0 =	stileid.u32;
	[bflag:$0x2] =	sbarrier.arrive $0xFFFF  }
0x7e: {  	p0 =	sne.s32 s0, $0x0;
	s0 =	rddreg [dreg:$0x2]  }
0x7f: {  	s0 =	sadd.s32 @!p0 $0x100000, s0  }
0x80: {  	[sflag:s0] =	ssyncadd.tile.s32 @!p0 $0x1;
	_ =	shalt  }
.Lfunc_end2:
_tile_overlayer_lowered:
.L_overlay_start_2:
0x81: {  	(tag) =	ssettag $0x2  }
0x82: {  	s0 =	rddreg [dreg:$0x0];
	s2 =	stileid.u32  }
0x83: {  	s1 =	rddreg [dreg:$0x1];
	p0 =	sne.s32 s2, $0x0  }
0x84: {  	s3 =	rddreg [dreg:$0x2];
	[bflag:$0x3] =	sbarrier.arrive $0xFFFF;
	s2 =	simm.s32 @!p0 $0x1C09  }
0x85: {  	[timem:s3], [sflag:s2] =	dma.local @!p0 [hbm:s0], s1  }
0x86: {  	s0 =	simm.s32 @!p0 $0x9  }
0x87: {  	_ =	swait.ge @!p0 [sflag:s0], s1  }
0x88: {  	s1 =	ssub.s32 @!p0 $0x0, s1;
	[sflag:s0] =	ssyncset.done @!p0 $0x0  }
0x89: {  	[sflag:s0] =	ssyncadd.s32 @!p0 s1  }
0x8a: {  	[bflag:$0x3] =	sbarrier.arrive $0xFFFF  }
0x8b: {  	_ =	shalt  }

// kernel: kernel.29.cloned.1.call-start
scs
__scs_entry_jumppad:
0x0: {  	(pc) =	sbr.rel $0x88, $3  }
0x1: {  	(tag) =	ssettag $0x0;
	lr =	simm.s32 $0x1  }
0x2: {  	[smem:$0x3F97] =	sst lr;
	_ =	strace $0xD0000000  }
0x3: {  	_ = 	snop  }
0x4: {  	_ = 	snop  }
0x5: {  	_ = 	snop  }
0x6: {  	_ = 	snop  }
0x7: {  	_ = 	snop  }
__scs_overlays_trampoline_lowered:
0x8: {  	[smem:$0x3FA6] =	sst s0  }
0x9: {  	[smem:$0x3FA7] =	sst s1  }
0xa: {  	[smem:$0x3FA8] =	sst s2  }
0xb: {  	[smem:$0x3FA9] =	sst s3  }
0xc: {  	[smem:$0x3FAA] =	sst s4  }
0xd: {  	[smem:$0x3FAB] =	sst s5  }
0xe: {  	[smem:$0x3FAC] =	sst s6  }
0xf: {  	[smem:$0x3FAD] =	sst s7  }
0x10: {  	[smem:$0x3FAE] =	sst s8  }
0x11: {  	[smem:$0x3FAF] =	sst s9;
	s0 =	simm.s32 @!p0 $0x0  }
0x12: {  	s1 =	sld [smem:$0x3F95];
	s0 =	simm.s32 @p0 $0x1  }
0x13: {  	[smem:$0x3FB0] =	sst s0;
	s0 =	simm.s32 @!p1 $0x0  }
0x14: {  	s2 =	sld [smem:$0x3F94];
	s0 =	simm.s32 @p1 $0x1  }
0x15: {  	[smem:$0x3FB1] =	sst s0;
	s0 =	simm.s32 @!p2 $0x0  }
0x16: {  	s3 =	sld [smem:$0x3FDB];
	s0 =	simm.s32 @p2 $0x1  }
0x17: {  	s4 =	simm.s32 $0x1BF5;
	[smem:$0x3FB3] =	sst s0  }
0x18: {  	s0 =	sld [smem:$0x3F96];
	_ =	swait.ge [sflag:s4], $0x0  }
0x19: {  	s7 =	sld [smem:$0x3F97]  }
0x1a: {  	s8 =	sadd.s32 $0xFFFFE003, lr  }
0x1b: {  	s9 =	sadd.s32 $0xFFFFFEF7, lr;
	s5 =	simm.s32 $0xFFFFFFFF;
	p2 =	slt.u32 s8, $0xFFFFF086  }
0x1c: {  	p1 =	slt.u32 s9, $0xF7A;
	s5 =	simm.s32 @!p2 $0x0  }
0x1d: {  	s5 =	simm.s32 @p1 $0x1;
	p0 =	seq.s32 s7, s2  }
0x1e: {  	s7 =	smul.u32 @!p0 $0xF7A, s2;
	p2 =	seq.s32 @!p0 s5, $0x0  }
0x1f: {  	s9 =	smul.u32 $0xF7A, s1;
	s8 =	simm.s32 @!p0 $0x1BF5;
	p2 =	por !p2, p0  }
0x20: {  	[sflag:s8] =	ssyncset.s32 @!p0 $0xFFFFF086;
	s6 =	sadd.s32 @!p0 s3, s7;
	s7 =	simm.s32 @!p0 $0x108  }
0x21: {  	s3 =	sadd.s32 s3, s9;
	s6 =	sadd.s32 @!p0 $0x88, s6;
	s7 =	simm.s32 @p2 $0x1082  }
0x22: {  	[simem:s7], [sflag:s8] =	dma.local @!p0 [hbm:s6], $0xF7A  }
0x23: {  	s9 =	sor.u32 $0xD0000000, s2;
	s6 =	simm.s32 $0x108;
	_ =	swait.ge @!p0 [sflag:s8], $0x0  }
0x24: {  	s3 =	sadd.s32 $0x88, s3;
	s6 =	simm.s32 @!p1 $0x1082;
	[sflag:s4] =	ssyncset.s32 $0xFFFFF086  }
0x25: {  	[simem:s6], [sflag:s4] =	dma.local [hbm:s3], $0xF7A  }
0x26: {  	[smem:$0x3F97] =	sst s1;
	(tag) =	ssettag s2;
	_ =	strace s9  }
0x27: {  	s1 =	sld [smem:$0x3FA7]  }
0x28: {  	s2 =	sld [smem:$0x3FA8]  }
0x29: {  	s4 =	sld [smem:$0x3FAA]  }
0x2a: {  	p0 =	seq.s32 s5, $0x0;
	s5 =	sld [smem:$0x3FAB]  }
0x2b: {  	s6 =	sld [smem:$0x3FAC]  }
0x2c: {  	s7 =	sld [smem:$0x3FAD]  }
0x2d: {  	s3 =	simm.s32 $0x108;
	s8 =	sld [smem:$0x3FAE]  }
0x2e: {  	s3 =	simm.s32 @!p0 $0x1082;
	s9 =	sld [smem:$0x3FAF]  }
0x2f: {  	lr =	sadd.s32 s0, s3;
	s0 =	sld [smem:$0x3FA6]  }
0x30: {  	s3 =	sld [smem:$0x3FA9]  }
0x31: {  	[smem:$0x3FB2] =	sst s10  }
0x32: {  	s10 =	sld [smem:$0x3FB0];
	_ =	sdelay $0x3  }
0x33: {  	p0 =	seq.s32 s10, $0x1;
	s10 =	sld [smem:$0x3FB2];
	_ =	sdelay $0x3  }
0x34: {  	[smem:$0x3FB2] =	sst s10  }
0x35: {  	s10 =	sld [smem:$0x3FB1];
	_ =	sdelay $0x3  }
0x36: {  	p1 =	seq.s32 s10, $0x1;
	s10 =	sld [smem:$0x3FB2];
	_ =	sdelay $0x3  }
0x37: {  	[smem:$0x3FB2] =	sst s10  }
0x38: {  	s10 =	sld [smem:$0x3FB3]  }
0x39: {  	_ = 	snop;
	(pc) =	sbr.ind lr, $3  }
0x3a: {  	_ = 	snop  }
0x3b: {  	_ = 	snop  }
0x3c: {  	p2 =	seq.s32 s10, $0x1;
	s10 =	sld [smem:$0x3FB2]  }
0x3d: {  	_ =	shalt  }
0x3e: {  	_ =	shalt  }
0x3f: {  	_ =	shalt  }
0x40: {  	_ =	shalt  }
0x41: {  	_ =	shalt  }
0x42: {  	_ =	shalt  }
0x43: {  	_ =	shalt  }
0x44: {  	_ =	shalt  }
0x45: {  	_ =	shalt  }
0x46: {  	_ =	shalt  }
0x47: {  	_ =	shalt  }
0x48: {  	_ =	shalt  }
0x49: {  	_ =	shalt  }
0x4a: {  	_ =	shalt  }
0x4b: {  	_ =	shalt  }
0x4c: {  	_ =	shalt  }
0x4d: {  	_ =	shalt  }
0x4e: {  	_ =	shalt  }
0x4f: {  	_ =	shalt  }
0x50: {  	_ =	shalt  }
0x51: {  	_ =	shalt  }
0x52: {  	_ =	shalt  }
0x53: {  	_ =	shalt  }
0x54: {  	_ =	shalt  }
0x55: {  	_ =	shalt  }
0x56: {  	_ =	shalt  }
0x57: {  	_ =	shalt  }
0x58: {  	_ =	shalt  }
0x59: {  	_ =	shalt  }
0x5a: {  	_ =	shalt  }
0x5b: {  	_ =	shalt  }
0x5c: {  	_ =	shalt  }
0x5d: {  	_ =	shalt  }
0x5e: {  	_ =	shalt  }
0x5f: {  	_ =	shalt  }
0x60: {  	_ =	shalt  }
0x61: {  	_ =	shalt  }
0x62: {  	_ =	shalt  }
0x63: {  	_ =	shalt  }
0x64: {  	_ =	shalt  }
0x65: {  	_ =	shalt  }
0x66: {  	_ =	shalt  }
0x67: {  	_ =	shalt  }
0x68: {  	_ =	shalt  }
0x69: {  	_ =	shalt  }
0x6a: {  	_ =	shalt  }
0x6b: {  	_ =	shalt  }
0x6c: {  	_ =	shalt  }
0x6d: {  	_ =	shalt  }
0x6e: {  	_ =	shalt  }
0x6f: {  	_ =	shalt  }
0x70: {  	_ =	shalt  }
0x71: {  	_ =	shalt  }
0x72: {  	_ =	shalt  }
0x73: {  	_ =	shalt  }
0x74: {  	_ =	shalt  }
0x75: {  	_ =	shalt  }
0x76: {  	_ =	shalt  }
0x77: {  	_ =	shalt  }
0x78: {  	_ =	shalt  }
0x79: {  	_ =	shalt  }
0x7a: {  	_ =	shalt  }
0x7b: {  	_ =	shalt  }
0x7c: {  	_ =	shalt  }
0x7d: {  	_ =	shalt  }
0x7e: {  	_ =	shalt  }
0x7f: {  	_ =	shalt  }
0x80: {  	_ =	shalt  }
0x81: {  	_ =	shalt  }
0x82: {  	_ =	shalt  }
0x83: {  	_ =	shalt  }
0x84: {  	_ =	shalt  }
0x85: {  	_ =	shalt  }
0x86: {  	_ =	shalt  }
0x87: {  	_ =	shalt  }
.Lfunc_end0:
.L_simem_size_0:
called_computation.4_lowered:
.L_overlay_start_0:
0x88: {  	s2 =	sld [smem:$0x3FD9]  }
0x89: {  	s3 =	sld [smem:$0x3FFE];
	_ =	sdelay $0x1  }
0x8a: {  	s1 =	srdreg.scid  }
0x8b: {  	s0 =	sand.u32 $0x1, s1  }
0x8c: {  	s16 =	sshll.u32 s0, $0xA;
	s2 =	sadd.s32 s3, s2  }
0x8d: {  	s2 =	sadd.s32 s2, s16  }
0x8e: {  	[smem:$0x3FBE] =	sst s2  }
0x8f: {  	_ = 	snop  }
0x90: {  	(tm) =	ssettm $0x1  }
0x91: {  	s17 =	sld [smem:$0x3FFB];
	_ =	sdelay $0x3  }
0x92: {  	_ =	strace s17  }
0x93: {  	s2 =	sld [smem:$0x3FFC];
	_ =	sdelay $0x3  }
0x94: {  	_ =	strace s2  }
0x95: {  	s2 =	sld [smem:$0x3FFD];
	_ =	sdelay $0x3  }
0x96: {  	_ =	strace s2  }
0x97: {  	_ =	strace $0x8FFFFFFF  }
0x98: {  	s18 =	sld [smem:$0x3FDB];
	_ =	sdelay $0x1  }
0x99: {  	s19 =	simm.s32 $_scs_section_size  }
0x9a: {  	s4 =	simm.s32 $_size__tile_overlayer_lowered;
	s5 =	simm.s32 $_tile_overlayer_lowered  }
0x9b: {  	s22 =	simm.s32 $0x1BFF;
	s21 =	sshll.u32 s5, $0x1;
	s2 =	sadd.s32 s19, s18  }
0x9c: {  	s6 =	simm.s32 $0x0;
	s20 =	sshll.u32 s4, $0x1;
	s4 =	sadd.s32 s21, s2  }
0x9d: {  	[timem:s6], [sflag:s22] =	dma.local [hbm:s4], s20  }
0x9e: {  	_ =	swait.ge [sflag:s22], s20  }
0x9f: {  	s3 =	ssub.s32 $0x0, s20;
	[sflag:s22] =	ssyncset.done $0x0  }
0xa0: {  	[sflag:s22] =	ssyncadd.s32 s3;
	_ =	sdelay $0x1  }
0xa1: {  	s23 =	simm.s32 $0x1B8B  }
0xa2: {  	_ =	swait.ge [sflag:s23], $0x1  }
0xa3: {  	[sflag:s23] =	ssyncset.done $0x0  }
0xa4: {  	s25 =	simm.s32 $0x1B8E;
	s24 =	sld [smem:$0x3FFE];
	[sflag:s23] =	ssyncadd.s32 $0xFFFFFFFF  }
0xa5: {  	s26 =	simm.s32 $execute0_lowered;
	[smem:$0x3FD2] =	sst s25  }
0xa6: {  	s4 =	sshll.u32 s26, $0x1;
	_ =	strace $0x80000052;
	[dreg:$0x1] =	wrdreg $0xFFFFFFFF  }
0xa7: {  	s28 =	simm.s32 $_size_execute0_lowered;
	s2 =	sadd.s32 s2, s4;
	[dreg:$0x0] =	wrdreg $0x0  }
0xa8: {  	s4 =	sshll.u32 s28, $0x1;
	[dreg:$0x2] =	wrdreg s2  }
0xa9: {  	[dreg:$0x3] =	wrdreg s4  }
0xaa: {  	[dreg:$0x4] =	wrdreg $0xC0  }
0xab: {  	_ =	task [dreg:s6], $0x5FFFF  }
0xac: {  	[dreg:$0x1] =	wrdreg $0xFFFFFFFF  }
0xad: {  	[dreg:$0x0] =	wrdreg $0x60  }
0xae: {  	[dreg:$0x2] =	wrdreg s24  }
0xaf: {  	[dreg:$0x3] =	wrdreg $0x8E380  }
0xb0: {  	[dreg:$0x4] =	wrdreg $0x9  }
0xb1: {  	_ =	task.clear_ibuf [dreg:s6], $0x5FFFF;
	_ =	strace $0x90000052  }
0xb2: {  	s29 =	simm.s32 $0x9;
	_ =	strace $0x80000054  }
0xb3: {  	_ =	swait.ge [sflag:s29], $0x1  }
0xb4: {  	[sflag:s29] =	ssyncadd.s32 $0xFFFFFFFF  }
0xb5: {  	_ =	strace $0x90000054  }
0xb6: {  	_ =	sfence  }
0xb7: {  	s30 =	sld [smem:$0x0];
	_ =	sdelay $0x2  }
0xb8: {  	s31 =	sshll.u32 s1, $0xD;
	s1 =	sshrl.u32 s1, $0x2  }
0xb9: {  	s3 =	sand.u32 $0x4000, s31;
	s1 =	sadd.s32 s1, s30  }
0xba: {  	s0 =	sor.u32 s3, s0;
	s1 =	sshll.u32 s1, $0x11  }
0xbb: {  	s0 =	sor.u32 s1, s0  }
0xbc: {  	s0 =	sadd.s32 $0x8F2B, s0  }
0xbd: {  	[sflag:s0] =	ssyncadd.remote.s32 $0x1  }
0xbe: {  	_ =	sfence.sel $0xFFFF  }
0xbf: {  	[dreg:$0x0] =	wrdreg $0xFFFFFFFF;
	(pc) =	sbr.abs _section_cstart, $3  }
0xc0: {  	[dreg:$0x1] =	wrdreg $0xFFFFFFFF  }
0xc1: {  	_ =	task.clear_ibuf [dreg:s6], $0x2FFFF;
	_ =	strace $0x9FFFFFFF  }
0xc2: {  	(tm) =	ssettm $0x7FFFFFFF  }
0xc3: {  	_ =	shalt  }
tec
execute0_lowered:
.L_overlay_start_1:
0x0: {  	(tag) =	ssettag $0x1  }
0x1: {  	s0 =	srdreg.scid  }
0x2: {  	s4 =	stileid.u32;
	s5 =	rddreg [dreg:$0x0]  }
0x3: {  	s2 =	rddreg [dreg:$0x1];
	s3 =	simm.s32 $0x0;
	s11 =	simm.s32 $0x8A00  }
0x4: {  	s12 =	simm.s32 $0x9;
	s13 =	simm.s32 $0x4400;
	s14 =	simm.s32 $0x80  }
0x5: {  	s15 =	simm.s32 $0x8800;
	s16 =	simm.s32 $0x8880;
	s17 =	simm.s32 $0x1  }
0x6: {  	s19 =	simm.s32 $0x8900;
	s20 =	simm.s32 $0x2;
	s23 =	simm.s32 $0x8980  }
0x7: {  	s24 =	simm.s32 $0x3;
	s26 =	simm.s32 $0x5;
	s29 =	simm.s32 $0x4  }
0x8: {  	s31 =	simm.s32 $0x6;
	s18 =	simm.s32 $0x8;
	s21 =	simm.s32 $0x0  }
0x9: {  	s0 =	sand.u32 $0x1, s0;
	s6 =	smul.u32 $0x438, s4;
	[smem:$0x7FF] =	sst s3  }
0xa: {  	s1 =	sshll.u32 s0, $0x4;
	s7 =	smul.u32 $0x4380, s0;
	_ =	strace $0x80000053  }
0xb: {  	s0 =	ssub.s32 $0x2, s0;
	s1 =	sor.u32 s4, s1;
	s4 =	sadd.s32 $0x26C00, s5  }
0xc: {  	s8 =	sshrl.u32 s6, $0x3;
	s9 =	sshrl.u32 s0, $0x1;
	s1 =	smul.u32 $0x880, s1  }
.Ltmp0:
0xd: {  	s7 =	sadd.s32 s6, s7;
	s8 =	sadd.s32 s8, s5;
	(pc) =	sbr.rel .LBB2_1-.Ltmp0, $4  }
0xe: {  	s0 =	ssub.s32 s0, s9;
	s6 =	sadd.s32 s6, s2;
	s7 =	sshrl.u32 s7, $0x3  }
0xf: {  	s1 =	sadd.s32 s1, s5;
	s10 =	sadd.s32 s7, s5;
	s5 =	sadd.s32 $0x27600, s8  }
0x10: {  	s7 =	sadd.s32 $0x15C00, s1;
	s8 =	sadd.s32 $0x4C00, s1;
	s9 =	sadd.s32 $0x74000, s10  }
0x11: {  	s10 =	smax.u32 s0, $0x1;
	s1 =	simm.s32 $0x280;
	s0 =	simm.s32 $0x7  }
.LBB2_4:
0x12: {  	_ =	swait.ge [sflag:s29], $0x80  }
0x13: {  	[sflag:s29] =	ssyncset.done $0x0  }
0x14: {  	[sflag:s29] =	ssyncadd.s32 $0xFFFFFF80  }
0x15: {  	[spmem:s2] =	stream.indirect.scatter.add.f32 [tilespmem:s23], [sflag:$0x8], $0x1, s28, s14, $0xb8;
	[tilespmem:$0x9270] =	vst v63  }
0x16: {  	_ =	swait.ge [sflag:s31], $0x80  }
0x17: {  	[sflag:s31] =	ssyncset.done $0x0  }
0x18: {  	[sflag:s31] =	ssyncadd.s32 $0xFFFFFF80  }
0x19: {  	_ =	swait.ge [sflag:s0], $0x80  }
0x1a: {  	[sflag:s0] =	ssyncset.done $0x0  }
0x1b: {  	[sflag:s0] =	ssyncadd.s32 $0xFFFFFF80  }
0x1c: {  	_ =	swait.ge [sflag:s18], $0x80  }
0x1d: {  	[sflag:s18] =	ssyncset.done $0x0  }
0x1e: {  	[sflag:s18] =	ssyncadd.s32 $0xFFFFFF80  }
0x1f: {  	[bflag:$0x0] =	sbarrier.arrive $0xFFFF  }
0x20: {  	[tilespmem:s11], [sflag:$0x9] =	stream.linear.gather [spmem:s6], $0x438, $0x38;
	[tilespmem:$0x9270] =	vst v63  }
0x21: {  	s21 =	sadd.s32 $0x1, s21;
	_ =	swait.ge [sflag:s12], $0x438  }
0x22: {  	p0 =	sne.s32 s21, s10;
	[sflag:s12] =	ssyncset.done $0x0  }
.Ltmp1:
0x23: {  	[sflag:s12] =	ssyncadd.s32 $0xFFFFFBC8;
	(pc) =	sbr.rel @!p0 .LBB2_5-.Ltmp1, $4  }
0x24: {  	[hbm4b:s9+s3] =	stream.linear.scatter [tilespmem:s11], [sflag:$0x9], $0x438, $0x38;
	[tilespmem:$0x9270] =	vst v63  }
0x25: {  	_ =	swait.ge [sflag:s12], $0x438  }
0x26: {  	[sflag:s12] =	ssyncset.done $0x0  }
0x27: {  	[sflag:s12] =	ssyncadd.s32 $0xFFFFFBC8  }
.LBB2_1:
0x28: {  	[tilespmem:s11], [sflag:$0x9] =	stream.linear.gather [hbm4b:s5+s3], $0x438, $0x38;
	[tilespmem:$0x9270] =	vst v63  }
0x29: {  	_ =	swait.ge [sflag:s12], $0x438  }
0x2a: {  	[sflag:s12] =	ssyncset.done $0x0  }
0x2b: {  	[sflag:s12] =	ssyncadd.s32 $0xFFFFFBC8  }
0x2c: {  	[spmem:s6] =	stream.linear.scatter [tilespmem:s11], [sflag:$0x9], $0x438, $0x38;
	[tilespmem:$0x9270] =	vst v63  }
0x2d: {  	_ =	swait.ge [sflag:s12], $0x438  }
0x2e: {  	[sflag:s12] =	ssyncset.done $0x0  }
0x2f: {  	[sflag:s12] =	ssyncadd.s32 $0xFFFFFBC8  }
0x30: {  	[tilespmem:s3], [sflag:$0x9] =	stream.linear.gather [hbm4b:s7+s3], $0x4400, $0x38;
	[tilespmem:$0x9270] =	vst v63  }
0x31: {  	_ =	swait.ge [sflag:s12], $0x4400  }
0x32: {  	[sflag:s12] =	ssyncset.done $0x0  }
0x33: {  	[sflag:s12] =	ssyncadd.s32 $0xFFFFBC00  }
0x34: {  	[tilespmem:s13], [sflag:$0x9] =	stream.linear.gather [hbm4b:s8+s3], $0x4400, $0x38;
	[tilespmem:$0x9270] =	vst v63  }
0x35: {  	_ =	swait.ge [sflag:s12], $0x4400  }
0x36: {  	[sflag:s12] =	ssyncset.done $0x0  }
0x37: {  	[sflag:s12] =	ssyncadd.s32 $0xFFFFBC00  }
0x38: {  	[bflag:$0x0] =	sbarrier.arrive $0xFFFF  }
0x39: {  	[tilespmem:s15], [sflag:$0x1] =	stream.indirect.gather [hbm4b:s4+s14], $0x1, s3, s14, $0xb8;
	[tilespmem:$0x9270] =	vst v63  }
0x3a: {  	_ = 	snop  }
0x3b: {  	[tilespmem:s16], [sflag:$0x2] =	stream.indirect.gather [hbm4b:s4+s14], $0x1, s14, s14, $0xb8;
	[tilespmem:$0x9270] =	vst v63  }
0x3c: {  	_ =	swait.ge [sflag:s17], $0x80  }
0x3d: {  	[sflag:s17] =	ssyncset.done $0x0  }
0x3e: {  	[sflag:s17] =	ssyncadd.s32 $0xFFFFFF80  }
0x3f: {  	[spmem:s2] =	stream.indirect.scatter.add.f32 [tilespmem:s15], [sflag:$0x5], $0x1, s13, s14, $0xb8;
	[tilespmem:$0x9270] =	vst v63  }
0x40: {  	s22 =	simm.s32 $0x100  }
0x41: {  	[tilespmem:s19], [sflag:$0x3] =	stream.indirect.gather [hbm4b:s4+s14], $0x1, s22, s14, $0xb8;
	[tilespmem:$0x9270] =	vst v63  }
0x42: {  	_ =	swait.ge [sflag:s20], $0x80  }
0x43: {  	[sflag:s20] =	ssyncset.done $0x0  }
0x44: {  	s28 =	simm.s32 $0x4480;
	[sflag:s20] =	ssyncadd.s32 $0xFFFFFF80  }
0x45: {  	[spmem:s2] =	stream.indirect.scatter.add.f32 [tilespmem:s16], [sflag:$0x6], $0x1, s28, s14, $0xb8;
	[tilespmem:$0x9270] =	vst v63  }
0x46: {  	s30 =	simm.s32 $0x180  }
0x47: {  	[tilespmem:s23], [sflag:$0x4] =	stream.indirect.gather [hbm4b:s4+s14], $0x1, s30, s14, $0xb8;
	[tilespmem:$0x9270] =	vst v63  }
0x48: {  	_ =	swait.ge [sflag:s24], $0x80  }
0x49: {  	[sflag:s24] =	ssyncset.done $0x0  }
0x4a: {  	s25 =	simm.s32 $0x4500;
	[sflag:s24] =	ssyncadd.s32 $0xFFFFFF80  }
0x4b: {  	[spmem:s2] =	stream.indirect.scatter.add.f32 [tilespmem:s19], [sflag:$0x7], $0x1, s25, s14, $0xb8;
	[tilespmem:$0x9270] =	vst v63  }
0x4c: {  	_ =	swait.ge [sflag:s26], $0x80  }
0x4d: {  	[sflag:s26] =	ssyncset.done $0x0  }
0x4e: {  	s28 =	simm.s32 $0x200;
	[sflag:s26] =	ssyncadd.s32 $0xFFFFFF80  }
0x4f: {  	[tilespmem:s15], [sflag:$0x1] =	stream.indirect.gather [hbm4b:s4+s14], $0x1, s28, s14, $0xb8;
	[tilespmem:$0x9270] =	vst v63  }
0x50: {  	_ =	swait.ge [sflag:s29], $0x80  }
0x51: {  	[sflag:s29] =	ssyncset.done $0x0  }
0x52: {  	s30 =	simm.s32 $0x4580;
	[sflag:s29] =	ssyncadd.s32 $0xFFFFFF80  }
0x53: {  	[spmem:s2] =	stream.indirect.scatter.add.f32 [tilespmem:s23], [sflag:$0x8], $0x1, s30, s14, $0xb8;
	[tilespmem:$0x9270] =	vst v63  }
0x54: {  	_ =	swait.ge [sflag:s31], $0x80  }
0x55: {  	[sflag:s31] =	ssyncset.done $0x0  }
0x56: {  	s22 =	simm.s32 $0x0;
	[sflag:s31] =	ssyncadd.s32 $0xFFFFFF80  }
0x57: {  	[tilespmem:s16], [sflag:$0x2] =	stream.indirect.gather [hbm4b:s4+s14], $0x1, s1, s14, $0xb8;
	[tilespmem:$0x9270] =	vst v63  }
.LBB2_2:
0x58: {  	_ =	swait.ge [sflag:s17], $0x80  }
0x59: {  	s25 =	sshra.s32 s22, $0x2;
	[sflag:s17] =	ssyncset.done $0x0  }
0x5a: {  	s28 =	sadd.s32 $0x4600, s25;
	[sflag:s17] =	ssyncadd.s32 $0xFFFFFF80  }
0x5b: {  	[spmem:s2] =	stream.indirect.scatter.add.f32 [tilespmem:s15], [sflag:$0x5], $0x1, s28, s14, $0xb8;
	[tilespmem:$0x9270] =	vst v63  }
0x5c: {  	_ =	swait.ge [sflag:s0], $0x80  }
0x5d: {  	[sflag:s0] =	ssyncset.done $0x0  }
0x5e: {  	s28 =	sadd.s32 $0x300, s25;
	[sflag:s0] =	ssyncadd.s32 $0xFFFFFF80  }
0x5f: {  	[tilespmem:s19], [sflag:$0x3] =	stream.indirect.gather [hbm4b:s4+s14], $0x1, s28, s14, $0xb8;
	[tilespmem:$0x9270] =	vst v63  }
0x60: {  	_ =	swait.ge [sflag:s20], $0x80  }
0x61: {  	[sflag:s20] =	ssyncset.done $0x0  }
0x62: {  	s28 =	sadd.s32 $0x4680, s25;
	[sflag:s20] =	ssyncadd.s32 $0xFFFFFF80  }
0x63: {  	[spmem:s2] =	stream.indirect.scatter.add.f32 [tilespmem:s16], [sflag:$0x6], $0x1, s28, s14, $0xb8;
	[tilespmem:$0x9270] =	vst v63  }
0x64: {  	_ =	swait.ge [sflag:s18], $0x80  }
0x65: {  	[sflag:s18] =	ssyncset.done $0x0  }
0x66: {  	s28 =	sadd.s32 $0x380, s25;
	[sflag:s18] =	ssyncadd.s32 $0xFFFFFF80  }
0x67: {  	[tilespmem:s23], [sflag:$0x4] =	stream.indirect.gather [hbm4b:s4+s14], $0x1, s28, s14, $0xb8;
	[tilespmem:$0x9270] =	vst v63  }
0x68: {  	_ =	swait.ge [sflag:s24], $0x80  }
0x69: {  	p0 =	seq.s32 s22, $0x10000;
	[sflag:s24] =	ssyncset.done $0x0  }
.Ltmp2:
0x6a: {  	s28 =	sadd.s32 $0x4700, s25;
	[sflag:s24] =	ssyncadd.s32 $0xFFFFFF80;
	(pc) =	sbr.rel @p0 .LBB2_4-.Ltmp2, $4  }
0x6b: {  	[spmem:s2] =	stream.indirect.scatter.add.f32 [tilespmem:s19], [sflag:$0x7], $0x1, s28, s14, $0xb8;
	[tilespmem:$0x9270] =	vst v63  }
0x6c: {  	_ =	swait.ge [sflag:s26], $0x80  }
0x6d: {  	[sflag:s26] =	ssyncset.done $0x0  }
0x6e: {  	s28 =	sadd.s32 $0x4780, s25;
	[sflag:s26] =	ssyncadd.s32 $0xFFFFFF80  }
0x6f: {  	s30 =	sadd.s32 $0x400, s25  }
0x70: {  	[tilespmem:s15], [sflag:$0x1] =	stream.indirect.gather [hbm4b:s4+s14], $0x1, s30, s14, $0xb8;
	[tilespmem:$0x9270] =	vst v63  }
0x71: {  	_ =	swait.ge [sflag:s29], $0x80  }
0x72: {  	[sflag:s29] =	ssyncset.done $0x0  }
0x73: {  	[sflag:s29] =	ssyncadd.s32 $0xFFFFFF80  }
0x74: {  	[spmem:s2] =	stream.indirect.scatter.add.f32 [tilespmem:s23], [sflag:$0x8], $0x1, s28, s14, $0xb8;
	[tilespmem:$0x9270] =	vst v63  }
.Ltmp3:
0x75: {  	_ = 	snop;
	(pc) =	sbr.rel .LBB2_2-.Ltmp3, $4  }
0x76: {  	_ =	swait.ge [sflag:s31], $0x80  }
0x77: {  	[sflag:s31] =	ssyncset.done $0x0  }
0x78: {  	s22 =	sadd.s32 $0x800, s22;
	s30 =	sadd.s32 $0x480, s25;
	[sflag:s31] =	ssyncadd.s32 $0xFFFFFF80  }
0x79: {  	[tilespmem:s16], [sflag:$0x2] =	stream.indirect.gather [hbm4b:s4+s14], $0x1, s30, s14, $0xb8;
	[tilespmem:$0x9270] =	vst v63  }
.LBB2_5:
0x7a: {  	_ =	sfence.sel $0x180000  }
0x7b: {  	[bflag:$0x0] =	sbarrier.arrive $0xFFFF  }
0x7c: {  	_ =	strace $0x90000053  }
0x7d: {  	s0 =	stileid.u32;
	[bflag:$0x2] =	sbarrier.arrive $0xFFFF  }
0x7e: {  	p0 =	sne.s32 s0, $0x0;
	s0 =	rddreg [dreg:$0x2]  }
0x7f: {  	s0 =	sadd.s32 @!p0 $0x100000, s0  }
0x80: {  	[sflag:s0] =	ssyncadd.tile.s32 @!p0 $0x1;
	_ =	shalt  }
.Lfunc_end2:
_tile_overlayer_lowered:
.L_overlay_start_2:
0x81: {  	(tag) =	ssettag $0x2  }
0x82: {  	s0 =	rddreg [dreg:$0x0];
	s2 =	stileid.u32  }
0x83: {  	s1 =	rddreg [dreg:$0x1];
	p0 =	sne.s32 s2, $0x0  }
0x84: {  	s3 =	rddreg [dreg:$0x2];
	[bflag:$0x3] =	sbarrier.arrive $0xFFFF;
	s2 =	simm.s32 @!p0 $0x1C09  }
0x85: {  	[timem:s3], [sflag:s2] =	dma.local @!p0 [hbm:s0], s1  }
0x86: {  	s0 =	simm.s32 @!p0 $0x9  }
0x87: {  	_ =	swait.ge @!p0 [sflag:s0], s1  }
0x88: {  	s1 =	ssub.s32 @!p0 $0x0, s1;
	[sflag:s0] =	ssyncset.done @!p0 $0x0  }
0x89: {  	[sflag:s0] =	ssyncadd.s32 @!p0 s1  }
0x8a: {  	[bflag:$0x3] =	sbarrier.arrive $0xFFFF  }
0x8b: {  	_ =	shalt  }

// kernel: kernel.32.cloned.1.call-start
scs
__scs_entry_jumppad:
0x0: {  	(pc) =	sbr.rel $0x88, $3  }
0x1: {  	(tag) =	ssettag $0x0;
	lr =	simm.s32 $0x1  }
0x2: {  	[smem:$0x3F97] =	sst lr;
	_ =	strace $0xD0000000  }
0x3: {  	_ = 	snop  }
0x4: {  	_ = 	snop  }
0x5: {  	_ = 	snop  }
0x6: {  	_ = 	snop  }
0x7: {  	_ = 	snop  }
__scs_overlays_trampoline_lowered:
0x8: {  	[smem:$0x3FA6] =	sst s0  }
0x9: {  	[smem:$0x3FA7] =	sst s1  }
0xa: {  	[smem:$0x3FA8] =	sst s2  }
0xb: {  	[smem:$0x3FA9] =	sst s3  }
0xc: {  	[smem:$0x3FAA] =	sst s4  }
0xd: {  	[smem:$0x3FAB] =	sst s5  }
0xe: {  	[smem:$0x3FAC] =	sst s6  }
0xf: {  	[smem:$0x3FAD] =	sst s7  }
0x10: {  	[smem:$0x3FAE] =	sst s8  }
0x11: {  	[smem:$0x3FAF] =	sst s9;
	s0 =	simm.s32 @!p0 $0x0  }
0x12: {  	s1 =	sld [smem:$0x3F95];
	s0 =	simm.s32 @p0 $0x1  }
0x13: {  	[smem:$0x3FB0] =	sst s0;
	s0 =	simm.s32 @!p1 $0x0  }
0x14: {  	s2 =	sld [smem:$0x3F94];
	s0 =	simm.s32 @p1 $0x1  }
0x15: {  	[smem:$0x3FB1] =	sst s0;
	s0 =	simm.s32 @!p2 $0x0  }
0x16: {  	s3 =	sld [smem:$0x3FDB];
	s0 =	simm.s32 @p2 $0x1  }
0x17: {  	s4 =	simm.s32 $0x1BF5;
	[smem:$0x3FB3] =	sst s0  }
0x18: {  	s0 =	sld [smem:$0x3F96];
	_ =	swait.ge [sflag:s4], $0x0  }
0x19: {  	s7 =	sld [smem:$0x3F97]  }
0x1a: {  	s8 =	sadd.s32 $0xFFFFE003, lr  }
0x1b: {  	s9 =	sadd.s32 $0xFFFFFEF7, lr;
	s5 =	simm.s32 $0xFFFFFFFF;
	p2 =	slt.u32 s8, $0xFFFFF086  }
0x1c: {  	p1 =	slt.u32 s9, $0xF7A;
	s5 =	simm.s32 @!p2 $0x0  }
0x1d: {  	s5 =	simm.s32 @p1 $0x1;
	p0 =	seq.s32 s7, s2  }
0x1e: {  	s7 =	smul.u32 @!p0 $0xF7A, s2;
	p2 =	seq.s32 @!p0 s5, $0x0  }
0x1f: {  	s9 =	smul.u32 $0xF7A, s1;
	s8 =	simm.s32 @!p0 $0x1BF5;
	p2 =	por !p2, p0  }
0x20: {  	[sflag:s8] =	ssyncset.s32 @!p0 $0xFFFFF086;
	s6 =	sadd.s32 @!p0 s3, s7;
	s7 =	simm.s32 @!p0 $0x108  }
0x21: {  	s3 =	sadd.s32 s3, s9;
	s6 =	sadd.s32 @!p0 $0x88, s6;
	s7 =	simm.s32 @p2 $0x1082  }
0x22: {  	[simem:s7], [sflag:s8] =	dma.local @!p0 [hbm:s6], $0xF7A  }
0x23: {  	s9 =	sor.u32 $0xD0000000, s2;
	s6 =	simm.s32 $0x108;
	_ =	swait.ge @!p0 [sflag:s8], $0x0  }
0x24: {  	s3 =	sadd.s32 $0x88, s3;
	s6 =	simm.s32 @!p1 $0x1082;
	[sflag:s4] =	ssyncset.s32 $0xFFFFF086  }
0x25: {  	[simem:s6], [sflag:s4] =	dma.local [hbm:s3], $0xF7A  }
0x26: {  	[smem:$0x3F97] =	sst s1;
	(tag) =	ssettag s2;
	_ =	strace s9  }
0x27: {  	s1 =	sld [smem:$0x3FA7]  }
0x28: {  	s2 =	sld [smem:$0x3FA8]  }
0x29: {  	s4 =	sld [smem:$0x3FAA]  }
0x2a: {  	p0 =	seq.s32 s5, $0x0;
	s5 =	sld [smem:$0x3FAB]  }
0x2b: {  	s6 =	sld [smem:$0x3FAC]  }
0x2c: {  	s7 =	sld [smem:$0x3FAD]  }
0x2d: {  	s3 =	simm.s32 $0x108;
	s8 =	sld [smem:$0x3FAE]  }
0x2e: {  	s3 =	simm.s32 @!p0 $0x1082;
	s9 =	sld [smem:$0x3FAF]  }
0x2f: {  	lr =	sadd.s32 s0, s3;
	s0 =	sld [smem:$0x3FA6]  }
0x30: {  	s3 =	sld [smem:$0x3FA9]  }
0x31: {  	[smem:$0x3FB2] =	sst s10  }
0x32: {  	s10 =	sld [smem:$0x3FB0];
	_ =	sdelay $0x3  }
0x33: {  	p0 =	seq.s32 s10, $0x1;
	s10 =	sld [smem:$0x3FB2];
	_ =	sdelay $0x3  }
0x34: {  	[smem:$0x3FB2] =	sst s10  }
0x35: {  	s10 =	sld [smem:$0x3FB1];
	_ =	sdelay $0x3  }
0x36: {  	p1 =	seq.s32 s10, $0x1;
	s10 =	sld [smem:$0x3FB2];
	_ =	sdelay $0x3  }
0x37: {  	[smem:$0x3FB2] =	sst s10  }
0x38: {  	s10 =	sld [smem:$0x3FB3]  }
0x39: {  	_ = 	snop;
	(pc) =	sbr.ind lr, $3  }
0x3a: {  	_ = 	snop  }
0x3b: {  	_ = 	snop  }
0x3c: {  	p2 =	seq.s32 s10, $0x1;
	s10 =	sld [smem:$0x3FB2]  }
0x3d: {  	_ =	shalt  }
0x3e: {  	_ =	shalt  }
0x3f: {  	_ =	shalt  }
0x40: {  	_ =	shalt  }
0x41: {  	_ =	shalt  }
0x42: {  	_ =	shalt  }
0x43: {  	_ =	shalt  }
0x44: {  	_ =	shalt  }
0x45: {  	_ =	shalt  }
0x46: {  	_ =	shalt  }
0x47: {  	_ =	shalt  }
0x48: {  	_ =	shalt  }
0x49: {  	_ =	shalt  }
0x4a: {  	_ =	shalt  }
0x4b: {  	_ =	shalt  }
0x4c: {  	_ =	shalt  }
0x4d: {  	_ =	shalt  }
0x4e: {  	_ =	shalt  }
0x4f: {  	_ =	shalt  }
0x50: {  	_ =	shalt  }
0x51: {  	_ =	shalt  }
0x52: {  	_ =	shalt  }
0x53: {  	_ =	shalt  }
0x54: {  	_ =	shalt  }
0x55: {  	_ =	shalt  }
0x56: {  	_ =	shalt  }
0x57: {  	_ =	shalt  }
0x58: {  	_ =	shalt  }
0x59: {  	_ =	shalt  }
0x5a: {  	_ =	shalt  }
0x5b: {  	_ =	shalt  }
0x5c: {  	_ =	shalt  }
0x5d: {  	_ =	shalt  }
0x5e: {  	_ =	shalt  }
0x5f: {  	_ =	shalt  }
0x60: {  	_ =	shalt  }
0x61: {  	_ =	shalt  }
0x62: {  	_ =	shalt  }
0x63: {  	_ =	shalt  }
0x64: {  	_ =	shalt  }
0x65: {  	_ =	shalt  }
0x66: {  	_ =	shalt  }
0x67: {  	_ =	shalt  }
0x68: {  	_ =	shalt  }
0x69: {  	_ =	shalt  }
0x6a: {  	_ =	shalt  }
0x6b: {  	_ =	shalt  }
0x6c: {  	_ =	shalt  }
0x6d: {  	_ =	shalt  }
0x6e: {  	_ =	shalt  }
0x6f: {  	_ =	shalt  }
0x70: {  	_ =	shalt  }
0x71: {  	_ =	shalt  }
0x72: {  	_ =	shalt  }
0x73: {  	_ =	shalt  }
0x74: {  	_ =	shalt  }
0x75: {  	_ =	shalt  }
0x76: {  	_ =	shalt  }
0x77: {  	_ =	shalt  }
0x78: {  	_ =	shalt  }
0x79: {  	_ =	shalt  }
0x7a: {  	_ =	shalt  }
0x7b: {  	_ =	shalt  }
0x7c: {  	_ =	shalt  }
0x7d: {  	_ =	shalt  }
0x7e: {  	_ =	shalt  }
0x7f: {  	_ =	shalt  }
0x80: {  	_ =	shalt  }
0x81: {  	_ =	shalt  }
0x82: {  	_ =	shalt  }
0x83: {  	_ =	shalt  }
0x84: {  	_ =	shalt  }
0x85: {  	_ =	shalt  }
0x86: {  	_ =	shalt  }
0x87: {  	_ =	shalt  }
.Lfunc_end0:
.L_simem_size_0:
called_computation.5_lowered:
.L_overlay_start_0:
0x88: {  	s2 =	sld [smem:$0x3FD9]  }
0x89: {  	s3 =	sld [smem:$0x3FFE];
	_ =	sdelay $0x1  }
0x8a: {  	s1 =	srdreg.scid  }
0x8b: {  	s0 =	sand.u32 $0x1, s1  }
0x8c: {  	s16 =	sshll.u32 s0, $0xA;
	s2 =	sadd.s32 s3, s2  }
0x8d: {  	s2 =	sadd.s32 s2, s16  }
0x8e: {  	[smem:$0x3FBE] =	sst s2  }
0x8f: {  	_ = 	snop  }
0x90: {  	(tm) =	ssettm $0x1  }
0x91: {  	s17 =	sld [smem:$0x3FFB];
	_ =	sdelay $0x3  }
0x92: {  	_ =	strace s17  }
0x93: {  	s2 =	sld [smem:$0x3FFC];
	_ =	sdelay $0x3  }
0x94: {  	_ =	strace s2  }
0x95: {  	s2 =	sld [smem:$0x3FFD];
	_ =	sdelay $0x3  }
0x96: {  	_ =	strace s2  }
0x97: {  	_ =	strace $0x8FFFFFFF  }
0x98: {  	s18 =	sld [smem:$0x3FDB];
	_ =	sdelay $0x1  }
0x99: {  	s19 =	simm.s32 $_scs_section_size  }
0x9a: {  	s4 =	simm.s32 $_size__tile_overlayer_lowered;
	s5 =	simm.s32 $_tile_overlayer_lowered  }
0x9b: {  	s22 =	simm.s32 $0x1BFF;
	s21 =	sshll.u32 s5, $0x1;
	s2 =	sadd.s32 s19, s18  }
0x9c: {  	s6 =	simm.s32 $0x0;
	s20 =	sshll.u32 s4, $0x1;
	s4 =	sadd.s32 s21, s2  }
0x9d: {  	[timem:s6], [sflag:s22] =	dma.local [hbm:s4], s20  }
0x9e: {  	_ =	swait.ge [sflag:s22], s20  }
0x9f: {  	s3 =	ssub.s32 $0x0, s20;
	[sflag:s22] =	ssyncset.done $0x0  }
0xa0: {  	[sflag:s22] =	ssyncadd.s32 s3;
	_ =	sdelay $0x1  }
0xa1: {  	s23 =	simm.s32 $0x1B8B  }
0xa2: {  	_ =	swait.ge [sflag:s23], $0x1  }
0xa3: {  	[sflag:s23] =	ssyncset.done $0x0  }
0xa4: {  	s25 =	simm.s32 $0x1B8E;
	s24 =	sld [smem:$0x3FFE];
	[sflag:s23] =	ssyncadd.s32 $0xFFFFFFFF  }
0xa5: {  	s26 =	simm.s32 $execute0_lowered;
	[smem:$0x3FD2] =	sst s25  }
0xa6: {  	s4 =	sshll.u32 s26, $0x1;
	_ =	strace $0x80000055;
	[dreg:$0x1] =	wrdreg $0xFFFFFFFF  }
0xa7: {  	s28 =	simm.s32 $_size_execute0_lowered;
	s2 =	sadd.s32 s2, s4;
	[dreg:$0x0] =	wrdreg $0x0  }
0xa8: {  	s4 =	sshll.u32 s28, $0x1;
	[dreg:$0x2] =	wrdreg s2  }
0xa9: {  	[dreg:$0x3] =	wrdreg s4  }
0xaa: {  	[dreg:$0x4] =	wrdreg $0xC0  }
0xab: {  	_ =	task [dreg:s6], $0x5FFFF  }
0xac: {  	[dreg:$0x1] =	wrdreg $0xFFFFFFFF  }
0xad: {  	[dreg:$0x0] =	wrdreg $0x60  }
0xae: {  	[dreg:$0x2] =	wrdreg s24  }
0xaf: {  	[dreg:$0x3] =	wrdreg $0x14F000  }
0xb0: {  	[dreg:$0x4] =	wrdreg $0x9  }
0xb1: {  	_ =	task.clear_ibuf [dreg:s6], $0x5FFFF;
	_ =	strace $0x90000055  }
0xb2: {  	s29 =	simm.s32 $0x9;
	_ =	strace $0x80000057  }
0xb3: {  	_ =	swait.ge [sflag:s29], $0x1  }
0xb4: {  	[sflag:s29] =	ssyncadd.s32 $0xFFFFFFFF  }
0xb5: {  	_ =	strace $0x90000057  }
0xb6: {  	_ =	sfence  }
0xb7: {  	s30 =	sld [smem:$0x0];
	_ =	sdelay $0x2  }
0xb8: {  	s31 =	sshll.u32 s1, $0xD;
	s1 =	sshrl.u32 s1, $0x2  }
0xb9: {  	s3 =	sand.u32 $0x4000, s31;
	s1 =	sadd.s32 s1, s30  }
0xba: {  	s0 =	sor.u32 s3, s0;
	s1 =	sshll.u32 s1, $0x11  }
0xbb: {  	s0 =	sor.u32 s1, s0  }
0xbc: {  	s0 =	sadd.s32 $0x8F2B, s0  }
0xbd: {  	[sflag:s0] =	ssyncadd.remote.s32 $0x1  }
0xbe: {  	_ =	sfence.sel $0xFFFF  }
0xbf: {  	[dreg:$0x0] =	wrdreg $0xFFFFFFFF;
	(pc) =	sbr.abs _section_cstart, $3  }
0xc0: {  	[dreg:$0x1] =	wrdreg $0xFFFFFFFF  }
0xc1: {  	_ =	task.clear_ibuf [dreg:s6], $0x2FFFF;
	_ =	strace $0x9FFFFFFF  }
0xc2: {  	(tm) =	ssettm $0x7FFFFFFF  }
0xc3: {  	_ =	shalt  }
tec
execute0_lowered:
.L_overlay_start_1:
0x0: {  	(tag) =	ssettag $0x1  }
0x1: {  	s0 =	srdreg.scid  }
0x2: {  	s4 =	stileid.u32;
	s5 =	rddreg [dreg:$0x0]  }
0x3: {  	s2 =	rddreg [dreg:$0x1];
	s3 =	simm.s32 $0x0;
	s11 =	simm.s32 $0xC800  }
0x4: {  	s12 =	simm.s32 $0x9;
	s13 =	simm.s32 $0x4400;
	s14 =	simm.s32 $0x80  }
0x5: {  	s15 =	simm.s32 $0x8800;
	s16 =	simm.s32 $0x9800;
	s17 =	simm.s32 $0x1  }
0x6: {  	s19 =	simm.s32 $0xA800;
	s20 =	simm.s32 $0x2;
	s23 =	simm.s32 $0xB800  }
0x7: {  	s24 =	simm.s32 $0x3;
	s26 =	simm.s32 $0x5;
	s29 =	simm.s32 $0x4  }
0x8: {  	s31 =	simm.s32 $0x6;
	s18 =	simm.s32 $0x8;
	s21 =	simm.s32 $0x0  }
0x9: {  	s0 =	sand.u32 $0x1, s0;
	s6 =	smul.u32 $0x8700, s4;
	[smem:$0x7FF] =	sst s3  }
0xa: {  	s1 =	sshll.u32 s0, $0x4;
	s7 =	smul.u32 $0x87000, s0;
	_ =	strace $0x80000056  }
0xb: {  	s0 =	ssub.s32 $0x2, s0;
	s1 =	sor.u32 s4, s1;
	s4 =	sadd.s32 $0x26C00, s5  }
0xc: {  	s8 =	sshrl.u32 s6, $0x3;
	s9 =	sshrl.u32 s0, $0x1;
	s1 =	smul.u32 $0x880, s1  }
.Ltmp0:
0xd: {  	s7 =	sadd.s32 s6, s7;
	s8 =	sadd.s32 s8, s5;
	(pc) =	sbr.rel .LBB2_1-.Ltmp0, $4  }
0xe: {  	s0 =	ssub.s32 s0, s9;
	s6 =	sadd.s32 s6, s2;
	s7 =	sshrl.u32 s7, $0x3  }
0xf: {  	s1 =	sadd.s32 s1, s5;
	s10 =	sadd.s32 s7, s5;
	s5 =	sadd.s32 $0x7C600, s8  }
0x10: {  	s7 =	sadd.s32 $0x15C00, s1;
	s8 =	sadd.s32 $0x4C00, s1;
	s9 =	sadd.s32 $0x37A00, s10  }
0x11: {  	s10 =	smax.u32 s0, $0x1;
	s1 =	simm.s32 $0x280;
	s0 =	simm.s32 $0x7  }
.LBB2_4:
0x12: {  	_ =	swait.ge [sflag:s29], $0x1000  }
0x13: {  	[sflag:s29] =	ssyncset.done $0x0  }
0x14: {  	[sflag:s29] =	ssyncadd.s32 $0xFFFFF000  }
0x15: {  	[spmem:s2] =	stream.indirect.scatter.add.f32 [tilespmem:s23], [sflag:$0x8], $0x20, s28, s14, $0xb8;
	[tilespmem:$0x1D600] =	vst v63  }
0x16: {  	_ =	swait.ge [sflag:s31], $0x1000  }
0x17: {  	[sflag:s31] =	ssyncset.done $0x0  }
0x18: {  	[sflag:s31] =	ssyncadd.s32 $0xFFFFF000  }
0x19: {  	_ =	swait.ge [sflag:s0], $0x1000  }
0x1a: {  	[sflag:s0] =	ssyncset.done $0x0  }
0x1b: {  	[sflag:s0] =	ssyncadd.s32 $0xFFFFF000  }
0x1c: {  	_ =	swait.ge [sflag:s18], $0x1000  }
0x1d: {  	[sflag:s18] =	ssyncset.done $0x0  }
0x1e: {  	[sflag:s18] =	ssyncadd.s32 $0xFFFFF000  }
0x1f: {  	[bflag:$0x0] =	sbarrier.arrive $0xFFFF  }
0x20: {  	[tilespmem:s11], [sflag:$0x9] =	stream.linear.gather [spmem:s6], $0x8700, $0x38;
	[tilespmem:$0x1D600] =	vst v63  }
0x21: {  	s21 =	sadd.s32 $0x1, s21;
	_ =	swait.ge [sflag:s12], $0x8700  }
0x22: {  	p0 =	sne.s32 s21, s10;
	[sflag:s12] =	ssyncset.done $0x0  }
.Ltmp1:
0x23: {  	[sflag:s12] =	ssyncadd.s32 $0xFFFF7900;
	(pc) =	sbr.rel @!p0 .LBB2_5-.Ltmp1, $4  }
0x24: {  	[hbm4b:s9+s3] =	stream.linear.scatter [tilespmem:s11], [sflag:$0x9], $0x8700, $0x38;
	[tilespmem:$0x1D600] =	vst v63  }
0x25: {  	_ =	swait.ge [sflag:s12], $0x8700  }
0x26: {  	[sflag:s12] =	ssyncset.done $0x0  }
0x27: {  	[sflag:s12] =	ssyncadd.s32 $0xFFFF7900  }
.LBB2_1:
0x28: {  	[tilespmem:s11], [sflag:$0x9] =	stream.linear.gather [hbm4b:s5+s3], $0x8700, $0x38;
	[tilespmem:$0x1D600] =	vst v63  }
0x29: {  	_ =	swait.ge [sflag:s12], $0x8700  }
0x2a: {  	[sflag:s12] =	ssyncset.done $0x0  }
0x2b: {  	[sflag:s12] =	ssyncadd.s32 $0xFFFF7900  }
0x2c: {  	[spmem:s6] =	stream.linear.scatter [tilespmem:s11], [sflag:$0x9], $0x8700, $0x38;
	[tilespmem:$0x1D600] =	vst v63  }
0x2d: {  	_ =	swait.ge [sflag:s12], $0x8700  }
0x2e: {  	[sflag:s12] =	ssyncset.done $0x0  }
0x2f: {  	[sflag:s12] =	ssyncadd.s32 $0xFFFF7900  }
0x30: {  	[tilespmem:s3], [sflag:$0x9] =	stream.linear.gather [hbm4b:s7+s3], $0x4400, $0x38;
	[tilespmem:$0x1D600] =	vst v63  }
0x31: {  	_ =	swait.ge [sflag:s12], $0x4400  }
0x32: {  	[sflag:s12] =	ssyncset.done $0x0  }
0x33: {  	[sflag:s12] =	ssyncadd.s32 $0xFFFFBC00  }
0x34: {  	[tilespmem:s13], [sflag:$0x9] =	stream.linear.gather [hbm4b:s8+s3], $0x4400, $0x38;
	[tilespmem:$0x1D600] =	vst v63  }
0x35: {  	_ =	swait.ge [sflag:s12], $0x4400  }
0x36: {  	[sflag:s12] =	ssyncset.done $0x0  }
0x37: {  	[sflag:s12] =	ssyncadd.s32 $0xFFFFBC00  }
0x38: {  	[bflag:$0x0] =	sbarrier.arrive $0xFFFF  }
0x39: {  	[tilespmem:s15], [sflag:$0x1] =	stream.indirect.gather [hbm4b:s4+s14], $0x20, s3, s14, $0xb8;
	[tilespmem:$0x1D600] =	vst v63  }
0x3a: {  	_ = 	snop  }
0x3b: {  	[tilespmem:s16], [sflag:$0x2] =	stream.indirect.gather [hbm4b:s4+s14], $0x20, s14, s14, $0xb8;
	[tilespmem:$0x1D600] =	vst v63  }
0x3c: {  	_ =	swait.ge [sflag:s17], $0x1000  }
0x3d: {  	[sflag:s17] =	ssyncset.done $0x0  }
0x3e: {  	[sflag:s17] =	ssyncadd.s32 $0xFFFFF000  }
0x3f: {  	[spmem:s2] =	stream.indirect.scatter.add.f32 [tilespmem:s15], [sflag:$0x5], $0x20, s13, s14, $0xb8;
	[tilespmem:$0x1D600] =	vst v63  }
0x40: {  	s22 =	simm.s32 $0x100  }
0x41: {  	[tilespmem:s19], [sflag:$0x3] =	stream.indirect.gather [hbm4b:s4+s14], $0x20, s22, s14, $0xb8;
	[tilespmem:$0x1D600] =	vst v63  }
0x42: {  	_ =	swait.ge [sflag:s20], $0x1000  }
0x43: {  	[sflag:s20] =	ssyncset.done $0x0  }
0x44: {  	s28 =	simm.s32 $0x4480;
	[sflag:s20] =	ssyncadd.s32 $0xFFFFF000  }
0x45: {  	[spmem:s2] =	stream.indirect.scatter.add.f32 [tilespmem:s16], [sflag:$0x6], $0x20, s28, s14, $0xb8;
	[tilespmem:$0x1D600] =	vst v63  }
0x46: {  	s30 =	simm.s32 $0x180  }
0x47: {  	[tilespmem:s23], [sflag:$0x4] =	stream.indirect.gather [hbm4b:s4+s14], $0x20, s30, s14, $0xb8;
	[tilespmem:$0x1D600] =	vst v63  }
0x48: {  	_ =	swait.ge [sflag:s24], $0x1000  }
0x49: {  	[sflag:s24] =	ssyncset.done $0x0  }
0x4a: {  	s25 =	simm.s32 $0x4500;
	[sflag:s24] =	ssyncadd.s32 $0xFFFFF000  }
0x4b: {  	[spmem:s2] =	stream.indirect.scatter.add.f32 [tilespmem:s19], [sflag:$0x7], $0x20, s25, s14, $0xb8;
	[tilespmem:$0x1D600] =	vst v63  }
0x4c: {  	_ =	swait.ge [sflag:s26], $0x1000  }
0x4d: {  	[sflag:s26] =	ssyncset.done $0x0  }
0x4e: {  	s28 =	simm.s32 $0x200;
	[sflag:s26] =	ssyncadd.s32 $0xFFFFF000  }
0x4f: {  	[tilespmem:s15], [sflag:$0x1] =	stream.indirect.gather [hbm4b:s4+s14], $0x20, s28, s14, $0xb8;
	[tilespmem:$0x1D600] =	vst v63  }
0x50: {  	_ =	swait.ge [sflag:s29], $0x1000  }
0x51: {  	[sflag:s29] =	ssyncset.done $0x0  }
0x52: {  	s30 =	simm.s32 $0x4580;
	[sflag:s29] =	ssyncadd.s32 $0xFFFFF000  }
0x53: {  	[spmem:s2] =	stream.indirect.scatter.add.f32 [tilespmem:s23], [sflag:$0x8], $0x20, s30, s14, $0xb8;
	[tilespmem:$0x1D600] =	vst v63  }
0x54: {  	_ =	swait.ge [sflag:s31], $0x1000  }
0x55: {  	[sflag:s31] =	ssyncset.done $0x0  }
0x56: {  	s22 =	simm.s32 $0x0;
	[sflag:s31] =	ssyncadd.s32 $0xFFFFF000  }
0x57: {  	[tilespmem:s16], [sflag:$0x2] =	stream.indirect.gather [hbm4b:s4+s14], $0x20, s1, s14, $0xb8;
	[tilespmem:$0x1D600] =	vst v63  }
.LBB2_2:
0x58: {  	_ =	swait.ge [sflag:s17], $0x1000  }
0x59: {  	s25 =	sshra.s32 s22, $0x2;
	[sflag:s17] =	ssyncset.done $0x0  }
0x5a: {  	s28 =	sadd.s32 $0x4600, s25;
	[sflag:s17] =	ssyncadd.s32 $0xFFFFF000  }
0x5b: {  	[spmem:s2] =	stream.indirect.scatter.add.f32 [tilespmem:s15], [sflag:$0x5], $0x20, s28, s14, $0xb8;
	[tilespmem:$0x1D600] =	vst v63  }
0x5c: {  	_ =	swait.ge [sflag:s0], $0x1000  }
0x5d: {  	[sflag:s0] =	ssyncset.done $0x0  }
0x5e: {  	s28 =	sadd.s32 $0x300, s25;
	[sflag:s0] =	ssyncadd.s32 $0xFFFFF000  }
0x5f: {  	[tilespmem:s19], [sflag:$0x3] =	stream.indirect.gather [hbm4b:s4+s14], $0x20, s28, s14, $0xb8;
	[tilespmem:$0x1D600] =	vst v63  }
0x60: {  	_ =	swait.ge [sflag:s20], $0x1000  }
0x61: {  	[sflag:s20] =	ssyncset.done $0x0  }
0x62: {  	s28 =	sadd.s32 $0x4680, s25;
	[sflag:s20] =	ssyncadd.s32 $0xFFFFF000  }
0x63: {  	[spmem:s2] =	stream.indirect.scatter.add.f32 [tilespmem:s16], [sflag:$0x6], $0x20, s28, s14, $0xb8;
	[tilespmem:$0x1D600] =	vst v63  }
0x64: {  	_ =	swait.ge [sflag:s18], $0x1000  }
0x65: {  	[sflag:s18] =	ssyncset.done $0x0  }
0x66: {  	s28 =	sadd.s32 $0x380, s25;
	[sflag:s18] =	ssyncadd.s32 $0xFFFFF000  }
0x67: {  	[tilespmem:s23], [sflag:$0x4] =	stream.indirect.gather [hbm4b:s4+s14], $0x20, s28, s14, $0xb8;
	[tilespmem:$0x1D600] =	vst v63  }
0x68: {  	_ =	swait.ge [sflag:s24], $0x1000  }
0x69: {  	p0 =	seq.s32 s22, $0x10000;
	[sflag:s24] =	ssyncset.done $0x0  }
.Ltmp2:
0x6a: {  	s28 =	sadd.s32 $0x4700, s25;
	[sflag:s24] =	ssyncadd.s32 $0xFFFFF000;
	(pc) =	sbr.rel @p0 .LBB2_4-.Ltmp2, $4  }
0x6b: {  	[spmem:s2] =	stream.indirect.scatter.add.f32 [tilespmem:s19], [sflag:$0x7], $0x20, s28, s14, $0xb8;
	[tilespmem:$0x1D600] =	vst v63  }
0x6c: {  	_ =	swait.ge [sflag:s26], $0x1000  }
0x6d: {  	[sflag:s26] =	ssyncset.done $0x0  }
0x6e: {  	s28 =	sadd.s32 $0x4780, s25;
	[sflag:s26] =	ssyncadd.s32 $0xFFFFF000  }
0x6f: {  	s30 =	sadd.s32 $0x400, s25  }
0x70: {  	[tilespmem:s15], [sflag:$0x1] =	stream.indirect.gather [hbm4b:s4+s14], $0x20, s30, s14, $0xb8;
	[tilespmem:$0x1D600] =	vst v63  }
0x71: {  	_ =	swait.ge [sflag:s29], $0x1000  }
0x72: {  	[sflag:s29] =	ssyncset.done $0x0  }
0x73: {  	[sflag:s29] =	ssyncadd.s32 $0xFFFFF000  }
0x74: {  	[spmem:s2] =	stream.indirect.scatter.add.f32 [tilespmem:s23], [sflag:$0x8], $0x20, s28, s14, $0xb8;
	[tilespmem:$0x1D600] =	vst v63  }
.Ltmp3:
0x75: {  	_ = 	snop;
	(pc) =	sbr.rel .LBB2_2-.Ltmp3, $4  }
0x76: {  	_ =	swait.ge [sflag:s31], $0x1000  }
0x77: {  	[sflag:s31] =	ssyncset.done $0x0  }
0x78: {  	s22 =	sadd.s32 $0x800, s22;
	s30 =	sadd.s32 $0x480, s25;
	[sflag:s31] =	ssyncadd.s32 $0xFFFFF000  }
0x79: {  	[tilespmem:s16], [sflag:$0x2] =	stream.indirect.gather [hbm4b:s4+s14], $0x20, s30, s14, $0xb8;
	[tilespmem:$0x1D600] =	vst v63  }
.LBB2_5:
0x7a: {  	_ =	sfence.sel $0x180000  }
0x7b: {  	[bflag:$0x0] =	sbarrier.arrive $0xFFFF  }
0x7c: {  	_ =	strace $0x90000056  }
0x7d: {  	s0 =	stileid.u32;
	[bflag:$0x2] =	sbarrier.arrive $0xFFFF  }
0x7e: {  	p0 =	sne.s32 s0, $0x0;
	s0 =	rddreg [dreg:$0x2]  }
0x7f: {  	s0 =	sadd.s32 @!p0 $0x100000, s0  }
0x80: {  	[sflag:s0] =	ssyncadd.tile.s32 @!p0 $0x1;
	_ =	shalt  }
.Lfunc_end2:
_tile_overlayer_lowered:
.L_overlay_start_2:
0x81: {  	(tag) =	ssettag $0x2  }
0x82: {  	s0 =	rddreg [dreg:$0x0];
	s2 =	stileid.u32  }
0x83: {  	s1 =	rddreg [dreg:$0x1];
	p0 =	sne.s32 s2, $0x0  }
0x84: {  	s3 =	rddreg [dreg:$0x2];
	[bflag:$0x3] =	sbarrier.arrive $0xFFFF;
	s2 =	simm.s32 @!p0 $0x1C09  }
0x85: {  	[timem:s3], [sflag:s2] =	dma.local @!p0 [hbm:s0], s1  }
0x86: {  	s0 =	simm.s32 @!p0 $0x9  }
0x87: {  	_ =	swait.ge @!p0 [sflag:s0], s1  }
0x88: {  	s1 =	ssub.s32 @!p0 $0x0, s1;
	[sflag:s0] =	ssyncset.done @!p0 $0x0  }
0x89: {  	[sflag:s0] =	ssyncadd.s32 @!p0 s1  }
0x8a: {  	[bflag:$0x3] =	sbarrier.arrive $0xFFFF  }
0x8b: {  	_ =	shalt  }

</sc_bundles>
